<compile_context>
chip_gen: v7x
topology: tpu7x:2x2x1
jax: 0.10.2.dev20260603
libtpu: 0.0.44.dev20260713+nightly
codegen_flags: <defaults>
</compile_context>

<pallas_src>
import functools

import numpy as np
import jax
import jax.numpy as jnp
from jax import lax
from jax.experimental import pallas as pl
from jax.experimental.pallas import tpu as pltpu
from jax.experimental.pallas import tpu_sc as plsc

_N = 10000
_D = 8
_DE = 4
_NC = 2
_NS = 16
_NW = _NC * _NS
_CHUNK = 128
_LAG = 8
_TB = 1024


def _sc_mesh():
    return plsc.VectorSubcoreMesh(core_axis_name="c", subcore_axis_name="s")


def _make_gather(e_pad, nchunk):

    @functools.partial(
        pl.kernel,
        mesh=_sc_mesh(),
        out_type=jax.ShapeDtypeStruct((e_pad // _CHUNK, _CHUNK, _D),
                                      jnp.float32),
        scratch_types=[
            pltpu.VMEM((nchunk, _CHUNK), jnp.int32),
            pltpu.VMEM((nchunk, _CHUNK, _D), jnp.float32),
            pltpu.SemaphoreType.DMA,
        ],
        compiler_params=pltpu.CompilerParams(use_tc_tiling_on_sc=False),
    )
    def gather(table_hbm, idx_hbm, out_hbm, idx_v, rows_v, sem):
        wid = lax.axis_index("s") * _NC + lax.axis_index("c")
        pltpu.sync_copy(idx_hbm.at[wid], idx_v)

        def fire(j):
            pltpu.async_copy(
                table_hbm.at[idx_v.at[j]],
                rows_v.at[j],
                sem,
            )

        for j in range(_LAG):
            fire(j)

        def step(j, carry):
            @pl.when(j + _LAG < nchunk)
            def _():
                fire(j + _LAG)

            pltpu.make_async_copy(
                table_hbm.at[idx_v.at[j]],
                rows_v.at[j],
                sem,
            ).wait()
            return carry

        lax.fori_loop(0, nchunk, step, 0)
        pltpu.sync_copy(rows_v, out_hbm.at[pl.ds(wid * nchunk, nchunk)])

    return gather


def _make_eapack(e_pad, nchunk):
    nblk = e_pad // _CHUNK

    @functools.partial(
        pl.kernel,
        mesh=_sc_mesh(),
        out_type=jax.ShapeDtypeStruct((nblk, _CHUNK * _D), jnp.float32),
        scratch_types=[
            pltpu.VMEM((nchunk, _DE, _CHUNK), jnp.float32),
            pltpu.VMEM((nchunk, _CHUNK * _D), jnp.float32),
        ],
        compiler_params=pltpu.CompilerParams(use_tc_tiling_on_sc=False,
                                             needs_layout_passes=False),
    )
    def eapack(ea3_hbm, out_hbm, strip_v, rows_v):
        wid = lax.axis_index("s") * _NC + lax.axis_index("c")
        pltpu.sync_copy(ea3_hbm.at[pl.ds(wid * nchunk, nchunk)], strip_v)
        zeros16 = jnp.zeros((16,), jnp.float32)
        lane = lax.iota(jnp.int32, 16) * _D

        def step(j, carry):
            jv = jnp.zeros((16,), jnp.int32) + j
            for g in range(_CHUNK // 16):
                pos0 = lane + (g * 16 * _D)
                for f in range(_D):
                    if f < _DE:
                        val = strip_v[j, f, pl.ds(g * 16, 16)]
                    else:
                        val = zeros16
                    plsc.store_scatter(rows_v, [jv, pos0 + f], val)
            return carry

        lax.fori_loop(0, nchunk, step, 0)
        pltpu.sync_copy(rows_v, out_hbm.at[pl.ds(wid * nchunk, nchunk)])

    return eapack


def _make_scatter(e_pad, nchunk, with_counts):
    nacc = _N + _NS
    stripe_i = nacc // _NS
    stripe_o = _N // _NS

    out_type = [jax.ShapeDtypeStruct((_NC, _N, _D), jnp.float32)]
    scratch = [
        pltpu.VMEM((nchunk, _CHUNK), jnp.int32),
        pltpu.VMEM((nchunk, _CHUNK, _D), jnp.float32),
        pltpu.VMEM_SHARED((nacc, _D), jnp.float32),
    ]
    if with_counts:
        out_type.append(jax.ShapeDtypeStruct((_NC, _N, _D), jnp.float32))
        scratch.append(pltpu.VMEM((_CHUNK, _D), jnp.float32))
        scratch.append(pltpu.VMEM_SHARED((nacc, _D), jnp.float32))
    scratch.append(pltpu.SemaphoreType.DMA)
    if with_counts:
        scratch.append(pltpu.SemaphoreType.DMA)

    def body(*refs):
        if with_counts:
            (msg_hbm, idx_hbm, zeros_hbm, ones_hbm, sums_hbm, cnt_hbm,
             idx_v, msg_v, acc_sh, ones_v, cnt_sh, sem, sem2) = refs
        else:
            (msg_hbm, idx_hbm, zeros_hbm, sums_hbm,
             idx_v, msg_v, acc_sh, sem) = refs
        c = lax.axis_index("c")
        s = lax.axis_index("s")
        wid = s * _NC + c
        pltpu.sync_copy(idx_hbm.at[wid], idx_v)
        pltpu.sync_copy(msg_hbm.at[pl.ds(wid * nchunk, nchunk)], msg_v)
        pltpu.sync_copy(
            zeros_hbm.at[pl.ds(s * stripe_i, stripe_i)],
            acc_sh.at[pl.ds(s * stripe_i, stripe_i)],
        )
        if with_counts:
            pltpu.sync_copy(ones_hbm, ones_v)
            pltpu.sync_copy(
                zeros_hbm.at[pl.ds(s * stripe_i, stripe_i)],
                cnt_sh.at[pl.ds(s * stripe_i, stripe_i)],
            )
        plsc.subcore_barrier()

        def fire(j):
            pltpu.async_copy(
                msg_v.at[j],
                acc_sh.at[idx_v.at[j]],
                sem,
                add=True,
            )
            if with_counts:
                pltpu.async_copy(ones_v, cnt_sh.at[idx_v.at[j]], sem2,
                                 add=True)

        for j in range(_LAG):
            fire(j)

        def step(j, carry):
            @pl.when(j + _LAG < nchunk)
            def _():
                fire(j + _LAG)

            pltpu.make_async_copy(
                msg_v.at[j],
                acc_sh.at[idx_v.at[j]],
                sem,
            ).wait()
            if with_counts:
                pltpu.make_async_copy(
                    ones_v, cnt_sh.at[idx_v.at[j]], sem2).wait()
            return carry

        lax.fori_loop(0, nchunk, step, 0)
        plsc.subcore_barrier()
        pltpu.sync_copy(
            acc_sh.at[pl.ds(s * stripe_o, stripe_o)],
            sums_hbm.at[c, pl.ds(s * stripe_o, stripe_o)],
        )
        if with_counts:
            pltpu.sync_copy(
                cnt_sh.at[pl.ds(s * stripe_o, stripe_o)],
                cnt_hbm.at[c, pl.ds(s * stripe_o, stripe_o)],
            )

    return functools.partial(
        pl.kernel,
        mesh=_sc_mesh(),
        out_type=tuple(out_type) if with_counts else out_type[0],
        scratch_types=scratch,
        compiler_params=pltpu.CompilerParams(use_tc_tiling_on_sc=False),
    )(body)


def _mlp_body(ea, xs, W1, b1, W2, b2, rep, ssum, out):
    eap = ea[...]
    xsp = xs[...]
    W1v = W1[...]
    b1v = b1[...]
    W2v = W2[...]
    b2v = b2[...]
    repv = rep[...]
    ssumv = ssum[...]
    W2b = W2v.astype(jnp.bfloat16)
    repb = repv.astype(jnp.bfloat16)
    pieces = []
    for k in range(16):
        ea_k = eap[:, k * _D:(k + 1) * _D]
        xs_k = xsp[:, k * _D:(k + 1) * _D]
        h_k = jnp.maximum(
            jnp.dot(ea_k, W1v, preferred_element_type=jnp.float32) + b1v, 0.0)
        w_k = (jnp.dot(h_k.astype(jnp.bfloat16), W2b,
                       preferred_element_type=jnp.float32)
               + b2v).astype(jnp.bfloat16)
        xr_k = jnp.dot(xs_k.astype(jnp.bfloat16), repb,
                       preferred_element_type=jnp.float32).astype(jnp.bfloat16)
        pieces.append(
            jnp.dot(xr_k * w_k, ssumv.astype(jnp.bfloat16),
                    preferred_element_type=jnp.float32))
    out[...] = jnp.concatenate(pieces, axis=1)


def _mlp_call(ea, xs, W1, b1, W2, b2, rep, ssum):
    rows = ea.shape[0]
    tb = _TB
    dd = _D * _D
    grid = rows // tb
    zero = lambda i: (0, 0)
    return pl.pallas_call(
        _mlp_body,
        grid=(grid,),
        in_specs=[
            pl.BlockSpec((tb, 128), lambda i: (i, 0)),
            pl.BlockSpec((tb, 128), lambda i: (i, 0)),
            pl.BlockSpec((_D, dd), zero),
            pl.BlockSpec((1, dd), zero),
            pl.BlockSpec((dd, dd), zero),
            pl.BlockSpec((1, dd), zero),
            pl.BlockSpec((_D, dd), zero),
            pl.BlockSpec((dd, _D), zero),
        ],
        out_specs=pl.BlockSpec((tb, 128), lambda i: (i, 0)),
        out_shape=jax.ShapeDtypeStruct((rows, 128), jnp.float32),
    )(ea, xs, W1, b1, W2, b2, rep, ssum)


def _combine_body(sums, cnt, x, R, bias, out, *, relu):
    tot = sums[0] + sums[1]
    c = cnt[0, :, 0:1] + cnt[1, :, 0:1]
    agg = tot / jnp.maximum(c, 1.0)
    o = agg + jnp.dot(x[...], R[...], preferred_element_type=jnp.float32) + bias[...]
    out[...] = jnp.maximum(o, 0.0) if relu else o


def _combine_call(sums, cnt, x, R, bias, relu):
    return pl.pallas_call(
        functools.partial(_combine_body, relu=relu),
        out_shape=jax.ShapeDtypeStruct((_N, _D), jnp.float32),
    )(sums, cnt, x, R, bias)


def kernel(x, edge_index, edge_attr, W1_0, b1_0, W2_0, b2_0, R_0, bias_0,
           W1_1, b1_1, W2_1, b2_1, R_1, bias_1):
    e = edge_attr.shape[0]
    nchunk = -(-e // (_NW * _CHUNK))
    nchunk += nchunk % 2
    e_pad = _NW * _CHUNK * nchunk
    pad = e_pad - e

    src = jnp.concatenate(
        [edge_index[0], jnp.zeros((pad,), jnp.int32)]).reshape(_NW, nchunk, _CHUNK)
    dst = jnp.concatenate(
        [edge_index[1], jnp.full((pad,), _N, jnp.int32)]).reshape(_NW, nchunk, _CHUNK)
    ea3 = jnp.pad(edge_attr, ((0, pad), (0, 0))).reshape(
        e_pad // _CHUNK, _CHUNK, _DE).transpose(0, 2, 1)

    zeros = jnp.zeros((_N + _NS, _D), jnp.float32)
    ones = jnp.ones((_CHUNK, _D), jnp.float32)
    rep = jnp.asarray(np.kron(np.eye(_D), np.ones((1, _D))), jnp.float32)
    ssum = jnp.asarray(np.kron(np.ones((_D, 1)), np.eye(_D)), jnp.float32)

    gather = _make_gather(e_pad, nchunk)
    scatter0 = _make_scatter(e_pad, nchunk, True)
    scatter1 = _make_scatter(e_pad, nchunk, False)
    ea = _make_eapack(e_pad, nchunk)(ea3).reshape(e_pad // 16, 128)

    layers = [
        (W1_0, b1_0, W2_0, b2_0, R_0, bias_0, True),
        (W1_1, b1_1, W2_1, b2_1, R_1, bias_1, False),
    ]
    h = x
    cnt = None
    for W1, b1, W2, b2, R, bias, relu in layers:
        xs = gather(h, src).reshape(e_pad // 16, 128)
        W1p = jnp.pad(W1, ((0, _D - _DE), (0, 0)))
        msg = _mlp_call(ea, xs, W1p, b1.reshape(1, -1), W2, b2.reshape(1, -1),
                        rep, ssum)
        msg = msg.reshape(e_pad // _CHUNK, _CHUNK, _D)
        if cnt is None:
            sums, cnt = scatter0(msg, dst, zeros, ones)
        else:
            sums = scatter1(msg, dst, zeros)
        h = _combine_call(sums, cnt, h, R, bias.reshape(1, -1), relu)
    return h

# --- scband reference (transcript-rebuilt; emitter-appended) ---
"""Pipeline reference for scband-gcnwith-edge-69337952027194 (READ-ONLY COPY).

The authoritative reference and input builder live on the scoring server;
editing this copy changes nothing except your own understanding.
"""

import jax, jax.numpy as jnp
import numpy as np

N = 10000
E = 320000
D = 8
D_EDGE = 4

def _glorot(key, shape, fan_in):
    return jax.random.normal(key, shape, dtype=jnp.float32) / np.sqrt(fan_in)

def setup_inputs(seed: int = 0):
    key = jax.random.key(seed)
    ks = jax.random.split(key, 16)
    x = jax.random.normal(ks[0], (N, D), dtype=jnp.float32)
    edge_index = jax.random.randint(ks[1], (2, E), 0, N, dtype=jnp.int32)
    edge_attr = jax.random.normal(ks[2], (E, D_EDGE), dtype=jnp.float32)
    params = {}
    for layer in range(2):
        base = 3 + layer * 3
        params["W1_%d" % layer] = _glorot(ks[base + 0], (D_EDGE, D * D), D_EDGE)
        params["b1_%d" % layer] = jnp.zeros((D * D,), dtype=jnp.float32)
        params["W2_%d" % layer] = _glorot(ks[base + 1], (D * D, D * D), D * D)
        params["b2_%d" % layer] = jnp.zeros((D * D,), dtype=jnp.float32)
        params["R_%d" % layer] = _glorot(ks[base + 2], (D, D), D)
        params["bias_%d" % layer] = jnp.zeros((D,), dtype=jnp.float32)
    return {"x": x, "edge_index": edge_index, "edge_attr": edge_attr, **params}

def _nnconv(x, src, dst, edge_attr, W1, b1, W2, b2, R, bias):
    # edge-conditioned weight: h_Theta(e_ij) -> [E, D_in*D_out]
    h = jax.nn.relu(edge_attr @ W1 + b1)
    w = (h @ W2 + b2).reshape(E, D, D)
    # message: x_j (source node feat) transformed by per-edge weight
    msg = jnp.einsum('ei,eio->eo', x[src], w)
    # mean aggregation at destination nodes (PyG aggr='mean')
    summed = jax.ops.segment_sum(msg, dst, num_segments=N)
    cnt = jax.ops.segment_sum(jnp.ones((E,), dtype=x.dtype), dst, num_segments=N)
    agg = summed / jnp.maximum(cnt, 1.0)[:, None]
    # root weight + bias
    return agg + x @ R + bias

def reference(x, edge_index, edge_attr, W1_0, b1_0, W2_0, b2_0, R_0, bias_0, W1_1, b1_1, W2_1, b2_1, R_1, bias_1):
    src, dst = edge_index[0], edge_index[1]
    h = jax.nn.relu(_nnconv(x, src, dst, edge_attr, W1_0, b1_0, W2_0, b2_0, R_0, bias_0))
    out = _nnconv(h, src, dst, edge_attr, W1_1, b1_1, W2_1, b2_1, R_1, bias_1)
    return out

if __name__ == "__main__":
    import jax
    _d = setup_inputs()
    print(jax.jit(kernel)(*tuple(_d.values())))

</pallas_src>

<mosaic_0001>
#map = affine_map<(d0, d1) -> (0, 0, 0)>
#map1 = affine_map<(d0, d1) -> (0, 0)>
module attributes {stable_mosaic.version = 14 : i64} {
  func.func @eapack(%arg0: i32, %arg1: i32, %arg2: memref<2560x4x128xf32, #tpu.memory_space<hbm>>, %arg3: memref<2560x1024xf32, #tpu.memory_space<hbm>>, %arg4: memref<80x4x128xf32, #tpu.memory_space<vmem>>, %arg5: memref<80x1024xf32, #tpu.memory_space<vmem>>) attributes {dimension_semantics = [#tpu.dimension_semantics<core_parallel>, #tpu.dimension_semantics<subcore_parallel>], iteration_bounds = array<i64: 2, 16>, scalar_prefetch = 0 : i64, scratch_operands = 2 : i64, tpu.core_type = #tpu.core_type<sc_vector_subcore>, window_params = [{transform_indices = #map}, {transform_indices = #map1}]} {
    %mul3A = arith.constant 2 : i32
    %mul3A_0 = arith.muli %arg1, %mul3A : i32
    %add3A = arith.addi %mul3A_0, %arg0 : i32
    %mul3A_1 = arith.constant 80 : i32
    %mul3A_2 = arith.muli %add3A, %mul3A_1 : i32
    "tpu.region"() ({
      %run_scoped3A = tpu.sem_alloc : memref<!tpu.dma_semaphore, #tpu.memory_space<semaphore_mem>>
      %dma_start3A = arith.constant 0 : i32
      %dma_start3A_14 = arith.constant 0 : i32
      %dma_start3A_15 = tpu.memref_slice %arg2[%mul3A_2, %dma_start3A, %dma_start3A_14] : memref<2560x4x128xf32, #tpu.memory_space<hbm>> -> memref<80x4x128xf32, #tpu.memory_space<hbm>>
      %dma_start3A_16 = arith.constant 0 : i32
      %dma_start3A_17 = arith.constant 0 : i32
      %dma_start3A_18 = tpu.memref_slice %arg2[%mul3A_2, %dma_start3A_16, %dma_start3A_17] : memref<2560x4x128xf32, #tpu.memory_space<hbm>> -> memref<80x4x128xf32, #tpu.memory_space<hbm>>
      tpu.enqueue_dma source(%dma_start3A_18 : memref<80x4x128xf32, #tpu.memory_space<hbm>>) target(%arg4 : memref<80x4x128xf32, #tpu.memory_space<vmem>>) target_semaphore(%run_scoped3A : memref<!tpu.dma_semaphore, #tpu.memory_space<semaphore_mem>>)
      %dma_wait3A = arith.constant 0 : i32
      %dma_wait3A_19 = arith.constant 0 : i32
      %dma_wait3A_20 = tpu.memref_slice %arg2[%mul3A_2, %dma_wait3A, %dma_wait3A_19] : memref<2560x4x128xf32, #tpu.memory_space<hbm>> -> memref<80x4x128xf32, #tpu.memory_space<hbm>>
      %dma_wait3A_21 = arith.constant 0 : i32
      %dma_wait3A_22 = arith.constant 0 : i32
      %dma_wait3A_23 = tpu.memref_slice %arg2[%mul3A_2, %dma_wait3A_21, %dma_wait3A_22] : memref<2560x4x128xf32, #tpu.memory_space<hbm>> -> memref<80x4x128xf32, #tpu.memory_space<hbm>>
      tpu.wait_dma2 semaphore(%run_scoped3A : memref<!tpu.dma_semaphore, #tpu.memory_space<semaphore_mem>>) src(%dma_wait3A_23 : memref<80x4x128xf32, #tpu.memory_space<hbm>>) dst(%arg4 : memref<80x4x128xf32, #tpu.memory_space<vmem>>)
      tpu.yield
    }) : () -> ()
    %broadcast_in_dim3A = arith.constant 0.000000e+00 : f32
    %broadcast_in_dim3A_3 = vector.broadcast %broadcast_in_dim3A : f32 to vector<16xf32>
    %iota3A = tpu.iota {dimensions = array<i32: 0>} : vector<16xi32>
    %mul3A_4 = arith.constant 8 : i32
    %mul3A_5 = vector.broadcast %mul3A_4 : i32 to vector<16xi32>
    %mul3A_6 = arith.muli %iota3A, %mul3A_5 : vector<16xi32>
    %scan3A = arith.constant 0 : i32
    %scan3A_7 = arith.constant 0 : i32
    %scan3A_8 = arith.constant 80 : i32
    %scan3A_9 = arith.addi %scan3A_7, %scan3A_8 : i32
    %scan3A_10 = arith.constant 1 : i32
    scf.for %scan3A_14 = %scan3A_7 to %scan3A_9 step %scan3A_10  : i32 {
      %broadcast_in_dim3A_15 = arith.constant 0 : i32
      %broadcast_in_dim3A_16 = vector.broadcast %broadcast_in_dim3A_15 : i32 to vector<16xi32>
      %add3A_17 = vector.broadcast %scan3A_14 : i32 to vector<16xi32>
      %add3A_18 = arith.addi %broadcast_in_dim3A_16, %add3A_17 : vector<16xi32>
      %add3A_19 = arith.constant 0 : i32
      %add3A_20 = vector.broadcast %add3A_19 : i32 to vector<16xi32>
      %add3A_21 = arith.addi %mul3A_6, %add3A_20 : vector<16xi32>
      %get3A = arith.constant 0 : i32
      %get3A_22 = arith.index_cast %scan3A_14 : i32 to index
      %get3A_23 = arith.index_cast %get3A : i32 to index
      %get3A_24 = arith.constant 0 : index
      %get3A_25 = tpu.vector_load %arg4[%get3A_22, %get3A_23, %get3A_24] {strides = array<i32>} : memref<80x4x128xf32, #tpu.memory_space<vmem>>, vector<16xf32>,
      %add3A_26 = arith.constant 0 : i32
      %add3A_27 = vector.broadcast %add3A_26 : i32 to vector<16xi32>
      %add3A_28 = arith.addi %add3A_21, %add3A_27 : vector<16xi32>
      tpu.vector_store_idx %arg5[%add3A_18, %add3A_28], %get3A_25 : memref<80x1024xf32, #tpu.memory_space<vmem>>[vector<16xi32>, vector<16xi32>], vector<16xf32>,
      %get3A_29 = arith.constant 1 : i32
      %get3A_30 = arith.index_cast %scan3A_14 : i32 to index
      %get3A_31 = arith.index_cast %get3A_29 : i32 to index
      %get3A_32 = arith.constant 0 : index
      %get3A_33 = tpu.vector_load %arg4[%get3A_30, %get3A_31, %get3A_32] {strides = array<i32>} : memref<80x4x128xf32, #tpu.memory_space<vmem>>, vector<16xf32>,
      %add3A_34 = arith.constant 1 : i32
      %add3A_35 = vector.broadcast %add3A_34 : i32 to vector<16xi32>
      %add3A_36 = arith.addi %add3A_21, %add3A_35 : vector<16xi32>
      tpu.vector_store_idx %arg5[%add3A_18, %add3A_36], %get3A_33 : memref<80x1024xf32, #tpu.memory_space<vmem>>[vector<16xi32>, vector<16xi32>], vector<16xf32>,
      %get3A_37 = arith.constant 2 : i32
      %get3A_38 = arith.index_cast %scan3A_14 : i32 to index
      %get3A_39 = arith.index_cast %get3A_37 : i32 to index
      %get3A_40 = arith.constant 0 : index
      %get3A_41 = tpu.vector_load %arg4[%get3A_38, %get3A_39, %get3A_40] {strides = array<i32>} : memref<80x4x128xf32, #tpu.memory_space<vmem>>, vector<16xf32>,
      %add3A_42 = arith.constant 2 : i32
      %add3A_43 = vector.broadcast %add3A_42 : i32 to vector<16xi32>
      %add3A_44 = arith.addi %add3A_21, %add3A_43 : vector<16xi32>
      tpu.vector_store_idx %arg5[%add3A_18, %add3A_44], %get3A_41 : memref<80x1024xf32, #tpu.memory_space<vmem>>[vector<16xi32>, vector<16xi32>], vector<16xf32>,
      %get3A_45 = arith.constant 3 : i32
      %get3A_46 = arith.index_cast %scan3A_14 : i32 to index
      %get3A_47 = arith.index_cast %get3A_45 : i32 to index
      %get3A_48 = arith.constant 0 : index
      %get3A_49 = tpu.vector_load %arg4[%get3A_46, %get3A_47, %get3A_48] {strides = array<i32>} : memref<80x4x128xf32, #tpu.memory_space<vmem>>, vector<16xf32>,
      %add3A_50 = arith.constant 3 : i32
      %add3A_51 = vector.broadcast %add3A_50 : i32 to vector<16xi32>
      %add3A_52 = arith.addi %add3A_21, %add3A_51 : vector<16xi32>
      tpu.vector_store_idx %arg5[%add3A_18, %add3A_52], %get3A_49 : memref<80x1024xf32, #tpu.memory_space<vmem>>[vector<16xi32>, vector<16xi32>], vector<16xf32>,
      %add3A_53 = arith.constant 4 : i32
      %add3A_54 = vector.broadcast %add3A_53 : i32 to vector<16xi32>
      %add3A_55 = arith.addi %add3A_21, %add3A_54 : vector<16xi32>
      tpu.vector_store_idx %arg5[%add3A_18, %add3A_55], %broadcast_in_dim3A_3 : memref<80x1024xf32, #tpu.memory_space<vmem>>[vector<16xi32>, vector<16xi32>], vector<16xf32>,
      %add3A_56 = arith.constant 5 : i32
      %add3A_57 = vector.broadcast %add3A_56 : i32 to vector<16xi32>
      %add3A_58 = arith.addi %add3A_21, %add3A_57 : vector<16xi32>
      tpu.vector_store_idx %arg5[%add3A_18, %add3A_58], %broadcast_in_dim3A_3 : memref<80x1024xf32, #tpu.memory_space<vmem>>[vector<16xi32>, vector<16xi32>], vector<16xf32>,
      %add3A_59 = arith.constant 6 : i32
      %add3A_60 = vector.broadcast %add3A_59 : i32 to vector<16xi32>
      %add3A_61 = arith.addi %add3A_21, %add3A_60 : vector<16xi32>
      tpu.vector_store_idx %arg5[%add3A_18, %add3A_61], %broadcast_in_dim3A_3 : memref<80x1024xf32, #tpu.memory_space<vmem>>[vector<16xi32>, vector<16xi32>], vector<16xf32>,
      %add3A_62 = arith.constant 7 : i32
      %add3A_63 = vector.broadcast %add3A_62 : i32 to vector<16xi32>
      %add3A_64 = arith.addi %add3A_21, %add3A_63 : vector<16xi32>
      tpu.vector_store_idx %arg5[%add3A_18, %add3A_64], %broadcast_in_dim3A_3 : memref<80x1024xf32, #tpu.memory_space<vmem>>[vector<16xi32>, vector<16xi32>], vector<16xf32>,
      %add3A_65 = arith.constant 128 : i32
      %add3A_66 = vector.broadcast %add3A_65 : i32 to vector<16xi32>
      %add3A_67 = arith.addi %mul3A_6, %add3A_66 : vector<16xi32>
      %get3A_68 = arith.constant 0 : i32
      %get3A_69 = arith.index_cast %scan3A_14 : i32 to index
      %get3A_70 = arith.index_cast %get3A_68 : i32 to index
      %get3A_71 = arith.constant 16 : index
      %get3A_72 = tpu.vector_load %arg4[%get3A_69, %get3A_70, %get3A_71] {strides = array<i32>} : memref<80x4x128xf32, #tpu.memory_space<vmem>>, vector<16xf32>,
      %add3A_73 = arith.constant 0 : i32
      %add3A_74 = vector.broadcast %add3A_73 : i32 to vector<16xi32>
      %add3A_75 = arith.addi %add3A_67, %add3A_74 : vector<16xi32>
      tpu.vector_store_idx %arg5[%add3A_18, %add3A_75], %get3A_72 : memref<80x1024xf32, #tpu.memory_space<vmem>>[vector<16xi32>, vector<16xi32>], vector<16xf32>,
      %get3A_76 = arith.constant 1 : i32
      %get3A_77 = arith.index_cast %scan3A_14 : i32 to index
      %get3A_78 = arith.index_cast %get3A_76 : i32 to index
      %get3A_79 = arith.constant 16 : index
      %get3A_80 = tpu.vector_load %arg4[%get3A_77, %get3A_78, %get3A_79] {strides = array<i32>} : memref<80x4x128xf32, #tpu.memory_space<vmem>>, vector<16xf32>,
      %add3A_81 = arith.constant 1 : i32
      %add3A_82 = vector.broadcast %add3A_81 : i32 to vector<16xi32>
      %add3A_83 = arith.addi %add3A_67, %add3A_82 : vector<16xi32>
      tpu.vector_store_idx %arg5[%add3A_18, %add3A_83], %get3A_80 : memref<80x1024xf32, #tpu.memory_space<vmem>>[vector<16xi32>, vector<16xi32>], vector<16xf32>,
      %get3A_84 = arith.constant 2 : i32
      %get3A_85 = arith.index_cast %scan3A_14 : i32 to index
      %get3A_86 = arith.index_cast %get3A_84 : i32 to index
      %get3A_87 = arith.constant 16 : index
      %get3A_88 = tpu.vector_load %arg4[%get3A_85, %get3A_86, %get3A_87] {strides = array<i32>} : memref<80x4x128xf32, #tpu.memory_space<vmem>>, vector<16xf32>,
      %add3A_89 = arith.constant 2 : i32
      %add3A_90 = vector.broadcast %add3A_89 : i32 to vector<16xi32>
      %add3A_91 = arith.addi %add3A_67, %add3A_90 : vector<16xi32>
      tpu.vector_store_idx %arg5[%add3A_18, %add3A_91], %get3A_88 : memref<80x1024xf32, #tpu.memory_space<vmem>>[vector<16xi32>, vector<16xi32>], vector<16xf32>,
      %get3A_92 = arith.constant 3 : i32
      %get3A_93 = arith.index_cast %scan3A_14 : i32 to index
      %get3A_94 = arith.index_cast %get3A_92 : i32 to index
      %get3A_95 = arith.constant 16 : index
      %get3A_96 = tpu.vector_load %arg4[%get3A_93, %get3A_94, %get3A_95] {strides = array<i32>} : memref<80x4x128xf32, #tpu.memory_space<vmem>>, vector<16xf32>,
      %add3A_97 = arith.constant 3 : i32
      %add3A_98 = vector.broadcast %add3A_97 : i32 to vector<16xi32>
      %add3A_99 = arith.addi %add3A_67, %add3A_98 : vector<16xi32>
      tpu.vector_store_idx %arg5[%add3A_18, %add3A_99], %get3A_96 : memref<80x1024xf32, #tpu.memory_space<vmem>>[vector<16xi32>, vector<16xi32>], vector<16xf32>,
      %add3A_100 = arith.constant 4 : i32
      %add3A_101 = vector.broadcast %add3A_100 : i32 to vector<16xi32>
      %add3A_102 = arith.addi %add3A_67, %add3A_101 : vector<16xi32>
      tpu.vector_store_idx %arg5[%add3A_18, %add3A_102], %broadcast_in_dim3A_3 : memref<80x1024xf32, #tpu.memory_space<vmem>>[vector<16xi32>, vector<16xi32>], vector<16xf32>,
      %add3A_103 = arith.constant 5 : i32
      %add3A_104 = vector.broadcast %add3A_103 : i32 to vector<16xi32>
      %add3A_105 = arith.addi %add3A_67, %add3A_104 : vector<16xi32>
      tpu.vector_store_idx %arg5[%add3A_18, %add3A_105], %broadcast_in_dim3A_3 : memref<80x1024xf32, #tpu.memory_space<vmem>>[vector<16xi32>, vector<16xi32>], vector<16xf32>,
      %add3A_106 = arith.constant 6 : i32
      %add3A_107 = vector.broadcast %add3A_106 : i32 to vector<16xi32>
      %add3A_108 = arith.addi %add3A_67, %add3A_107 : vector<16xi32>
      tpu.vector_store_idx %arg5[%add3A_18, %add3A_108], %broadcast_in_dim3A_3 : memref<80x1024xf32, #tpu.memory_space<vmem>>[vector<16xi32>, vector<16xi32>], vector<16xf32>,
      %add3A_109 = arith.constant 7 : i32
      %add3A_110 = vector.broadcast %add3A_109 : i32 to vector<16xi32>
      %add3A_111 = arith.addi %add3A_67, %add3A_110 : vector<16xi32>
      tpu.vector_store_idx %arg5[%add3A_18, %add3A_111], %broadcast_in_dim3A_3 : memref<80x1024xf32, #tpu.memory_space<vmem>>[vector<16xi32>, vector<16xi32>], vector<16xf32>,
      %add3A_112 = arith.constant 256 : i32
      %add3A_113 = vector.broadcast %add3A_112 : i32 to vector<16xi32>
      %add3A_114 = arith.addi %mul3A_6, %add3A_113 : vector<16xi32>
      %get3A_115 = arith.constant 0 : i32
      %get3A_116 = arith.index_cast %scan3A_14 : i32 to index
      %get3A_117 = arith.index_cast %get3A_115 : i32 to index
      %get3A_118 = arith.constant 32 : index
      %get3A_119 = tpu.vector_load %arg4[%get3A_116, %get3A_117, %get3A_118] {strides = array<i32>} : memref<80x4x128xf32, #tpu.memory_space<vmem>>, vector<16xf32>,
      %add3A_120 = arith.constant 0 : i32
      %add3A_121 = vector.broadcast %add3A_120 : i32 to vector<16xi32>
      %add3A_122 = arith.addi %add3A_114, %add3A_121 : vector<16xi32>
      tpu.vector_store_idx %arg5[%add3A_18, %add3A_122], %get3A_119 : memref<80x1024xf32, #tpu.memory_space<vmem>>[vector<16xi32>, vector<16xi32>], vector<16xf32>,
      %get3A_123 = arith.constant 1 : i32
      %get3A_124 = arith.index_cast %scan3A_14 : i32 to index
      %get3A_125 = arith.index_cast %get3A_123 : i32 to index
      %get3A_126 = arith.constant 32 : index
      %get3A_127 = tpu.vector_load %arg4[%get3A_124, %get3A_125, %get3A_126] {strides = array<i32>} : memref<80x4x128xf32, #tpu.memory_space<vmem>>, vector<16xf32>,
      %add3A_128 = arith.constant 1 : i32
      %add3A_129 = vector.broadcast %add3A_128 : i32 to vector<16xi32>
      %add3A_130 = arith.addi %add3A_114, %add3A_129 : vector<16xi32>
      tpu.vector_store_idx %arg5[%add3A_18, %add3A_130], %get3A_127 : memref<80x1024xf32, #tpu.memory_space<vmem>>[vector<16xi32>, vector<16xi32>], vector<16xf32>,
      %get3A_131 = arith.constant 2 : i32
      %get3A_132 = arith.index_cast %scan3A_14 : i32 to index
      %get3A_133 = arith.index_cast %get3A_131 : i32 to index
      %get3A_134 = arith.constant 32 : index
      %get3A_135 = tpu.vector_load %arg4[%get3A_132, %get3A_133, %get3A_134] {strides = array<i32>} : memref<80x4x128xf32, #tpu.memory_space<vmem>>, vector<16xf32>,
      %add3A_136 = arith.constant 2 : i32
      %add3A_137 = vector.broadcast %add3A_136 : i32 to vector<16xi32>
      %add3A_138 = arith.addi %add3A_114, %add3A_137 : vector<16xi32>
      tpu.vector_store_idx %arg5[%add3A_18, %add3A_138], %get3A_135 : memref<80x1024xf32, #tpu.memory_space<vmem>>[vector<16xi32>, vector<16xi32>], vector<16xf32>,
      %get3A_139 = arith.constant 3 : i32
      %get3A_140 = arith.index_cast %scan3A_14 : i32 to index
      %get3A_141 = arith.index_cast %get3A_139 : i32 to index
      %get3A_142 = arith.constant 32 : index
      %get3A_143 = tpu.vector_load %arg4[%get3A_140, %get3A_141, %get3A_142] {strides = array<i32>} : memref<80x4x128xf32, #tpu.memory_space<vmem>>, vector<16xf32>,
      %add3A_144 = arith.constant 3 : i32
      %add3A_145 = vector.broadcast %add3A_144 : i32 to vector<16xi32>
      %add3A_146 = arith.addi %add3A_114, %add3A_145 : vector<16xi32>
      tpu.vector_store_idx %arg5[%add3A_18, %add3A_146], %get3A_143 : memref<80x1024xf32, #tpu.memory_space<vmem>>[vector<16xi32>, vector<16xi32>], vector<16xf32>,
      %add3A_147 = arith.constant 4 : i32
      %add3A_148 = vector.broadcast %add3A_147 : i32 to vector<16xi32>
      %add3A_149 = arith.addi %add3A_114, %add3A_148 : vector<16xi32>
      tpu.vector_store_idx %arg5[%add3A_18, %add3A_149], %broadcast_in_dim3A_3 : memref<80x1024xf32, #tpu.memory_space<vmem>>[vector<16xi32>, vector<16xi32>], vector<16xf32>,
      %add3A_150 = arith.constant 5 : i32
      %add3A_151 = vector.broadcast %add3A_150 : i32 to vector<16xi32>
      %add3A_152 = arith.addi %add3A_114, %add3A_151 : vector<16xi32>
      tpu.vector_store_idx %arg5[%add3A_18, %add3A_152], %broadcast_in_dim3A_3 : memref<80x1024xf32, #tpu.memory_space<vmem>>[vector<16xi32>, vector<16xi32>], vector<16xf32>,
      %add3A_153 = arith.constant 6 : i32
      %add3A_154 = vector.broadcast %add3A_153 : i32 to vector<16xi32>
      %add3A_155 = arith.addi %add3A_114, %add3A_154 : vector<16xi32>
      tpu.vector_store_idx %arg5[%add3A_18, %add3A_155], %broadcast_in_dim3A_3 : memref<80x1024xf32, #tpu.memory_space<vmem>>[vector<16xi32>, vector<16xi32>], vector<16xf32>,
      %add3A_156 = arith.constant 7 : i32
      %add3A_157 = vector.broadcast %add3A_156 : i32 to vector<16xi32>
      %add3A_158 = arith.addi %add3A_114, %add3A_157 : vector<16xi32>
      tpu.vector_store_idx %arg5[%add3A_18, %add3A_158], %broadcast_in_dim3A_3 : memref<80x1024xf32, #tpu.memory_space<vmem>>[vector<16xi32>, vector<16xi32>], vector<16xf32>,
      %add3A_159 = arith.constant 384 : i32
      %add3A_160 = vector.broadcast %add3A_159 : i32 to vector<16xi32>
      %add3A_161 = arith.addi %mul3A_6, %add3A_160 : vector<16xi32>
      %get3A_162 = arith.constant 0 : i32
      %get3A_163 = arith.index_cast %scan3A_14 : i32 to index
      %get3A_164 = arith.index_cast %get3A_162 : i32 to index
      %get3A_165 = arith.constant 48 : index
      %get3A_166 = tpu.vector_load %arg4[%get3A_163, %get3A_164, %get3A_165] {strides = array<i32>} : memref<80x4x128xf32, #tpu.memory_space<vmem>>, vector<16xf32>,
      %add3A_167 = arith.constant 0 : i32
      %add3A_168 = vector.broadcast %add3A_167 : i32 to vector<16xi32>
      %add3A_169 = arith.addi %add3A_161, %add3A_168 : vector<16xi32>
      tpu.vector_store_idx %arg5[%add3A_18, %add3A_169], %get3A_166 : memref<80x1024xf32, #tpu.memory_space<vmem>>[vector<16xi32>, vector<16xi32>], vector<16xf32>,
      %get3A_170 = arith.constant 1 : i32
      %get3A_171 = arith.index_cast %scan3A_14 : i32 to index
      %get3A_172 = arith.index_cast %get3A_170 : i32 to index
      %get3A_173 = arith.constant 48 : index
      %get3A_174 = tpu.vector_load %arg4[%get3A_171, %get3A_172, %get3A_173] {strides = array<i32>} : memref<80x4x128xf32, #tpu.memory_space<vmem>>, vector<16xf32>,
      %add3A_175 = arith.constant 1 : i32
      %add3A_176 = vector.broadcast %add3A_175 : i32 to vector<16xi32>
      %add3A_177 = arith.addi %add3A_161, %add3A_176 : vector<16xi32>
      tpu.vector_store_idx %arg5[%add3A_18, %add3A_177], %get3A_174 : memref<80x1024xf32, #tpu.memory_space<vmem>>[vector<16xi32>, vector<16xi32>], vector<16xf32>,
      %get3A_178 = arith.constant 2 : i32
      %get3A_179 = arith.index_cast %scan3A_14 : i32 to index
      %get3A_180 = arith.index_cast %get3A_178 : i32 to index
      %get3A_181 = arith.constant 48 : index
      %get3A_182 = tpu.vector_load %arg4[%get3A_179, %get3A_180, %get3A_181] {strides = array<i32>} : memref<80x4x128xf32, #tpu.memory_space<vmem>>, vector<16xf32>,
      %add3A_183 = arith.constant 2 : i32
      %add3A_184 = vector.broadcast %add3A_183 : i32 to vector<16xi32>
      %add3A_185 = arith.addi %add3A_161, %add3A_184 : vector<16xi32>
      tpu.vector_store_idx %arg5[%add3A_18, %add3A_185], %get3A_182 : memref<80x1024xf32, #tpu.memory_space<vmem>>[vector<16xi32>, vector<16xi32>], vector<16xf32>,
      %get3A_186 = arith.constant 3 : i32
      %get3A_187 = arith.index_cast %scan3A_14 : i32 to index
      %get3A_188 = arith.index_cast %get3A_186 : i32 to index
      %get3A_189 = arith.constant 48 : index
      %get3A_190 = tpu.vector_load %arg4[%get3A_187, %get3A_188, %get3A_189] {strides = array<i32>} : memref<80x4x128xf32, #tpu.memory_space<vmem>>, vector<16xf32>,
      %add3A_191 = arith.constant 3 : i32
      %add3A_192 = vector.broadcast %add3A_191 : i32 to vector<16xi32>
      %add3A_193 = arith.addi %add3A_161, %add3A_192 : vector<16xi32>
      tpu.vector_store_idx %arg5[%add3A_18, %add3A_193], %get3A_190 : memref<80x1024xf32, #tpu.memory_space<vmem>>[vector<16xi32>, vector<16xi32>], vector<16xf32>,
      %add3A_194 = arith.constant 4 : i32
      %add3A_195 = vector.broadcast %add3A_194 : i32 to vector<16xi32>
      %add3A_196 = arith.addi %add3A_161, %add3A_195 : vector<16xi32>
      tpu.vector_store_idx %arg5[%add3A_18, %add3A_196], %broadcast_in_dim3A_3 : memref<80x1024xf32, #tpu.memory_space<vmem>>[vector<16xi32>, vector<16xi32>], vector<16xf32>,
      %add3A_197 = arith.constant 5 : i32
      %add3A_198 = vector.broadcast %add3A_197 : i32 to vector<16xi32>
      %add3A_199 = arith.addi %add3A_161, %add3A_198 : vector<16xi32>
      tpu.vector_store_idx %arg5[%add3A_18, %add3A_199], %broadcast_in_dim3A_3 : memref<80x1024xf32, #tpu.memory_space<vmem>>[vector<16xi32>, vector<16xi32>], vector<16xf32>,
      %add3A_200 = arith.constant 6 : i32
      %add3A_201 = vector.broadcast %add3A_200 : i32 to vector<16xi32>
      %add3A_202 = arith.addi %add3A_161, %add3A_201 : vector<16xi32>
      tpu.vector_store_idx %arg5[%add3A_18, %add3A_202], %broadcast_in_dim3A_3 : memref<80x1024xf32, #tpu.memory_space<vmem>>[vector<16xi32>, vector<16xi32>], vector<16xf32>,
      %add3A_203 = arith.constant 7 : i32
      %add3A_204 = vector.broadcast %add3A_203 : i32 to vector<16xi32>
      %add3A_205 = arith.addi %add3A_161, %add3A_204 : vector<16xi32>
      tpu.vector_store_idx %arg5[%add3A_18, %add3A_205], %broadcast_in_dim3A_3 : memref<80x1024xf32, #tpu.memory_space<vmem>>[vector<16xi32>, vector<16xi32>], vector<16xf32>,
      %add3A_206 = arith.constant 512 : i32
      %add3A_207 = vector.broadcast %add3A_206 : i32 to vector<16xi32>
      %add3A_208 = arith.addi %mul3A_6, %add3A_207 : vector<16xi32>
      %get3A_209 = arith.constant 0 : i32
      %get3A_210 = arith.index_cast %scan3A_14 : i32 to index
      %get3A_211 = arith.index_cast %get3A_209 : i32 to index
      %get3A_212 = arith.constant 64 : index
      %get3A_213 = tpu.vector_load %arg4[%get3A_210, %get3A_211, %get3A_212] {strides = array<i32>} : memref<80x4x128xf32, #tpu.memory_space<vmem>>, vector<16xf32>,
      %add3A_214 = arith.constant 0 : i32
      %add3A_215 = vector.broadcast %add3A_214 : i32 to vector<16xi32>
      %add3A_216 = arith.addi %add3A_208, %add3A_215 : vector<16xi32>
      tpu.vector_store_idx %arg5[%add3A_18, %add3A_216], %get3A_213 : memref<80x1024xf32, #tpu.memory_space<vmem>>[vector<16xi32>, vector<16xi32>], vector<16xf32>,
      %get3A_217 = arith.constant 1 : i32
      %get3A_218 = arith.index_cast %scan3A_14 : i32 to index
      %get3A_219 = arith.index_cast %get3A_217 : i32 to index
      %get3A_220 = arith.constant 64 : index
      %get3A_221 = tpu.vector_load %arg4[%get3A_218, %get3A_219, %get3A_220] {strides = array<i32>} : memref<80x4x128xf32, #tpu.memory_space<vmem>>, vector<16xf32>,
      %add3A_222 = arith.constant 1 : i32
      %add3A_223 = vector.broadcast %add3A_222 : i32 to vector<16xi32>
      %add3A_224 = arith.addi %add3A_208, %add3A_223 : vector<16xi32>
      tpu.vector_store_idx %arg5[%add3A_18, %add3A_224], %get3A_221 : memref<80x1024xf32, #tpu.memory_space<vmem>>[vector<16xi32>, vector<16xi32>], vector<16xf32>,
      %get3A_225 = arith.constant 2 : i32
      %get3A_226 = arith.index_cast %scan3A_14 : i32 to index
      %get3A_227 = arith.index_cast %get3A_225 : i32 to index
      %get3A_228 = arith.constant 64 : index
      %get3A_229 = tpu.vector_load %arg4[%get3A_226, %get3A_227, %get3A_228] {strides = array<i32>} : memref<80x4x128xf32, #tpu.memory_space<vmem>>, vector<16xf32>,
      %add3A_230 = arith.constant 2 : i32
      %add3A_231 = vector.broadcast %add3A_230 : i32 to vector<16xi32>
      %add3A_232 = arith.addi %add3A_208, %add3A_231 : vector<16xi32>
      tpu.vector_store_idx %arg5[%add3A_18, %add3A_232], %get3A_229 : memref<80x1024xf32, #tpu.memory_space<vmem>>[vector<16xi32>, vector<16xi32>], vector<16xf32>,
      %get3A_233 = arith.constant 3 : i32
      %get3A_234 = arith.index_cast %scan3A_14 : i32 to index
      %get3A_235 = arith.index_cast %get3A_233 : i32 to index
      %get3A_236 = arith.constant 64 : index
      %get3A_237 = tpu.vector_load %arg4[%get3A_234, %get3A_235, %get3A_236] {strides = array<i32>} : memref<80x4x128xf32, #tpu.memory_space<vmem>>, vector<16xf32>,
      %add3A_238 = arith.constant 3 : i32
      %add3A_239 = vector.broadcast %add3A_238 : i32 to vector<16xi32>
      %add3A_240 = arith.addi %add3A_208, %add3A_239 : vector<16xi32>
      tpu.vector_store_idx %arg5[%add3A_18, %add3A_240], %get3A_237 : memref<80x1024xf32, #tpu.memory_space<vmem>>[vector<16xi32>, vector<16xi32>], vector<16xf32>,
      %add3A_241 = arith.constant 4 : i32
      %add3A_242 = vector.broadcast %add3A_241 : i32 to vector<16xi32>
      %add3A_243 = arith.addi %add3A_208, %add3A_242 : vector<16xi32>
      tpu.vector_store_idx %arg5[%add3A_18, %add3A_243], %broadcast_in_dim3A_3 : memref<80x1024xf32, #tpu.memory_space<vmem>>[vector<16xi32>, vector<16xi32>], vector<16xf32>,
      %add3A_244 = arith.constant 5 : i32
      %add3A_245 = vector.broadcast %add3A_244 : i32 to vector<16xi32>
      %add3A_246 = arith.addi %add3A_208, %add3A_245 : vector<16xi32>
      tpu.vector_store_idx %arg5[%add3A_18, %add3A_246], %broadcast_in_dim3A_3 : memref<80x1024xf32, #tpu.memory_space<vmem>>[vector<16xi32>, vector<16xi32>], vector<16xf32>,
      %add3A_247 = arith.constant 6 : i32
      %add3A_248 = vector.broadcast %add3A_247 : i32 to vector<16xi32>
      %add3A_249 = arith.addi %add3A_208, %add3A_248 : vector<16xi32>
      tpu.vector_store_idx %arg5[%add3A_18, %add3A_249], %broadcast_in_dim3A_3 : memref<80x1024xf32, #tpu.memory_space<vmem>>[vector<16xi32>, vector<16xi32>], vector<16xf32>,
      %add3A_250 = arith.constant 7 : i32
      %add3A_251 = vector.broadcast %add3A_250 : i32 to vector<16xi32>
      %add3A_252 = arith.addi %add3A_208, %add3A_251 : vector<16xi32>
      tpu.vector_store_idx %arg5[%add3A_18, %add3A_252], %broadcast_in_dim3A_3 : memref<80x1024xf32, #tpu.memory_space<vmem>>[vector<16xi32>, vector<16xi32>], vector<16xf32>,
      %add3A_253 = arith.constant 640 : i32
      %add3A_254 = vector.broadcast %add3A_253 : i32 to vector<16xi32>
      %add3A_255 = arith.addi %mul3A_6, %add3A_254 : vector<16xi32>
      %get3A_256 = arith.constant 0 : i32
      %get3A_257 = arith.index_cast %scan3A_14 : i32 to index
      %get3A_258 = arith.index_cast %get3A_256 : i32 to index
      %get3A_259 = arith.constant 80 : index
      %get3A_260 = tpu.vector_load %arg4[%get3A_257, %get3A_258, %get3A_259] {strides = array<i32>} : memref<80x4x128xf32, #tpu.memory_space<vmem>>, vector<16xf32>,
      %add3A_261 = arith.constant 0 : i32
      %add3A_262 = vector.broadcast %add3A_261 : i32 to vector<16xi32>
      %add3A_263 = arith.addi %add3A_255, %add3A_262 : vector<16xi32>
      tpu.vector_store_idx %arg5[%add3A_18, %add3A_263], %get3A_260 : memref<80x1024xf32, #tpu.memory_space<vmem>>[vector<16xi32>, vector<16xi32>], vector<16xf32>,
      %get3A_264 = arith.constant 1 : i32
      %get3A_265 = arith.index_cast %scan3A_14 : i32 to index
      %get3A_266 = arith.index_cast %get3A_264 : i32 to index
      %get3A_267 = arith.constant 80 : index
      %get3A_268 = tpu.vector_load %arg4[%get3A_265, %get3A_266, %get3A_267] {strides = array<i32>} : memref<80x4x128xf32, #tpu.memory_space<vmem>>, vector<16xf32>,
      %add3A_269 = arith.constant 1 : i32
      %add3A_270 = vector.broadcast %add3A_269 : i32 to vector<16xi32>
      %add3A_271 = arith.addi %add3A_255, %add3A_270 : vector<16xi32>
      tpu.vector_store_idx %arg5[%add3A_18, %add3A_271], %get3A_268 : memref<80x1024xf32, #tpu.memory_space<vmem>>[vector<16xi32>, vector<16xi32>], vector<16xf32>,
      %get3A_272 = arith.constant 2 : i32
      %get3A_273 = arith.index_cast %scan3A_14 : i32 to index
      %get3A_274 = arith.index_cast %get3A_272 : i32 to index
      %get3A_275 = arith.constant 80 : index
      %get3A_276 = tpu.vector_load %arg4[%get3A_273, %get3A_274, %get3A_275] {strides = array<i32>} : memref<80x4x128xf32, #tpu.memory_space<vmem>>, vector<16xf32>,
      %add3A_277 = arith.constant 2 : i32
      %add3A_278 = vector.broadcast %add3A_277 : i32 to vector<16xi32>
      %add3A_279 = arith.addi %add3A_255, %add3A_278 : vector<16xi32>
      tpu.vector_store_idx %arg5[%add3A_18, %add3A_279], %get3A_276 : memref<80x1024xf32, #tpu.memory_space<vmem>>[vector<16xi32>, vector<16xi32>], vector<16xf32>,
      %get3A_280 = arith.constant 3 : i32
      %get3A_281 = arith.index_cast %scan3A_14 : i32 to index
      %get3A_282 = arith.index_cast %get3A_280 : i32 to index
      %get3A_283 = arith.constant 80 : index
      %get3A_284 = tpu.vector_load %arg4[%get3A_281, %get3A_282, %get3A_283] {strides = array<i32>} : memref<80x4x128xf32, #tpu.memory_space<vmem>>, vector<16xf32>,
      %add3A_285 = arith.constant 3 : i32
      %add3A_286 = vector.broadcast %add3A_285 : i32 to vector<16xi32>
      %add3A_287 = arith.addi %add3A_255, %add3A_286 : vector<16xi32>
      tpu.vector_store_idx %arg5[%add3A_18, %add3A_287], %get3A_284 : memref<80x1024xf32, #tpu.memory_space<vmem>>[vector<16xi32>, vector<16xi32>], vector<16xf32>,
      %add3A_288 = arith.constant 4 : i32
      %add3A_289 = vector.broadcast %add3A_288 : i32 to vector<16xi32>
      %add3A_290 = arith.addi %add3A_255, %add3A_289 : vector<16xi32>
      tpu.vector_store_idx %arg5[%add3A_18, %add3A_290], %broadcast_in_dim3A_3 : memref<80x1024xf32, #tpu.memory_space<vmem>>[vector<16xi32>, vector<16xi32>], vector<16xf32>,
      %add3A_291 = arith.constant 5 : i32
      %add3A_292 = vector.broadcast %add3A_291 : i32 to vector<16xi32>
      %add3A_293 = arith.addi %add3A_255, %add3A_292 : vector<16xi32>
      tpu.vector_store_idx %arg5[%add3A_18, %add3A_293], %broadcast_in_dim3A_3 : memref<80x1024xf32, #tpu.memory_space<vmem>>[vector<16xi32>, vector<16xi32>], vector<16xf32>,
      %add3A_294 = arith.constant 6 : i32
      %add3A_295 = vector.broadcast %add3A_294 : i32 to vector<16xi32>
      %add3A_296 = arith.addi %add3A_255, %add3A_295 : vector<16xi32>
      tpu.vector_store_idx %arg5[%add3A_18, %add3A_296], %broadcast_in_dim3A_3 : memref<80x1024xf32, #tpu.memory_space<vmem>>[vector<16xi32>, vector<16xi32>], vector<16xf32>,
      %add3A_297 = arith.constant 7 : i32
      %add3A_298 = vector.broadcast %add3A_297 : i32 to vector<16xi32>
      %add3A_299 = arith.addi %add3A_255, %add3A_298 : vector<16xi32>
      tpu.vector_store_idx %arg5[%add3A_18, %add3A_299], %broadcast_in_dim3A_3 : memref<80x1024xf32, #tpu.memory_space<vmem>>[vector<16xi32>, vector<16xi32>], vector<16xf32>,
      %add3A_300 = arith.constant 768 : i32
      %add3A_301 = vector.broadcast %add3A_300 : i32 to vector<16xi32>
      %add3A_302 = arith.addi %mul3A_6, %add3A_301 : vector<16xi32>
      %get3A_303 = arith.constant 0 : i32
      %get3A_304 = arith.index_cast %scan3A_14 : i32 to index
      %get3A_305 = arith.index_cast %get3A_303 : i32 to index
      %get3A_306 = arith.constant 96 : index
      %get3A_307 = tpu.vector_load %arg4[%get3A_304, %get3A_305, %get3A_306] {strides = array<i32>} : memref<80x4x128xf32, #tpu.memory_space<vmem>>, vector<16xf32>,
      %add3A_308 = arith.constant 0 : i32
      %add3A_309 = vector.broadcast %add3A_308 : i32 to vector<16xi32>
      %add3A_310 = arith.addi %add3A_302, %add3A_309 : vector<16xi32>
      tpu.vector_store_idx %arg5[%add3A_18, %add3A_310], %get3A_307 : memref<80x1024xf32, #tpu.memory_space<vmem>>[vector<16xi32>, vector<16xi32>], vector<16xf32>,
      %get3A_311 = arith.constant 1 : i32
      %get3A_312 = arith.index_cast %scan3A_14 : i32 to index
      %get3A_313 = arith.index_cast %get3A_311 : i32 to index
      %get3A_314 = arith.constant 96 : index
      %get3A_315 = tpu.vector_load %arg4[%get3A_312, %get3A_313, %get3A_314] {strides = array<i32>} : memref<80x4x128xf32, #tpu.memory_space<vmem>>, vector<16xf32>,
      %add3A_316 = arith.constant 1 : i32
      %add3A_317 = vector.broadcast %add3A_316 : i32 to vector<16xi32>
      %add3A_318 = arith.addi %add3A_302, %add3A_317 : vector<16xi32>
      tpu.vector_store_idx %arg5[%add3A_18, %add3A_318], %get3A_315 : memref<80x1024xf32, #tpu.memory_space<vmem>>[vector<16xi32>, vector<16xi32>], vector<16xf32>,
      %get3A_319 = arith.constant 2 : i32
      %get3A_320 = arith.index_cast %scan3A_14 : i32 to index
      %get3A_321 = arith.index_cast %get3A_319 : i32 to index
      %get3A_322 = arith.constant 96 : index
      %get3A_323 = tpu.vector_load %arg4[%get3A_320, %get3A_321, %get3A_322] {strides = array<i32>} : memref<80x4x128xf32, #tpu.memory_space<vmem>>, vector<16xf32>,
      %add3A_324 = arith.constant 2 : i32
      %add3A_325 = vector.broadcast %add3A_324 : i32 to vector<16xi32>
      %add3A_326 = arith.addi %add3A_302, %add3A_325 : vector<16xi32>
      tpu.vector_store_idx %arg5[%add3A_18, %add3A_326], %get3A_323 : memref<80x1024xf32, #tpu.memory_space<vmem>>[vector<16xi32>, vector<16xi32>], vector<16xf32>,
      %get3A_327 = arith.constant 3 : i32
      %get3A_328 = arith.index_cast %scan3A_14 : i32 to index
      %get3A_329 = arith.index_cast %get3A_327 : i32 to index
      %get3A_330 = arith.constant 96 : index
      %get3A_331 = tpu.vector_load %arg4[%get3A_328, %get3A_329, %get3A_330] {strides = array<i32>} : memref<80x4x128xf32, #tpu.memory_space<vmem>>, vector<16xf32>,
      %add3A_332 = arith.constant 3 : i32
      %add3A_333 = vector.broadcast %add3A_332 : i32 to vector<16xi32>
      %add3A_334 = arith.addi %add3A_302, %add3A_333 : vector<16xi32>
      tpu.vector_store_idx %arg5[%add3A_18, %add3A_334], %get3A_331 : memref<80x1024xf32, #tpu.memory_space<vmem>>[vector<16xi32>, vector<16xi32>], vector<16xf32>,
      %add3A_335 = arith.constant 4 : i32
      %add3A_336 = vector.broadcast %add3A_335 : i32 to vector<16xi32>
      %add3A_337 = arith.addi %add3A_302, %add3A_336 : vector<16xi32>
      tpu.vector_store_idx %arg5[%add3A_18, %add3A_337], %broadcast_in_dim3A_3 : memref<80x1024xf32, #tpu.memory_space<vmem>>[vector<16xi32>, vector<16xi32>], vector<16xf32>,
      %add3A_338 = arith.constant 5 : i32
      %add3A_339 = vector.broadcast %add3A_338 : i32 to vector<16xi32>
      %add3A_340 = arith.addi %add3A_302, %add3A_339 : vector<16xi32>
      tpu.vector_store_idx %arg5[%add3A_18, %add3A_340], %broadcast_in_dim3A_3 : memref<80x1024xf32, #tpu.memory_space<vmem>>[vector<16xi32>, vector<16xi32>], vector<16xf32>,
      %add3A_341 = arith.constant 6 : i32
      %add3A_342 = vector.broadcast %add3A_341 : i32 to vector<16xi32>
      %add3A_343 = arith.addi %add3A_302, %add3A_342 : vector<16xi32>
      tpu.vector_store_idx %arg5[%add3A_18, %add3A_343], %broadcast_in_dim3A_3 : memref<80x1024xf32, #tpu.memory_space<vmem>>[vector<16xi32>, vector<16xi32>], vector<16xf32>,
      %add3A_344 = arith.constant 7 : i32
      %add3A_345 = vector.broadcast %add3A_344 : i32 to vector<16xi32>
      %add3A_346 = arith.addi %add3A_302, %add3A_345 : vector<16xi32>
      tpu.vector_store_idx %arg5[%add3A_18, %add3A_346], %broadcast_in_dim3A_3 : memref<80x1024xf32, #tpu.memory_space<vmem>>[vector<16xi32>, vector<16xi32>], vector<16xf32>,
      %add3A_347 = arith.constant 896 : i32
      %add3A_348 = vector.broadcast %add3A_347 : i32 to vector<16xi32>
      %add3A_349 = arith.addi %mul3A_6, %add3A_348 : vector<16xi32>
      %get3A_350 = arith.constant 0 : i32
      %get3A_351 = arith.index_cast %scan3A_14 : i32 to index
      %get3A_352 = arith.index_cast %get3A_350 : i32 to index
      %get3A_353 = arith.constant 112 : index
      %get3A_354 = tpu.vector_load %arg4[%get3A_351, %get3A_352, %get3A_353] {strides = array<i32>} : memref<80x4x128xf32, #tpu.memory_space<vmem>>, vector<16xf32>,
      %add3A_355 = arith.constant 0 : i32
      %add3A_356 = vector.broadcast %add3A_355 : i32 to vector<16xi32>
      %add3A_357 = arith.addi %add3A_349, %add3A_356 : vector<16xi32>
      tpu.vector_store_idx %arg5[%add3A_18, %add3A_357], %get3A_354 : memref<80x1024xf32, #tpu.memory_space<vmem>>[vector<16xi32>, vector<16xi32>], vector<16xf32>,
      %get3A_358 = arith.constant 1 : i32
      %get3A_359 = arith.index_cast %scan3A_14 : i32 to index
      %get3A_360 = arith.index_cast %get3A_358 : i32 to index
      %get3A_361 = arith.constant 112 : index
      %get3A_362 = tpu.vector_load %arg4[%get3A_359, %get3A_360, %get3A_361] {strides = array<i32>} : memref<80x4x128xf32, #tpu.memory_space<vmem>>, vector<16xf32>,
      %add3A_363 = arith.constant 1 : i32
      %add3A_364 = vector.broadcast %add3A_363 : i32 to vector<16xi32>
      %add3A_365 = arith.addi %add3A_349, %add3A_364 : vector<16xi32>
      tpu.vector_store_idx %arg5[%add3A_18, %add3A_365], %get3A_362 : memref<80x1024xf32, #tpu.memory_space<vmem>>[vector<16xi32>, vector<16xi32>], vector<16xf32>,
      %get3A_366 = arith.constant 2 : i32
      %get3A_367 = arith.index_cast %scan3A_14 : i32 to index
      %get3A_368 = arith.index_cast %get3A_366 : i32 to index
      %get3A_369 = arith.constant 112 : index
      %get3A_370 = tpu.vector_load %arg4[%get3A_367, %get3A_368, %get3A_369] {strides = array<i32>} : memref<80x4x128xf32, #tpu.memory_space<vmem>>, vector<16xf32>,
      %add3A_371 = arith.constant 2 : i32
      %add3A_372 = vector.broadcast %add3A_371 : i32 to vector<16xi32>
      %add3A_373 = arith.addi %add3A_349, %add3A_372 : vector<16xi32>
      tpu.vector_store_idx %arg5[%add3A_18, %add3A_373], %get3A_370 : memref<80x1024xf32, #tpu.memory_space<vmem>>[vector<16xi32>, vector<16xi32>], vector<16xf32>,
      %get3A_374 = arith.constant 3 : i32
      %get3A_375 = arith.index_cast %scan3A_14 : i32 to index
      %get3A_376 = arith.index_cast %get3A_374 : i32 to index
      %get3A_377 = arith.constant 112 : index
      %get3A_378 = tpu.vector_load %arg4[%get3A_375, %get3A_376, %get3A_377] {strides = array<i32>} : memref<80x4x128xf32, #tpu.memory_space<vmem>>, vector<16xf32>,
      %add3A_379 = arith.constant 3 : i32
      %add3A_380 = vector.broadcast %add3A_379 : i32 to vector<16xi32>
      %add3A_381 = arith.addi %add3A_349, %add3A_380 : vector<16xi32>
      tpu.vector_store_idx %arg5[%add3A_18, %add3A_381], %get3A_378 : memref<80x1024xf32, #tpu.memory_space<vmem>>[vector<16xi32>, vector<16xi32>], vector<16xf32>,
      %add3A_382 = arith.constant 4 : i32
      %add3A_383 = vector.broadcast %add3A_382 : i32 to vector<16xi32>
      %add3A_384 = arith.addi %add3A_349, %add3A_383 : vector<16xi32>
      tpu.vector_store_idx %arg5[%add3A_18, %add3A_384], %broadcast_in_dim3A_3 : memref<80x1024xf32, #tpu.memory_space<vmem>>[vector<16xi32>, vector<16xi32>], vector<16xf32>,
      %add3A_385 = arith.constant 5 : i32
      %add3A_386 = vector.broadcast %add3A_385 : i32 to vector<16xi32>
      %add3A_387 = arith.addi %add3A_349, %add3A_386 : vector<16xi32>
      tpu.vector_store_idx %arg5[%add3A_18, %add3A_387], %broadcast_in_dim3A_3 : memref<80x1024xf32, #tpu.memory_space<vmem>>[vector<16xi32>, vector<16xi32>], vector<16xf32>,
      %add3A_388 = arith.constant 6 : i32
      %add3A_389 = vector.broadcast %add3A_388 : i32 to vector<16xi32>
      %add3A_390 = arith.addi %add3A_349, %add3A_389 : vector<16xi32>
      tpu.vector_store_idx %arg5[%add3A_18, %add3A_390], %broadcast_in_dim3A_3 : memref<80x1024xf32, #tpu.memory_space<vmem>>[vector<16xi32>, vector<16xi32>], vector<16xf32>,
      %add3A_391 = arith.constant 7 : i32
      %add3A_392 = vector.broadcast %add3A_391 : i32 to vector<16xi32>
      %add3A_393 = arith.addi %add3A_349, %add3A_392 : vector<16xi32>
      tpu.vector_store_idx %arg5[%add3A_18, %add3A_393], %broadcast_in_dim3A_3 : memref<80x1024xf32, #tpu.memory_space<vmem>>[vector<16xi32>, vector<16xi32>], vector<16xf32>,
    }
    %scan3A_11 = arith.constant 80 : i32
    %mul3A_12 = arith.constant 80 : i32
    %mul3A_13 = arith.muli %add3A, %mul3A_12 : i32
    "tpu.region"() ({
      %run_scoped3A = tpu.sem_alloc : memref<!tpu.dma_semaphore, #tpu.memory_space<semaphore_mem>>
      %dma_start3A = arith.constant 0 : i32
      %dma_start3A_14 = tpu.memref_slice %arg3[%mul3A_13, %dma_start3A] : memref<2560x1024xf32, #tpu.memory_space<hbm>> -> memref<80x1024xf32, #tpu.memory_space<hbm>>
      %dma_start3A_15 = arith.constant 0 : i32
      %dma_start3A_16 = tpu.memref_slice %arg3[%mul3A_13, %dma_start3A_15] : memref<2560x1024xf32, #tpu.memory_space<hbm>> -> memref<80x1024xf32, #tpu.memory_space<hbm>>
      tpu.enqueue_dma source(%arg5 : memref<80x1024xf32, #tpu.memory_space<vmem>>) target(%dma_start3A_16 : memref<80x1024xf32, #tpu.memory_space<hbm>>) target_semaphore(%run_scoped3A : memref<!tpu.dma_semaphore, #tpu.memory_space<semaphore_mem>>)
      %dma_wait3A = arith.constant 0 : i32
      %dma_wait3A_17 = tpu.memref_slice %arg3[%mul3A_13, %dma_wait3A] : memref<2560x1024xf32, #tpu.memory_space<hbm>> -> memref<80x1024xf32, #tpu.memory_space<hbm>>
      %dma_wait3A_18 = arith.constant 0 : i32
      %dma_wait3A_19 = tpu.memref_slice %arg3[%mul3A_13, %dma_wait3A_18] : memref<2560x1024xf32, #tpu.memory_space<hbm>> -> memref<80x1024xf32, #tpu.memory_space<hbm>>
      tpu.wait_dma2 semaphore(%run_scoped3A : memref<!tpu.dma_semaphore, #tpu.memory_space<semaphore_mem>>) src(%arg5 : memref<80x1024xf32, #tpu.memory_space<vmem>>) dst(%dma_wait3A_19 : memref<80x1024xf32, #tpu.memory_space<hbm>>)
      tpu.yield
    }) : () -> ()
    return
  }
}

#map = affine_map<(d0, d1) -> (0, 0)>
#map1 = affine_map<(d0, d1) -> (0, 0, 0)>
module attributes {stable_mosaic.version = 14 : i64} {
  func.func @gather(%arg0: i32, %arg1: i32, %arg2: memref<10000x8xf32, #tpu.memory_space<hbm>>, %arg3: memref<32x80x128xi32, #tpu.memory_space<hbm>>, %arg4: memref<2560x128x8xf32, #tpu.memory_space<hbm>>, %arg5: memref<80x128xi32, #tpu.memory_space<vmem>>, %arg6: memref<80x128x8xf32, #tpu.memory_space<vmem>>, %arg7: memref<!tpu.dma_semaphore, #tpu.memory_space<semaphore_mem>>) attributes {dimension_semantics = [#tpu.dimension_semantics<core_parallel>, #tpu.dimension_semantics<subcore_parallel>], iteration_bounds = array<i64: 2, 16>, scalar_prefetch = 0 : i64, scratch_operands = 3 : i64, tpu.core_type = #tpu.core_type<sc_vector_subcore>, window_params = [{transform_indices = #map}, {transform_indices = #map1}, {transform_indices = #map1}]} {
    %mul3A = arith.constant 2 : i32
    %mul3A_0 = arith.muli %arg1, %mul3A : i32
    %add3A = arith.addi %mul3A_0, %arg0 : i32
    "tpu.region"() ({
      %run_scoped3A = tpu.sem_alloc : memref<!tpu.dma_semaphore, #tpu.memory_space<semaphore_mem>>
      %dma_start3A_103 = arith.constant 0 : i32
      %dma_start3A_104 = arith.constant 0 : i32
      %dma_start3A_105 = tpu.memref_slice %arg3[%add3A, %dma_start3A_103, %dma_start3A_104] : memref<32x80x128xi32, #tpu.memory_space<hbm>> -> memref<1x80x128xi32, #tpu.memory_space<hbm>>
      %dma_start3A_106 = tpu.memref_squeeze %dma_start3A_105 : memref<1x80x128xi32, #tpu.memory_space<hbm>> -> memref<80x128xi32, #tpu.memory_space<hbm>>
      %dma_start3A_107 = arith.constant 0 : i32
      %dma_start3A_108 = arith.constant 0 : i32
      %dma_start3A_109 = tpu.memref_slice %arg3[%add3A, %dma_start3A_107, %dma_start3A_108] : memref<32x80x128xi32, #tpu.memory_space<hbm>> -> memref<1x80x128xi32, #tpu.memory_space<hbm>>
      %dma_start3A_110 = tpu.memref_squeeze %dma_start3A_109 : memref<1x80x128xi32, #tpu.memory_space<hbm>> -> memref<80x128xi32, #tpu.memory_space<hbm>>
      tpu.enqueue_dma source(%dma_start3A_110 : memref<80x128xi32, #tpu.memory_space<hbm>>) target(%arg5 : memref<80x128xi32, #tpu.memory_space<vmem>>) target_semaphore(%run_scoped3A : memref<!tpu.dma_semaphore, #tpu.memory_space<semaphore_mem>>)
      %dma_wait3A = arith.constant 0 : i32
      %dma_wait3A_111 = arith.constant 0 : i32
      %dma_wait3A_112 = tpu.memref_slice %arg3[%add3A, %dma_wait3A, %dma_wait3A_111] : memref<32x80x128xi32, #tpu.memory_space<hbm>> -> memref<1x80x128xi32, #tpu.memory_space<hbm>>
      %dma_wait3A_113 = tpu.memref_squeeze %dma_wait3A_112 : memref<1x80x128xi32, #tpu.memory_space<hbm>> -> memref<80x128xi32, #tpu.memory_space<hbm>>
      %dma_wait3A_114 = arith.constant 0 : i32
      %dma_wait3A_115 = arith.constant 0 : i32
      %dma_wait3A_116 = tpu.memref_slice %arg3[%add3A, %dma_wait3A_114, %dma_wait3A_115] : memref<32x80x128xi32, #tpu.memory_space<hbm>> -> memref<1x80x128xi32, #tpu.memory_space<hbm>>
      %dma_wait3A_117 = tpu.memref_squeeze %dma_wait3A_116 : memref<1x80x128xi32, #tpu.memory_space<hbm>> -> memref<80x128xi32, #tpu.memory_space<hbm>>
      tpu.wait_dma2 semaphore(%run_scoped3A : memref<!tpu.dma_semaphore, #tpu.memory_space<semaphore_mem>>) src(%dma_wait3A_117 : memref<80x128xi32, #tpu.memory_space<hbm>>) dst(%arg5 : memref<80x128xi32, #tpu.memory_space<vmem>>)
      tpu.yield
    }) : () -> ()
    %dma_start3A = arith.constant 0 : i32
    %dma_start3A_1 = arith.constant 0 : i32
    %dma_start3A_2 = arith.constant 0 : i32
    %dma_start3A_3 = arith.constant 0 : i32
    %dma_start3A_4 = tpu.memref_slice %arg6[%dma_start3A_1, %dma_start3A_2, %dma_start3A_3] : memref<80x128x8xf32, #tpu.memory_space<vmem>> -> memref<1x128x8xf32, #tpu.memory_space<vmem>>
    %dma_start3A_5 = tpu.memref_squeeze %dma_start3A_4 : memref<1x128x8xf32, #tpu.memory_space<vmem>> -> memref<128x8xf32, #tpu.memory_space<vmem>>
    %dma_start3A_6 = arith.constant 0 : i32
    %dma_start3A_7 = tpu.memref_slice %arg5[%dma_start3A, %dma_start3A_6] : memref<80x128xi32, #tpu.memory_space<vmem>> -> memref<1x128xi32, #tpu.memory_space<vmem>>
    %dma_start3A_8 = tpu.memref_squeeze %dma_start3A_7 : memref<1x128xi32, #tpu.memory_space<vmem>> -> memref<128xi32, #tpu.memory_space<vmem>>
    %dma_start3A_9 = arith.constant 0 : i32
    %dma_start3A_10 = arith.constant 0 : i32
    %dma_start3A_11 = tpu.memref_slice %arg2[%dma_start3A_9, %dma_start3A_10] : memref<10000x8xf32, #tpu.memory_space<hbm>> -> memref<10000x8xf32, #tpu.memory_space<hbm>>
    tpu.enqueue_indirect_dma source(%dma_start3A_11 : memref<10000x8xf32, #tpu.memory_space<hbm>>) target(%dma_start3A_5 : memref<128x8xf32, #tpu.memory_space<vmem>>) offsets(%dma_start3A_8 : memref<128xi32, #tpu.memory_space<vmem>>) semaphore(%arg7 : memref<!tpu.dma_semaphore, #tpu.memory_space<semaphore_mem>>)
    %dma_start3A_12 = arith.constant 1 : i32
    %dma_start3A_13 = arith.constant 1 : i32
    %dma_start3A_14 = arith.constant 0 : i32
    %dma_start3A_15 = arith.constant 0 : i32
    %dma_start3A_16 = tpu.memref_slice %arg6[%dma_start3A_13, %dma_start3A_14, %dma_start3A_15] : memref<80x128x8xf32, #tpu.memory_space<vmem>> -> memref<1x128x8xf32, #tpu.memory_space<vmem>>
    %dma_start3A_17 = tpu.memref_squeeze %dma_start3A_16 : memref<1x128x8xf32, #tpu.memory_space<vmem>> -> memref<128x8xf32, #tpu.memory_space<vmem>>
    %dma_start3A_18 = arith.constant 0 : i32
    %dma_start3A_19 = tpu.memref_slice %arg5[%dma_start3A_12, %dma_start3A_18] : memref<80x128xi32, #tpu.memory_space<vmem>> -> memref<1x128xi32, #tpu.memory_space<vmem>>
    %dma_start3A_20 = tpu.memref_squeeze %dma_start3A_19 : memref<1x128xi32, #tpu.memory_space<vmem>> -> memref<128xi32, #tpu.memory_space<vmem>>
    %dma_start3A_21 = arith.constant 0 : i32
    %dma_start3A_22 = arith.constant 0 : i32
    %dma_start3A_23 = tpu.memref_slice %arg2[%dma_start3A_21, %dma_start3A_22] : memref<10000x8xf32, #tpu.memory_space<hbm>> -> memref<10000x8xf32, #tpu.memory_space<hbm>>
    tpu.enqueue_indirect_dma source(%dma_start3A_23 : memref<10000x8xf32, #tpu.memory_space<hbm>>) target(%dma_start3A_17 : memref<128x8xf32, #tpu.memory_space<vmem>>) offsets(%dma_start3A_20 : memref<128xi32, #tpu.memory_space<vmem>>) semaphore(%arg7 : memref<!tpu.dma_semaphore, #tpu.memory_space<semaphore_mem>>)
    %dma_start3A_24 = arith.constant 2 : i32
    %dma_start3A_25 = arith.constant 2 : i32
    %dma_start3A_26 = arith.constant 0 : i32
    %dma_start3A_27 = arith.constant 0 : i32
    %dma_start3A_28 = tpu.memref_slice %arg6[%dma_start3A_25, %dma_start3A_26, %dma_start3A_27] : memref<80x128x8xf32, #tpu.memory_space<vmem>> -> memref<1x128x8xf32, #tpu.memory_space<vmem>>
    %dma_start3A_29 = tpu.memref_squeeze %dma_start3A_28 : memref<1x128x8xf32, #tpu.memory_space<vmem>> -> memref<128x8xf32, #tpu.memory_space<vmem>>
    %dma_start3A_30 = arith.constant 0 : i32
    %dma_start3A_31 = tpu.memref_slice %arg5[%dma_start3A_24, %dma_start3A_30] : memref<80x128xi32, #tpu.memory_space<vmem>> -> memref<1x128xi32, #tpu.memory_space<vmem>>
    %dma_start3A_32 = tpu.memref_squeeze %dma_start3A_31 : memref<1x128xi32, #tpu.memory_space<vmem>> -> memref<128xi32, #tpu.memory_space<vmem>>
    %dma_start3A_33 = arith.constant 0 : i32
    %dma_start3A_34 = arith.constant 0 : i32
    %dma_start3A_35 = tpu.memref_slice %arg2[%dma_start3A_33, %dma_start3A_34] : memref<10000x8xf32, #tpu.memory_space<hbm>> -> memref<10000x8xf32, #tpu.memory_space<hbm>>
    tpu.enqueue_indirect_dma source(%dma_start3A_35 : memref<10000x8xf32, #tpu.memory_space<hbm>>) target(%dma_start3A_29 : memref<128x8xf32, #tpu.memory_space<vmem>>) offsets(%dma_start3A_32 : memref<128xi32, #tpu.memory_space<vmem>>) semaphore(%arg7 : memref<!tpu.dma_semaphore, #tpu.memory_space<semaphore_mem>>)
    %dma_start3A_36 = arith.constant 3 : i32
    %dma_start3A_37 = arith.constant 3 : i32
    %dma_start3A_38 = arith.constant 0 : i32
    %dma_start3A_39 = arith.constant 0 : i32
    %dma_start3A_40 = tpu.memref_slice %arg6[%dma_start3A_37, %dma_start3A_38, %dma_start3A_39] : memref<80x128x8xf32, #tpu.memory_space<vmem>> -> memref<1x128x8xf32, #tpu.memory_space<vmem>>
    %dma_start3A_41 = tpu.memref_squeeze %dma_start3A_40 : memref<1x128x8xf32, #tpu.memory_space<vmem>> -> memref<128x8xf32, #tpu.memory_space<vmem>>
    %dma_start3A_42 = arith.constant 0 : i32
    %dma_start3A_43 = tpu.memref_slice %arg5[%dma_start3A_36, %dma_start3A_42] : memref<80x128xi32, #tpu.memory_space<vmem>> -> memref<1x128xi32, #tpu.memory_space<vmem>>
    %dma_start3A_44 = tpu.memref_squeeze %dma_start3A_43 : memref<1x128xi32, #tpu.memory_space<vmem>> -> memref<128xi32, #tpu.memory_space<vmem>>
    %dma_start3A_45 = arith.constant 0 : i32
    %dma_start3A_46 = arith.constant 0 : i32
    %dma_start3A_47 = tpu.memref_slice %arg2[%dma_start3A_45, %dma_start3A_46] : memref<10000x8xf32, #tpu.memory_space<hbm>> -> memref<10000x8xf32, #tpu.memory_space<hbm>>
    tpu.enqueue_indirect_dma source(%dma_start3A_47 : memref<10000x8xf32, #tpu.memory_space<hbm>>) target(%dma_start3A_41 : memref<128x8xf32, #tpu.memory_space<vmem>>) offsets(%dma_start3A_44 : memref<128xi32, #tpu.memory_space<vmem>>) semaphore(%arg7 : memref<!tpu.dma_semaphore, #tpu.memory_space<semaphore_mem>>)
    %dma_start3A_48 = arith.constant 4 : i32
    %dma_start3A_49 = arith.constant 4 : i32
    %dma_start3A_50 = arith.constant 0 : i32
    %dma_start3A_51 = arith.constant 0 : i32
    %dma_start3A_52 = tpu.memref_slice %arg6[%dma_start3A_49, %dma_start3A_50, %dma_start3A_51] : memref<80x128x8xf32, #tpu.memory_space<vmem>> -> memref<1x128x8xf32, #tpu.memory_space<vmem>>
    %dma_start3A_53 = tpu.memref_squeeze %dma_start3A_52 : memref<1x128x8xf32, #tpu.memory_space<vmem>> -> memref<128x8xf32, #tpu.memory_space<vmem>>
    %dma_start3A_54 = arith.constant 0 : i32
    %dma_start3A_55 = tpu.memref_slice %arg5[%dma_start3A_48, %dma_start3A_54] : memref<80x128xi32, #tpu.memory_space<vmem>> -> memref<1x128xi32, #tpu.memory_space<vmem>>
    %dma_start3A_56 = tpu.memref_squeeze %dma_start3A_55 : memref<1x128xi32, #tpu.memory_space<vmem>> -> memref<128xi32, #tpu.memory_space<vmem>>
    %dma_start3A_57 = arith.constant 0 : i32
    %dma_start3A_58 = arith.constant 0 : i32
    %dma_start3A_59 = tpu.memref_slice %arg2[%dma_start3A_57, %dma_start3A_58] : memref<10000x8xf32, #tpu.memory_space<hbm>> -> memref<10000x8xf32, #tpu.memory_space<hbm>>
    tpu.enqueue_indirect_dma source(%dma_start3A_59 : memref<10000x8xf32, #tpu.memory_space<hbm>>) target(%dma_start3A_53 : memref<128x8xf32, #tpu.memory_space<vmem>>) offsets(%dma_start3A_56 : memref<128xi32, #tpu.memory_space<vmem>>) semaphore(%arg7 : memref<!tpu.dma_semaphore, #tpu.memory_space<semaphore_mem>>)
    %dma_start3A_60 = arith.constant 5 : i32
    %dma_start3A_61 = arith.constant 5 : i32
    %dma_start3A_62 = arith.constant 0 : i32
    %dma_start3A_63 = arith.constant 0 : i32
    %dma_start3A_64 = tpu.memref_slice %arg6[%dma_start3A_61, %dma_start3A_62, %dma_start3A_63] : memref<80x128x8xf32, #tpu.memory_space<vmem>> -> memref<1x128x8xf32, #tpu.memory_space<vmem>>
    %dma_start3A_65 = tpu.memref_squeeze %dma_start3A_64 : memref<1x128x8xf32, #tpu.memory_space<vmem>> -> memref<128x8xf32, #tpu.memory_space<vmem>>
    %dma_start3A_66 = arith.constant 0 : i32
    %dma_start3A_67 = tpu.memref_slice %arg5[%dma_start3A_60, %dma_start3A_66] : memref<80x128xi32, #tpu.memory_space<vmem>> -> memref<1x128xi32, #tpu.memory_space<vmem>>
    %dma_start3A_68 = tpu.memref_squeeze %dma_start3A_67 : memref<1x128xi32, #tpu.memory_space<vmem>> -> memref<128xi32, #tpu.memory_space<vmem>>
    %dma_start3A_69 = arith.constant 0 : i32
    %dma_start3A_70 = arith.constant 0 : i32
    %dma_start3A_71 = tpu.memref_slice %arg2[%dma_start3A_69, %dma_start3A_70] : memref<10000x8xf32, #tpu.memory_space<hbm>> -> memref<10000x8xf32, #tpu.memory_space<hbm>>
    tpu.enqueue_indirect_dma source(%dma_start3A_71 : memref<10000x8xf32, #tpu.memory_space<hbm>>) target(%dma_start3A_65 : memref<128x8xf32, #tpu.memory_space<vmem>>) offsets(%dma_start3A_68 : memref<128xi32, #tpu.memory_space<vmem>>) semaphore(%arg7 : memref<!tpu.dma_semaphore, #tpu.memory_space<semaphore_mem>>)
    %dma_start3A_72 = arith.constant 6 : i32
    %dma_start3A_73 = arith.constant 6 : i32
    %dma_start3A_74 = arith.constant 0 : i32
    %dma_start3A_75 = arith.constant 0 : i32
    %dma_start3A_76 = tpu.memref_slice %arg6[%dma_start3A_73, %dma_start3A_74, %dma_start3A_75] : memref<80x128x8xf32, #tpu.memory_space<vmem>> -> memref<1x128x8xf32, #tpu.memory_space<vmem>>
    %dma_start3A_77 = tpu.memref_squeeze %dma_start3A_76 : memref<1x128x8xf32, #tpu.memory_space<vmem>> -> memref<128x8xf32, #tpu.memory_space<vmem>>
    %dma_start3A_78 = arith.constant 0 : i32
    %dma_start3A_79 = tpu.memref_slice %arg5[%dma_start3A_72, %dma_start3A_78] : memref<80x128xi32, #tpu.memory_space<vmem>> -> memref<1x128xi32, #tpu.memory_space<vmem>>
    %dma_start3A_80 = tpu.memref_squeeze %dma_start3A_79 : memref<1x128xi32, #tpu.memory_space<vmem>> -> memref<128xi32, #tpu.memory_space<vmem>>
    %dma_start3A_81 = arith.constant 0 : i32
    %dma_start3A_82 = arith.constant 0 : i32
    %dma_start3A_83 = tpu.memref_slice %arg2[%dma_start3A_81, %dma_start3A_82] : memref<10000x8xf32, #tpu.memory_space<hbm>> -> memref<10000x8xf32, #tpu.memory_space<hbm>>
    tpu.enqueue_indirect_dma source(%dma_start3A_83 : memref<10000x8xf32, #tpu.memory_space<hbm>>) target(%dma_start3A_77 : memref<128x8xf32, #tpu.memory_space<vmem>>) offsets(%dma_start3A_80 : memref<128xi32, #tpu.memory_space<vmem>>) semaphore(%arg7 : memref<!tpu.dma_semaphore, #tpu.memory_space<semaphore_mem>>)
    %dma_start3A_84 = arith.constant 7 : i32
    %dma_start3A_85 = arith.constant 7 : i32
    %dma_start3A_86 = arith.constant 0 : i32
    %dma_start3A_87 = arith.constant 0 : i32
    %dma_start3A_88 = tpu.memref_slice %arg6[%dma_start3A_85, %dma_start3A_86, %dma_start3A_87] : memref<80x128x8xf32, #tpu.memory_space<vmem>> -> memref<1x128x8xf32, #tpu.memory_space<vmem>>
    %dma_start3A_89 = tpu.memref_squeeze %dma_start3A_88 : memref<1x128x8xf32, #tpu.memory_space<vmem>> -> memref<128x8xf32, #tpu.memory_space<vmem>>
    %dma_start3A_90 = arith.constant 0 : i32
    %dma_start3A_91 = tpu.memref_slice %arg5[%dma_start3A_84, %dma_start3A_90] : memref<80x128xi32, #tpu.memory_space<vmem>> -> memref<1x128xi32, #tpu.memory_space<vmem>>
    %dma_start3A_92 = tpu.memref_squeeze %dma_start3A_91 : memref<1x128xi32, #tpu.memory_space<vmem>> -> memref<128xi32, #tpu.memory_space<vmem>>
    %dma_start3A_93 = arith.constant 0 : i32
    %dma_start3A_94 = arith.constant 0 : i32
    %dma_start3A_95 = tpu.memref_slice %arg2[%dma_start3A_93, %dma_start3A_94] : memref<10000x8xf32, #tpu.memory_space<hbm>> -> memref<10000x8xf32, #tpu.memory_space<hbm>>
    tpu.enqueue_indirect_dma source(%dma_start3A_95 : memref<10000x8xf32, #tpu.memory_space<hbm>>) target(%dma_start3A_89 : memref<128x8xf32, #tpu.memory_space<vmem>>) offsets(%dma_start3A_92 : memref<128xi32, #tpu.memory_space<vmem>>) semaphore(%arg7 : memref<!tpu.dma_semaphore, #tpu.memory_space<semaphore_mem>>)
    %scan3A = arith.constant 0 : i32
    %scan3A_96 = arith.constant 0 : i32
    %scan3A_97 = arith.constant 80 : i32
    %scan3A_98 = arith.addi %scan3A_96, %scan3A_97 : i32
    %scan3A_99 = arith.constant 1 : i32
    scf.for %scan3A_103 = %scan3A_96 to %scan3A_98 step %scan3A_99  : i32 {
      %add3A_104 = arith.constant 8 : i32
      %add3A_105 = arith.addi %scan3A_103, %add3A_104 : i32
      %lt3A = arith.constant 80 : i32
      %lt3A_106 = arith.cmpi slt, %add3A_105, %lt3A : i32
      %convert_element_type3A = arith.extui %lt3A_106 : i1 to i32
      %cond3A = arith.constant 0 : i32
      %cond3A_107 = arith.cmpi ne, %convert_element_type3A, %cond3A : i32
      scf.if %cond3A_107 {
        %add3A_117 = arith.constant 8 : i32
        %add3A_118 = arith.addi %scan3A_103, %add3A_117 : i32
        %dma_start3A_119 = arith.constant 0 : i32
        %dma_start3A_120 = arith.constant 0 : i32
        %dma_start3A_121 = tpu.memref_slice %arg6[%add3A_118, %dma_start3A_119, %dma_start3A_120] : memref<80x128x8xf32, #tpu.memory_space<vmem>> -> memref<1x128x8xf32, #tpu.memory_space<vmem>>
        %dma_start3A_122 = tpu.memref_squeeze %dma_start3A_121 : memref<1x128x8xf32, #tpu.memory_space<vmem>> -> memref<128x8xf32, #tpu.memory_space<vmem>>
        %dma_start3A_123 = arith.constant 0 : i32
        %dma_start3A_124 = tpu.memref_slice %arg5[%add3A_118, %dma_start3A_123] : memref<80x128xi32, #tpu.memory_space<vmem>> -> memref<1x128xi32, #tpu.memory_space<vmem>>
        %dma_start3A_125 = tpu.memref_squeeze %dma_start3A_124 : memref<1x128xi32, #tpu.memory_space<vmem>> -> memref<128xi32, #tpu.memory_space<vmem>>
        %dma_start3A_126 = arith.constant 0 : i32
        %dma_start3A_127 = arith.constant 0 : i32
        %dma_start3A_128 = tpu.memref_slice %arg2[%dma_start3A_126, %dma_start3A_127] : memref<10000x8xf32, #tpu.memory_space<hbm>> -> memref<10000x8xf32, #tpu.memory_space<hbm>>
        tpu.enqueue_indirect_dma source(%dma_start3A_128 : memref<10000x8xf32, #tpu.memory_space<hbm>>) target(%dma_start3A_122 : memref<128x8xf32, #tpu.memory_space<vmem>>) offsets(%dma_start3A_125 : memref<128xi32, #tpu.memory_space<vmem>>) semaphore(%arg7 : memref<!tpu.dma_semaphore, #tpu.memory_space<semaphore_mem>>)
      } else {
      }
      %dma_wait3A = arith.constant 0 : i32
      %dma_wait3A_108 = arith.constant 0 : i32
      %dma_wait3A_109 = tpu.memref_slice %arg6[%scan3A_103, %dma_wait3A, %dma_wait3A_108] : memref<80x128x8xf32, #tpu.memory_space<vmem>> -> memref<1x128x8xf32, #tpu.memory_space<vmem>>
      %dma_wait3A_110 = tpu.memref_squeeze %dma_wait3A_109 : memref<1x128x8xf32, #tpu.memory_space<vmem>> -> memref<128x8xf32, #tpu.memory_space<vmem>>
      %dma_wait3A_111 = arith.constant 0 : i32
      %dma_wait3A_112 = tpu.memref_slice %arg5[%scan3A_103, %dma_wait3A_111] : memref<80x128xi32, #tpu.memory_space<vmem>> -> memref<1x128xi32, #tpu.memory_space<vmem>>
      %dma_wait3A_113 = tpu.memref_squeeze %dma_wait3A_112 : memref<1x128xi32, #tpu.memory_space<vmem>> -> memref<128xi32, #tpu.memory_space<vmem>>
      %dma_wait3A_114 = arith.constant 0 : i32
      %dma_wait3A_115 = arith.constant 0 : i32
      %dma_wait3A_116 = tpu.memref_slice %arg2[%dma_wait3A_114, %dma_wait3A_115] : memref<10000x8xf32, #tpu.memory_space<hbm>> -> memref<10000x8xf32, #tpu.memory_space<hbm>>
      tpu.wait_indirect_dma semaphore(%arg7 : memref<!tpu.dma_semaphore, #tpu.memory_space<semaphore_mem>>) src(%dma_wait3A_116 : memref<10000x8xf32, #tpu.memory_space<hbm>>) dst(%dma_wait3A_110 : memref<128x8xf32, #tpu.memory_space<vmem>>)
    }
    %scan3A_100 = arith.constant 80 : i32
    %mul3A_101 = arith.constant 80 : i32
    %mul3A_102 = arith.muli %add3A, %mul3A_101 : i32
    "tpu.region"() ({
      %run_scoped3A = tpu.sem_alloc : memref<!tpu.dma_semaphore, #tpu.memory_space<semaphore_mem>>
      %dma_start3A_103 = arith.constant 0 : i32
      %dma_start3A_104 = arith.constant 0 : i32
      %dma_start3A_105 = tpu.memref_slice %arg4[%mul3A_102, %dma_start3A_103, %dma_start3A_104] : memref<2560x128x8xf32, #tpu.memory_space<hbm>> -> memref<80x128x8xf32, #tpu.memory_space<hbm>>
      %dma_start3A_106 = arith.constant 0 : i32
      %dma_start3A_107 = arith.constant 0 : i32
      %dma_start3A_108 = tpu.memref_slice %arg4[%mul3A_102, %dma_start3A_106, %dma_start3A_107] : memref<2560x128x8xf32, #tpu.memory_space<hbm>> -> memref<80x128x8xf32, #tpu.memory_space<hbm>>
      tpu.enqueue_dma source(%arg6 : memref<80x128x8xf32, #tpu.memory_space<vmem>>) target(%dma_start3A_108 : memref<80x128x8xf32, #tpu.memory_space<hbm>>) target_semaphore(%run_scoped3A : memref<!tpu.dma_semaphore, #tpu.memory_space<semaphore_mem>>)
      %dma_wait3A = arith.constant 0 : i32
      %dma_wait3A_109 = arith.constant 0 : i32
      %dma_wait3A_110 = tpu.memref_slice %arg4[%mul3A_102, %dma_wait3A, %dma_wait3A_109] : memref<2560x128x8xf32, #tpu.memory_space<hbm>> -> memref<80x128x8xf32, #tpu.memory_space<hbm>>
      %dma_wait3A_111 = arith.constant 0 : i32
      %dma_wait3A_112 = arith.constant 0 : i32
      %dma_wait3A_113 = tpu.memref_slice %arg4[%mul3A_102, %dma_wait3A_111, %dma_wait3A_112] : memref<2560x128x8xf32, #tpu.memory_space<hbm>> -> memref<80x128x8xf32, #tpu.memory_space<hbm>>
      tpu.wait_dma2 semaphore(%run_scoped3A : memref<!tpu.dma_semaphore, #tpu.memory_space<semaphore_mem>>) src(%arg6 : memref<80x128x8xf32, #tpu.memory_space<vmem>>) dst(%dma_wait3A_113 : memref<80x128x8xf32, #tpu.memory_space<hbm>>)
      tpu.yield
    }) : () -> ()
    return
  }
}

#map = affine_map<(d0, d1) -> (0, 0)>
#map1 = affine_map<(d0, d1) -> (0, 0, 0)>
module attributes {stable_mosaic.version = 14 : i64} {
  func.func @gather(%arg0: i32, %arg1: i32, %arg2: memref<10000x8xf32, #tpu.memory_space<hbm>>, %arg3: memref<32x80x128xi32, #tpu.memory_space<hbm>>, %arg4: memref<2560x128x8xf32, #tpu.memory_space<hbm>>, %arg5: memref<80x128xi32, #tpu.memory_space<vmem>>, %arg6: memref<80x128x8xf32, #tpu.memory_space<vmem>>, %arg7: memref<!tpu.dma_semaphore, #tpu.memory_space<semaphore_mem>>) attributes {dimension_semantics = [#tpu.dimension_semantics<core_parallel>, #tpu.dimension_semantics<subcore_parallel>], iteration_bounds = array<i64: 2, 16>, scalar_prefetch = 0 : i64, scratch_operands = 3 : i64, tpu.core_type = #tpu.core_type<sc_vector_subcore>, window_params = [{transform_indices = #map}, {transform_indices = #map1}, {transform_indices = #map1}]} {
    %mul3A = arith.constant 2 : i32
    %mul3A_0 = arith.muli %arg1, %mul3A : i32
    %add3A = arith.addi %mul3A_0, %arg0 : i32
    "tpu.region"() ({
      %run_scoped3A = tpu.sem_alloc : memref<!tpu.dma_semaphore, #tpu.memory_space<semaphore_mem>>
      %dma_start3A_103 = arith.constant 0 : i32
      %dma_start3A_104 = arith.constant 0 : i32
      %dma_start3A_105 = tpu.memref_slice %arg3[%add3A, %dma_start3A_103, %dma_start3A_104] : memref<32x80x128xi32, #tpu.memory_space<hbm>> -> memref<1x80x128xi32, #tpu.memory_space<hbm>>
      %dma_start3A_106 = tpu.memref_squeeze %dma_start3A_105 : memref<1x80x128xi32, #tpu.memory_space<hbm>> -> memref<80x128xi32, #tpu.memory_space<hbm>>
      %dma_start3A_107 = arith.constant 0 : i32
      %dma_start3A_108 = arith.constant 0 : i32
      %dma_start3A_109 = tpu.memref_slice %arg3[%add3A, %dma_start3A_107, %dma_start3A_108] : memref<32x80x128xi32, #tpu.memory_space<hbm>> -> memref<1x80x128xi32, #tpu.memory_space<hbm>>
      %dma_start3A_110 = tpu.memref_squeeze %dma_start3A_109 : memref<1x80x128xi32, #tpu.memory_space<hbm>> -> memref<80x128xi32, #tpu.memory_space<hbm>>
      tpu.enqueue_dma source(%dma_start3A_110 : memref<80x128xi32, #tpu.memory_space<hbm>>) target(%arg5 : memref<80x128xi32, #tpu.memory_space<vmem>>) target_semaphore(%run_scoped3A : memref<!tpu.dma_semaphore, #tpu.memory_space<semaphore_mem>>)
      %dma_wait3A = arith.constant 0 : i32
      %dma_wait3A_111 = arith.constant 0 : i32
      %dma_wait3A_112 = tpu.memref_slice %arg3[%add3A, %dma_wait3A, %dma_wait3A_111] : memref<32x80x128xi32, #tpu.memory_space<hbm>> -> memref<1x80x128xi32, #tpu.memory_space<hbm>>
      %dma_wait3A_113 = tpu.memref_squeeze %dma_wait3A_112 : memref<1x80x128xi32, #tpu.memory_space<hbm>> -> memref<80x128xi32, #tpu.memory_space<hbm>>
      %dma_wait3A_114 = arith.constant 0 : i32
      %dma_wait3A_115 = arith.constant 0 : i32
      %dma_wait3A_116 = tpu.memref_slice %arg3[%add3A, %dma_wait3A_114, %dma_wait3A_115] : memref<32x80x128xi32, #tpu.memory_space<hbm>> -> memref<1x80x128xi32, #tpu.memory_space<hbm>>
      %dma_wait3A_117 = tpu.memref_squeeze %dma_wait3A_116 : memref<1x80x128xi32, #tpu.memory_space<hbm>> -> memref<80x128xi32, #tpu.memory_space<hbm>>
      tpu.wait_dma2 semaphore(%run_scoped3A : memref<!tpu.dma_semaphore, #tpu.memory_space<semaphore_mem>>) src(%dma_wait3A_117 : memref<80x128xi32, #tpu.memory_space<hbm>>) dst(%arg5 : memref<80x128xi32, #tpu.memory_space<vmem>>)
      tpu.yield
    }) : () -> ()
    %dma_start3A = arith.constant 0 : i32
    %dma_start3A_1 = arith.constant 0 : i32
    %dma_start3A_2 = arith.constant 0 : i32
    %dma_start3A_3 = arith.constant 0 : i32
    %dma_start3A_4 = tpu.memref_slice %arg6[%dma_start3A_1, %dma_start3A_2, %dma_start3A_3] : memref<80x128x8xf32, #tpu.memory_space<vmem>> -> memref<1x128x8xf32, #tpu.memory_space<vmem>>
    %dma_start3A_5 = tpu.memref_squeeze %dma_start3A_4 : memref<1x128x8xf32, #tpu.memory_space<vmem>> -> memref<128x8xf32, #tpu.memory_space<vmem>>
    %dma_start3A_6 = arith.constant 0 : i32
    %dma_start3A_7 = tpu.memref_slice %arg5[%dma_start3A, %dma_start3A_6] : memref<80x128xi32, #tpu.memory_space<vmem>> -> memref<1x128xi32, #tpu.memory_space<vmem>>
    %dma_start3A_8 = tpu.memref_squeeze %dma_start3A_7 : memref<1x128xi32, #tpu.memory_space<vmem>> -> memref<128xi32, #tpu.memory_space<vmem>>
    %dma_start3A_9 = arith.constant 0 : i32
    %dma_start3A_10 = arith.constant 0 : i32
    %dma_start3A_11 = tpu.memref_slice %arg2[%dma_start3A_9, %dma_start3A_10] : memref<10000x8xf32, #tpu.memory_space<hbm>> -> memref<10000x8xf32, #tpu.memory_space<hbm>>
    tpu.enqueue_indirect_dma source(%dma_start3A_11 : memref<10000x8xf32, #tpu.memory_space<hbm>>) target(%dma_start3A_5 : memref<128x8xf32, #tpu.memory_space<vmem>>) offsets(%dma_start3A_8 : memref<128xi32, #tpu.memory_space<vmem>>) semaphore(%arg7 : memref<!tpu.dma_semaphore, #tpu.memory_space<semaphore_mem>>)
    %dma_start3A_12 = arith.constant 1 : i32
    %dma_start3A_13 = arith.constant 1 : i32
    %dma_start3A_14 = arith.constant 0 : i32
    %dma_start3A_15 = arith.constant 0 : i32
    %dma_start3A_16 = tpu.memref_slice %arg6[%dma_start3A_13, %dma_start3A_14, %dma_start3A_15] : memref<80x128x8xf32, #tpu.memory_space<vmem>> -> memref<1x128x8xf32, #tpu.memory_space<vmem>>
    %dma_start3A_17 = tpu.memref_squeeze %dma_start3A_16 : memref<1x128x8xf32, #tpu.memory_space<vmem>> -> memref<128x8xf32, #tpu.memory_space<vmem>>
    %dma_start3A_18 = arith.constant 0 : i32
    %dma_start3A_19 = tpu.memref_slice %arg5[%dma_start3A_12, %dma_start3A_18] : memref<80x128xi32, #tpu.memory_space<vmem>> -> memref<1x128xi32, #tpu.memory_space<vmem>>
    %dma_start3A_20 = tpu.memref_squeeze %dma_start3A_19 : memref<1x128xi32, #tpu.memory_space<vmem>> -> memref<128xi32, #tpu.memory_space<vmem>>
    %dma_start3A_21 = arith.constant 0 : i32
    %dma_start3A_22 = arith.constant 0 : i32
    %dma_start3A_23 = tpu.memref_slice %arg2[%dma_start3A_21, %dma_start3A_22] : memref<10000x8xf32, #tpu.memory_space<hbm>> -> memref<10000x8xf32, #tpu.memory_space<hbm>>
    tpu.enqueue_indirect_dma source(%dma_start3A_23 : memref<10000x8xf32, #tpu.memory_space<hbm>>) target(%dma_start3A_17 : memref<128x8xf32, #tpu.memory_space<vmem>>) offsets(%dma_start3A_20 : memref<128xi32, #tpu.memory_space<vmem>>) semaphore(%arg7 : memref<!tpu.dma_semaphore, #tpu.memory_space<semaphore_mem>>)
    %dma_start3A_24 = arith.constant 2 : i32
    %dma_start3A_25 = arith.constant 2 : i32
    %dma_start3A_26 = arith.constant 0 : i32
    %dma_start3A_27 = arith.constant 0 : i32
    %dma_start3A_28 = tpu.memref_slice %arg6[%dma_start3A_25, %dma_start3A_26, %dma_start3A_27] : memref<80x128x8xf32, #tpu.memory_space<vmem>> -> memref<1x128x8xf32, #tpu.memory_space<vmem>>
    %dma_start3A_29 = tpu.memref_squeeze %dma_start3A_28 : memref<1x128x8xf32, #tpu.memory_space<vmem>> -> memref<128x8xf32, #tpu.memory_space<vmem>>
    %dma_start3A_30 = arith.constant 0 : i32
    %dma_start3A_31 = tpu.memref_slice %arg5[%dma_start3A_24, %dma_start3A_30] : memref<80x128xi32, #tpu.memory_space<vmem>> -> memref<1x128xi32, #tpu.memory_space<vmem>>
    %dma_start3A_32 = tpu.memref_squeeze %dma_start3A_31 : memref<1x128xi32, #tpu.memory_space<vmem>> -> memref<128xi32, #tpu.memory_space<vmem>>
    %dma_start3A_33 = arith.constant 0 : i32
    %dma_start3A_34 = arith.constant 0 : i32
    %dma_start3A_35 = tpu.memref_slice %arg2[%dma_start3A_33, %dma_start3A_34] : memref<10000x8xf32, #tpu.memory_space<hbm>> -> memref<10000x8xf32, #tpu.memory_space<hbm>>
    tpu.enqueue_indirect_dma source(%dma_start3A_35 : memref<10000x8xf32, #tpu.memory_space<hbm>>) target(%dma_start3A_29 : memref<128x8xf32, #tpu.memory_space<vmem>>) offsets(%dma_start3A_32 : memref<128xi32, #tpu.memory_space<vmem>>) semaphore(%arg7 : memref<!tpu.dma_semaphore, #tpu.memory_space<semaphore_mem>>)
    %dma_start3A_36 = arith.constant 3 : i32
    %dma_start3A_37 = arith.constant 3 : i32
    %dma_start3A_38 = arith.constant 0 : i32
    %dma_start3A_39 = arith.constant 0 : i32
    %dma_start3A_40 = tpu.memref_slice %arg6[%dma_start3A_37, %dma_start3A_38, %dma_start3A_39] : memref<80x128x8xf32, #tpu.memory_space<vmem>> -> memref<1x128x8xf32, #tpu.memory_space<vmem>>
    %dma_start3A_41 = tpu.memref_squeeze %dma_start3A_40 : memref<1x128x8xf32, #tpu.memory_space<vmem>> -> memref<128x8xf32, #tpu.memory_space<vmem>>
    %dma_start3A_42 = arith.constant 0 : i32
    %dma_start3A_43 = tpu.memref_slice %arg5[%dma_start3A_36, %dma_start3A_42] : memref<80x128xi32, #tpu.memory_space<vmem>> -> memref<1x128xi32, #tpu.memory_space<vmem>>
    %dma_start3A_44 = tpu.memref_squeeze %dma_start3A_43 : memref<1x128xi32, #tpu.memory_space<vmem>> -> memref<128xi32, #tpu.memory_space<vmem>>
    %dma_start3A_45 = arith.constant 0 : i32
    %dma_start3A_46 = arith.constant 0 : i32
    %dma_start3A_47 = tpu.memref_slice %arg2[%dma_start3A_45, %dma_start3A_46] : memref<10000x8xf32, #tpu.memory_space<hbm>> -> memref<10000x8xf32, #tpu.memory_space<hbm>>
    tpu.enqueue_indirect_dma source(%dma_start3A_47 : memref<10000x8xf32, #tpu.memory_space<hbm>>) target(%dma_start3A_41 : memref<128x8xf32, #tpu.memory_space<vmem>>) offsets(%dma_start3A_44 : memref<128xi32, #tpu.memory_space<vmem>>) semaphore(%arg7 : memref<!tpu.dma_semaphore, #tpu.memory_space<semaphore_mem>>)
    %dma_start3A_48 = arith.constant 4 : i32
    %dma_start3A_49 = arith.constant 4 : i32
    %dma_start3A_50 = arith.constant 0 : i32
    %dma_start3A_51 = arith.constant 0 : i32
    %dma_start3A_52 = tpu.memref_slice %arg6[%dma_start3A_49, %dma_start3A_50, %dma_start3A_51] : memref<80x128x8xf32, #tpu.memory_space<vmem>> -> memref<1x128x8xf32, #tpu.memory_space<vmem>>
    %dma_start3A_53 = tpu.memref_squeeze %dma_start3A_52 : memref<1x128x8xf32, #tpu.memory_space<vmem>> -> memref<128x8xf32, #tpu.memory_space<vmem>>
    %dma_start3A_54 = arith.constant 0 : i32
    %dma_start3A_55 = tpu.memref_slice %arg5[%dma_start3A_48, %dma_start3A_54] : memref<80x128xi32, #tpu.memory_space<vmem>> -> memref<1x128xi32, #tpu.memory_space<vmem>>
    %dma_start3A_56 = tpu.memref_squeeze %dma_start3A_55 : memref<1x128xi32, #tpu.memory_space<vmem>> -> memref<128xi32, #tpu.memory_space<vmem>>
    %dma_start3A_57 = arith.constant 0 : i32
    %dma_start3A_58 = arith.constant 0 : i32
    %dma_start3A_59 = tpu.memref_slice %arg2[%dma_start3A_57, %dma_start3A_58] : memref<10000x8xf32, #tpu.memory_space<hbm>> -> memref<10000x8xf32, #tpu.memory_space<hbm>>
    tpu.enqueue_indirect_dma source(%dma_start3A_59 : memref<10000x8xf32, #tpu.memory_space<hbm>>) target(%dma_start3A_53 : memref<128x8xf32, #tpu.memory_space<vmem>>) offsets(%dma_start3A_56 : memref<128xi32, #tpu.memory_space<vmem>>) semaphore(%arg7 : memref<!tpu.dma_semaphore, #tpu.memory_space<semaphore_mem>>)
    %dma_start3A_60 = arith.constant 5 : i32
    %dma_start3A_61 = arith.constant 5 : i32
    %dma_start3A_62 = arith.constant 0 : i32
    %dma_start3A_63 = arith.constant 0 : i32
    %dma_start3A_64 = tpu.memref_slice %arg6[%dma_start3A_61, %dma_start3A_62, %dma_start3A_63] : memref<80x128x8xf32, #tpu.memory_space<vmem>> -> memref<1x128x8xf32, #tpu.memory_space<vmem>>
    %dma_start3A_65 = tpu.memref_squeeze %dma_start3A_64 : memref<1x128x8xf32, #tpu.memory_space<vmem>> -> memref<128x8xf32, #tpu.memory_space<vmem>>
    %dma_start3A_66 = arith.constant 0 : i32
    %dma_start3A_67 = tpu.memref_slice %arg5[%dma_start3A_60, %dma_start3A_66] : memref<80x128xi32, #tpu.memory_space<vmem>> -> memref<1x128xi32, #tpu.memory_space<vmem>>
    %dma_start3A_68 = tpu.memref_squeeze %dma_start3A_67 : memref<1x128xi32, #tpu.memory_space<vmem>> -> memref<128xi32, #tpu.memory_space<vmem>>
    %dma_start3A_69 = arith.constant 0 : i32
    %dma_start3A_70 = arith.constant 0 : i32
    %dma_start3A_71 = tpu.memref_slice %arg2[%dma_start3A_69, %dma_start3A_70] : memref<10000x8xf32, #tpu.memory_space<hbm>> -> memref<10000x8xf32, #tpu.memory_space<hbm>>
    tpu.enqueue_indirect_dma source(%dma_start3A_71 : memref<10000x8xf32, #tpu.memory_space<hbm>>) target(%dma_start3A_65 : memref<128x8xf32, #tpu.memory_space<vmem>>) offsets(%dma_start3A_68 : memref<128xi32, #tpu.memory_space<vmem>>) semaphore(%arg7 : memref<!tpu.dma_semaphore, #tpu.memory_space<semaphore_mem>>)
    %dma_start3A_72 = arith.constant 6 : i32
    %dma_start3A_73 = arith.constant 6 : i32
    %dma_start3A_74 = arith.constant 0 : i32
    %dma_start3A_75 = arith.constant 0 : i32
    %dma_start3A_76 = tpu.memref_slice %arg6[%dma_start3A_73, %dma_start3A_74, %dma_start3A_75] : memref<80x128x8xf32, #tpu.memory_space<vmem>> -> memref<1x128x8xf32, #tpu.memory_space<vmem>>
    %dma_start3A_77 = tpu.memref_squeeze %dma_start3A_76 : memref<1x128x8xf32, #tpu.memory_space<vmem>> -> memref<128x8xf32, #tpu.memory_space<vmem>>
    %dma_start3A_78 = arith.constant 0 : i32
    %dma_start3A_79 = tpu.memref_slice %arg5[%dma_start3A_72, %dma_start3A_78] : memref<80x128xi32, #tpu.memory_space<vmem>> -> memref<1x128xi32, #tpu.memory_space<vmem>>
    %dma_start3A_80 = tpu.memref_squeeze %dma_start3A_79 : memref<1x128xi32, #tpu.memory_space<vmem>> -> memref<128xi32, #tpu.memory_space<vmem>>
    %dma_start3A_81 = arith.constant 0 : i32
    %dma_start3A_82 = arith.constant 0 : i32
    %dma_start3A_83 = tpu.memref_slice %arg2[%dma_start3A_81, %dma_start3A_82] : memref<10000x8xf32, #tpu.memory_space<hbm>> -> memref<10000x8xf32, #tpu.memory_space<hbm>>
    tpu.enqueue_indirect_dma source(%dma_start3A_83 : memref<10000x8xf32, #tpu.memory_space<hbm>>) target(%dma_start3A_77 : memref<128x8xf32, #tpu.memory_space<vmem>>) offsets(%dma_start3A_80 : memref<128xi32, #tpu.memory_space<vmem>>) semaphore(%arg7 : memref<!tpu.dma_semaphore, #tpu.memory_space<semaphore_mem>>)
    %dma_start3A_84 = arith.constant 7 : i32
    %dma_start3A_85 = arith.constant 7 : i32
    %dma_start3A_86 = arith.constant 0 : i32
    %dma_start3A_87 = arith.constant 0 : i32
    %dma_start3A_88 = tpu.memref_slice %arg6[%dma_start3A_85, %dma_start3A_86, %dma_start3A_87] : memref<80x128x8xf32, #tpu.memory_space<vmem>> -> memref<1x128x8xf32, #tpu.memory_space<vmem>>
    %dma_start3A_89 = tpu.memref_squeeze %dma_start3A_88 : memref<1x128x8xf32, #tpu.memory_space<vmem>> -> memref<128x8xf32, #tpu.memory_space<vmem>>
    %dma_start3A_90 = arith.constant 0 : i32
    %dma_start3A_91 = tpu.memref_slice %arg5[%dma_start3A_84, %dma_start3A_90] : memref<80x128xi32, #tpu.memory_space<vmem>> -> memref<1x128xi32, #tpu.memory_space<vmem>>
    %dma_start3A_92 = tpu.memref_squeeze %dma_start3A_91 : memref<1x128xi32, #tpu.memory_space<vmem>> -> memref<128xi32, #tpu.memory_space<vmem>>
    %dma_start3A_93 = arith.constant 0 : i32
    %dma_start3A_94 = arith.constant 0 : i32
    %dma_start3A_95 = tpu.memref_slice %arg2[%dma_start3A_93, %dma_start3A_94] : memref<10000x8xf32, #tpu.memory_space<hbm>> -> memref<10000x8xf32, #tpu.memory_space<hbm>>
    tpu.enqueue_indirect_dma source(%dma_start3A_95 : memref<10000x8xf32, #tpu.memory_space<hbm>>) target(%dma_start3A_89 : memref<128x8xf32, #tpu.memory_space<vmem>>) offsets(%dma_start3A_92 : memref<128xi32, #tpu.memory_space<vmem>>) semaphore(%arg7 : memref<!tpu.dma_semaphore, #tpu.memory_space<semaphore_mem>>)
    %scan3A = arith.constant 0 : i32
    %scan3A_96 = arith.constant 0 : i32
    %scan3A_97 = arith.constant 80 : i32
    %scan3A_98 = arith.addi %scan3A_96, %scan3A_97 : i32
    %scan3A_99 = arith.constant 1 : i32
    scf.for %scan3A_103 = %scan3A_96 to %scan3A_98 step %scan3A_99  : i32 {
      %add3A_104 = arith.constant 8 : i32
      %add3A_105 = arith.addi %scan3A_103, %add3A_104 : i32
      %lt3A = arith.constant 80 : i32
      %lt3A_106 = arith.cmpi slt, %add3A_105, %lt3A : i32
      %convert_element_type3A = arith.extui %lt3A_106 : i1 to i32
      %cond3A = arith.constant 0 : i32
      %cond3A_107 = arith.cmpi ne, %convert_element_type3A, %cond3A : i32
      scf.if %cond3A_107 {
        %add3A_117 = arith.constant 8 : i32
        %add3A_118 = arith.addi %scan3A_103, %add3A_117 : i32
        %dma_start3A_119 = arith.constant 0 : i32
        %dma_start3A_120 = arith.constant 0 : i32
        %dma_start3A_121 = tpu.memref_slice %arg6[%add3A_118, %dma_start3A_119, %dma_start3A_120] : memref<80x128x8xf32, #tpu.memory_space<vmem>> -> memref<1x128x8xf32, #tpu.memory_space<vmem>>
        %dma_start3A_122 = tpu.memref_squeeze %dma_start3A_121 : memref<1x128x8xf32, #tpu.memory_space<vmem>> -> memref<128x8xf32, #tpu.memory_space<vmem>>
        %dma_start3A_123 = arith.constant 0 : i32
        %dma_start3A_124 = tpu.memref_slice %arg5[%add3A_118, %dma_start3A_123] : memref<80x128xi32, #tpu.memory_space<vmem>> -> memref<1x128xi32, #tpu.memory_space<vmem>>
        %dma_start3A_125 = tpu.memref_squeeze %dma_start3A_124 : memref<1x128xi32, #tpu.memory_space<vmem>> -> memref<128xi32, #tpu.memory_space<vmem>>
        %dma_start3A_126 = arith.constant 0 : i32
        %dma_start3A_127 = arith.constant 0 : i32
        %dma_start3A_128 = tpu.memref_slice %arg2[%dma_start3A_126, %dma_start3A_127] : memref<10000x8xf32, #tpu.memory_space<hbm>> -> memref<10000x8xf32, #tpu.memory_space<hbm>>
        tpu.enqueue_indirect_dma source(%dma_start3A_128 : memref<10000x8xf32, #tpu.memory_space<hbm>>) target(%dma_start3A_122 : memref<128x8xf32, #tpu.memory_space<vmem>>) offsets(%dma_start3A_125 : memref<128xi32, #tpu.memory_space<vmem>>) semaphore(%arg7 : memref<!tpu.dma_semaphore, #tpu.memory_space<semaphore_mem>>)
      } else {
      }
      %dma_wait3A = arith.constant 0 : i32
      %dma_wait3A_108 = arith.constant 0 : i32
      %dma_wait3A_109 = tpu.memref_slice %arg6[%scan3A_103, %dma_wait3A, %dma_wait3A_108] : memref<80x128x8xf32, #tpu.memory_space<vmem>> -> memref<1x128x8xf32, #tpu.memory_space<vmem>>
      %dma_wait3A_110 = tpu.memref_squeeze %dma_wait3A_109 : memref<1x128x8xf32, #tpu.memory_space<vmem>> -> memref<128x8xf32, #tpu.memory_space<vmem>>
      %dma_wait3A_111 = arith.constant 0 : i32
      %dma_wait3A_112 = tpu.memref_slice %arg5[%scan3A_103, %dma_wait3A_111] : memref<80x128xi32, #tpu.memory_space<vmem>> -> memref<1x128xi32, #tpu.memory_space<vmem>>
      %dma_wait3A_113 = tpu.memref_squeeze %dma_wait3A_112 : memref<1x128xi32, #tpu.memory_space<vmem>> -> memref<128xi32, #tpu.memory_space<vmem>>
      %dma_wait3A_114 = arith.constant 0 : i32
      %dma_wait3A_115 = arith.constant 0 : i32
      %dma_wait3A_116 = tpu.memref_slice %arg2[%dma_wait3A_114, %dma_wait3A_115] : memref<10000x8xf32, #tpu.memory_space<hbm>> -> memref<10000x8xf32, #tpu.memory_space<hbm>>
      tpu.wait_indirect_dma semaphore(%arg7 : memref<!tpu.dma_semaphore, #tpu.memory_space<semaphore_mem>>) src(%dma_wait3A_116 : memref<10000x8xf32, #tpu.memory_space<hbm>>) dst(%dma_wait3A_110 : memref<128x8xf32, #tpu.memory_space<vmem>>)
    }
    %scan3A_100 = arith.constant 80 : i32
    %mul3A_101 = arith.constant 80 : i32
    %mul3A_102 = arith.muli %add3A, %mul3A_101 : i32
    "tpu.region"() ({
      %run_scoped3A = tpu.sem_alloc : memref<!tpu.dma_semaphore, #tpu.memory_space<semaphore_mem>>
      %dma_start3A_103 = arith.constant 0 : i32
      %dma_start3A_104 = arith.constant 0 : i32
      %dma_start3A_105 = tpu.memref_slice %arg4[%mul3A_102, %dma_start3A_103, %dma_start3A_104] : memref<2560x128x8xf32, #tpu.memory_space<hbm>> -> memref<80x128x8xf32, #tpu.memory_space<hbm>>
      %dma_start3A_106 = arith.constant 0 : i32
      %dma_start3A_107 = arith.constant 0 : i32
      %dma_start3A_108 = tpu.memref_slice %arg4[%mul3A_102, %dma_start3A_106, %dma_start3A_107] : memref<2560x128x8xf32, #tpu.memory_space<hbm>> -> memref<80x128x8xf32, #tpu.memory_space<hbm>>
      tpu.enqueue_dma source(%arg6 : memref<80x128x8xf32, #tpu.memory_space<vmem>>) target(%dma_start3A_108 : memref<80x128x8xf32, #tpu.memory_space<hbm>>) target_semaphore(%run_scoped3A : memref<!tpu.dma_semaphore, #tpu.memory_space<semaphore_mem>>)
      %dma_wait3A = arith.constant 0 : i32
      %dma_wait3A_109 = arith.constant 0 : i32
      %dma_wait3A_110 = tpu.memref_slice %arg4[%mul3A_102, %dma_wait3A, %dma_wait3A_109] : memref<2560x128x8xf32, #tpu.memory_space<hbm>> -> memref<80x128x8xf32, #tpu.memory_space<hbm>>
      %dma_wait3A_111 = arith.constant 0 : i32
      %dma_wait3A_112 = arith.constant 0 : i32
      %dma_wait3A_113 = tpu.memref_slice %arg4[%mul3A_102, %dma_wait3A_111, %dma_wait3A_112] : memref<2560x128x8xf32, #tpu.memory_space<hbm>> -> memref<80x128x8xf32, #tpu.memory_space<hbm>>
      tpu.wait_dma2 semaphore(%run_scoped3A : memref<!tpu.dma_semaphore, #tpu.memory_space<semaphore_mem>>) src(%arg6 : memref<80x128x8xf32, #tpu.memory_space<vmem>>) dst(%dma_wait3A_113 : memref<80x128x8xf32, #tpu.memory_space<hbm>>)
      tpu.yield
    }) : () -> ()
    return
  }
}

#map = affine_map<(d0, d1) -> (0, 0, 0)>
#map1 = affine_map<(d0, d1) -> (0, 0)>
module attributes {stable_mosaic.version = 14 : i64} {
  func.func @body(%arg0: i32, %arg1: i32, %arg2: memref<2560x128x8xf32, #tpu.memory_space<hbm>>, %arg3: memref<32x80x128xi32, #tpu.memory_space<hbm>>, %arg4: memref<10016x8xf32, #tpu.memory_space<hbm>>, %arg5: memref<128x8xf32, #tpu.memory_space<hbm>>, %arg6: memref<2x10000x8xf32, #tpu.memory_space<hbm>>, %arg7: memref<2x10000x8xf32, #tpu.memory_space<hbm>>, %arg8: memref<80x128xi32, #tpu.memory_space<vmem>>, %arg9: memref<80x128x8xf32, #tpu.memory_space<vmem>>, %arg10: memref<10016x8xf32, #tpu.memory_space<vmem_shared>>, %arg11: memref<128x8xf32, #tpu.memory_space<vmem>>, %arg12: memref<10016x8xf32, #tpu.memory_space<vmem_shared>>, %arg13: memref<!tpu.dma_semaphore, #tpu.memory_space<semaphore_mem>>, %arg14: memref<!tpu.dma_semaphore, #tpu.memory_space<semaphore_mem>>) attributes {dimension_semantics = [#tpu.dimension_semantics<core_parallel>, #tpu.dimension_semantics<subcore_parallel>], iteration_bounds = array<i64: 2, 16>, scalar_prefetch = 0 : i64, scratch_operands = 7 : i64, tpu.core_type = #tpu.core_type<sc_vector_subcore>, window_params = [{transform_indices = #map}, {transform_indices = #map}, {transform_indices = #map1}, {transform_indices = #map1}, {transform_indices = #map}, {transform_indices = #map}]} {
    %mul3A = arith.constant 2 : i32
    %mul3A_0 = arith.muli %arg1, %mul3A : i32
    %add3A = arith.addi %mul3A_0, %arg0 : i32
    "tpu.region"() ({
      %run_scoped3A = tpu.sem_alloc : memref<!tpu.dma_semaphore, #tpu.memory_space<semaphore_mem>>
      %dma_start3A_176 = arith.constant 0 : i32
      %dma_start3A_177 = arith.constant 0 : i32
      %dma_start3A_178 = tpu.memref_slice %arg3[%add3A, %dma_start3A_176, %dma_start3A_177] : memref<32x80x128xi32, #tpu.memory_space<hbm>> -> memref<1x80x128xi32, #tpu.memory_space<hbm>>
      %dma_start3A_179 = tpu.memref_squeeze %dma_start3A_178 : memref<1x80x128xi32, #tpu.memory_space<hbm>> -> memref<80x128xi32, #tpu.memory_space<hbm>>
      %dma_start3A_180 = arith.constant 0 : i32
      %dma_start3A_181 = arith.constant 0 : i32
      %dma_start3A_182 = tpu.memref_slice %arg3[%add3A, %dma_start3A_180, %dma_start3A_181] : memref<32x80x128xi32, #tpu.memory_space<hbm>> -> memref<1x80x128xi32, #tpu.memory_space<hbm>>
      %dma_start3A_183 = tpu.memref_squeeze %dma_start3A_182 : memref<1x80x128xi32, #tpu.memory_space<hbm>> -> memref<80x128xi32, #tpu.memory_space<hbm>>
      tpu.enqueue_dma source(%dma_start3A_183 : memref<80x128xi32, #tpu.memory_space<hbm>>) target(%arg8 : memref<80x128xi32, #tpu.memory_space<vmem>>) target_semaphore(%run_scoped3A : memref<!tpu.dma_semaphore, #tpu.memory_space<semaphore_mem>>)
      %dma_wait3A = arith.constant 0 : i32
      %dma_wait3A_184 = arith.constant 0 : i32
      %dma_wait3A_185 = tpu.memref_slice %arg3[%add3A, %dma_wait3A, %dma_wait3A_184] : memref<32x80x128xi32, #tpu.memory_space<hbm>> -> memref<1x80x128xi32, #tpu.memory_space<hbm>>
      %dma_wait3A_186 = tpu.memref_squeeze %dma_wait3A_185 : memref<1x80x128xi32, #tpu.memory_space<hbm>> -> memref<80x128xi32, #tpu.memory_space<hbm>>
      %dma_wait3A_187 = arith.constant 0 : i32
      %dma_wait3A_188 = arith.constant 0 : i32
      %dma_wait3A_189 = tpu.memref_slice %arg3[%add3A, %dma_wait3A_187, %dma_wait3A_188] : memref<32x80x128xi32, #tpu.memory_space<hbm>> -> memref<1x80x128xi32, #tpu.memory_space<hbm>>
      %dma_wait3A_190 = tpu.memref_squeeze %dma_wait3A_189 : memref<1x80x128xi32, #tpu.memory_space<hbm>> -> memref<80x128xi32, #tpu.memory_space<hbm>>
      tpu.wait_dma2 semaphore(%run_scoped3A : memref<!tpu.dma_semaphore, #tpu.memory_space<semaphore_mem>>) src(%dma_wait3A_190 : memref<80x128xi32, #tpu.memory_space<hbm>>) dst(%arg8 : memref<80x128xi32, #tpu.memory_space<vmem>>)
      tpu.yield
    }) : () -> ()
    %mul3A_1 = arith.constant 80 : i32
    %mul3A_2 = arith.muli %add3A, %mul3A_1 : i32
    "tpu.region"() ({
      %run_scoped3A = tpu.sem_alloc : memref<!tpu.dma_semaphore, #tpu.memory_space<semaphore_mem>>
      %dma_start3A_176 = arith.constant 0 : i32
      %dma_start3A_177 = arith.constant 0 : i32
      %dma_start3A_178 = tpu.memref_slice %arg2[%mul3A_2, %dma_start3A_176, %dma_start3A_177] : memref<2560x128x8xf32, #tpu.memory_space<hbm>> -> memref<80x128x8xf32, #tpu.memory_space<hbm>>
      %dma_start3A_179 = arith.constant 0 : i32
      %dma_start3A_180 = arith.constant 0 : i32
      %dma_start3A_181 = tpu.memref_slice %arg2[%mul3A_2, %dma_start3A_179, %dma_start3A_180] : memref<2560x128x8xf32, #tpu.memory_space<hbm>> -> memref<80x128x8xf32, #tpu.memory_space<hbm>>
      tpu.enqueue_dma source(%dma_start3A_181 : memref<80x128x8xf32, #tpu.memory_space<hbm>>) target(%arg9 : memref<80x128x8xf32, #tpu.memory_space<vmem>>) target_semaphore(%run_scoped3A : memref<!tpu.dma_semaphore, #tpu.memory_space<semaphore_mem>>)
      %dma_wait3A = arith.constant 0 : i32
      %dma_wait3A_182 = arith.constant 0 : i32
      %dma_wait3A_183 = tpu.memref_slice %arg2[%mul3A_2, %dma_wait3A, %dma_wait3A_182] : memref<2560x128x8xf32, #tpu.memory_space<hbm>> -> memref<80x128x8xf32, #tpu.memory_space<hbm>>
      %dma_wait3A_184 = arith.constant 0 : i32
      %dma_wait3A_185 = arith.constant 0 : i32
      %dma_wait3A_186 = tpu.memref_slice %arg2[%mul3A_2, %dma_wait3A_184, %dma_wait3A_185] : memref<2560x128x8xf32, #tpu.memory_space<hbm>> -> memref<80x128x8xf32, #tpu.memory_space<hbm>>
      tpu.wait_dma2 semaphore(%run_scoped3A : memref<!tpu.dma_semaphore, #tpu.memory_space<semaphore_mem>>) src(%dma_wait3A_186 : memref<80x128x8xf32, #tpu.memory_space<hbm>>) dst(%arg9 : memref<80x128x8xf32, #tpu.memory_space<vmem>>)
      tpu.yield
    }) : () -> ()
    %mul3A_3 = arith.constant 626 : i32
    %mul3A_4 = arith.muli %arg1, %mul3A_3 : i32
    %mul3A_5 = arith.constant 626 : i32
    %mul3A_6 = arith.muli %arg1, %mul3A_5 : i32
    "tpu.region"() ({
      %run_scoped3A = tpu.sem_alloc : memref<!tpu.dma_semaphore, #tpu.memory_space<semaphore_mem>>
      %dma_start3A_176 = arith.constant 0 : i32
      %dma_start3A_177 = tpu.memref_slice %arg10[%mul3A_6, %dma_start3A_176] : memref<10016x8xf32, #tpu.memory_space<vmem_shared>> -> memref<626x8xf32, #tpu.memory_space<vmem_shared>>
      %dma_start3A_178 = arith.constant 0 : i32
      %dma_start3A_179 = tpu.memref_slice %arg4[%mul3A_4, %dma_start3A_178] : memref<10016x8xf32, #tpu.memory_space<hbm>> -> memref<626x8xf32, #tpu.memory_space<hbm>>
      tpu.enqueue_dma source(%dma_start3A_179 : memref<626x8xf32, #tpu.memory_space<hbm>>) target(%dma_start3A_177 : memref<626x8xf32, #tpu.memory_space<vmem_shared>>) target_semaphore(%run_scoped3A : memref<!tpu.dma_semaphore, #tpu.memory_space<semaphore_mem>>)
      %dma_wait3A = arith.constant 0 : i32
      %dma_wait3A_180 = tpu.memref_slice %arg10[%mul3A_6, %dma_wait3A] : memref<10016x8xf32, #tpu.memory_space<vmem_shared>> -> memref<626x8xf32, #tpu.memory_space<vmem_shared>>
      %dma_wait3A_181 = arith.constant 0 : i32
      %dma_wait3A_182 = tpu.memref_slice %arg4[%mul3A_4, %dma_wait3A_181] : memref<10016x8xf32, #tpu.memory_space<hbm>> -> memref<626x8xf32, #tpu.memory_space<hbm>>
      tpu.wait_dma2 semaphore(%run_scoped3A : memref<!tpu.dma_semaphore, #tpu.memory_space<semaphore_mem>>) src(%dma_wait3A_182 : memref<626x8xf32, #tpu.memory_space<hbm>>) dst(%dma_wait3A_180 : memref<626x8xf32, #tpu.memory_space<vmem_shared>>)
      tpu.yield
    }) : () -> ()
    "tpu.region"() ({
      %run_scoped3A = tpu.sem_alloc : memref<!tpu.dma_semaphore, #tpu.memory_space<semaphore_mem>>
      tpu.enqueue_dma source(%arg5 : memref<128x8xf32, #tpu.memory_space<hbm>>) target(%arg11 : memref<128x8xf32, #tpu.memory_space<vmem>>) target_semaphore(%run_scoped3A : memref<!tpu.dma_semaphore, #tpu.memory_space<semaphore_mem>>)
      tpu.wait_dma2 semaphore(%run_scoped3A : memref<!tpu.dma_semaphore, #tpu.memory_space<semaphore_mem>>) src(%arg5 : memref<128x8xf32, #tpu.memory_space<hbm>>) dst(%arg11 : memref<128x8xf32, #tpu.memory_space<vmem>>)
      tpu.yield
    }) : () -> ()
    %mul3A_7 = arith.constant 626 : i32
    %mul3A_8 = arith.muli %arg1, %mul3A_7 : i32
    %mul3A_9 = arith.constant 626 : i32
    %mul3A_10 = arith.muli %arg1, %mul3A_9 : i32
    "tpu.region"() ({
      %run_scoped3A = tpu.sem_alloc : memref<!tpu.dma_semaphore, #tpu.memory_space<semaphore_mem>>
      %dma_start3A_176 = arith.constant 0 : i32
      %dma_start3A_177 = tpu.memref_slice %arg12[%mul3A_10, %dma_start3A_176] : memref<10016x8xf32, #tpu.memory_space<vmem_shared>> -> memref<626x8xf32, #tpu.memory_space<vmem_shared>>
      %dma_start3A_178 = arith.constant 0 : i32
      %dma_start3A_179 = tpu.memref_slice %arg4[%mul3A_8, %dma_start3A_178] : memref<10016x8xf32, #tpu.memory_space<hbm>> -> memref<626x8xf32, #tpu.memory_space<hbm>>
      tpu.enqueue_dma source(%dma_start3A_179 : memref<626x8xf32, #tpu.memory_space<hbm>>) target(%dma_start3A_177 : memref<626x8xf32, #tpu.memory_space<vmem_shared>>) target_semaphore(%run_scoped3A : memref<!tpu.dma_semaphore, #tpu.memory_space<semaphore_mem>>)
      %dma_wait3A = arith.constant 0 : i32
      %dma_wait3A_180 = tpu.memref_slice %arg12[%mul3A_10, %dma_wait3A] : memref<10016x8xf32, #tpu.memory_space<vmem_shared>> -> memref<626x8xf32, #tpu.memory_space<vmem_shared>>
      %dma_wait3A_181 = arith.constant 0 : i32
      %dma_wait3A_182 = tpu.memref_slice %arg4[%mul3A_8, %dma_wait3A_181] : memref<10016x8xf32, #tpu.memory_space<hbm>> -> memref<626x8xf32, #tpu.memory_space<hbm>>
      tpu.wait_dma2 semaphore(%run_scoped3A : memref<!tpu.dma_semaphore, #tpu.memory_space<semaphore_mem>>) src(%dma_wait3A_182 : memref<626x8xf32, #tpu.memory_space<hbm>>) dst(%dma_wait3A_180 : memref<626x8xf32, #tpu.memory_space<vmem_shared>>)
      tpu.yield
    }) : () -> ()
    %barrier3A = arith.constant 0 : index
    tpu.barrier barrier_id(%barrier3A)
    %dma_start3A = arith.constant 0 : i32
    %dma_start3A_11 = arith.constant 0 : i32
    %dma_start3A_12 = arith.constant 0 : i32
    %dma_start3A_13 = arith.constant 0 : i32
    %dma_start3A_14 = tpu.memref_slice %arg9[%dma_start3A, %dma_start3A_12, %dma_start3A_13] : memref<80x128x8xf32, #tpu.memory_space<vmem>> -> memref<1x128x8xf32, #tpu.memory_space<vmem>>
    %dma_start3A_15 = tpu.memref_squeeze %dma_start3A_14 : memref<1x128x8xf32, #tpu.memory_space<vmem>> -> memref<128x8xf32, #tpu.memory_space<vmem>>
    %dma_start3A_16 = arith.constant 0 : i32
    %dma_start3A_17 = tpu.memref_slice %arg8[%dma_start3A_11, %dma_start3A_16] : memref<80x128xi32, #tpu.memory_space<vmem>> -> memref<1x128xi32, #tpu.memory_space<vmem>>
    %dma_start3A_18 = tpu.memref_squeeze %dma_start3A_17 : memref<1x128xi32, #tpu.memory_space<vmem>> -> memref<128xi32, #tpu.memory_space<vmem>>
    %dma_start3A_19 = arith.constant 0 : i32
    %dma_start3A_20 = arith.constant 0 : i32
    %dma_start3A_21 = tpu.memref_slice %arg10[%dma_start3A_19, %dma_start3A_20] : memref<10016x8xf32, #tpu.memory_space<vmem_shared>> -> memref<10016x8xf32, #tpu.memory_space<vmem_shared>>
    tpu.enqueue_indirect_dma source(%dma_start3A_15 : memref<128x8xf32, #tpu.memory_space<vmem>>) target(%dma_start3A_21 : memref<10016x8xf32, #tpu.memory_space<vmem_shared>>) offsets(%dma_start3A_18 : memref<128xi32, #tpu.memory_space<vmem>>) semaphore(%arg13 : memref<!tpu.dma_semaphore, #tpu.memory_space<semaphore_mem>>) {add = true}
    %dma_start3A_22 = arith.constant 0 : i32
    %dma_start3A_23 = arith.constant 0 : i32
    %dma_start3A_24 = tpu.memref_slice %arg8[%dma_start3A_22, %dma_start3A_23] : memref<80x128xi32, #tpu.memory_space<vmem>> -> memref<1x128xi32, #tpu.memory_space<vmem>>
    %dma_start3A_25 = tpu.memref_squeeze %dma_start3A_24 : memref<1x128xi32, #tpu.memory_space<vmem>> -> memref<128xi32, #tpu.memory_space<vmem>>
    %dma_start3A_26 = arith.constant 0 : i32
    %dma_start3A_27 = arith.constant 0 : i32
    %dma_start3A_28 = tpu.memref_slice %arg12[%dma_start3A_26, %dma_start3A_27] : memref<10016x8xf32, #tpu.memory_space<vmem_shared>> -> memref<10016x8xf32, #tpu.memory_space<vmem_shared>>
    tpu.enqueue_indirect_dma source(%arg11 : memref<128x8xf32, #tpu.memory_space<vmem>>) target(%dma_start3A_28 : memref<10016x8xf32, #tpu.memory_space<vmem_shared>>) offsets(%dma_start3A_25 : memref<128xi32, #tpu.memory_space<vmem>>) semaphore(%arg14 : memref<!tpu.dma_semaphore, #tpu.memory_space<semaphore_mem>>) {add = true}
    %dma_start3A_29 = arith.constant 1 : i32
    %dma_start3A_30 = arith.constant 1 : i32
    %dma_start3A_31 = arith.constant 0 : i32
    %dma_start3A_32 = arith.constant 0 : i32
    %dma_start3A_33 = tpu.memref_slice %arg9[%dma_start3A_29, %dma_start3A_31, %dma_start3A_32] : memref<80x128x8xf32, #tpu.memory_space<vmem>> -> memref<1x128x8xf32, #tpu.memory_space<vmem>>
    %dma_start3A_34 = tpu.memref_squeeze %dma_start3A_33 : memref<1x128x8xf32, #tpu.memory_space<vmem>> -> memref<128x8xf32, #tpu.memory_space<vmem>>
    %dma_start3A_35 = arith.constant 0 : i32
    %dma_start3A_36 = tpu.memref_slice %arg8[%dma_start3A_30, %dma_start3A_35] : memref<80x128xi32, #tpu.memory_space<vmem>> -> memref<1x128xi32, #tpu.memory_space<vmem>>
    %dma_start3A_37 = tpu.memref_squeeze %dma_start3A_36 : memref<1x128xi32, #tpu.memory_space<vmem>> -> memref<128xi32, #tpu.memory_space<vmem>>
    %dma_start3A_38 = arith.constant 0 : i32
    %dma_start3A_39 = arith.constant 0 : i32
    %dma_start3A_40 = tpu.memref_slice %arg10[%dma_start3A_38, %dma_start3A_39] : memref<10016x8xf32, #tpu.memory_space<vmem_shared>> -> memref<10016x8xf32, #tpu.memory_space<vmem_shared>>
    tpu.enqueue_indirect_dma source(%dma_start3A_34 : memref<128x8xf32, #tpu.memory_space<vmem>>) target(%dma_start3A_40 : memref<10016x8xf32, #tpu.memory_space<vmem_shared>>) offsets(%dma_start3A_37 : memref<128xi32, #tpu.memory_space<vmem>>) semaphore(%arg13 : memref<!tpu.dma_semaphore, #tpu.memory_space<semaphore_mem>>) {add = true}
    %dma_start3A_41 = arith.constant 1 : i32
    %dma_start3A_42 = arith.constant 0 : i32
    %dma_start3A_43 = tpu.memref_slice %arg8[%dma_start3A_41, %dma_start3A_42] : memref<80x128xi32, #tpu.memory_space<vmem>> -> memref<1x128xi32, #tpu.memory_space<vmem>>
    %dma_start3A_44 = tpu.memref_squeeze %dma_start3A_43 : memref<1x128xi32, #tpu.memory_space<vmem>> -> memref<128xi32, #tpu.memory_space<vmem>>
    %dma_start3A_45 = arith.constant 0 : i32
    %dma_start3A_46 = arith.constant 0 : i32
    %dma_start3A_47 = tpu.memref_slice %arg12[%dma_start3A_45, %dma_start3A_46] : memref<10016x8xf32, #tpu.memory_space<vmem_shared>> -> memref<10016x8xf32, #tpu.memory_space<vmem_shared>>
    tpu.enqueue_indirect_dma source(%arg11 : memref<128x8xf32, #tpu.memory_space<vmem>>) target(%dma_start3A_47 : memref<10016x8xf32, #tpu.memory_space<vmem_shared>>) offsets(%dma_start3A_44 : memref<128xi32, #tpu.memory_space<vmem>>) semaphore(%arg14 : memref<!tpu.dma_semaphore, #tpu.memory_space<semaphore_mem>>) {add = true}
    %dma_start3A_48 = arith.constant 2 : i32
    %dma_start3A_49 = arith.constant 2 : i32
    %dma_start3A_50 = arith.constant 0 : i32
    %dma_start3A_51 = arith.constant 0 : i32
    %dma_start3A_52 = tpu.memref_slice %arg9[%dma_start3A_48, %dma_start3A_50, %dma_start3A_51] : memref<80x128x8xf32, #tpu.memory_space<vmem>> -> memref<1x128x8xf32, #tpu.memory_space<vmem>>
    %dma_start3A_53 = tpu.memref_squeeze %dma_start3A_52 : memref<1x128x8xf32, #tpu.memory_space<vmem>> -> memref<128x8xf32, #tpu.memory_space<vmem>>
    %dma_start3A_54 = arith.constant 0 : i32
    %dma_start3A_55 = tpu.memref_slice %arg8[%dma_start3A_49, %dma_start3A_54] : memref<80x128xi32, #tpu.memory_space<vmem>> -> memref<1x128xi32, #tpu.memory_space<vmem>>
    %dma_start3A_56 = tpu.memref_squeeze %dma_start3A_55 : memref<1x128xi32, #tpu.memory_space<vmem>> -> memref<128xi32, #tpu.memory_space<vmem>>
    %dma_start3A_57 = arith.constant 0 : i32
    %dma_start3A_58 = arith.constant 0 : i32
    %dma_start3A_59 = tpu.memref_slice %arg10[%dma_start3A_57, %dma_start3A_58] : memref<10016x8xf32, #tpu.memory_space<vmem_shared>> -> memref<10016x8xf32, #tpu.memory_space<vmem_shared>>
    tpu.enqueue_indirect_dma source(%dma_start3A_53 : memref<128x8xf32, #tpu.memory_space<vmem>>) target(%dma_start3A_59 : memref<10016x8xf32, #tpu.memory_space<vmem_shared>>) offsets(%dma_start3A_56 : memref<128xi32, #tpu.memory_space<vmem>>) semaphore(%arg13 : memref<!tpu.dma_semaphore, #tpu.memory_space<semaphore_mem>>) {add = true}
    %dma_start3A_60 = arith.constant 2 : i32
    %dma_start3A_61 = arith.constant 0 : i32
    %dma_start3A_62 = tpu.memref_slice %arg8[%dma_start3A_60, %dma_start3A_61] : memref<80x128xi32, #tpu.memory_space<vmem>> -> memref<1x128xi32, #tpu.memory_space<vmem>>
    %dma_start3A_63 = tpu.memref_squeeze %dma_start3A_62 : memref<1x128xi32, #tpu.memory_space<vmem>> -> memref<128xi32, #tpu.memory_space<vmem>>
    %dma_start3A_64 = arith.constant 0 : i32
    %dma_start3A_65 = arith.constant 0 : i32
    %dma_start3A_66 = tpu.memref_slice %arg12[%dma_start3A_64, %dma_start3A_65] : memref<10016x8xf32, #tpu.memory_space<vmem_shared>> -> memref<10016x8xf32, #tpu.memory_space<vmem_shared>>
    tpu.enqueue_indirect_dma source(%arg11 : memref<128x8xf32, #tpu.memory_space<vmem>>) target(%dma_start3A_66 : memref<10016x8xf32, #tpu.memory_space<vmem_shared>>) offsets(%dma_start3A_63 : memref<128xi32, #tpu.memory_space<vmem>>) semaphore(%arg14 : memref<!tpu.dma_semaphore, #tpu.memory_space<semaphore_mem>>) {add = true}
    %dma_start3A_67 = arith.constant 3 : i32
    %dma_start3A_68 = arith.constant 3 : i32
    %dma_start3A_69 = arith.constant 0 : i32
    %dma_start3A_70 = arith.constant 0 : i32
    %dma_start3A_71 = tpu.memref_slice %arg9[%dma_start3A_67, %dma_start3A_69, %dma_start3A_70] : memref<80x128x8xf32, #tpu.memory_space<vmem>> -> memref<1x128x8xf32, #tpu.memory_space<vmem>>
    %dma_start3A_72 = tpu.memref_squeeze %dma_start3A_71 : memref<1x128x8xf32, #tpu.memory_space<vmem>> -> memref<128x8xf32, #tpu.memory_space<vmem>>
    %dma_start3A_73 = arith.constant 0 : i32
    %dma_start3A_74 = tpu.memref_slice %arg8[%dma_start3A_68, %dma_start3A_73] : memref<80x128xi32, #tpu.memory_space<vmem>> -> memref<1x128xi32, #tpu.memory_space<vmem>>
    %dma_start3A_75 = tpu.memref_squeeze %dma_start3A_74 : memref<1x128xi32, #tpu.memory_space<vmem>> -> memref<128xi32, #tpu.memory_space<vmem>>
    %dma_start3A_76 = arith.constant 0 : i32
    %dma_start3A_77 = arith.constant 0 : i32
    %dma_start3A_78 = tpu.memref_slice %arg10[%dma_start3A_76, %dma_start3A_77] : memref<10016x8xf32, #tpu.memory_space<vmem_shared>> -> memref<10016x8xf32, #tpu.memory_space<vmem_shared>>
    tpu.enqueue_indirect_dma source(%dma_start3A_72 : memref<128x8xf32, #tpu.memory_space<vmem>>) target(%dma_start3A_78 : memref<10016x8xf32, #tpu.memory_space<vmem_shared>>) offsets(%dma_start3A_75 : memref<128xi32, #tpu.memory_space<vmem>>) semaphore(%arg13 : memref<!tpu.dma_semaphore, #tpu.memory_space<semaphore_mem>>) {add = true}
    %dma_start3A_79 = arith.constant 3 : i32
    %dma_start3A_80 = arith.constant 0 : i32
    %dma_start3A_81 = tpu.memref_slice %arg8[%dma_start3A_79, %dma_start3A_80] : memref<80x128xi32, #tpu.memory_space<vmem>> -> memref<1x128xi32, #tpu.memory_space<vmem>>
    %dma_start3A_82 = tpu.memref_squeeze %dma_start3A_81 : memref<1x128xi32, #tpu.memory_space<vmem>> -> memref<128xi32, #tpu.memory_space<vmem>>
    %dma_start3A_83 = arith.constant 0 : i32
    %dma_start3A_84 = arith.constant 0 : i32
    %dma_start3A_85 = tpu.memref_slice %arg12[%dma_start3A_83, %dma_start3A_84] : memref<10016x8xf32, #tpu.memory_space<vmem_shared>> -> memref<10016x8xf32, #tpu.memory_space<vmem_shared>>
    tpu.enqueue_indirect_dma source(%arg11 : memref<128x8xf32, #tpu.memory_space<vmem>>) target(%dma_start3A_85 : memref<10016x8xf32, #tpu.memory_space<vmem_shared>>) offsets(%dma_start3A_82 : memref<128xi32, #tpu.memory_space<vmem>>) semaphore(%arg14 : memref<!tpu.dma_semaphore, #tpu.memory_space<semaphore_mem>>) {add = true}
    %dma_start3A_86 = arith.constant 4 : i32
    %dma_start3A_87 = arith.constant 4 : i32
    %dma_start3A_88 = arith.constant 0 : i32
    %dma_start3A_89 = arith.constant 0 : i32
    %dma_start3A_90 = tpu.memref_slice %arg9[%dma_start3A_86, %dma_start3A_88, %dma_start3A_89] : memref<80x128x8xf32, #tpu.memory_space<vmem>> -> memref<1x128x8xf32, #tpu.memory_space<vmem>>
    %dma_start3A_91 = tpu.memref_squeeze %dma_start3A_90 : memref<1x128x8xf32, #tpu.memory_space<vmem>> -> memref<128x8xf32, #tpu.memory_space<vmem>>
    %dma_start3A_92 = arith.constant 0 : i32
    %dma_start3A_93 = tpu.memref_slice %arg8[%dma_start3A_87, %dma_start3A_92] : memref<80x128xi32, #tpu.memory_space<vmem>> -> memref<1x128xi32, #tpu.memory_space<vmem>>
    %dma_start3A_94 = tpu.memref_squeeze %dma_start3A_93 : memref<1x128xi32, #tpu.memory_space<vmem>> -> memref<128xi32, #tpu.memory_space<vmem>>
    %dma_start3A_95 = arith.constant 0 : i32
    %dma_start3A_96 = arith.constant 0 : i32
    %dma_start3A_97 = tpu.memref_slice %arg10[%dma_start3A_95, %dma_start3A_96] : memref<10016x8xf32, #tpu.memory_space<vmem_shared>> -> memref<10016x8xf32, #tpu.memory_space<vmem_shared>>
    tpu.enqueue_indirect_dma source(%dma_start3A_91 : memref<128x8xf32, #tpu.memory_space<vmem>>) target(%dma_start3A_97 : memref<10016x8xf32, #tpu.memory_space<vmem_shared>>) offsets(%dma_start3A_94 : memref<128xi32, #tpu.memory_space<vmem>>) semaphore(%arg13 : memref<!tpu.dma_semaphore, #tpu.memory_space<semaphore_mem>>) {add = true}
    %dma_start3A_98 = arith.constant 4 : i32
    %dma_start3A_99 = arith.constant 0 : i32
    %dma_start3A_100 = tpu.memref_slice %arg8[%dma_start3A_98, %dma_start3A_99] : memref<80x128xi32, #tpu.memory_space<vmem>> -> memref<1x128xi32, #tpu.memory_space<vmem>>
    %dma_start3A_101 = tpu.memref_squeeze %dma_start3A_100 : memref<1x128xi32, #tpu.memory_space<vmem>> -> memref<128xi32, #tpu.memory_space<vmem>>
    %dma_start3A_102 = arith.constant 0 : i32
    %dma_start3A_103 = arith.constant 0 : i32
    %dma_start3A_104 = tpu.memref_slice %arg12[%dma_start3A_102, %dma_start3A_103] : memref<10016x8xf32, #tpu.memory_space<vmem_shared>> -> memref<10016x8xf32, #tpu.memory_space<vmem_shared>>
    tpu.enqueue_indirect_dma source(%arg11 : memref<128x8xf32, #tpu.memory_space<vmem>>) target(%dma_start3A_104 : memref<10016x8xf32, #tpu.memory_space<vmem_shared>>) offsets(%dma_start3A_101 : memref<128xi32, #tpu.memory_space<vmem>>) semaphore(%arg14 : memref<!tpu.dma_semaphore, #tpu.memory_space<semaphore_mem>>) {add = true}
    %dma_start3A_105 = arith.constant 5 : i32
    %dma_start3A_106 = arith.constant 5 : i32
    %dma_start3A_107 = arith.constant 0 : i32
    %dma_start3A_108 = arith.constant 0 : i32
    %dma_start3A_109 = tpu.memref_slice %arg9[%dma_start3A_105, %dma_start3A_107, %dma_start3A_108] : memref<80x128x8xf32, #tpu.memory_space<vmem>> -> memref<1x128x8xf32, #tpu.memory_space<vmem>>
    %dma_start3A_110 = tpu.memref_squeeze %dma_start3A_109 : memref<1x128x8xf32, #tpu.memory_space<vmem>> -> memref<128x8xf32, #tpu.memory_space<vmem>>
    %dma_start3A_111 = arith.constant 0 : i32
    %dma_start3A_112 = tpu.memref_slice %arg8[%dma_start3A_106, %dma_start3A_111] : memref<80x128xi32, #tpu.memory_space<vmem>> -> memref<1x128xi32, #tpu.memory_space<vmem>>
    %dma_start3A_113 = tpu.memref_squeeze %dma_start3A_112 : memref<1x128xi32, #tpu.memory_space<vmem>> -> memref<128xi32, #tpu.memory_space<vmem>>
    %dma_start3A_114 = arith.constant 0 : i32
    %dma_start3A_115 = arith.constant 0 : i32
    %dma_start3A_116 = tpu.memref_slice %arg10[%dma_start3A_114, %dma_start3A_115] : memref<10016x8xf32, #tpu.memory_space<vmem_shared>> -> memref<10016x8xf32, #tpu.memory_space<vmem_shared>>
    tpu.enqueue_indirect_dma source(%dma_start3A_110 : memref<128x8xf32, #tpu.memory_space<vmem>>) target(%dma_start3A_116 : memref<10016x8xf32, #tpu.memory_space<vmem_shared>>) offsets(%dma_start3A_113 : memref<128xi32, #tpu.memory_space<vmem>>) semaphore(%arg13 : memref<!tpu.dma_semaphore, #tpu.memory_space<semaphore_mem>>) {add = true}
    %dma_start3A_117 = arith.constant 5 : i32
    %dma_start3A_118 = arith.constant 0 : i32
    %dma_start3A_119 = tpu.memref_slice %arg8[%dma_start3A_117, %dma_start3A_118] : memref<80x128xi32, #tpu.memory_space<vmem>> -> memref<1x128xi32, #tpu.memory_space<vmem>>
    %dma_start3A_120 = tpu.memref_squeeze %dma_start3A_119 : memref<1x128xi32, #tpu.memory_space<vmem>> -> memref<128xi32, #tpu.memory_space<vmem>>
    %dma_start3A_121 = arith.constant 0 : i32
    %dma_start3A_122 = arith.constant 0 : i32
    %dma_start3A_123 = tpu.memref_slice %arg12[%dma_start3A_121, %dma_start3A_122] : memref<10016x8xf32, #tpu.memory_space<vmem_shared>> -> memref<10016x8xf32, #tpu.memory_space<vmem_shared>>
    tpu.enqueue_indirect_dma source(%arg11 : memref<128x8xf32, #tpu.memory_space<vmem>>) target(%dma_start3A_123 : memref<10016x8xf32, #tpu.memory_space<vmem_shared>>) offsets(%dma_start3A_120 : memref<128xi32, #tpu.memory_space<vmem>>) semaphore(%arg14 : memref<!tpu.dma_semaphore, #tpu.memory_space<semaphore_mem>>) {add = true}
    %dma_start3A_124 = arith.constant 6 : i32
    %dma_start3A_125 = arith.constant 6 : i32
    %dma_start3A_126 = arith.constant 0 : i32
    %dma_start3A_127 = arith.constant 0 : i32
    %dma_start3A_128 = tpu.memref_slice %arg9[%dma_start3A_124, %dma_start3A_126, %dma_start3A_127] : memref<80x128x8xf32, #tpu.memory_space<vmem>> -> memref<1x128x8xf32, #tpu.memory_space<vmem>>
    %dma_start3A_129 = tpu.memref_squeeze %dma_start3A_128 : memref<1x128x8xf32, #tpu.memory_space<vmem>> -> memref<128x8xf32, #tpu.memory_space<vmem>>
    %dma_start3A_130 = arith.constant 0 : i32
    %dma_start3A_131 = tpu.memref_slice %arg8[%dma_start3A_125, %dma_start3A_130] : memref<80x128xi32, #tpu.memory_space<vmem>> -> memref<1x128xi32, #tpu.memory_space<vmem>>
    %dma_start3A_132 = tpu.memref_squeeze %dma_start3A_131 : memref<1x128xi32, #tpu.memory_space<vmem>> -> memref<128xi32, #tpu.memory_space<vmem>>
    %dma_start3A_133 = arith.constant 0 : i32
    %dma_start3A_134 = arith.constant 0 : i32
    %dma_start3A_135 = tpu.memref_slice %arg10[%dma_start3A_133, %dma_start3A_134] : memref<10016x8xf32, #tpu.memory_space<vmem_shared>> -> memref<10016x8xf32, #tpu.memory_space<vmem_shared>>
    tpu.enqueue_indirect_dma source(%dma_start3A_129 : memref<128x8xf32, #tpu.memory_space<vmem>>) target(%dma_start3A_135 : memref<10016x8xf32, #tpu.memory_space<vmem_shared>>) offsets(%dma_start3A_132 : memref<128xi32, #tpu.memory_space<vmem>>) semaphore(%arg13 : memref<!tpu.dma_semaphore, #tpu.memory_space<semaphore_mem>>) {add = true}
    %dma_start3A_136 = arith.constant 6 : i32
    %dma_start3A_137 = arith.constant 0 : i32
    %dma_start3A_138 = tpu.memref_slice %arg8[%dma_start3A_136, %dma_start3A_137] : memref<80x128xi32, #tpu.memory_space<vmem>> -> memref<1x128xi32, #tpu.memory_space<vmem>>
    %dma_start3A_139 = tpu.memref_squeeze %dma_start3A_138 : memref<1x128xi32, #tpu.memory_space<vmem>> -> memref<128xi32, #tpu.memory_space<vmem>>
    %dma_start3A_140 = arith.constant 0 : i32
    %dma_start3A_141 = arith.constant 0 : i32
    %dma_start3A_142 = tpu.memref_slice %arg12[%dma_start3A_140, %dma_start3A_141] : memref<10016x8xf32, #tpu.memory_space<vmem_shared>> -> memref<10016x8xf32, #tpu.memory_space<vmem_shared>>
    tpu.enqueue_indirect_dma source(%arg11 : memref<128x8xf32, #tpu.memory_space<vmem>>) target(%dma_start3A_142 : memref<10016x8xf32, #tpu.memory_space<vmem_shared>>) offsets(%dma_start3A_139 : memref<128xi32, #tpu.memory_space<vmem>>) semaphore(%arg14 : memref<!tpu.dma_semaphore, #tpu.memory_space<semaphore_mem>>) {add = true}
    %dma_start3A_143 = arith.constant 7 : i32
    %dma_start3A_144 = arith.constant 7 : i32
    %dma_start3A_145 = arith.constant 0 : i32
    %dma_start3A_146 = arith.constant 0 : i32
    %dma_start3A_147 = tpu.memref_slice %arg9[%dma_start3A_143, %dma_start3A_145, %dma_start3A_146] : memref<80x128x8xf32, #tpu.memory_space<vmem>> -> memref<1x128x8xf32, #tpu.memory_space<vmem>>
    %dma_start3A_148 = tpu.memref_squeeze %dma_start3A_147 : memref<1x128x8xf32, #tpu.memory_space<vmem>> -> memref<128x8xf32, #tpu.memory_space<vmem>>
    %dma_start3A_149 = arith.constant 0 : i32
    %dma_start3A_150 = tpu.memref_slice %arg8[%dma_start3A_144, %dma_start3A_149] : memref<80x128xi32, #tpu.memory_space<vmem>> -> memref<1x128xi32, #tpu.memory_space<vmem>>
    %dma_start3A_151 = tpu.memref_squeeze %dma_start3A_150 : memref<1x128xi32, #tpu.memory_space<vmem>> -> memref<128xi32, #tpu.memory_space<vmem>>
    %dma_start3A_152 = arith.constant 0 : i32
    %dma_start3A_153 = arith.constant 0 : i32
    %dma_start3A_154 = tpu.memref_slice %arg10[%dma_start3A_152, %dma_start3A_153] : memref<10016x8xf32, #tpu.memory_space<vmem_shared>> -> memref<10016x8xf32, #tpu.memory_space<vmem_shared>>
    tpu.enqueue_indirect_dma source(%dma_start3A_148 : memref<128x8xf32, #tpu.memory_space<vmem>>) target(%dma_start3A_154 : memref<10016x8xf32, #tpu.memory_space<vmem_shared>>) offsets(%dma_start3A_151 : memref<128xi32, #tpu.memory_space<vmem>>) semaphore(%arg13 : memref<!tpu.dma_semaphore, #tpu.memory_space<semaphore_mem>>) {add = true}
    %dma_start3A_155 = arith.constant 7 : i32
    %dma_start3A_156 = arith.constant 0 : i32
    %dma_start3A_157 = tpu.memref_slice %arg8[%dma_start3A_155, %dma_start3A_156] : memref<80x128xi32, #tpu.memory_space<vmem>> -> memref<1x128xi32, #tpu.memory_space<vmem>>
    %dma_start3A_158 = tpu.memref_squeeze %dma_start3A_157 : memref<1x128xi32, #tpu.memory_space<vmem>> -> memref<128xi32, #tpu.memory_space<vmem>>
    %dma_start3A_159 = arith.constant 0 : i32
    %dma_start3A_160 = arith.constant 0 : i32
    %dma_start3A_161 = tpu.memref_slice %arg12[%dma_start3A_159, %dma_start3A_160] : memref<10016x8xf32, #tpu.memory_space<vmem_shared>> -> memref<10016x8xf32, #tpu.memory_space<vmem_shared>>
    tpu.enqueue_indirect_dma source(%arg11 : memref<128x8xf32, #tpu.memory_space<vmem>>) target(%dma_start3A_161 : memref<10016x8xf32, #tpu.memory_space<vmem_shared>>) offsets(%dma_start3A_158 : memref<128xi32, #tpu.memory_space<vmem>>) semaphore(%arg14 : memref<!tpu.dma_semaphore, #tpu.memory_space<semaphore_mem>>) {add = true}
    %scan3A = arith.constant 0 : i32
    %scan3A_162 = arith.constant 0 : i32
    %scan3A_163 = arith.constant 80 : i32
    %scan3A_164 = arith.addi %scan3A_162, %scan3A_163 : i32
    %scan3A_165 = arith.constant 1 : i32
    scf.for %scan3A_176 = %scan3A_162 to %scan3A_164 step %scan3A_165  : i32 {
      %add3A_177 = arith.constant 8 : i32
      %add3A_178 = arith.addi %scan3A_176, %add3A_177 : i32
      %lt3A = arith.constant 80 : i32
      %lt3A_179 = arith.cmpi slt, %add3A_178, %lt3A : i32
      %convert_element_type3A = arith.extui %lt3A_179 : i1 to i32
      %cond3A = arith.constant 0 : i32
      %cond3A_180 = arith.cmpi ne, %convert_element_type3A, %cond3A : i32
      scf.if %cond3A_180 {
        %add3A_196 = arith.constant 8 : i32
        %add3A_197 = arith.addi %scan3A_176, %add3A_196 : i32
        %dma_start3A_198 = arith.constant 0 : i32
        %dma_start3A_199 = arith.constant 0 : i32
        %dma_start3A_200 = tpu.memref_slice %arg9[%add3A_197, %dma_start3A_198, %dma_start3A_199] : memref<80x128x8xf32, #tpu.memory_space<vmem>> -> memref<1x128x8xf32, #tpu.memory_space<vmem>>
        %dma_start3A_201 = tpu.memref_squeeze %dma_start3A_200 : memref<1x128x8xf32, #tpu.memory_space<vmem>> -> memref<128x8xf32, #tpu.memory_space<vmem>>
        %dma_start3A_202 = arith.constant 0 : i32
        %dma_start3A_203 = tpu.memref_slice %arg8[%add3A_197, %dma_start3A_202] : memref<80x128xi32, #tpu.memory_space<vmem>> -> memref<1x128xi32, #tpu.memory_space<vmem>>
        %dma_start3A_204 = tpu.memref_squeeze %dma_start3A_203 : memref<1x128xi32, #tpu.memory_space<vmem>> -> memref<128xi32, #tpu.memory_space<vmem>>
        %dma_start3A_205 = arith.constant 0 : i32
        %dma_start3A_206 = arith.constant 0 : i32
        %dma_start3A_207 = tpu.memref_slice %arg10[%dma_start3A_205, %dma_start3A_206] : memref<10016x8xf32, #tpu.memory_space<vmem_shared>> -> memref<10016x8xf32, #tpu.memory_space<vmem_shared>>
        tpu.enqueue_indirect_dma source(%dma_start3A_201 : memref<128x8xf32, #tpu.memory_space<vmem>>) target(%dma_start3A_207 : memref<10016x8xf32, #tpu.memory_space<vmem_shared>>) offsets(%dma_start3A_204 : memref<128xi32, #tpu.memory_space<vmem>>) semaphore(%arg13 : memref<!tpu.dma_semaphore, #tpu.memory_space<semaphore_mem>>) {add = true}
        %dma_start3A_208 = arith.constant 0 : i32
        %dma_start3A_209 = tpu.memref_slice %arg8[%add3A_197, %dma_start3A_208] : memref<80x128xi32, #tpu.memory_space<vmem>> -> memref<1x128xi32, #tpu.memory_space<vmem>>
        %dma_start3A_210 = tpu.memref_squeeze %dma_start3A_209 : memref<1x128xi32, #tpu.memory_space<vmem>> -> memref<128xi32, #tpu.memory_space<vmem>>
        %dma_start3A_211 = arith.constant 0 : i32
        %dma_start3A_212 = arith.constant 0 : i32
        %dma_start3A_213 = tpu.memref_slice %arg12[%dma_start3A_211, %dma_start3A_212] : memref<10016x8xf32, #tpu.memory_space<vmem_shared>> -> memref<10016x8xf32, #tpu.memory_space<vmem_shared>>
        tpu.enqueue_indirect_dma source(%arg11 : memref<128x8xf32, #tpu.memory_space<vmem>>) target(%dma_start3A_213 : memref<10016x8xf32, #tpu.memory_space<vmem_shared>>) offsets(%dma_start3A_210 : memref<128xi32, #tpu.memory_space<vmem>>) semaphore(%arg14 : memref<!tpu.dma_semaphore, #tpu.memory_space<semaphore_mem>>) {add = true}
      } else {
      }
      %dma_wait3A = arith.constant 0 : i32
      %dma_wait3A_181 = arith.constant 0 : i32
      %dma_wait3A_182 = tpu.memref_slice %arg9[%scan3A_176, %dma_wait3A, %dma_wait3A_181] : memref<80x128x8xf32, #tpu.memory_space<vmem>> -> memref<1x128x8xf32, #tpu.memory_space<vmem>>
      %dma_wait3A_183 = tpu.memref_squeeze %dma_wait3A_182 : memref<1x128x8xf32, #tpu.memory_space<vmem>> -> memref<128x8xf32, #tpu.memory_space<vmem>>
      %dma_wait3A_184 = arith.constant 0 : i32
      %dma_wait3A_185 = tpu.memref_slice %arg8[%scan3A_176, %dma_wait3A_184] : memref<80x128xi32, #tpu.memory_space<vmem>> -> memref<1x128xi32, #tpu.memory_space<vmem>>
      %dma_wait3A_186 = tpu.memref_squeeze %dma_wait3A_185 : memref<1x128xi32, #tpu.memory_space<vmem>> -> memref<128xi32, #tpu.memory_space<vmem>>
      %dma_wait3A_187 = arith.constant 0 : i32
      %dma_wait3A_188 = arith.constant 0 : i32
      %dma_wait3A_189 = tpu.memref_slice %arg10[%dma_wait3A_187, %dma_wait3A_188] : memref<10016x8xf32, #tpu.memory_space<vmem_shared>> -> memref<10016x8xf32, #tpu.memory_space<vmem_shared>>
      tpu.wait_indirect_dma semaphore(%arg13 : memref<!tpu.dma_semaphore, #tpu.memory_space<semaphore_mem>>) src(%dma_wait3A_183 : memref<128x8xf32, #tpu.memory_space<vmem>>) dst(%dma_wait3A_189 : memref<10016x8xf32, #tpu.memory_space<vmem_shared>>)
      %dma_wait3A_190 = arith.constant 0 : i32
      %dma_wait3A_191 = tpu.memref_slice %arg8[%scan3A_176, %dma_wait3A_190] : memref<80x128xi32, #tpu.memory_space<vmem>> -> memref<1x128xi32, #tpu.memory_space<vmem>>
      %dma_wait3A_192 = tpu.memref_squeeze %dma_wait3A_191 : memref<1x128xi32, #tpu.memory_space<vmem>> -> memref<128xi32, #tpu.memory_space<vmem>>
      %dma_wait3A_193 = arith.constant 0 : i32
      %dma_wait3A_194 = arith.constant 0 : i32
      %dma_wait3A_195 = tpu.memref_slice %arg12[%dma_wait3A_193, %dma_wait3A_194] : memref<10016x8xf32, #tpu.memory_space<vmem_shared>> -> memref<10016x8xf32, #tpu.memory_space<vmem_shared>>
      tpu.wait_indirect_dma semaphore(%arg14 : memref<!tpu.dma_semaphore, #tpu.memory_space<semaphore_mem>>) src(%arg11 : memref<128x8xf32, #tpu.memory_space<vmem>>) dst(%dma_wait3A_195 : memref<10016x8xf32, #tpu.memory_space<vmem_shared>>)
    }
    %scan3A_166 = arith.constant 80 : i32
    %barrier3A_167 = arith.constant 0 : index
    tpu.barrier barrier_id(%barrier3A_167)
    %mul3A_168 = arith.constant 625 : i32
    %mul3A_169 = arith.muli %arg1, %mul3A_168 : i32
    %mul3A_170 = arith.constant 625 : i32
    %mul3A_171 = arith.muli %arg1, %mul3A_170 : i32
    "tpu.region"() ({
      %run_scoped3A = tpu.sem_alloc : memref<!tpu.dma_semaphore, #tpu.memory_space<semaphore_mem>>
      %dma_start3A_176 = arith.constant 0 : i32
      %dma_start3A_177 = tpu.memref_slice %arg6[%arg0, %mul3A_171, %dma_start3A_176] : memref<2x10000x8xf32, #tpu.memory_space<hbm>> -> memref<1x625x8xf32, #tpu.memory_space<hbm>>
      %dma_start3A_178 = tpu.memref_squeeze %dma_start3A_177 : memref<1x625x8xf32, #tpu.memory_space<hbm>> -> memref<625x8xf32, #tpu.memory_space<hbm>>
      %dma_start3A_179 = arith.constant 0 : i32
      %dma_start3A_180 = tpu.memref_slice %arg10[%mul3A_169, %dma_start3A_179] : memref<10016x8xf32, #tpu.memory_space<vmem_shared>> -> memref<625x8xf32, #tpu.memory_space<vmem_shared>>
      tpu.enqueue_dma source(%dma_start3A_180 : memref<625x8xf32, #tpu.memory_space<vmem_shared>>) target(%dma_start3A_178 : memref<625x8xf32, #tpu.memory_space<hbm>>) target_semaphore(%run_scoped3A : memref<!tpu.dma_semaphore, #tpu.memory_space<semaphore_mem>>)
      %dma_wait3A = arith.constant 0 : i32
      %dma_wait3A_181 = tpu.memref_slice %arg6[%arg0, %mul3A_171, %dma_wait3A] : memref<2x10000x8xf32, #tpu.memory_space<hbm>> -> memref<1x625x8xf32, #tpu.memory_space<hbm>>
      %dma_wait3A_182 = tpu.memref_squeeze %dma_wait3A_181 : memref<1x625x8xf32, #tpu.memory_space<hbm>> -> memref<625x8xf32, #tpu.memory_space<hbm>>
      %dma_wait3A_183 = arith.constant 0 : i32
      %dma_wait3A_184 = tpu.memref_slice %arg10[%mul3A_169, %dma_wait3A_183] : memref<10016x8xf32, #tpu.memory_space<vmem_shared>> -> memref<625x8xf32, #tpu.memory_space<vmem_shared>>
      tpu.wait_dma2 semaphore(%run_scoped3A : memref<!tpu.dma_semaphore, #tpu.memory_space<semaphore_mem>>) src(%dma_wait3A_184 : memref<625x8xf32, #tpu.memory_space<vmem_shared>>) dst(%dma_wait3A_182 : memref<625x8xf32, #tpu.memory_space<hbm>>)
      tpu.yield
    }) : () -> ()
    %mul3A_172 = arith.constant 625 : i32
    %mul3A_173 = arith.muli %arg1, %mul3A_172 : i32
    %mul3A_174 = arith.constant 625 : i32
    %mul3A_175 = arith.muli %arg1, %mul3A_174 : i32
    "tpu.region"() ({
      %run_scoped3A = tpu.sem_alloc : memref<!tpu.dma_semaphore, #tpu.memory_space<semaphore_mem>>
      %dma_start3A_176 = arith.constant 0 : i32
      %dma_start3A_177 = tpu.memref_slice %arg7[%arg0, %mul3A_175, %dma_start3A_176] : memref<2x10000x8xf32, #tpu.memory_space<hbm>> -> memref<1x625x8xf32, #tpu.memory_space<hbm>>
      %dma_start3A_178 = tpu.memref_squeeze %dma_start3A_177 : memref<1x625x8xf32, #tpu.memory_space<hbm>> -> memref<625x8xf32, #tpu.memory_space<hbm>>
      %dma_start3A_179 = arith.constant 0 : i32
      %dma_start3A_180 = tpu.memref_slice %arg12[%mul3A_173, %dma_start3A_179] : memref<10016x8xf32, #tpu.memory_space<vmem_shared>> -> memref<625x8xf32, #tpu.memory_space<vmem_shared>>
      tpu.enqueue_dma source(%dma_start3A_180 : memref<625x8xf32, #tpu.memory_space<vmem_shared>>) target(%dma_start3A_178 : memref<625x8xf32, #tpu.memory_space<hbm>>) target_semaphore(%run_scoped3A : memref<!tpu.dma_semaphore, #tpu.memory_space<semaphore_mem>>)
      %dma_wait3A = arith.constant 0 : i32
      %dma_wait3A_181 = tpu.memref_slice %arg7[%arg0, %mul3A_175, %dma_wait3A] : memref<2x10000x8xf32, #tpu.memory_space<hbm>> -> memref<1x625x8xf32, #tpu.memory_space<hbm>>
      %dma_wait3A_182 = tpu.memref_squeeze %dma_wait3A_181 : memref<1x625x8xf32, #tpu.memory_space<hbm>> -> memref<625x8xf32, #tpu.memory_space<hbm>>
      %dma_wait3A_183 = arith.constant 0 : i32
      %dma_wait3A_184 = tpu.memref_slice %arg12[%mul3A_173, %dma_wait3A_183] : memref<10016x8xf32, #tpu.memory_space<vmem_shared>> -> memref<625x8xf32, #tpu.memory_space<vmem_shared>>
      tpu.wait_dma2 semaphore(%run_scoped3A : memref<!tpu.dma_semaphore, #tpu.memory_space<semaphore_mem>>) src(%dma_wait3A_184 : memref<625x8xf32, #tpu.memory_space<vmem_shared>>) dst(%dma_wait3A_182 : memref<625x8xf32, #tpu.memory_space<hbm>>)
      tpu.yield
    }) : () -> ()
    return
  }
}

#map = affine_map<(d0, d1) -> (0, 0, 0)>
#map1 = affine_map<(d0, d1) -> (0, 0)>
module attributes {stable_mosaic.version = 14 : i64} {
  func.func @body(%arg0: i32, %arg1: i32, %arg2: memref<2560x128x8xf32, #tpu.memory_space<hbm>>, %arg3: memref<32x80x128xi32, #tpu.memory_space<hbm>>, %arg4: memref<10016x8xf32, #tpu.memory_space<hbm>>, %arg5: memref<2x10000x8xf32, #tpu.memory_space<hbm>>, %arg6: memref<80x128xi32, #tpu.memory_space<vmem>>, %arg7: memref<80x128x8xf32, #tpu.memory_space<vmem>>, %arg8: memref<10016x8xf32, #tpu.memory_space<vmem_shared>>, %arg9: memref<!tpu.dma_semaphore, #tpu.memory_space<semaphore_mem>>) attributes {dimension_semantics = [#tpu.dimension_semantics<core_parallel>, #tpu.dimension_semantics<subcore_parallel>], iteration_bounds = array<i64: 2, 16>, scalar_prefetch = 0 : i64, scratch_operands = 4 : i64, tpu.core_type = #tpu.core_type<sc_vector_subcore>, window_params = [{transform_indices = #map}, {transform_indices = #map}, {transform_indices = #map1}, {transform_indices = #map}]} {
    %mul3A = arith.constant 2 : i32
    %mul3A_0 = arith.muli %arg1, %mul3A : i32
    %add3A = arith.addi %mul3A_0, %arg0 : i32
    "tpu.region"() ({
      %run_scoped3A = tpu.sem_alloc : memref<!tpu.dma_semaphore, #tpu.memory_space<semaphore_mem>>
      %dma_start3A_112 = arith.constant 0 : i32
      %dma_start3A_113 = arith.constant 0 : i32
      %dma_start3A_114 = tpu.memref_slice %arg3[%add3A, %dma_start3A_112, %dma_start3A_113] : memref<32x80x128xi32, #tpu.memory_space<hbm>> -> memref<1x80x128xi32, #tpu.memory_space<hbm>>
      %dma_start3A_115 = tpu.memref_squeeze %dma_start3A_114 : memref<1x80x128xi32, #tpu.memory_space<hbm>> -> memref<80x128xi32, #tpu.memory_space<hbm>>
      %dma_start3A_116 = arith.constant 0 : i32
      %dma_start3A_117 = arith.constant 0 : i32
      %dma_start3A_118 = tpu.memref_slice %arg3[%add3A, %dma_start3A_116, %dma_start3A_117] : memref<32x80x128xi32, #tpu.memory_space<hbm>> -> memref<1x80x128xi32, #tpu.memory_space<hbm>>
      %dma_start3A_119 = tpu.memref_squeeze %dma_start3A_118 : memref<1x80x128xi32, #tpu.memory_space<hbm>> -> memref<80x128xi32, #tpu.memory_space<hbm>>
      tpu.enqueue_dma source(%dma_start3A_119 : memref<80x128xi32, #tpu.memory_space<hbm>>) target(%arg6 : memref<80x128xi32, #tpu.memory_space<vmem>>) target_semaphore(%run_scoped3A : memref<!tpu.dma_semaphore, #tpu.memory_space<semaphore_mem>>)
      %dma_wait3A = arith.constant 0 : i32
      %dma_wait3A_120 = arith.constant 0 : i32
      %dma_wait3A_121 = tpu.memref_slice %arg3[%add3A, %dma_wait3A, %dma_wait3A_120] : memref<32x80x128xi32, #tpu.memory_space<hbm>> -> memref<1x80x128xi32, #tpu.memory_space<hbm>>
      %dma_wait3A_122 = tpu.memref_squeeze %dma_wait3A_121 : memref<1x80x128xi32, #tpu.memory_space<hbm>> -> memref<80x128xi32, #tpu.memory_space<hbm>>
      %dma_wait3A_123 = arith.constant 0 : i32
      %dma_wait3A_124 = arith.constant 0 : i32
      %dma_wait3A_125 = tpu.memref_slice %arg3[%add3A, %dma_wait3A_123, %dma_wait3A_124] : memref<32x80x128xi32, #tpu.memory_space<hbm>> -> memref<1x80x128xi32, #tpu.memory_space<hbm>>
      %dma_wait3A_126 = tpu.memref_squeeze %dma_wait3A_125 : memref<1x80x128xi32, #tpu.memory_space<hbm>> -> memref<80x128xi32, #tpu.memory_space<hbm>>
      tpu.wait_dma2 semaphore(%run_scoped3A : memref<!tpu.dma_semaphore, #tpu.memory_space<semaphore_mem>>) src(%dma_wait3A_126 : memref<80x128xi32, #tpu.memory_space<hbm>>) dst(%arg6 : memref<80x128xi32, #tpu.memory_space<vmem>>)
      tpu.yield
    }) : () -> ()
    %mul3A_1 = arith.constant 80 : i32
    %mul3A_2 = arith.muli %add3A, %mul3A_1 : i32
    "tpu.region"() ({
      %run_scoped3A = tpu.sem_alloc : memref<!tpu.dma_semaphore, #tpu.memory_space<semaphore_mem>>
      %dma_start3A_112 = arith.constant 0 : i32
      %dma_start3A_113 = arith.constant 0 : i32
      %dma_start3A_114 = tpu.memref_slice %arg2[%mul3A_2, %dma_start3A_112, %dma_start3A_113] : memref<2560x128x8xf32, #tpu.memory_space<hbm>> -> memref<80x128x8xf32, #tpu.memory_space<hbm>>
      %dma_start3A_115 = arith.constant 0 : i32
      %dma_start3A_116 = arith.constant 0 : i32
      %dma_start3A_117 = tpu.memref_slice %arg2[%mul3A_2, %dma_start3A_115, %dma_start3A_116] : memref<2560x128x8xf32, #tpu.memory_space<hbm>> -> memref<80x128x8xf32, #tpu.memory_space<hbm>>
      tpu.enqueue_dma source(%dma_start3A_117 : memref<80x128x8xf32, #tpu.memory_space<hbm>>) target(%arg7 : memref<80x128x8xf32, #tpu.memory_space<vmem>>) target_semaphore(%run_scoped3A : memref<!tpu.dma_semaphore, #tpu.memory_space<semaphore_mem>>)
      %dma_wait3A = arith.constant 0 : i32
      %dma_wait3A_118 = arith.constant 0 : i32
      %dma_wait3A_119 = tpu.memref_slice %arg2[%mul3A_2, %dma_wait3A, %dma_wait3A_118] : memref<2560x128x8xf32, #tpu.memory_space<hbm>> -> memref<80x128x8xf32, #tpu.memory_space<hbm>>
      %dma_wait3A_120 = arith.constant 0 : i32
      %dma_wait3A_121 = arith.constant 0 : i32
      %dma_wait3A_122 = tpu.memref_slice %arg2[%mul3A_2, %dma_wait3A_120, %dma_wait3A_121] : memref<2560x128x8xf32, #tpu.memory_space<hbm>> -> memref<80x128x8xf32, #tpu.memory_space<hbm>>
      tpu.wait_dma2 semaphore(%run_scoped3A : memref<!tpu.dma_semaphore, #tpu.memory_space<semaphore_mem>>) src(%dma_wait3A_122 : memref<80x128x8xf32, #tpu.memory_space<hbm>>) dst(%arg7 : memref<80x128x8xf32, #tpu.memory_space<vmem>>)
      tpu.yield
    }) : () -> ()
    %mul3A_3 = arith.constant 626 : i32
    %mul3A_4 = arith.muli %arg1, %mul3A_3 : i32
    %mul3A_5 = arith.constant 626 : i32
    %mul3A_6 = arith.muli %arg1, %mul3A_5 : i32
    "tpu.region"() ({
      %run_scoped3A = tpu.sem_alloc : memref<!tpu.dma_semaphore, #tpu.memory_space<semaphore_mem>>
      %dma_start3A_112 = arith.constant 0 : i32
      %dma_start3A_113 = tpu.memref_slice %arg8[%mul3A_6, %dma_start3A_112] : memref<10016x8xf32, #tpu.memory_space<vmem_shared>> -> memref<626x8xf32, #tpu.memory_space<vmem_shared>>
      %dma_start3A_114 = arith.constant 0 : i32
      %dma_start3A_115 = tpu.memref_slice %arg4[%mul3A_4, %dma_start3A_114] : memref<10016x8xf32, #tpu.memory_space<hbm>> -> memref<626x8xf32, #tpu.memory_space<hbm>>
      tpu.enqueue_dma source(%dma_start3A_115 : memref<626x8xf32, #tpu.memory_space<hbm>>) target(%dma_start3A_113 : memref<626x8xf32, #tpu.memory_space<vmem_shared>>) target_semaphore(%run_scoped3A : memref<!tpu.dma_semaphore, #tpu.memory_space<semaphore_mem>>)
      %dma_wait3A = arith.constant 0 : i32
      %dma_wait3A_116 = tpu.memref_slice %arg8[%mul3A_6, %dma_wait3A] : memref<10016x8xf32, #tpu.memory_space<vmem_shared>> -> memref<626x8xf32, #tpu.memory_space<vmem_shared>>
      %dma_wait3A_117 = arith.constant 0 : i32
      %dma_wait3A_118 = tpu.memref_slice %arg4[%mul3A_4, %dma_wait3A_117] : memref<10016x8xf32, #tpu.memory_space<hbm>> -> memref<626x8xf32, #tpu.memory_space<hbm>>
      tpu.wait_dma2 semaphore(%run_scoped3A : memref<!tpu.dma_semaphore, #tpu.memory_space<semaphore_mem>>) src(%dma_wait3A_118 : memref<626x8xf32, #tpu.memory_space<hbm>>) dst(%dma_wait3A_116 : memref<626x8xf32, #tpu.memory_space<vmem_shared>>)
      tpu.yield
    }) : () -> ()
    %barrier3A = arith.constant 0 : index
    tpu.barrier barrier_id(%barrier3A)
    %dma_start3A = arith.constant 0 : i32
    %dma_start3A_7 = arith.constant 0 : i32
    %dma_start3A_8 = arith.constant 0 : i32
    %dma_start3A_9 = arith.constant 0 : i32
    %dma_start3A_10 = tpu.memref_slice %arg7[%dma_start3A, %dma_start3A_8, %dma_start3A_9] : memref<80x128x8xf32, #tpu.memory_space<vmem>> -> memref<1x128x8xf32, #tpu.memory_space<vmem>>
    %dma_start3A_11 = tpu.memref_squeeze %dma_start3A_10 : memref<1x128x8xf32, #tpu.memory_space<vmem>> -> memref<128x8xf32, #tpu.memory_space<vmem>>
    %dma_start3A_12 = arith.constant 0 : i32
    %dma_start3A_13 = tpu.memref_slice %arg6[%dma_start3A_7, %dma_start3A_12] : memref<80x128xi32, #tpu.memory_space<vmem>> -> memref<1x128xi32, #tpu.memory_space<vmem>>
    %dma_start3A_14 = tpu.memref_squeeze %dma_start3A_13 : memref<1x128xi32, #tpu.memory_space<vmem>> -> memref<128xi32, #tpu.memory_space<vmem>>
    %dma_start3A_15 = arith.constant 0 : i32
    %dma_start3A_16 = arith.constant 0 : i32
    %dma_start3A_17 = tpu.memref_slice %arg8[%dma_start3A_15, %dma_start3A_16] : memref<10016x8xf32, #tpu.memory_space<vmem_shared>> -> memref<10016x8xf32, #tpu.memory_space<vmem_shared>>
    tpu.enqueue_indirect_dma source(%dma_start3A_11 : memref<128x8xf32, #tpu.memory_space<vmem>>) target(%dma_start3A_17 : memref<10016x8xf32, #tpu.memory_space<vmem_shared>>) offsets(%dma_start3A_14 : memref<128xi32, #tpu.memory_space<vmem>>) semaphore(%arg9 : memref<!tpu.dma_semaphore, #tpu.memory_space<semaphore_mem>>) {add = true}
    %dma_start3A_18 = arith.constant 1 : i32
    %dma_start3A_19 = arith.constant 1 : i32
    %dma_start3A_20 = arith.constant 0 : i32
    %dma_start3A_21 = arith.constant 0 : i32
    %dma_start3A_22 = tpu.memref_slice %arg7[%dma_start3A_18, %dma_start3A_20, %dma_start3A_21] : memref<80x128x8xf32, #tpu.memory_space<vmem>> -> memref<1x128x8xf32, #tpu.memory_space<vmem>>
    %dma_start3A_23 = tpu.memref_squeeze %dma_start3A_22 : memref<1x128x8xf32, #tpu.memory_space<vmem>> -> memref<128x8xf32, #tpu.memory_space<vmem>>
    %dma_start3A_24 = arith.constant 0 : i32
    %dma_start3A_25 = tpu.memref_slice %arg6[%dma_start3A_19, %dma_start3A_24] : memref<80x128xi32, #tpu.memory_space<vmem>> -> memref<1x128xi32, #tpu.memory_space<vmem>>
    %dma_start3A_26 = tpu.memref_squeeze %dma_start3A_25 : memref<1x128xi32, #tpu.memory_space<vmem>> -> memref<128xi32, #tpu.memory_space<vmem>>
    %dma_start3A_27 = arith.constant 0 : i32
    %dma_start3A_28 = arith.constant 0 : i32
    %dma_start3A_29 = tpu.memref_slice %arg8[%dma_start3A_27, %dma_start3A_28] : memref<10016x8xf32, #tpu.memory_space<vmem_shared>> -> memref<10016x8xf32, #tpu.memory_space<vmem_shared>>
    tpu.enqueue_indirect_dma source(%dma_start3A_23 : memref<128x8xf32, #tpu.memory_space<vmem>>) target(%dma_start3A_29 : memref<10016x8xf32, #tpu.memory_space<vmem_shared>>) offsets(%dma_start3A_26 : memref<128xi32, #tpu.memory_space<vmem>>) semaphore(%arg9 : memref<!tpu.dma_semaphore, #tpu.memory_space<semaphore_mem>>) {add = true}
    %dma_start3A_30 = arith.constant 2 : i32
    %dma_start3A_31 = arith.constant 2 : i32
    %dma_start3A_32 = arith.constant 0 : i32
    %dma_start3A_33 = arith.constant 0 : i32
    %dma_start3A_34 = tpu.memref_slice %arg7[%dma_start3A_30, %dma_start3A_32, %dma_start3A_33] : memref<80x128x8xf32, #tpu.memory_space<vmem>> -> memref<1x128x8xf32, #tpu.memory_space<vmem>>
    %dma_start3A_35 = tpu.memref_squeeze %dma_start3A_34 : memref<1x128x8xf32, #tpu.memory_space<vmem>> -> memref<128x8xf32, #tpu.memory_space<vmem>>
    %dma_start3A_36 = arith.constant 0 : i32
    %dma_start3A_37 = tpu.memref_slice %arg6[%dma_start3A_31, %dma_start3A_36] : memref<80x128xi32, #tpu.memory_space<vmem>> -> memref<1x128xi32, #tpu.memory_space<vmem>>
    %dma_start3A_38 = tpu.memref_squeeze %dma_start3A_37 : memref<1x128xi32, #tpu.memory_space<vmem>> -> memref<128xi32, #tpu.memory_space<vmem>>
    %dma_start3A_39 = arith.constant 0 : i32
    %dma_start3A_40 = arith.constant 0 : i32
    %dma_start3A_41 = tpu.memref_slice %arg8[%dma_start3A_39, %dma_start3A_40] : memref<10016x8xf32, #tpu.memory_space<vmem_shared>> -> memref<10016x8xf32, #tpu.memory_space<vmem_shared>>
    tpu.enqueue_indirect_dma source(%dma_start3A_35 : memref<128x8xf32, #tpu.memory_space<vmem>>) target(%dma_start3A_41 : memref<10016x8xf32, #tpu.memory_space<vmem_shared>>) offsets(%dma_start3A_38 : memref<128xi32, #tpu.memory_space<vmem>>) semaphore(%arg9 : memref<!tpu.dma_semaphore, #tpu.memory_space<semaphore_mem>>) {add = true}
    %dma_start3A_42 = arith.constant 3 : i32
    %dma_start3A_43 = arith.constant 3 : i32
    %dma_start3A_44 = arith.constant 0 : i32
    %dma_start3A_45 = arith.constant 0 : i32
    %dma_start3A_46 = tpu.memref_slice %arg7[%dma_start3A_42, %dma_start3A_44, %dma_start3A_45] : memref<80x128x8xf32, #tpu.memory_space<vmem>> -> memref<1x128x8xf32, #tpu.memory_space<vmem>>
    %dma_start3A_47 = tpu.memref_squeeze %dma_start3A_46 : memref<1x128x8xf32, #tpu.memory_space<vmem>> -> memref<128x8xf32, #tpu.memory_space<vmem>>
    %dma_start3A_48 = arith.constant 0 : i32
    %dma_start3A_49 = tpu.memref_slice %arg6[%dma_start3A_43, %dma_start3A_48] : memref<80x128xi32, #tpu.memory_space<vmem>> -> memref<1x128xi32, #tpu.memory_space<vmem>>
    %dma_start3A_50 = tpu.memref_squeeze %dma_start3A_49 : memref<1x128xi32, #tpu.memory_space<vmem>> -> memref<128xi32, #tpu.memory_space<vmem>>
    %dma_start3A_51 = arith.constant 0 : i32
    %dma_start3A_52 = arith.constant 0 : i32
    %dma_start3A_53 = tpu.memref_slice %arg8[%dma_start3A_51, %dma_start3A_52] : memref<10016x8xf32, #tpu.memory_space<vmem_shared>> -> memref<10016x8xf32, #tpu.memory_space<vmem_shared>>
    tpu.enqueue_indirect_dma source(%dma_start3A_47 : memref<128x8xf32, #tpu.memory_space<vmem>>) target(%dma_start3A_53 : memref<10016x8xf32, #tpu.memory_space<vmem_shared>>) offsets(%dma_start3A_50 : memref<128xi32, #tpu.memory_space<vmem>>) semaphore(%arg9 : memref<!tpu.dma_semaphore, #tpu.memory_space<semaphore_mem>>) {add = true}
    %dma_start3A_54 = arith.constant 4 : i32
    %dma_start3A_55 = arith.constant 4 : i32
    %dma_start3A_56 = arith.constant 0 : i32
    %dma_start3A_57 = arith.constant 0 : i32
    %dma_start3A_58 = tpu.memref_slice %arg7[%dma_start3A_54, %dma_start3A_56, %dma_start3A_57] : memref<80x128x8xf32, #tpu.memory_space<vmem>> -> memref<1x128x8xf32, #tpu.memory_space<vmem>>
    %dma_start3A_59 = tpu.memref_squeeze %dma_start3A_58 : memref<1x128x8xf32, #tpu.memory_space<vmem>> -> memref<128x8xf32, #tpu.memory_space<vmem>>
    %dma_start3A_60 = arith.constant 0 : i32
    %dma_start3A_61 = tpu.memref_slice %arg6[%dma_start3A_55, %dma_start3A_60] : memref<80x128xi32, #tpu.memory_space<vmem>> -> memref<1x128xi32, #tpu.memory_space<vmem>>
    %dma_start3A_62 = tpu.memref_squeeze %dma_start3A_61 : memref<1x128xi32, #tpu.memory_space<vmem>> -> memref<128xi32, #tpu.memory_space<vmem>>
    %dma_start3A_63 = arith.constant 0 : i32
    %dma_start3A_64 = arith.constant 0 : i32
    %dma_start3A_65 = tpu.memref_slice %arg8[%dma_start3A_63, %dma_start3A_64] : memref<10016x8xf32, #tpu.memory_space<vmem_shared>> -> memref<10016x8xf32, #tpu.memory_space<vmem_shared>>
    tpu.enqueue_indirect_dma source(%dma_start3A_59 : memref<128x8xf32, #tpu.memory_space<vmem>>) target(%dma_start3A_65 : memref<10016x8xf32, #tpu.memory_space<vmem_shared>>) offsets(%dma_start3A_62 : memref<128xi32, #tpu.memory_space<vmem>>) semaphore(%arg9 : memref<!tpu.dma_semaphore, #tpu.memory_space<semaphore_mem>>) {add = true}
    %dma_start3A_66 = arith.constant 5 : i32
    %dma_start3A_67 = arith.constant 5 : i32
    %dma_start3A_68 = arith.constant 0 : i32
    %dma_start3A_69 = arith.constant 0 : i32
    %dma_start3A_70 = tpu.memref_slice %arg7[%dma_start3A_66, %dma_start3A_68, %dma_start3A_69] : memref<80x128x8xf32, #tpu.memory_space<vmem>> -> memref<1x128x8xf32, #tpu.memory_space<vmem>>
    %dma_start3A_71 = tpu.memref_squeeze %dma_start3A_70 : memref<1x128x8xf32, #tpu.memory_space<vmem>> -> memref<128x8xf32, #tpu.memory_space<vmem>>
    %dma_start3A_72 = arith.constant 0 : i32
    %dma_start3A_73 = tpu.memref_slice %arg6[%dma_start3A_67, %dma_start3A_72] : memref<80x128xi32, #tpu.memory_space<vmem>> -> memref<1x128xi32, #tpu.memory_space<vmem>>
    %dma_start3A_74 = tpu.memref_squeeze %dma_start3A_73 : memref<1x128xi32, #tpu.memory_space<vmem>> -> memref<128xi32, #tpu.memory_space<vmem>>
    %dma_start3A_75 = arith.constant 0 : i32
    %dma_start3A_76 = arith.constant 0 : i32
    %dma_start3A_77 = tpu.memref_slice %arg8[%dma_start3A_75, %dma_start3A_76] : memref<10016x8xf32, #tpu.memory_space<vmem_shared>> -> memref<10016x8xf32, #tpu.memory_space<vmem_shared>>
    tpu.enqueue_indirect_dma source(%dma_start3A_71 : memref<128x8xf32, #tpu.memory_space<vmem>>) target(%dma_start3A_77 : memref<10016x8xf32, #tpu.memory_space<vmem_shared>>) offsets(%dma_start3A_74 : memref<128xi32, #tpu.memory_space<vmem>>) semaphore(%arg9 : memref<!tpu.dma_semaphore, #tpu.memory_space<semaphore_mem>>) {add = true}
    %dma_start3A_78 = arith.constant 6 : i32
    %dma_start3A_79 = arith.constant 6 : i32
    %dma_start3A_80 = arith.constant 0 : i32
    %dma_start3A_81 = arith.constant 0 : i32
    %dma_start3A_82 = tpu.memref_slice %arg7[%dma_start3A_78, %dma_start3A_80, %dma_start3A_81] : memref<80x128x8xf32, #tpu.memory_space<vmem>> -> memref<1x128x8xf32, #tpu.memory_space<vmem>>
    %dma_start3A_83 = tpu.memref_squeeze %dma_start3A_82 : memref<1x128x8xf32, #tpu.memory_space<vmem>> -> memref<128x8xf32, #tpu.memory_space<vmem>>
    %dma_start3A_84 = arith.constant 0 : i32
    %dma_start3A_85 = tpu.memref_slice %arg6[%dma_start3A_79, %dma_start3A_84] : memref<80x128xi32, #tpu.memory_space<vmem>> -> memref<1x128xi32, #tpu.memory_space<vmem>>
    %dma_start3A_86 = tpu.memref_squeeze %dma_start3A_85 : memref<1x128xi32, #tpu.memory_space<vmem>> -> memref<128xi32, #tpu.memory_space<vmem>>
    %dma_start3A_87 = arith.constant 0 : i32
    %dma_start3A_88 = arith.constant 0 : i32
    %dma_start3A_89 = tpu.memref_slice %arg8[%dma_start3A_87, %dma_start3A_88] : memref<10016x8xf32, #tpu.memory_space<vmem_shared>> -> memref<10016x8xf32, #tpu.memory_space<vmem_shared>>
    tpu.enqueue_indirect_dma source(%dma_start3A_83 : memref<128x8xf32, #tpu.memory_space<vmem>>) target(%dma_start3A_89 : memref<10016x8xf32, #tpu.memory_space<vmem_shared>>) offsets(%dma_start3A_86 : memref<128xi32, #tpu.memory_space<vmem>>) semaphore(%arg9 : memref<!tpu.dma_semaphore, #tpu.memory_space<semaphore_mem>>) {add = true}
    %dma_start3A_90 = arith.constant 7 : i32
    %dma_start3A_91 = arith.constant 7 : i32
    %dma_start3A_92 = arith.constant 0 : i32
    %dma_start3A_93 = arith.constant 0 : i32
    %dma_start3A_94 = tpu.memref_slice %arg7[%dma_start3A_90, %dma_start3A_92, %dma_start3A_93] : memref<80x128x8xf32, #tpu.memory_space<vmem>> -> memref<1x128x8xf32, #tpu.memory_space<vmem>>
    %dma_start3A_95 = tpu.memref_squeeze %dma_start3A_94 : memref<1x128x8xf32, #tpu.memory_space<vmem>> -> memref<128x8xf32, #tpu.memory_space<vmem>>
    %dma_start3A_96 = arith.constant 0 : i32
    %dma_start3A_97 = tpu.memref_slice %arg6[%dma_start3A_91, %dma_start3A_96] : memref<80x128xi32, #tpu.memory_space<vmem>> -> memref<1x128xi32, #tpu.memory_space<vmem>>
    %dma_start3A_98 = tpu.memref_squeeze %dma_start3A_97 : memref<1x128xi32, #tpu.memory_space<vmem>> -> memref<128xi32, #tpu.memory_space<vmem>>
    %dma_start3A_99 = arith.constant 0 : i32
    %dma_start3A_100 = arith.constant 0 : i32
    %dma_start3A_101 = tpu.memref_slice %arg8[%dma_start3A_99, %dma_start3A_100] : memref<10016x8xf32, #tpu.memory_space<vmem_shared>> -> memref<10016x8xf32, #tpu.memory_space<vmem_shared>>
    tpu.enqueue_indirect_dma source(%dma_start3A_95 : memref<128x8xf32, #tpu.memory_space<vmem>>) target(%dma_start3A_101 : memref<10016x8xf32, #tpu.memory_space<vmem_shared>>) offsets(%dma_start3A_98 : memref<128xi32, #tpu.memory_space<vmem>>) semaphore(%arg9 : memref<!tpu.dma_semaphore, #tpu.memory_space<semaphore_mem>>) {add = true}
    %scan3A = arith.constant 0 : i32
    %scan3A_102 = arith.constant 0 : i32
    %scan3A_103 = arith.constant 80 : i32
    %scan3A_104 = arith.addi %scan3A_102, %scan3A_103 : i32
    %scan3A_105 = arith.constant 1 : i32
    scf.for %scan3A_112 = %scan3A_102 to %scan3A_104 step %scan3A_105  : i32 {
      %add3A_113 = arith.constant 8 : i32
      %add3A_114 = arith.addi %scan3A_112, %add3A_113 : i32
      %lt3A = arith.constant 80 : i32
      %lt3A_115 = arith.cmpi slt, %add3A_114, %lt3A : i32
      %convert_element_type3A = arith.extui %lt3A_115 : i1 to i32
      %cond3A = arith.constant 0 : i32
      %cond3A_116 = arith.cmpi ne, %convert_element_type3A, %cond3A : i32
      scf.if %cond3A_116 {
        %add3A_126 = arith.constant 8 : i32
        %add3A_127 = arith.addi %scan3A_112, %add3A_126 : i32
        %dma_start3A_128 = arith.constant 0 : i32
        %dma_start3A_129 = arith.constant 0 : i32
        %dma_start3A_130 = tpu.memref_slice %arg7[%add3A_127, %dma_start3A_128, %dma_start3A_129] : memref<80x128x8xf32, #tpu.memory_space<vmem>> -> memref<1x128x8xf32, #tpu.memory_space<vmem>>
        %dma_start3A_131 = tpu.memref_squeeze %dma_start3A_130 : memref<1x128x8xf32, #tpu.memory_space<vmem>> -> memref<128x8xf32, #tpu.memory_space<vmem>>
        %dma_start3A_132 = arith.constant 0 : i32
        %dma_start3A_133 = tpu.memref_slice %arg6[%add3A_127, %dma_start3A_132] : memref<80x128xi32, #tpu.memory_space<vmem>> -> memref<1x128xi32, #tpu.memory_space<vmem>>
        %dma_start3A_134 = tpu.memref_squeeze %dma_start3A_133 : memref<1x128xi32, #tpu.memory_space<vmem>> -> memref<128xi32, #tpu.memory_space<vmem>>
        %dma_start3A_135 = arith.constant 0 : i32
        %dma_start3A_136 = arith.constant 0 : i32
        %dma_start3A_137 = tpu.memref_slice %arg8[%dma_start3A_135, %dma_start3A_136] : memref<10016x8xf32, #tpu.memory_space<vmem_shared>> -> memref<10016x8xf32, #tpu.memory_space<vmem_shared>>
        tpu.enqueue_indirect_dma source(%dma_start3A_131 : memref<128x8xf32, #tpu.memory_space<vmem>>) target(%dma_start3A_137 : memref<10016x8xf32, #tpu.memory_space<vmem_shared>>) offsets(%dma_start3A_134 : memref<128xi32, #tpu.memory_space<vmem>>) semaphore(%arg9 : memref<!tpu.dma_semaphore, #tpu.memory_space<semaphore_mem>>) {add = true}
      } else {
      }
      %dma_wait3A = arith.constant 0 : i32
      %dma_wait3A_117 = arith.constant 0 : i32
      %dma_wait3A_118 = tpu.memref_slice %arg7[%scan3A_112, %dma_wait3A, %dma_wait3A_117] : memref<80x128x8xf32, #tpu.memory_space<vmem>> -> memref<1x128x8xf32, #tpu.memory_space<vmem>>
      %dma_wait3A_119 = tpu.memref_squeeze %dma_wait3A_118 : memref<1x128x8xf32, #tpu.memory_space<vmem>> -> memref<128x8xf32, #tpu.memory_space<vmem>>
      %dma_wait3A_120 = arith.constant 0 : i32
      %dma_wait3A_121 = tpu.memref_slice %arg6[%scan3A_112, %dma_wait3A_120] : memref<80x128xi32, #tpu.memory_space<vmem>> -> memref<1x128xi32, #tpu.memory_space<vmem>>
      %dma_wait3A_122 = tpu.memref_squeeze %dma_wait3A_121 : memref<1x128xi32, #tpu.memory_space<vmem>> -> memref<128xi32, #tpu.memory_space<vmem>>
      %dma_wait3A_123 = arith.constant 0 : i32
      %dma_wait3A_124 = arith.constant 0 : i32
      %dma_wait3A_125 = tpu.memref_slice %arg8[%dma_wait3A_123, %dma_wait3A_124] : memref<10016x8xf32, #tpu.memory_space<vmem_shared>> -> memref<10016x8xf32, #tpu.memory_space<vmem_shared>>
      tpu.wait_indirect_dma semaphore(%arg9 : memref<!tpu.dma_semaphore, #tpu.memory_space<semaphore_mem>>) src(%dma_wait3A_119 : memref<128x8xf32, #tpu.memory_space<vmem>>) dst(%dma_wait3A_125 : memref<10016x8xf32, #tpu.memory_space<vmem_shared>>)
    }
    %scan3A_106 = arith.constant 80 : i32
    %barrier3A_107 = arith.constant 0 : index
    tpu.barrier barrier_id(%barrier3A_107)
    %mul3A_108 = arith.constant 625 : i32
    %mul3A_109 = arith.muli %arg1, %mul3A_108 : i32
    %mul3A_110 = arith.constant 625 : i32
    %mul3A_111 = arith.muli %arg1, %mul3A_110 : i32
    "tpu.region"() ({
      %run_scoped3A = tpu.sem_alloc : memref<!tpu.dma_semaphore, #tpu.memory_space<semaphore_mem>>
      %dma_start3A_112 = arith.constant 0 : i32
      %dma_start3A_113 = tpu.memref_slice %arg5[%arg0, %mul3A_111, %dma_start3A_112] : memref<2x10000x8xf32, #tpu.memory_space<hbm>> -> memref<1x625x8xf32, #tpu.memory_space<hbm>>
      %dma_start3A_114 = tpu.memref_squeeze %dma_start3A_113 : memref<1x625x8xf32, #tpu.memory_space<hbm>> -> memref<625x8xf32, #tpu.memory_space<hbm>>
      %dma_start3A_115 = arith.constant 0 : i32
      %dma_start3A_116 = tpu.memref_slice %arg8[%mul3A_109, %dma_start3A_115] : memref<10016x8xf32, #tpu.memory_space<vmem_shared>> -> memref<625x8xf32, #tpu.memory_space<vmem_shared>>
      tpu.enqueue_dma source(%dma_start3A_116 : memref<625x8xf32, #tpu.memory_space<vmem_shared>>) target(%dma_start3A_114 : memref<625x8xf32, #tpu.memory_space<hbm>>) target_semaphore(%run_scoped3A : memref<!tpu.dma_semaphore, #tpu.memory_space<semaphore_mem>>)
      %dma_wait3A = arith.constant 0 : i32
      %dma_wait3A_117 = tpu.memref_slice %arg5[%arg0, %mul3A_111, %dma_wait3A] : memref<2x10000x8xf32, #tpu.memory_space<hbm>> -> memref<1x625x8xf32, #tpu.memory_space<hbm>>
      %dma_wait3A_118 = tpu.memref_squeeze %dma_wait3A_117 : memref<1x625x8xf32, #tpu.memory_space<hbm>> -> memref<625x8xf32, #tpu.memory_space<hbm>>
      %dma_wait3A_119 = arith.constant 0 : i32
      %dma_wait3A_120 = tpu.memref_slice %arg8[%mul3A_109, %dma_wait3A_119] : memref<10016x8xf32, #tpu.memory_space<vmem_shared>> -> memref<625x8xf32, #tpu.memory_space<vmem_shared>>
      tpu.wait_dma2 semaphore(%run_scoped3A : memref<!tpu.dma_semaphore, #tpu.memory_space<semaphore_mem>>) src(%dma_wait3A_120 : memref<625x8xf32, #tpu.memory_space<vmem_shared>>) dst(%dma_wait3A_118 : memref<625x8xf32, #tpu.memory_space<hbm>>)
      tpu.yield
    }) : () -> ()
    return
  }
}

module attributes {stable_mosaic.version = 14 : i64} {
  func.func @_mlp_body(%arg0: i32, %arg1: memref<1024x128xf32, #tpu.memory_space<vmem>>, %arg2: memref<1024x128xf32, #tpu.memory_space<vmem>>, %arg3: memref<8x64xf32, #tpu.memory_space<vmem>>, %arg4: memref<1x64xf32, #tpu.memory_space<vmem>>, %arg5: memref<64x64xf32, #tpu.memory_space<vmem>>, %arg6: memref<1x64xf32, #tpu.memory_space<vmem>>, %arg7: memref<8x64xf32, #tpu.memory_space<vmem>>, %arg8: memref<64x8xf32, #tpu.memory_space<vmem>>, %arg9: memref<1024x128xf32, #tpu.memory_space<vmem>>) attributes {dimension_semantics = [#tpu.dimension_semantics<arbitrary>], iteration_bounds = array<i64: 20>, scalar_prefetch = 0 : i64, scratch_operands = 0 : i64, tpu.core_type = #tpu.core_type<tc>, window_params = [{transform_indices = @transform_0, window_bounds = array<i64: 1024, 128>}, {transform_indices = @transform_1, window_bounds = array<i64: 1024, 128>}, {pipeline_mode = #tpu.pipeline_mode<synchronous>, transform_indices = @transform_2, window_bounds = array<i64: 8, 64>}, {pipeline_mode = #tpu.pipeline_mode<synchronous>, transform_indices = @transform_3, window_bounds = array<i64: 1, 64>}, {pipeline_mode = #tpu.pipeline_mode<synchronous>, transform_indices = @transform_4, window_bounds = array<i64: 64, 64>}, {pipeline_mode = #tpu.pipeline_mode<synchronous>, transform_indices = @transform_5, window_bounds = array<i64: 1, 64>}, {pipeline_mode = #tpu.pipeline_mode<synchronous>, transform_indices = @transform_6, window_bounds = array<i64: 8, 64>}, {pipeline_mode = #tpu.pipeline_mode<synchronous>, transform_indices = @transform_7, window_bounds = array<i64: 64, 8>}, {transform_indices = @transform_8, window_bounds = array<i64: 1024, 128>}]} {
    %get3A = arith.constant 0 : index
    %get3A_0 = arith.constant 0 : index
    %get3A_1 = vector.load %arg1[%get3A, %get3A_0] : memref<1024x128xf32, #tpu.memory_space<vmem>>, vector<1024x128xf32>
    %get3A_2 = arith.constant 0 : index
    %get3A_3 = arith.constant 0 : index
    %get3A_4 = vector.load %arg2[%get3A_2, %get3A_3] : memref<1024x128xf32, #tpu.memory_space<vmem>>, vector<1024x128xf32>
    %get3A_5 = arith.constant 0 : index
    %get3A_6 = arith.constant 0 : index
    %get3A_7 = vector.load %arg3[%get3A_5, %get3A_6] : memref<8x64xf32, #tpu.memory_space<vmem>>, vector<8x64xf32>
    %get3A_8 = arith.constant 0 : index
    %get3A_9 = arith.constant 0 : index
    %get3A_10 = vector.load %arg4[%get3A_8, %get3A_9] : memref<1x64xf32, #tpu.memory_space<vmem>>, vector<1x64xf32>
    %get3A_11 = arith.constant 0 : index
    %get3A_12 = arith.constant 0 : index
    %get3A_13 = vector.load %arg5[%get3A_11, %get3A_12] : memref<64x64xf32, #tpu.memory_space<vmem>>, vector<64x64xf32>
    %get3A_14 = arith.constant 0 : index
    %get3A_15 = arith.constant 0 : index
    %get3A_16 = vector.load %arg6[%get3A_14, %get3A_15] : memref<1x64xf32, #tpu.memory_space<vmem>>, vector<1x64xf32>
    %get3A_17 = arith.constant 0 : index
    %get3A_18 = arith.constant 0 : index
    %get3A_19 = vector.load %arg7[%get3A_17, %get3A_18] : memref<8x64xf32, #tpu.memory_space<vmem>>, vector<8x64xf32>
    %get3A_20 = arith.constant 0 : index
    %get3A_21 = arith.constant 0 : index
    %get3A_22 = vector.load %arg8[%get3A_20, %get3A_21] : memref<64x8xf32, #tpu.memory_space<vmem>>, vector<64x8xf32>
    %convert_element_type3A = arith.truncf %get3A_13 : vector<64x64xf32> to vector<64x64xbf16>
    %convert_element_type3A_23 = arith.truncf %get3A_19 : vector<8x64xf32> to vector<8x64xbf16>
    %slice3A = vector.extract_strided_slice %get3A_1 {offsets = [0, 0], sizes = [1024, 8], strides = [1, 1]} : vector<1024x128xf32> to vector<1024x8xf32>
    %slice3A_24 = vector.extract_strided_slice %get3A_4 {offsets = [0, 0], sizes = [1024, 8], strides = [1, 1]} : vector<1024x128xf32> to vector<1024x8xf32>
    %dot_general3A = arith.constant dense<0.000000e+00> : vector<1024x64xf32>
    %dot_general3A_25 = tpu.matmul %slice3A, %get3A_7, %dot_general3A {dimension_numbers = #tpu.dot_dimension_numbers<[1], [0], [0], [1], [0, 0, 1, 1], [], []>, transpose_lhs_hint = false} : vector<1024x8xf32>, vector<8x64xf32>, vector<1024x64xf32> -> vector<1024x64xf32>
    %add3A = vector.broadcast %get3A_10 : vector<1x64xf32> to vector<1024x64xf32>
    %add3A_26 = arith.addf %dot_general3A_25, %add3A : vector<1024x64xf32>
    %max3A = arith.constant 0.000000e+00 : f32
    %max3A_27 = vector.broadcast %max3A : f32 to vector<1024x64xf32>
    %max3A_28 = arith.maximumf %add3A_26, %max3A_27 : vector<1024x64xf32>
    %convert_element_type3A_29 = arith.truncf %max3A_28 : vector<1024x64xf32> to vector<1024x64xbf16>
    %dot_general3A_30 = arith.constant dense<0.000000e+00> : vector<1024x64xf32>
    %dot_general3A_31 = tpu.matmul %convert_element_type3A_29, %convert_element_type3A, %dot_general3A_30 {dimension_numbers = #tpu.dot_dimension_numbers<[1], [0], [0], [1], [0, 0, 1, 1], [], []>, transpose_lhs_hint = false} : vector<1024x64xbf16>, vector<64x64xbf16>, vector<1024x64xf32> -> vector<1024x64xf32>
    %add3A_32 = vector.broadcast %get3A_16 : vector<1x64xf32> to vector<1024x64xf32>
    %add3A_33 = arith.addf %dot_general3A_31, %add3A_32 : vector<1024x64xf32>
    %convert_element_type3A_34 = arith.truncf %add3A_33 : vector<1024x64xf32> to vector<1024x64xbf16>
    %convert_element_type3A_35 = arith.truncf %slice3A_24 : vector<1024x8xf32> to vector<1024x8xbf16>
    %dot_general3A_36 = arith.constant dense<0.000000e+00> : vector<1024x64xf32>
    %dot_general3A_37 = tpu.matmul %convert_element_type3A_35, %convert_element_type3A_23, %dot_general3A_36 {dimension_numbers = #tpu.dot_dimension_numbers<[1], [0], [0], [1], [0, 0, 1, 1], [], []>, transpose_lhs_hint = false} : vector<1024x8xbf16>, vector<8x64xbf16>, vector<1024x64xf32> -> vector<1024x64xf32>
    %convert_element_type3A_38 = arith.truncf %dot_general3A_37 : vector<1024x64xf32> to vector<1024x64xbf16>
    %mul3A = arith.mulf %convert_element_type3A_38, %convert_element_type3A_34 : vector<1024x64xbf16>
    %convert_element_type3A_39 = arith.truncf %get3A_22 : vector<64x8xf32> to vector<64x8xbf16>
    %dot_general3A_40 = arith.constant dense<0.000000e+00> : vector<1024x8xf32>
    %dot_general3A_41 = tpu.matmul %mul3A, %convert_element_type3A_39, %dot_general3A_40 {dimension_numbers = #tpu.dot_dimension_numbers<[1], [0], [0], [1], [0, 0, 1, 1], [], []>, transpose_lhs_hint = false} : vector<1024x64xbf16>, vector<64x8xbf16>, vector<1024x8xf32> -> vector<1024x8xf32>
    %slice3A_42 = vector.extract_strided_slice %get3A_1 {offsets = [0, 8], sizes = [1024, 8], strides = [1, 1]} : vector<1024x128xf32> to vector<1024x8xf32>
    %slice3A_43 = vector.extract_strided_slice %get3A_4 {offsets = [0, 8], sizes = [1024, 8], strides = [1, 1]} : vector<1024x128xf32> to vector<1024x8xf32>
    %dot_general3A_44 = arith.constant dense<0.000000e+00> : vector<1024x64xf32>
    %dot_general3A_45 = tpu.matmul %slice3A_42, %get3A_7, %dot_general3A_44 {dimension_numbers = #tpu.dot_dimension_numbers<[1], [0], [0], [1], [0, 0, 1, 1], [], []>, transpose_lhs_hint = false} : vector<1024x8xf32>, vector<8x64xf32>, vector<1024x64xf32> -> vector<1024x64xf32>
    %add3A_46 = vector.broadcast %get3A_10 : vector<1x64xf32> to vector<1024x64xf32>
    %add3A_47 = arith.addf %dot_general3A_45, %add3A_46 : vector<1024x64xf32>
    %max3A_48 = arith.constant 0.000000e+00 : f32
    %max3A_49 = vector.broadcast %max3A_48 : f32 to vector<1024x64xf32>
    %max3A_50 = arith.maximumf %add3A_47, %max3A_49 : vector<1024x64xf32>
    %convert_element_type3A_51 = arith.truncf %max3A_50 : vector<1024x64xf32> to vector<1024x64xbf16>
    %dot_general3A_52 = arith.constant dense<0.000000e+00> : vector<1024x64xf32>
    %dot_general3A_53 = tpu.matmul %convert_element_type3A_51, %convert_element_type3A, %dot_general3A_52 {dimension_numbers = #tpu.dot_dimension_numbers<[1], [0], [0], [1], [0, 0, 1, 1], [], []>, transpose_lhs_hint = false} : vector<1024x64xbf16>, vector<64x64xbf16>, vector<1024x64xf32> -> vector<1024x64xf32>
    %add3A_54 = vector.broadcast %get3A_16 : vector<1x64xf32> to vector<1024x64xf32>
    %add3A_55 = arith.addf %dot_general3A_53, %add3A_54 : vector<1024x64xf32>
    %convert_element_type3A_56 = arith.truncf %add3A_55 : vector<1024x64xf32> to vector<1024x64xbf16>
    %convert_element_type3A_57 = arith.truncf %slice3A_43 : vector<1024x8xf32> to vector<1024x8xbf16>
    %dot_general3A_58 = arith.constant dense<0.000000e+00> : vector<1024x64xf32>
    %dot_general3A_59 = tpu.matmul %convert_element_type3A_57, %convert_element_type3A_23, %dot_general3A_58 {dimension_numbers = #tpu.dot_dimension_numbers<[1], [0], [0], [1], [0, 0, 1, 1], [], []>, transpose_lhs_hint = false} : vector<1024x8xbf16>, vector<8x64xbf16>, vector<1024x64xf32> -> vector<1024x64xf32>
    %convert_element_type3A_60 = arith.truncf %dot_general3A_59 : vector<1024x64xf32> to vector<1024x64xbf16>
    %mul3A_61 = arith.mulf %convert_element_type3A_60, %convert_element_type3A_56 : vector<1024x64xbf16>
    %convert_element_type3A_62 = arith.truncf %get3A_22 : vector<64x8xf32> to vector<64x8xbf16>
    %dot_general3A_63 = arith.constant dense<0.000000e+00> : vector<1024x8xf32>
    %dot_general3A_64 = tpu.matmul %mul3A_61, %convert_element_type3A_62, %dot_general3A_63 {dimension_numbers = #tpu.dot_dimension_numbers<[1], [0], [0], [1], [0, 0, 1, 1], [], []>, transpose_lhs_hint = false} : vector<1024x64xbf16>, vector<64x8xbf16>, vector<1024x8xf32> -> vector<1024x8xf32>
    %slice3A_65 = vector.extract_strided_slice %get3A_1 {offsets = [0, 16], sizes = [1024, 8], strides = [1, 1]} : vector<1024x128xf32> to vector<1024x8xf32>
    %slice3A_66 = vector.extract_strided_slice %get3A_4 {offsets = [0, 16], sizes = [1024, 8], strides = [1, 1]} : vector<1024x128xf32> to vector<1024x8xf32>
    %dot_general3A_67 = arith.constant dense<0.000000e+00> : vector<1024x64xf32>
    %dot_general3A_68 = tpu.matmul %slice3A_65, %get3A_7, %dot_general3A_67 {dimension_numbers = #tpu.dot_dimension_numbers<[1], [0], [0], [1], [0, 0, 1, 1], [], []>, transpose_lhs_hint = false} : vector<1024x8xf32>, vector<8x64xf32>, vector<1024x64xf32> -> vector<1024x64xf32>
    %add3A_69 = vector.broadcast %get3A_10 : vector<1x64xf32> to vector<1024x64xf32>
    %add3A_70 = arith.addf %dot_general3A_68, %add3A_69 : vector<1024x64xf32>
    %max3A_71 = arith.constant 0.000000e+00 : f32
    %max3A_72 = vector.broadcast %max3A_71 : f32 to vector<1024x64xf32>
    %max3A_73 = arith.maximumf %add3A_70, %max3A_72 : vector<1024x64xf32>
    %convert_element_type3A_74 = arith.truncf %max3A_73 : vector<1024x64xf32> to vector<1024x64xbf16>
    %dot_general3A_75 = arith.constant dense<0.000000e+00> : vector<1024x64xf32>
    %dot_general3A_76 = tpu.matmul %convert_element_type3A_74, %convert_element_type3A, %dot_general3A_75 {dimension_numbers = #tpu.dot_dimension_numbers<[1], [0], [0], [1], [0, 0, 1, 1], [], []>, transpose_lhs_hint = false} : vector<1024x64xbf16>, vector<64x64xbf16>, vector<1024x64xf32> -> vector<1024x64xf32>
    %add3A_77 = vector.broadcast %get3A_16 : vector<1x64xf32> to vector<1024x64xf32>
    %add3A_78 = arith.addf %dot_general3A_76, %add3A_77 : vector<1024x64xf32>
    %convert_element_type3A_79 = arith.truncf %add3A_78 : vector<1024x64xf32> to vector<1024x64xbf16>
    %convert_element_type3A_80 = arith.truncf %slice3A_66 : vector<1024x8xf32> to vector<1024x8xbf16>
    %dot_general3A_81 = arith.constant dense<0.000000e+00> : vector<1024x64xf32>
    %dot_general3A_82 = tpu.matmul %convert_element_type3A_80, %convert_element_type3A_23, %dot_general3A_81 {dimension_numbers = #tpu.dot_dimension_numbers<[1], [0], [0], [1], [0, 0, 1, 1], [], []>, transpose_lhs_hint = false} : vector<1024x8xbf16>, vector<8x64xbf16>, vector<1024x64xf32> -> vector<1024x64xf32>
    %convert_element_type3A_83 = arith.truncf %dot_general3A_82 : vector<1024x64xf32> to vector<1024x64xbf16>
    %mul3A_84 = arith.mulf %convert_element_type3A_83, %convert_element_type3A_79 : vector<1024x64xbf16>
    %convert_element_type3A_85 = arith.truncf %get3A_22 : vector<64x8xf32> to vector<64x8xbf16>
    %dot_general3A_86 = arith.constant dense<0.000000e+00> : vector<1024x8xf32>
    %dot_general3A_87 = tpu.matmul %mul3A_84, %convert_element_type3A_85, %dot_general3A_86 {dimension_numbers = #tpu.dot_dimension_numbers<[1], [0], [0], [1], [0, 0, 1, 1], [], []>, transpose_lhs_hint = false} : vector<1024x64xbf16>, vector<64x8xbf16>, vector<1024x8xf32> -> vector<1024x8xf32>
    %slice3A_88 = vector.extract_strided_slice %get3A_1 {offsets = [0, 24], sizes = [1024, 8], strides = [1, 1]} : vector<1024x128xf32> to vector<1024x8xf32>
    %slice3A_89 = vector.extract_strided_slice %get3A_4 {offsets = [0, 24], sizes = [1024, 8], strides = [1, 1]} : vector<1024x128xf32> to vector<1024x8xf32>
    %dot_general3A_90 = arith.constant dense<0.000000e+00> : vector<1024x64xf32>
    %dot_general3A_91 = tpu.matmul %slice3A_88, %get3A_7, %dot_general3A_90 {dimension_numbers = #tpu.dot_dimension_numbers<[1], [0], [0], [1], [0, 0, 1, 1], [], []>, transpose_lhs_hint = false} : vector<1024x8xf32>, vector<8x64xf32>, vector<1024x64xf32> -> vector<1024x64xf32>
    %add3A_92 = vector.broadcast %get3A_10 : vector<1x64xf32> to vector<1024x64xf32>
    %add3A_93 = arith.addf %dot_general3A_91, %add3A_92 : vector<1024x64xf32>
    %max3A_94 = arith.constant 0.000000e+00 : f32
    %max3A_95 = vector.broadcast %max3A_94 : f32 to vector<1024x64xf32>
    %max3A_96 = arith.maximumf %add3A_93, %max3A_95 : vector<1024x64xf32>
    %convert_element_type3A_97 = arith.truncf %max3A_96 : vector<1024x64xf32> to vector<1024x64xbf16>
    %dot_general3A_98 = arith.constant dense<0.000000e+00> : vector<1024x64xf32>
    %dot_general3A_99 = tpu.matmul %convert_element_type3A_97, %convert_element_type3A, %dot_general3A_98 {dimension_numbers = #tpu.dot_dimension_numbers<[1], [0], [0], [1], [0, 0, 1, 1], [], []>, transpose_lhs_hint = false} : vector<1024x64xbf16>, vector<64x64xbf16>, vector<1024x64xf32> -> vector<1024x64xf32>
    %add3A_100 = vector.broadcast %get3A_16 : vector<1x64xf32> to vector<1024x64xf32>
    %add3A_101 = arith.addf %dot_general3A_99, %add3A_100 : vector<1024x64xf32>
    %convert_element_type3A_102 = arith.truncf %add3A_101 : vector<1024x64xf32> to vector<1024x64xbf16>
    %convert_element_type3A_103 = arith.truncf %slice3A_89 : vector<1024x8xf32> to vector<1024x8xbf16>
    %dot_general3A_104 = arith.constant dense<0.000000e+00> : vector<1024x64xf32>
    %dot_general3A_105 = tpu.matmul %convert_element_type3A_103, %convert_element_type3A_23, %dot_general3A_104 {dimension_numbers = #tpu.dot_dimension_numbers<[1], [0], [0], [1], [0, 0, 1, 1], [], []>, transpose_lhs_hint = false} : vector<1024x8xbf16>, vector<8x64xbf16>, vector<1024x64xf32> -> vector<1024x64xf32>
    %convert_element_type3A_106 = arith.truncf %dot_general3A_105 : vector<1024x64xf32> to vector<1024x64xbf16>
    %mul3A_107 = arith.mulf %convert_element_type3A_106, %convert_element_type3A_102 : vector<1024x64xbf16>
    %convert_element_type3A_108 = arith.truncf %get3A_22 : vector<64x8xf32> to vector<64x8xbf16>
    %dot_general3A_109 = arith.constant dense<0.000000e+00> : vector<1024x8xf32>
    %dot_general3A_110 = tpu.matmul %mul3A_107, %convert_element_type3A_108, %dot_general3A_109 {dimension_numbers = #tpu.dot_dimension_numbers<[1], [0], [0], [1], [0, 0, 1, 1], [], []>, transpose_lhs_hint = false} : vector<1024x64xbf16>, vector<64x8xbf16>, vector<1024x8xf32> -> vector<1024x8xf32>
    %slice3A_111 = vector.extract_strided_slice %get3A_1 {offsets = [0, 32], sizes = [1024, 8], strides = [1, 1]} : vector<1024x128xf32> to vector<1024x8xf32>
    %slice3A_112 = vector.extract_strided_slice %get3A_4 {offsets = [0, 32], sizes = [1024, 8], strides = [1, 1]} : vector<1024x128xf32> to vector<1024x8xf32>
    %dot_general3A_113 = arith.constant dense<0.000000e+00> : vector<1024x64xf32>
    %dot_general3A_114 = tpu.matmul %slice3A_111, %get3A_7, %dot_general3A_113 {dimension_numbers = #tpu.dot_dimension_numbers<[1], [0], [0], [1], [0, 0, 1, 1], [], []>, transpose_lhs_hint = false} : vector<1024x8xf32>, vector<8x64xf32>, vector<1024x64xf32> -> vector<1024x64xf32>
    %add3A_115 = vector.broadcast %get3A_10 : vector<1x64xf32> to vector<1024x64xf32>
    %add3A_116 = arith.addf %dot_general3A_114, %add3A_115 : vector<1024x64xf32>
    %max3A_117 = arith.constant 0.000000e+00 : f32
    %max3A_118 = vector.broadcast %max3A_117 : f32 to vector<1024x64xf32>
    %max3A_119 = arith.maximumf %add3A_116, %max3A_118 : vector<1024x64xf32>
    %convert_element_type3A_120 = arith.truncf %max3A_119 : vector<1024x64xf32> to vector<1024x64xbf16>
    %dot_general3A_121 = arith.constant dense<0.000000e+00> : vector<1024x64xf32>
    %dot_general3A_122 = tpu.matmul %convert_element_type3A_120, %convert_element_type3A, %dot_general3A_121 {dimension_numbers = #tpu.dot_dimension_numbers<[1], [0], [0], [1], [0, 0, 1, 1], [], []>, transpose_lhs_hint = false} : vector<1024x64xbf16>, vector<64x64xbf16>, vector<1024x64xf32> -> vector<1024x64xf32>
    %add3A_123 = vector.broadcast %get3A_16 : vector<1x64xf32> to vector<1024x64xf32>
    %add3A_124 = arith.addf %dot_general3A_122, %add3A_123 : vector<1024x64xf32>
    %convert_element_type3A_125 = arith.truncf %add3A_124 : vector<1024x64xf32> to vector<1024x64xbf16>
    %convert_element_type3A_126 = arith.truncf %slice3A_112 : vector<1024x8xf32> to vector<1024x8xbf16>
    %dot_general3A_127 = arith.constant dense<0.000000e+00> : vector<1024x64xf32>
    %dot_general3A_128 = tpu.matmul %convert_element_type3A_126, %convert_element_type3A_23, %dot_general3A_127 {dimension_numbers = #tpu.dot_dimension_numbers<[1], [0], [0], [1], [0, 0, 1, 1], [], []>, transpose_lhs_hint = false} : vector<1024x8xbf16>, vector<8x64xbf16>, vector<1024x64xf32> -> vector<1024x64xf32>
    %convert_element_type3A_129 = arith.truncf %dot_general3A_128 : vector<1024x64xf32> to vector<1024x64xbf16>
    %mul3A_130 = arith.mulf %convert_element_type3A_129, %convert_element_type3A_125 : vector<1024x64xbf16>
    %convert_element_type3A_131 = arith.truncf %get3A_22 : vector<64x8xf32> to vector<64x8xbf16>
    %dot_general3A_132 = arith.constant dense<0.000000e+00> : vector<1024x8xf32>
    %dot_general3A_133 = tpu.matmul %mul3A_130, %convert_element_type3A_131, %dot_general3A_132 {dimension_numbers = #tpu.dot_dimension_numbers<[1], [0], [0], [1], [0, 0, 1, 1], [], []>, transpose_lhs_hint = false} : vector<1024x64xbf16>, vector<64x8xbf16>, vector<1024x8xf32> -> vector<1024x8xf32>
    %slice3A_134 = vector.extract_strided_slice %get3A_1 {offsets = [0, 40], sizes = [1024, 8], strides = [1, 1]} : vector<1024x128xf32> to vector<1024x8xf32>
    %slice3A_135 = vector.extract_strided_slice %get3A_4 {offsets = [0, 40], sizes = [1024, 8], strides = [1, 1]} : vector<1024x128xf32> to vector<1024x8xf32>
    %dot_general3A_136 = arith.constant dense<0.000000e+00> : vector<1024x64xf32>
    %dot_general3A_137 = tpu.matmul %slice3A_134, %get3A_7, %dot_general3A_136 {dimension_numbers = #tpu.dot_dimension_numbers<[1], [0], [0], [1], [0, 0, 1, 1], [], []>, transpose_lhs_hint = false} : vector<1024x8xf32>, vector<8x64xf32>, vector<1024x64xf32> -> vector<1024x64xf32>
    %add3A_138 = vector.broadcast %get3A_10 : vector<1x64xf32> to vector<1024x64xf32>
    %add3A_139 = arith.addf %dot_general3A_137, %add3A_138 : vector<1024x64xf32>
    %max3A_140 = arith.constant 0.000000e+00 : f32
    %max3A_141 = vector.broadcast %max3A_140 : f32 to vector<1024x64xf32>
    %max3A_142 = arith.maximumf %add3A_139, %max3A_141 : vector<1024x64xf32>
    %convert_element_type3A_143 = arith.truncf %max3A_142 : vector<1024x64xf32> to vector<1024x64xbf16>
    %dot_general3A_144 = arith.constant dense<0.000000e+00> : vector<1024x64xf32>
    %dot_general3A_145 = tpu.matmul %convert_element_type3A_143, %convert_element_type3A, %dot_general3A_144 {dimension_numbers = #tpu.dot_dimension_numbers<[1], [0], [0], [1], [0, 0, 1, 1], [], []>, transpose_lhs_hint = false} : vector<1024x64xbf16>, vector<64x64xbf16>, vector<1024x64xf32> -> vector<1024x64xf32>
    %add3A_146 = vector.broadcast %get3A_16 : vector<1x64xf32> to vector<1024x64xf32>
    %add3A_147 = arith.addf %dot_general3A_145, %add3A_146 : vector<1024x64xf32>
    %convert_element_type3A_148 = arith.truncf %add3A_147 : vector<1024x64xf32> to vector<1024x64xbf16>
    %convert_element_type3A_149 = arith.truncf %slice3A_135 : vector<1024x8xf32> to vector<1024x8xbf16>
    %dot_general3A_150 = arith.constant dense<0.000000e+00> : vector<1024x64xf32>
    %dot_general3A_151 = tpu.matmul %convert_element_type3A_149, %convert_element_type3A_23, %dot_general3A_150 {dimension_numbers = #tpu.dot_dimension_numbers<[1], [0], [0], [1], [0, 0, 1, 1], [], []>, transpose_lhs_hint = false} : vector<1024x8xbf16>, vector<8x64xbf16>, vector<1024x64xf32> -> vector<1024x64xf32>
    %convert_element_type3A_152 = arith.truncf %dot_general3A_151 : vector<1024x64xf32> to vector<1024x64xbf16>
    %mul3A_153 = arith.mulf %convert_element_type3A_152, %convert_element_type3A_148 : vector<1024x64xbf16>
    %convert_element_type3A_154 = arith.truncf %get3A_22 : vector<64x8xf32> to vector<64x8xbf16>
    %dot_general3A_155 = arith.constant dense<0.000000e+00> : vector<1024x8xf32>
    %dot_general3A_156 = tpu.matmul %mul3A_153, %convert_element_type3A_154, %dot_general3A_155 {dimension_numbers = #tpu.dot_dimension_numbers<[1], [0], [0], [1], [0, 0, 1, 1], [], []>, transpose_lhs_hint = false} : vector<1024x64xbf16>, vector<64x8xbf16>, vector<1024x8xf32> -> vector<1024x8xf32>
    %slice3A_157 = vector.extract_strided_slice %get3A_1 {offsets = [0, 48], sizes = [1024, 8], strides = [1, 1]} : vector<1024x128xf32> to vector<1024x8xf32>
    %slice3A_158 = vector.extract_strided_slice %get3A_4 {offsets = [0, 48], sizes = [1024, 8], strides = [1, 1]} : vector<1024x128xf32> to vector<1024x8xf32>
    %dot_general3A_159 = arith.constant dense<0.000000e+00> : vector<1024x64xf32>
    %dot_general3A_160 = tpu.matmul %slice3A_157, %get3A_7, %dot_general3A_159 {dimension_numbers = #tpu.dot_dimension_numbers<[1], [0], [0], [1], [0, 0, 1, 1], [], []>, transpose_lhs_hint = false} : vector<1024x8xf32>, vector<8x64xf32>, vector<1024x64xf32> -> vector<1024x64xf32>
    %add3A_161 = vector.broadcast %get3A_10 : vector<1x64xf32> to vector<1024x64xf32>
    %add3A_162 = arith.addf %dot_general3A_160, %add3A_161 : vector<1024x64xf32>
    %max3A_163 = arith.constant 0.000000e+00 : f32
    %max3A_164 = vector.broadcast %max3A_163 : f32 to vector<1024x64xf32>
    %max3A_165 = arith.maximumf %add3A_162, %max3A_164 : vector<1024x64xf32>
    %convert_element_type3A_166 = arith.truncf %max3A_165 : vector<1024x64xf32> to vector<1024x64xbf16>
    %dot_general3A_167 = arith.constant dense<0.000000e+00> : vector<1024x64xf32>
    %dot_general3A_168 = tpu.matmul %convert_element_type3A_166, %convert_element_type3A, %dot_general3A_167 {dimension_numbers = #tpu.dot_dimension_numbers<[1], [0], [0], [1], [0, 0, 1, 1], [], []>, transpose_lhs_hint = false} : vector<1024x64xbf16>, vector<64x64xbf16>, vector<1024x64xf32> -> vector<1024x64xf32>
    %add3A_169 = vector.broadcast %get3A_16 : vector<1x64xf32> to vector<1024x64xf32>
    %add3A_170 = arith.addf %dot_general3A_168, %add3A_169 : vector<1024x64xf32>
    %convert_element_type3A_171 = arith.truncf %add3A_170 : vector<1024x64xf32> to vector<1024x64xbf16>
    %convert_element_type3A_172 = arith.truncf %slice3A_158 : vector<1024x8xf32> to vector<1024x8xbf16>
    %dot_general3A_173 = arith.constant dense<0.000000e+00> : vector<1024x64xf32>
    %dot_general3A_174 = tpu.matmul %convert_element_type3A_172, %convert_element_type3A_23, %dot_general3A_173 {dimension_numbers = #tpu.dot_dimension_numbers<[1], [0], [0], [1], [0, 0, 1, 1], [], []>, transpose_lhs_hint = false} : vector<1024x8xbf16>, vector<8x64xbf16>, vector<1024x64xf32> -> vector<1024x64xf32>
    %convert_element_type3A_175 = arith.truncf %dot_general3A_174 : vector<1024x64xf32> to vector<1024x64xbf16>
    %mul3A_176 = arith.mulf %convert_element_type3A_175, %convert_element_type3A_171 : vector<1024x64xbf16>
    %convert_element_type3A_177 = arith.truncf %get3A_22 : vector<64x8xf32> to vector<64x8xbf16>
    %dot_general3A_178 = arith.constant dense<0.000000e+00> : vector<1024x8xf32>
    %dot_general3A_179 = tpu.matmul %mul3A_176, %convert_element_type3A_177, %dot_general3A_178 {dimension_numbers = #tpu.dot_dimension_numbers<[1], [0], [0], [1], [0, 0, 1, 1], [], []>, transpose_lhs_hint = false} : vector<1024x64xbf16>, vector<64x8xbf16>, vector<1024x8xf32> -> vector<1024x8xf32>
    %slice3A_180 = vector.extract_strided_slice %get3A_1 {offsets = [0, 56], sizes = [1024, 8], strides = [1, 1]} : vector<1024x128xf32> to vector<1024x8xf32>
    %slice3A_181 = vector.extract_strided_slice %get3A_4 {offsets = [0, 56], sizes = [1024, 8], strides = [1, 1]} : vector<1024x128xf32> to vector<1024x8xf32>
    %dot_general3A_182 = arith.constant dense<0.000000e+00> : vector<1024x64xf32>
    %dot_general3A_183 = tpu.matmul %slice3A_180, %get3A_7, %dot_general3A_182 {dimension_numbers = #tpu.dot_dimension_numbers<[1], [0], [0], [1], [0, 0, 1, 1], [], []>, transpose_lhs_hint = false} : vector<1024x8xf32>, vector<8x64xf32>, vector<1024x64xf32> -> vector<1024x64xf32>
    %add3A_184 = vector.broadcast %get3A_10 : vector<1x64xf32> to vector<1024x64xf32>
    %add3A_185 = arith.addf %dot_general3A_183, %add3A_184 : vector<1024x64xf32>
    %max3A_186 = arith.constant 0.000000e+00 : f32
    %max3A_187 = vector.broadcast %max3A_186 : f32 to vector<1024x64xf32>
    %max3A_188 = arith.maximumf %add3A_185, %max3A_187 : vector<1024x64xf32>
    %convert_element_type3A_189 = arith.truncf %max3A_188 : vector<1024x64xf32> to vector<1024x64xbf16>
    %dot_general3A_190 = arith.constant dense<0.000000e+00> : vector<1024x64xf32>
    %dot_general3A_191 = tpu.matmul %convert_element_type3A_189, %convert_element_type3A, %dot_general3A_190 {dimension_numbers = #tpu.dot_dimension_numbers<[1], [0], [0], [1], [0, 0, 1, 1], [], []>, transpose_lhs_hint = false} : vector<1024x64xbf16>, vector<64x64xbf16>, vector<1024x64xf32> -> vector<1024x64xf32>
    %add3A_192 = vector.broadcast %get3A_16 : vector<1x64xf32> to vector<1024x64xf32>
    %add3A_193 = arith.addf %dot_general3A_191, %add3A_192 : vector<1024x64xf32>
    %convert_element_type3A_194 = arith.truncf %add3A_193 : vector<1024x64xf32> to vector<1024x64xbf16>
    %convert_element_type3A_195 = arith.truncf %slice3A_181 : vector<1024x8xf32> to vector<1024x8xbf16>
    %dot_general3A_196 = arith.constant dense<0.000000e+00> : vector<1024x64xf32>
    %dot_general3A_197 = tpu.matmul %convert_element_type3A_195, %convert_element_type3A_23, %dot_general3A_196 {dimension_numbers = #tpu.dot_dimension_numbers<[1], [0], [0], [1], [0, 0, 1, 1], [], []>, transpose_lhs_hint = false} : vector<1024x8xbf16>, vector<8x64xbf16>, vector<1024x64xf32> -> vector<1024x64xf32>
    %convert_element_type3A_198 = arith.truncf %dot_general3A_197 : vector<1024x64xf32> to vector<1024x64xbf16>
    %mul3A_199 = arith.mulf %convert_element_type3A_198, %convert_element_type3A_194 : vector<1024x64xbf16>
    %convert_element_type3A_200 = arith.truncf %get3A_22 : vector<64x8xf32> to vector<64x8xbf16>
    %dot_general3A_201 = arith.constant dense<0.000000e+00> : vector<1024x8xf32>
    %dot_general3A_202 = tpu.matmul %mul3A_199, %convert_element_type3A_200, %dot_general3A_201 {dimension_numbers = #tpu.dot_dimension_numbers<[1], [0], [0], [1], [0, 0, 1, 1], [], []>, transpose_lhs_hint = false} : vector<1024x64xbf16>, vector<64x8xbf16>, vector<1024x8xf32> -> vector<1024x8xf32>
    %slice3A_203 = vector.extract_strided_slice %get3A_1 {offsets = [0, 64], sizes = [1024, 8], strides = [1, 1]} : vector<1024x128xf32> to vector<1024x8xf32>
    %slice3A_204 = vector.extract_strided_slice %get3A_4 {offsets = [0, 64], sizes = [1024, 8], strides = [1, 1]} : vector<1024x128xf32> to vector<1024x8xf32>
    %dot_general3A_205 = arith.constant dense<0.000000e+00> : vector<1024x64xf32>
    %dot_general3A_206 = tpu.matmul %slice3A_203, %get3A_7, %dot_general3A_205 {dimension_numbers = #tpu.dot_dimension_numbers<[1], [0], [0], [1], [0, 0, 1, 1], [], []>, transpose_lhs_hint = false} : vector<1024x8xf32>, vector<8x64xf32>, vector<1024x64xf32> -> vector<1024x64xf32>
    %add3A_207 = vector.broadcast %get3A_10 : vector<1x64xf32> to vector<1024x64xf32>
    %add3A_208 = arith.addf %dot_general3A_206, %add3A_207 : vector<1024x64xf32>
    %max3A_209 = arith.constant 0.000000e+00 : f32
    %max3A_210 = vector.broadcast %max3A_209 : f32 to vector<1024x64xf32>
    %max3A_211 = arith.maximumf %add3A_208, %max3A_210 : vector<1024x64xf32>
    %convert_element_type3A_212 = arith.truncf %max3A_211 : vector<1024x64xf32> to vector<1024x64xbf16>
    %dot_general3A_213 = arith.constant dense<0.000000e+00> : vector<1024x64xf32>
    %dot_general3A_214 = tpu.matmul %convert_element_type3A_212, %convert_element_type3A, %dot_general3A_213 {dimension_numbers = #tpu.dot_dimension_numbers<[1], [0], [0], [1], [0, 0, 1, 1], [], []>, transpose_lhs_hint = false} : vector<1024x64xbf16>, vector<64x64xbf16>, vector<1024x64xf32> -> vector<1024x64xf32>
    %add3A_215 = vector.broadcast %get3A_16 : vector<1x64xf32> to vector<1024x64xf32>
    %add3A_216 = arith.addf %dot_general3A_214, %add3A_215 : vector<1024x64xf32>
    %convert_element_type3A_217 = arith.truncf %add3A_216 : vector<1024x64xf32> to vector<1024x64xbf16>
    %convert_element_type3A_218 = arith.truncf %slice3A_204 : vector<1024x8xf32> to vector<1024x8xbf16>
    %dot_general3A_219 = arith.constant dense<0.000000e+00> : vector<1024x64xf32>
    %dot_general3A_220 = tpu.matmul %convert_element_type3A_218, %convert_element_type3A_23, %dot_general3A_219 {dimension_numbers = #tpu.dot_dimension_numbers<[1], [0], [0], [1], [0, 0, 1, 1], [], []>, transpose_lhs_hint = false} : vector<1024x8xbf16>, vector<8x64xbf16>, vector<1024x64xf32> -> vector<1024x64xf32>
    %convert_element_type3A_221 = arith.truncf %dot_general3A_220 : vector<1024x64xf32> to vector<1024x64xbf16>
    %mul3A_222 = arith.mulf %convert_element_type3A_221, %convert_element_type3A_217 : vector<1024x64xbf16>
    %convert_element_type3A_223 = arith.truncf %get3A_22 : vector<64x8xf32> to vector<64x8xbf16>
    %dot_general3A_224 = arith.constant dense<0.000000e+00> : vector<1024x8xf32>
    %dot_general3A_225 = tpu.matmul %mul3A_222, %convert_element_type3A_223, %dot_general3A_224 {dimension_numbers = #tpu.dot_dimension_numbers<[1], [0], [0], [1], [0, 0, 1, 1], [], []>, transpose_lhs_hint = false} : vector<1024x64xbf16>, vector<64x8xbf16>, vector<1024x8xf32> -> vector<1024x8xf32>
    %slice3A_226 = vector.extract_strided_slice %get3A_1 {offsets = [0, 72], sizes = [1024, 8], strides = [1, 1]} : vector<1024x128xf32> to vector<1024x8xf32>
    %slice3A_227 = vector.extract_strided_slice %get3A_4 {offsets = [0, 72], sizes = [1024, 8], strides = [1, 1]} : vector<1024x128xf32> to vector<1024x8xf32>
    %dot_general3A_228 = arith.constant dense<0.000000e+00> : vector<1024x64xf32>
    %dot_general3A_229 = tpu.matmul %slice3A_226, %get3A_7, %dot_general3A_228 {dimension_numbers = #tpu.dot_dimension_numbers<[1], [0], [0], [1], [0, 0, 1, 1], [], []>, transpose_lhs_hint = false} : vector<1024x8xf32>, vector<8x64xf32>, vector<1024x64xf32> -> vector<1024x64xf32>
    %add3A_230 = vector.broadcast %get3A_10 : vector<1x64xf32> to vector<1024x64xf32>
    %add3A_231 = arith.addf %dot_general3A_229, %add3A_230 : vector<1024x64xf32>
    %max3A_232 = arith.constant 0.000000e+00 : f32
    %max3A_233 = vector.broadcast %max3A_232 : f32 to vector<1024x64xf32>
    %max3A_234 = arith.maximumf %add3A_231, %max3A_233 : vector<1024x64xf32>
    %convert_element_type3A_235 = arith.truncf %max3A_234 : vector<1024x64xf32> to vector<1024x64xbf16>
    %dot_general3A_236 = arith.constant dense<0.000000e+00> : vector<1024x64xf32>
    %dot_general3A_237 = tpu.matmul %convert_element_type3A_235, %convert_element_type3A, %dot_general3A_236 {dimension_numbers = #tpu.dot_dimension_numbers<[1], [0], [0], [1], [0, 0, 1, 1], [], []>, transpose_lhs_hint = false} : vector<1024x64xbf16>, vector<64x64xbf16>, vector<1024x64xf32> -> vector<1024x64xf32>
    %add3A_238 = vector.broadcast %get3A_16 : vector<1x64xf32> to vector<1024x64xf32>
    %add3A_239 = arith.addf %dot_general3A_237, %add3A_238 : vector<1024x64xf32>
    %convert_element_type3A_240 = arith.truncf %add3A_239 : vector<1024x64xf32> to vector<1024x64xbf16>
    %convert_element_type3A_241 = arith.truncf %slice3A_227 : vector<1024x8xf32> to vector<1024x8xbf16>
    %dot_general3A_242 = arith.constant dense<0.000000e+00> : vector<1024x64xf32>
    %dot_general3A_243 = tpu.matmul %convert_element_type3A_241, %convert_element_type3A_23, %dot_general3A_242 {dimension_numbers = #tpu.dot_dimension_numbers<[1], [0], [0], [1], [0, 0, 1, 1], [], []>, transpose_lhs_hint = false} : vector<1024x8xbf16>, vector<8x64xbf16>, vector<1024x64xf32> -> vector<1024x64xf32>
    %convert_element_type3A_244 = arith.truncf %dot_general3A_243 : vector<1024x64xf32> to vector<1024x64xbf16>
    %mul3A_245 = arith.mulf %convert_element_type3A_244, %convert_element_type3A_240 : vector<1024x64xbf16>
    %convert_element_type3A_246 = arith.truncf %get3A_22 : vector<64x8xf32> to vector<64x8xbf16>
    %dot_general3A_247 = arith.constant dense<0.000000e+00> : vector<1024x8xf32>
    %dot_general3A_248 = tpu.matmul %mul3A_245, %convert_element_type3A_246, %dot_general3A_247 {dimension_numbers = #tpu.dot_dimension_numbers<[1], [0], [0], [1], [0, 0, 1, 1], [], []>, transpose_lhs_hint = false} : vector<1024x64xbf16>, vector<64x8xbf16>, vector<1024x8xf32> -> vector<1024x8xf32>
    %slice3A_249 = vector.extract_strided_slice %get3A_1 {offsets = [0, 80], sizes = [1024, 8], strides = [1, 1]} : vector<1024x128xf32> to vector<1024x8xf32>
    %slice3A_250 = vector.extract_strided_slice %get3A_4 {offsets = [0, 80], sizes = [1024, 8], strides = [1, 1]} : vector<1024x128xf32> to vector<1024x8xf32>
    %dot_general3A_251 = arith.constant dense<0.000000e+00> : vector<1024x64xf32>
    %dot_general3A_252 = tpu.matmul %slice3A_249, %get3A_7, %dot_general3A_251 {dimension_numbers = #tpu.dot_dimension_numbers<[1], [0], [0], [1], [0, 0, 1, 1], [], []>, transpose_lhs_hint = false} : vector<1024x8xf32>, vector<8x64xf32>, vector<1024x64xf32> -> vector<1024x64xf32>
    %add3A_253 = vector.broadcast %get3A_10 : vector<1x64xf32> to vector<1024x64xf32>
    %add3A_254 = arith.addf %dot_general3A_252, %add3A_253 : vector<1024x64xf32>
    %max3A_255 = arith.constant 0.000000e+00 : f32
    %max3A_256 = vector.broadcast %max3A_255 : f32 to vector<1024x64xf32>
    %max3A_257 = arith.maximumf %add3A_254, %max3A_256 : vector<1024x64xf32>
    %convert_element_type3A_258 = arith.truncf %max3A_257 : vector<1024x64xf32> to vector<1024x64xbf16>
    %dot_general3A_259 = arith.constant dense<0.000000e+00> : vector<1024x64xf32>
    %dot_general3A_260 = tpu.matmul %convert_element_type3A_258, %convert_element_type3A, %dot_general3A_259 {dimension_numbers = #tpu.dot_dimension_numbers<[1], [0], [0], [1], [0, 0, 1, 1], [], []>, transpose_lhs_hint = false} : vector<1024x64xbf16>, vector<64x64xbf16>, vector<1024x64xf32> -> vector<1024x64xf32>
    %add3A_261 = vector.broadcast %get3A_16 : vector<1x64xf32> to vector<1024x64xf32>
    %add3A_262 = arith.addf %dot_general3A_260, %add3A_261 : vector<1024x64xf32>
    %convert_element_type3A_263 = arith.truncf %add3A_262 : vector<1024x64xf32> to vector<1024x64xbf16>
    %convert_element_type3A_264 = arith.truncf %slice3A_250 : vector<1024x8xf32> to vector<1024x8xbf16>
    %dot_general3A_265 = arith.constant dense<0.000000e+00> : vector<1024x64xf32>
    %dot_general3A_266 = tpu.matmul %convert_element_type3A_264, %convert_element_type3A_23, %dot_general3A_265 {dimension_numbers = #tpu.dot_dimension_numbers<[1], [0], [0], [1], [0, 0, 1, 1], [], []>, transpose_lhs_hint = false} : vector<1024x8xbf16>, vector<8x64xbf16>, vector<1024x64xf32> -> vector<1024x64xf32>
    %convert_element_type3A_267 = arith.truncf %dot_general3A_266 : vector<1024x64xf32> to vector<1024x64xbf16>
    %mul3A_268 = arith.mulf %convert_element_type3A_267, %convert_element_type3A_263 : vector<1024x64xbf16>
    %convert_element_type3A_269 = arith.truncf %get3A_22 : vector<64x8xf32> to vector<64x8xbf16>
    %dot_general3A_270 = arith.constant dense<0.000000e+00> : vector<1024x8xf32>
    %dot_general3A_271 = tpu.matmul %mul3A_268, %convert_element_type3A_269, %dot_general3A_270 {dimension_numbers = #tpu.dot_dimension_numbers<[1], [0], [0], [1], [0, 0, 1, 1], [], []>, transpose_lhs_hint = false} : vector<1024x64xbf16>, vector<64x8xbf16>, vector<1024x8xf32> -> vector<1024x8xf32>
    %slice3A_272 = vector.extract_strided_slice %get3A_1 {offsets = [0, 88], sizes = [1024, 8], strides = [1, 1]} : vector<1024x128xf32> to vector<1024x8xf32>
    %slice3A_273 = vector.extract_strided_slice %get3A_4 {offsets = [0, 88], sizes = [1024, 8], strides = [1, 1]} : vector<1024x128xf32> to vector<1024x8xf32>
    %dot_general3A_274 = arith.constant dense<0.000000e+00> : vector<1024x64xf32>
    %dot_general3A_275 = tpu.matmul %slice3A_272, %get3A_7, %dot_general3A_274 {dimension_numbers = #tpu.dot_dimension_numbers<[1], [0], [0], [1], [0, 0, 1, 1], [], []>, transpose_lhs_hint = false} : vector<1024x8xf32>, vector<8x64xf32>, vector<1024x64xf32> -> vector<1024x64xf32>
    %add3A_276 = vector.broadcast %get3A_10 : vector<1x64xf32> to vector<1024x64xf32>
    %add3A_277 = arith.addf %dot_general3A_275, %add3A_276 : vector<1024x64xf32>
    %max3A_278 = arith.constant 0.000000e+00 : f32
    %max3A_279 = vector.broadcast %max3A_278 : f32 to vector<1024x64xf32>
    %max3A_280 = arith.maximumf %add3A_277, %max3A_279 : vector<1024x64xf32>
    %convert_element_type3A_281 = arith.truncf %max3A_280 : vector<1024x64xf32> to vector<1024x64xbf16>
    %dot_general3A_282 = arith.constant dense<0.000000e+00> : vector<1024x64xf32>
    %dot_general3A_283 = tpu.matmul %convert_element_type3A_281, %convert_element_type3A, %dot_general3A_282 {dimension_numbers = #tpu.dot_dimension_numbers<[1], [0], [0], [1], [0, 0, 1, 1], [], []>, transpose_lhs_hint = false} : vector<1024x64xbf16>, vector<64x64xbf16>, vector<1024x64xf32> -> vector<1024x64xf32>
    %add3A_284 = vector.broadcast %get3A_16 : vector<1x64xf32> to vector<1024x64xf32>
    %add3A_285 = arith.addf %dot_general3A_283, %add3A_284 : vector<1024x64xf32>
    %convert_element_type3A_286 = arith.truncf %add3A_285 : vector<1024x64xf32> to vector<1024x64xbf16>
    %convert_element_type3A_287 = arith.truncf %slice3A_273 : vector<1024x8xf32> to vector<1024x8xbf16>
    %dot_general3A_288 = arith.constant dense<0.000000e+00> : vector<1024x64xf32>
    %dot_general3A_289 = tpu.matmul %convert_element_type3A_287, %convert_element_type3A_23, %dot_general3A_288 {dimension_numbers = #tpu.dot_dimension_numbers<[1], [0], [0], [1], [0, 0, 1, 1], [], []>, transpose_lhs_hint = false} : vector<1024x8xbf16>, vector<8x64xbf16>, vector<1024x64xf32> -> vector<1024x64xf32>
    %convert_element_type3A_290 = arith.truncf %dot_general3A_289 : vector<1024x64xf32> to vector<1024x64xbf16>
    %mul3A_291 = arith.mulf %convert_element_type3A_290, %convert_element_type3A_286 : vector<1024x64xbf16>
    %convert_element_type3A_292 = arith.truncf %get3A_22 : vector<64x8xf32> to vector<64x8xbf16>
    %dot_general3A_293 = arith.constant dense<0.000000e+00> : vector<1024x8xf32>
    %dot_general3A_294 = tpu.matmul %mul3A_291, %convert_element_type3A_292, %dot_general3A_293 {dimension_numbers = #tpu.dot_dimension_numbers<[1], [0], [0], [1], [0, 0, 1, 1], [], []>, transpose_lhs_hint = false} : vector<1024x64xbf16>, vector<64x8xbf16>, vector<1024x8xf32> -> vector<1024x8xf32>
    %slice3A_295 = vector.extract_strided_slice %get3A_1 {offsets = [0, 96], sizes = [1024, 8], strides = [1, 1]} : vector<1024x128xf32> to vector<1024x8xf32>
    %slice3A_296 = vector.extract_strided_slice %get3A_4 {offsets = [0, 96], sizes = [1024, 8], strides = [1, 1]} : vector<1024x128xf32> to vector<1024x8xf32>
    %dot_general3A_297 = arith.constant dense<0.000000e+00> : vector<1024x64xf32>
    %dot_general3A_298 = tpu.matmul %slice3A_295, %get3A_7, %dot_general3A_297 {dimension_numbers = #tpu.dot_dimension_numbers<[1], [0], [0], [1], [0, 0, 1, 1], [], []>, transpose_lhs_hint = false} : vector<1024x8xf32>, vector<8x64xf32>, vector<1024x64xf32> -> vector<1024x64xf32>
    %add3A_299 = vector.broadcast %get3A_10 : vector<1x64xf32> to vector<1024x64xf32>
    %add3A_300 = arith.addf %dot_general3A_298, %add3A_299 : vector<1024x64xf32>
    %max3A_301 = arith.constant 0.000000e+00 : f32
    %max3A_302 = vector.broadcast %max3A_301 : f32 to vector<1024x64xf32>
    %max3A_303 = arith.maximumf %add3A_300, %max3A_302 : vector<1024x64xf32>
    %convert_element_type3A_304 = arith.truncf %max3A_303 : vector<1024x64xf32> to vector<1024x64xbf16>
    %dot_general3A_305 = arith.constant dense<0.000000e+00> : vector<1024x64xf32>
    %dot_general3A_306 = tpu.matmul %convert_element_type3A_304, %convert_element_type3A, %dot_general3A_305 {dimension_numbers = #tpu.dot_dimension_numbers<[1], [0], [0], [1], [0, 0, 1, 1], [], []>, transpose_lhs_hint = false} : vector<1024x64xbf16>, vector<64x64xbf16>, vector<1024x64xf32> -> vector<1024x64xf32>
    %add3A_307 = vector.broadcast %get3A_16 : vector<1x64xf32> to vector<1024x64xf32>
    %add3A_308 = arith.addf %dot_general3A_306, %add3A_307 : vector<1024x64xf32>
    %convert_element_type3A_309 = arith.truncf %add3A_308 : vector<1024x64xf32> to vector<1024x64xbf16>
    %convert_element_type3A_310 = arith.truncf %slice3A_296 : vector<1024x8xf32> to vector<1024x8xbf16>
    %dot_general3A_311 = arith.constant dense<0.000000e+00> : vector<1024x64xf32>
    %dot_general3A_312 = tpu.matmul %convert_element_type3A_310, %convert_element_type3A_23, %dot_general3A_311 {dimension_numbers = #tpu.dot_dimension_numbers<[1], [0], [0], [1], [0, 0, 1, 1], [], []>, transpose_lhs_hint = false} : vector<1024x8xbf16>, vector<8x64xbf16>, vector<1024x64xf32> -> vector<1024x64xf32>
    %convert_element_type3A_313 = arith.truncf %dot_general3A_312 : vector<1024x64xf32> to vector<1024x64xbf16>
    %mul3A_314 = arith.mulf %convert_element_type3A_313, %convert_element_type3A_309 : vector<1024x64xbf16>
    %convert_element_type3A_315 = arith.truncf %get3A_22 : vector<64x8xf32> to vector<64x8xbf16>
    %dot_general3A_316 = arith.constant dense<0.000000e+00> : vector<1024x8xf32>
    %dot_general3A_317 = tpu.matmul %mul3A_314, %convert_element_type3A_315, %dot_general3A_316 {dimension_numbers = #tpu.dot_dimension_numbers<[1], [0], [0], [1], [0, 0, 1, 1], [], []>, transpose_lhs_hint = false} : vector<1024x64xbf16>, vector<64x8xbf16>, vector<1024x8xf32> -> vector<1024x8xf32>
    %slice3A_318 = vector.extract_strided_slice %get3A_1 {offsets = [0, 104], sizes = [1024, 8], strides = [1, 1]} : vector<1024x128xf32> to vector<1024x8xf32>
    %slice3A_319 = vector.extract_strided_slice %get3A_4 {offsets = [0, 104], sizes = [1024, 8], strides = [1, 1]} : vector<1024x128xf32> to vector<1024x8xf32>
    %dot_general3A_320 = arith.constant dense<0.000000e+00> : vector<1024x64xf32>
    %dot_general3A_321 = tpu.matmul %slice3A_318, %get3A_7, %dot_general3A_320 {dimension_numbers = #tpu.dot_dimension_numbers<[1], [0], [0], [1], [0, 0, 1, 1], [], []>, transpose_lhs_hint = false} : vector<1024x8xf32>, vector<8x64xf32>, vector<1024x64xf32> -> vector<1024x64xf32>
    %add3A_322 = vector.broadcast %get3A_10 : vector<1x64xf32> to vector<1024x64xf32>
    %add3A_323 = arith.addf %dot_general3A_321, %add3A_322 : vector<1024x64xf32>
    %max3A_324 = arith.constant 0.000000e+00 : f32
    %max3A_325 = vector.broadcast %max3A_324 : f32 to vector<1024x64xf32>
    %max3A_326 = arith.maximumf %add3A_323, %max3A_325 : vector<1024x64xf32>
    %convert_element_type3A_327 = arith.truncf %max3A_326 : vector<1024x64xf32> to vector<1024x64xbf16>
    %dot_general3A_328 = arith.constant dense<0.000000e+00> : vector<1024x64xf32>
    %dot_general3A_329 = tpu.matmul %convert_element_type3A_327, %convert_element_type3A, %dot_general3A_328 {dimension_numbers = #tpu.dot_dimension_numbers<[1], [0], [0], [1], [0, 0, 1, 1], [], []>, transpose_lhs_hint = false} : vector<1024x64xbf16>, vector<64x64xbf16>, vector<1024x64xf32> -> vector<1024x64xf32>
    %add3A_330 = vector.broadcast %get3A_16 : vector<1x64xf32> to vector<1024x64xf32>
    %add3A_331 = arith.addf %dot_general3A_329, %add3A_330 : vector<1024x64xf32>
    %convert_element_type3A_332 = arith.truncf %add3A_331 : vector<1024x64xf32> to vector<1024x64xbf16>
    %convert_element_type3A_333 = arith.truncf %slice3A_319 : vector<1024x8xf32> to vector<1024x8xbf16>
    %dot_general3A_334 = arith.constant dense<0.000000e+00> : vector<1024x64xf32>
    %dot_general3A_335 = tpu.matmul %convert_element_type3A_333, %convert_element_type3A_23, %dot_general3A_334 {dimension_numbers = #tpu.dot_dimension_numbers<[1], [0], [0], [1], [0, 0, 1, 1], [], []>, transpose_lhs_hint = false} : vector<1024x8xbf16>, vector<8x64xbf16>, vector<1024x64xf32> -> vector<1024x64xf32>
    %convert_element_type3A_336 = arith.truncf %dot_general3A_335 : vector<1024x64xf32> to vector<1024x64xbf16>
    %mul3A_337 = arith.mulf %convert_element_type3A_336, %convert_element_type3A_332 : vector<1024x64xbf16>
    %convert_element_type3A_338 = arith.truncf %get3A_22 : vector<64x8xf32> to vector<64x8xbf16>
    %dot_general3A_339 = arith.constant dense<0.000000e+00> : vector<1024x8xf32>
    %dot_general3A_340 = tpu.matmul %mul3A_337, %convert_element_type3A_338, %dot_general3A_339 {dimension_numbers = #tpu.dot_dimension_numbers<[1], [0], [0], [1], [0, 0, 1, 1], [], []>, transpose_lhs_hint = false} : vector<1024x64xbf16>, vector<64x8xbf16>, vector<1024x8xf32> -> vector<1024x8xf32>
    %slice3A_341 = vector.extract_strided_slice %get3A_1 {offsets = [0, 112], sizes = [1024, 8], strides = [1, 1]} : vector<1024x128xf32> to vector<1024x8xf32>
    %slice3A_342 = vector.extract_strided_slice %get3A_4 {offsets = [0, 112], sizes = [1024, 8], strides = [1, 1]} : vector<1024x128xf32> to vector<1024x8xf32>
    %dot_general3A_343 = arith.constant dense<0.000000e+00> : vector<1024x64xf32>
    %dot_general3A_344 = tpu.matmul %slice3A_341, %get3A_7, %dot_general3A_343 {dimension_numbers = #tpu.dot_dimension_numbers<[1], [0], [0], [1], [0, 0, 1, 1], [], []>, transpose_lhs_hint = false} : vector<1024x8xf32>, vector<8x64xf32>, vector<1024x64xf32> -> vector<1024x64xf32>
    %add3A_345 = vector.broadcast %get3A_10 : vector<1x64xf32> to vector<1024x64xf32>
    %add3A_346 = arith.addf %dot_general3A_344, %add3A_345 : vector<1024x64xf32>
    %max3A_347 = arith.constant 0.000000e+00 : f32
    %max3A_348 = vector.broadcast %max3A_347 : f32 to vector<1024x64xf32>
    %max3A_349 = arith.maximumf %add3A_346, %max3A_348 : vector<1024x64xf32>
    %convert_element_type3A_350 = arith.truncf %max3A_349 : vector<1024x64xf32> to vector<1024x64xbf16>
    %dot_general3A_351 = arith.constant dense<0.000000e+00> : vector<1024x64xf32>
    %dot_general3A_352 = tpu.matmul %convert_element_type3A_350, %convert_element_type3A, %dot_general3A_351 {dimension_numbers = #tpu.dot_dimension_numbers<[1], [0], [0], [1], [0, 0, 1, 1], [], []>, transpose_lhs_hint = false} : vector<1024x64xbf16>, vector<64x64xbf16>, vector<1024x64xf32> -> vector<1024x64xf32>
    %add3A_353 = vector.broadcast %get3A_16 : vector<1x64xf32> to vector<1024x64xf32>
    %add3A_354 = arith.addf %dot_general3A_352, %add3A_353 : vector<1024x64xf32>
    %convert_element_type3A_355 = arith.truncf %add3A_354 : vector<1024x64xf32> to vector<1024x64xbf16>
    %convert_element_type3A_356 = arith.truncf %slice3A_342 : vector<1024x8xf32> to vector<1024x8xbf16>
    %dot_general3A_357 = arith.constant dense<0.000000e+00> : vector<1024x64xf32>
    %dot_general3A_358 = tpu.matmul %convert_element_type3A_356, %convert_element_type3A_23, %dot_general3A_357 {dimension_numbers = #tpu.dot_dimension_numbers<[1], [0], [0], [1], [0, 0, 1, 1], [], []>, transpose_lhs_hint = false} : vector<1024x8xbf16>, vector<8x64xbf16>, vector<1024x64xf32> -> vector<1024x64xf32>
    %convert_element_type3A_359 = arith.truncf %dot_general3A_358 : vector<1024x64xf32> to vector<1024x64xbf16>
    %mul3A_360 = arith.mulf %convert_element_type3A_359, %convert_element_type3A_355 : vector<1024x64xbf16>
    %convert_element_type3A_361 = arith.truncf %get3A_22 : vector<64x8xf32> to vector<64x8xbf16>
    %dot_general3A_362 = arith.constant dense<0.000000e+00> : vector<1024x8xf32>
    %dot_general3A_363 = tpu.matmul %mul3A_360, %convert_element_type3A_361, %dot_general3A_362 {dimension_numbers = #tpu.dot_dimension_numbers<[1], [0], [0], [1], [0, 0, 1, 1], [], []>, transpose_lhs_hint = false} : vector<1024x64xbf16>, vector<64x8xbf16>, vector<1024x8xf32> -> vector<1024x8xf32>
    %slice3A_364 = vector.extract_strided_slice %get3A_1 {offsets = [0, 120], sizes = [1024, 8], strides = [1, 1]} : vector<1024x128xf32> to vector<1024x8xf32>
    %slice3A_365 = vector.extract_strided_slice %get3A_4 {offsets = [0, 120], sizes = [1024, 8], strides = [1, 1]} : vector<1024x128xf32> to vector<1024x8xf32>
    %dot_general3A_366 = arith.constant dense<0.000000e+00> : vector<1024x64xf32>
    %dot_general3A_367 = tpu.matmul %slice3A_364, %get3A_7, %dot_general3A_366 {dimension_numbers = #tpu.dot_dimension_numbers<[1], [0], [0], [1], [0, 0, 1, 1], [], []>, transpose_lhs_hint = false} : vector<1024x8xf32>, vector<8x64xf32>, vector<1024x64xf32> -> vector<1024x64xf32>
    %add3A_368 = vector.broadcast %get3A_10 : vector<1x64xf32> to vector<1024x64xf32>
    %add3A_369 = arith.addf %dot_general3A_367, %add3A_368 : vector<1024x64xf32>
    %max3A_370 = arith.constant 0.000000e+00 : f32
    %max3A_371 = vector.broadcast %max3A_370 : f32 to vector<1024x64xf32>
    %max3A_372 = arith.maximumf %add3A_369, %max3A_371 : vector<1024x64xf32>
    %convert_element_type3A_373 = arith.truncf %max3A_372 : vector<1024x64xf32> to vector<1024x64xbf16>
    %dot_general3A_374 = arith.constant dense<0.000000e+00> : vector<1024x64xf32>
    %dot_general3A_375 = tpu.matmul %convert_element_type3A_373, %convert_element_type3A, %dot_general3A_374 {dimension_numbers = #tpu.dot_dimension_numbers<[1], [0], [0], [1], [0, 0, 1, 1], [], []>, transpose_lhs_hint = false} : vector<1024x64xbf16>, vector<64x64xbf16>, vector<1024x64xf32> -> vector<1024x64xf32>
    %add3A_376 = vector.broadcast %get3A_16 : vector<1x64xf32> to vector<1024x64xf32>
    %add3A_377 = arith.addf %dot_general3A_375, %add3A_376 : vector<1024x64xf32>
    %convert_element_type3A_378 = arith.truncf %add3A_377 : vector<1024x64xf32> to vector<1024x64xbf16>
    %convert_element_type3A_379 = arith.truncf %slice3A_365 : vector<1024x8xf32> to vector<1024x8xbf16>
    %dot_general3A_380 = arith.constant dense<0.000000e+00> : vector<1024x64xf32>
    %dot_general3A_381 = tpu.matmul %convert_element_type3A_379, %convert_element_type3A_23, %dot_general3A_380 {dimension_numbers = #tpu.dot_dimension_numbers<[1], [0], [0], [1], [0, 0, 1, 1], [], []>, transpose_lhs_hint = false} : vector<1024x8xbf16>, vector<8x64xbf16>, vector<1024x64xf32> -> vector<1024x64xf32>
    %convert_element_type3A_382 = arith.truncf %dot_general3A_381 : vector<1024x64xf32> to vector<1024x64xbf16>
    %mul3A_383 = arith.mulf %convert_element_type3A_382, %convert_element_type3A_378 : vector<1024x64xbf16>
    %convert_element_type3A_384 = arith.truncf %get3A_22 : vector<64x8xf32> to vector<64x8xbf16>
    %dot_general3A_385 = arith.constant dense<0.000000e+00> : vector<1024x8xf32>
    %dot_general3A_386 = tpu.matmul %mul3A_383, %convert_element_type3A_384, %dot_general3A_385 {dimension_numbers = #tpu.dot_dimension_numbers<[1], [0], [0], [1], [0, 0, 1, 1], [], []>, transpose_lhs_hint = false} : vector<1024x64xbf16>, vector<64x8xbf16>, vector<1024x8xf32> -> vector<1024x8xf32>
    %concatenate3A = tpu.concatenate %dot_general3A_41, %dot_general3A_64, %dot_general3A_87, %dot_general3A_110, %dot_general3A_133, %dot_general3A_156, %dot_general3A_179, %dot_general3A_202, %dot_general3A_225, %dot_general3A_248, %dot_general3A_271, %dot_general3A_294, %dot_general3A_317, %dot_general3A_340, %dot_general3A_363, %dot_general3A_386 in 1 : vector<1024x8xf32>, vector<1024x8xf32>, vector<1024x8xf32>, vector<1024x8xf32>, vector<1024x8xf32>, vector<1024x8xf32>, vector<1024x8xf32>, vector<1024x8xf32>, vector<1024x8xf32>, vector<1024x8xf32>, vector<1024x8xf32>, vector<1024x8xf32>, vector<1024x8xf32>, vector<1024x8xf32>, vector<1024x8xf32>, vector<1024x8xf32> -> vector<1024x128xf32>
    %swap3A = arith.constant 0 : index
    %swap3A_387 = arith.constant 0 : index
    %swap3A_388 = vector.load %arg9[%swap3A, %swap3A_387] : memref<1024x128xf32, #tpu.memory_space<vmem>>, vector<1024x128xf32>
    tpu.vector_store %arg9[%swap3A, %swap3A_387], %concatenate3A {strides = array<i32>} : memref<1024x128xf32, #tpu.memory_space<vmem>>, vector<1024x128xf32>,
    return
  }
  func.func @transform_0(%arg0: i32) -> (i32, i32) {
    %c0_i32 = arith.constant 0 : i32
    %c0_i32_0 = arith.constant 0 : i32
    return %arg0, %c0_i32 : i32, i32
  }
  func.func @transform_1(%arg0: i32) -> (i32, i32) {
    %c0_i32 = arith.constant 0 : i32
    %c0_i32_0 = arith.constant 0 : i32
    return %arg0, %c0_i32 : i32, i32
  }
  func.func @transform_2(%arg0: i32) -> (i32, i32) {
    %c0_i32 = arith.constant 0 : i32
    %c0_i32_0 = arith.constant 0 : i32
    %c0_i32_1 = arith.constant 0 : i32
    return %c0_i32, %c0_i32_0 : i32, i32
  }
  func.func @transform_3(%arg0: i32) -> (i32, i32) {
    %c0_i32 = arith.constant 0 : i32
    %c0_i32_0 = arith.constant 0 : i32
    %c0_i32_1 = arith.constant 0 : i32
    return %c0_i32, %c0_i32_0 : i32, i32
  }
  func.func @transform_4(%arg0: i32) -> (i32, i32) {
    %c0_i32 = arith.constant 0 : i32
    %c0_i32_0 = arith.constant 0 : i32
    %c0_i32_1 = arith.constant 0 : i32
    return %c0_i32, %c0_i32_0 : i32, i32
  }
  func.func @transform_5(%arg0: i32) -> (i32, i32) {
    %c0_i32 = arith.constant 0 : i32
    %c0_i32_0 = arith.constant 0 : i32
    %c0_i32_1 = arith.constant 0 : i32
    return %c0_i32, %c0_i32_0 : i32, i32
  }
  func.func @transform_6(%arg0: i32) -> (i32, i32) {
    %c0_i32 = arith.constant 0 : i32
    %c0_i32_0 = arith.constant 0 : i32
    %c0_i32_1 = arith.constant 0 : i32
    return %c0_i32, %c0_i32_0 : i32, i32
  }
  func.func @transform_7(%arg0: i32) -> (i32, i32) {
    %c0_i32 = arith.constant 0 : i32
    %c0_i32_0 = arith.constant 0 : i32
    %c0_i32_1 = arith.constant 0 : i32
    return %c0_i32, %c0_i32_0 : i32, i32
  }
  func.func @transform_8(%arg0: i32) -> (i32, i32) {
    %c0_i32 = arith.constant 0 : i32
    %c0_i32_0 = arith.constant 0 : i32
    return %arg0, %c0_i32 : i32, i32
  }
}

module attributes {stable_mosaic.version = 14 : i64} {
  func.func @_combine_body(%arg0: memref<2x10000x8xf32, #tpu.memory_space<vmem>>, %arg1: memref<2x10000x8xf32, #tpu.memory_space<vmem>>, %arg2: memref<10000x8xf32, #tpu.memory_space<vmem>>, %arg3: memref<8x8xf32, #tpu.memory_space<vmem>>, %arg4: memref<1x8xf32, #tpu.memory_space<vmem>>, %arg5: memref<10000x8xf32, #tpu.memory_space<vmem>>) attributes {dimension_semantics = [], scalar_prefetch = 0 : i64, scratch_operands = 0 : i64, tpu.core_type = #tpu.core_type<tc>} {
    %get3A = arith.constant 0 : index
    %get3A_0 = arith.constant 0 : index
    %get3A_1 = arith.constant 0 : index
    %get3A_2 = vector.load %arg0[%get3A, %get3A_0, %get3A_1] : memref<2x10000x8xf32, #tpu.memory_space<vmem>>, vector<1x10000x8xf32>
    %get3A_3 = vector.shape_cast %get3A_2 : vector<1x10000x8xf32> to vector<10000x8xf32>
    %get3A_4 = arith.constant 1 : index
    %get3A_5 = arith.constant 0 : index
    %get3A_6 = arith.constant 0 : index
    %get3A_7 = vector.load %arg0[%get3A_4, %get3A_5, %get3A_6] : memref<2x10000x8xf32, #tpu.memory_space<vmem>>, vector<1x10000x8xf32>
    %get3A_8 = vector.shape_cast %get3A_7 : vector<1x10000x8xf32> to vector<10000x8xf32>
    %add3A = arith.addf %get3A_3, %get3A_8 : vector<10000x8xf32>
    %get3A_9 = arith.constant 0 : index
    %get3A_10 = arith.constant 0 : index
    %get3A_11 = arith.constant 0 : index
    %get3A_12 = vector.load %arg1[%get3A_9, %get3A_10, %get3A_11] : memref<2x10000x8xf32, #tpu.memory_space<vmem>>, vector<1x10000x1xf32>
    %get3A_13 = vector.shape_cast %get3A_12 : vector<1x10000x1xf32> to vector<10000x1xf32>
    %get3A_14 = arith.constant 1 : index
    %get3A_15 = arith.constant 0 : index
    %get3A_16 = arith.constant 0 : index
    %get3A_17 = vector.load %arg1[%get3A_14, %get3A_15, %get3A_16] : memref<2x10000x8xf32, #tpu.memory_space<vmem>>, vector<1x10000x1xf32>
    %get3A_18 = vector.shape_cast %get3A_17 : vector<1x10000x1xf32> to vector<10000x1xf32>
    %add3A_19 = arith.addf %get3A_13, %get3A_18 : vector<10000x1xf32>
    %max3A = arith.constant 1.000000e+00 : f32
    %max3A_20 = vector.broadcast %max3A : f32 to vector<10000x1xf32>
    %max3A_21 = arith.maximumf %add3A_19, %max3A_20 : vector<10000x1xf32>
    %div3A = vector.broadcast %max3A_21 : vector<10000x1xf32> to vector<10000x8xf32>
    %div3A_22 = arith.divf %add3A, %div3A : vector<10000x8xf32>
    %get3A_23 = arith.constant 0 : index
    %get3A_24 = arith.constant 0 : index
    %get3A_25 = vector.load %arg2[%get3A_23, %get3A_24] : memref<10000x8xf32, #tpu.memory_space<vmem>>, vector<10000x8xf32>
    %get3A_26 = arith.constant 0 : index
    %get3A_27 = arith.constant 0 : index
    %get3A_28 = vector.load %arg3[%get3A_26, %get3A_27] : memref<8x8xf32, #tpu.memory_space<vmem>>, vector<8x8xf32>
    %dot_general3A = arith.constant dense<0.000000e+00> : vector<10000x8xf32>
    %dot_general3A_29 = tpu.matmul %get3A_25, %get3A_28, %dot_general3A {dimension_numbers = #tpu.dot_dimension_numbers<[1], [0], [0], [1], [0, 0, 1, 1], [], []>, transpose_lhs_hint = false} : vector<10000x8xf32>, vector<8x8xf32>, vector<10000x8xf32> -> vector<10000x8xf32>
    %add3A_30 = arith.addf %div3A_22, %dot_general3A_29 : vector<10000x8xf32>
    %get3A_31 = arith.constant 0 : index
    %get3A_32 = arith.constant 0 : index
    %get3A_33 = vector.load %arg4[%get3A_31, %get3A_32] : memref<1x8xf32, #tpu.memory_space<vmem>>, vector<1x8xf32>
    %add3A_34 = vector.broadcast %get3A_33 : vector<1x8xf32> to vector<10000x8xf32>
    %add3A_35 = arith.addf %add3A_30, %add3A_34 : vector<10000x8xf32>
    %max3A_36 = arith.constant 0.000000e+00 : f32
    %max3A_37 = vector.broadcast %max3A_36 : f32 to vector<10000x8xf32>
    %max3A_38 = arith.maximumf %add3A_35, %max3A_37 : vector<10000x8xf32>
    %swap3A = arith.constant 0 : index
    %swap3A_39 = arith.constant 0 : index
    %swap3A_40 = vector.load %arg5[%swap3A, %swap3A_39] : memref<10000x8xf32, #tpu.memory_space<vmem>>, vector<10000x8xf32>
    tpu.vector_store %arg5[%swap3A, %swap3A_39], %max3A_38 {strides = array<i32>} : memref<10000x8xf32, #tpu.memory_space<vmem>>, vector<10000x8xf32>,
    return
  }
}

module attributes {stable_mosaic.version = 14 : i64} {
  func.func @_combine_body(%arg0: memref<2x10000x8xf32, #tpu.memory_space<vmem>>, %arg1: memref<2x10000x8xf32, #tpu.memory_space<vmem>>, %arg2: memref<10000x8xf32, #tpu.memory_space<vmem>>, %arg3: memref<8x8xf32, #tpu.memory_space<vmem>>, %arg4: memref<1x8xf32, #tpu.memory_space<vmem>>, %arg5: memref<10000x8xf32, #tpu.memory_space<vmem>>) attributes {dimension_semantics = [], scalar_prefetch = 0 : i64, scratch_operands = 0 : i64, tpu.core_type = #tpu.core_type<tc>} {
    %get3A = arith.constant 0 : index
    %get3A_0 = arith.constant 0 : index
    %get3A_1 = arith.constant 0 : index
    %get3A_2 = vector.load %arg0[%get3A, %get3A_0, %get3A_1] : memref<2x10000x8xf32, #tpu.memory_space<vmem>>, vector<1x10000x8xf32>
    %get3A_3 = vector.shape_cast %get3A_2 : vector<1x10000x8xf32> to vector<10000x8xf32>
    %get3A_4 = arith.constant 1 : index
    %get3A_5 = arith.constant 0 : index
    %get3A_6 = arith.constant 0 : index
    %get3A_7 = vector.load %arg0[%get3A_4, %get3A_5, %get3A_6] : memref<2x10000x8xf32, #tpu.memory_space<vmem>>, vector<1x10000x8xf32>
    %get3A_8 = vector.shape_cast %get3A_7 : vector<1x10000x8xf32> to vector<10000x8xf32>
    %add3A = arith.addf %get3A_3, %get3A_8 : vector<10000x8xf32>
    %get3A_9 = arith.constant 0 : index
    %get3A_10 = arith.constant 0 : index
    %get3A_11 = arith.constant 0 : index
    %get3A_12 = vector.load %arg1[%get3A_9, %get3A_10, %get3A_11] : memref<2x10000x8xf32, #tpu.memory_space<vmem>>, vector<1x10000x1xf32>
    %get3A_13 = vector.shape_cast %get3A_12 : vector<1x10000x1xf32> to vector<10000x1xf32>
    %get3A_14 = arith.constant 1 : index
    %get3A_15 = arith.constant 0 : index
    %get3A_16 = arith.constant 0 : index
    %get3A_17 = vector.load %arg1[%get3A_14, %get3A_15, %get3A_16] : memref<2x10000x8xf32, #tpu.memory_space<vmem>>, vector<1x10000x1xf32>
    %get3A_18 = vector.shape_cast %get3A_17 : vector<1x10000x1xf32> to vector<10000x1xf32>
    %add3A_19 = arith.addf %get3A_13, %get3A_18 : vector<10000x1xf32>
    %max3A = arith.constant 1.000000e+00 : f32
    %max3A_20 = vector.broadcast %max3A : f32 to vector<10000x1xf32>
    %max3A_21 = arith.maximumf %add3A_19, %max3A_20 : vector<10000x1xf32>
    %div3A = vector.broadcast %max3A_21 : vector<10000x1xf32> to vector<10000x8xf32>
    %div3A_22 = arith.divf %add3A, %div3A : vector<10000x8xf32>
    %get3A_23 = arith.constant 0 : index
    %get3A_24 = arith.constant 0 : index
    %get3A_25 = vector.load %arg2[%get3A_23, %get3A_24] : memref<10000x8xf32, #tpu.memory_space<vmem>>, vector<10000x8xf32>
    %get3A_26 = arith.constant 0 : index
    %get3A_27 = arith.constant 0 : index
    %get3A_28 = vector.load %arg3[%get3A_26, %get3A_27] : memref<8x8xf32, #tpu.memory_space<vmem>>, vector<8x8xf32>
    %dot_general3A = arith.constant dense<0.000000e+00> : vector<10000x8xf32>
    %dot_general3A_29 = tpu.matmul %get3A_25, %get3A_28, %dot_general3A {dimension_numbers = #tpu.dot_dimension_numbers<[1], [0], [0], [1], [0, 0, 1, 1], [], []>, transpose_lhs_hint = false} : vector<10000x8xf32>, vector<8x8xf32>, vector<10000x8xf32> -> vector<10000x8xf32>
    %add3A_30 = arith.addf %div3A_22, %dot_general3A_29 : vector<10000x8xf32>
    %get3A_31 = arith.constant 0 : index
    %get3A_32 = arith.constant 0 : index
    %get3A_33 = vector.load %arg4[%get3A_31, %get3A_32] : memref<1x8xf32, #tpu.memory_space<vmem>>, vector<1x8xf32>
    %add3A_34 = vector.broadcast %get3A_33 : vector<1x8xf32> to vector<10000x8xf32>
    %add3A_35 = arith.addf %add3A_30, %add3A_34 : vector<10000x8xf32>
    %swap3A = arith.constant 0 : index
    %swap3A_36 = arith.constant 0 : index
    %swap3A_37 = vector.load %arg5[%swap3A, %swap3A_36] : memref<10000x8xf32, #tpu.memory_space<vmem>>, vector<10000x8xf32>
    tpu.vector_store %arg5[%swap3A, %swap3A_36], %add3A_35 {strides = array<i32>} : memref<10000x8xf32, #tpu.memory_space<vmem>>, vector<10000x8xf32>,
    return
  }
}

</mosaic_0001>

<sc_bundles>
// kernel: kernel.11.cloned.1.call-start
scs
__scs_entry_jumppad:
0x0: {  	(pc) =	sbr.rel $0x88, $3  }
0x1: {  	(tag) =	ssettag $0x0;
	lr =	simm.s32 $0x1  }
0x2: {  	[smem:$0x3F92] =	sst lr;
	_ =	strace $0xD0000000  }
0x3: {  	_ = 	snop  }
0x4: {  	_ = 	snop  }
0x5: {  	_ = 	snop  }
0x6: {  	_ = 	snop  }
0x7: {  	_ = 	snop  }
__scs_overlays_trampoline_lowered:
0x8: {  	[smem:$0x3FA1] =	sst s0  }
0x9: {  	[smem:$0x3FA2] =	sst s1  }
0xa: {  	[smem:$0x3FA3] =	sst s2  }
0xb: {  	[smem:$0x3FA4] =	sst s3  }
0xc: {  	[smem:$0x3FA5] =	sst s4  }
0xd: {  	[smem:$0x3FA6] =	sst s5  }
0xe: {  	[smem:$0x3FA7] =	sst s6  }
0xf: {  	[smem:$0x3FA8] =	sst s7  }
0x10: {  	[smem:$0x3FA9] =	sst s8  }
0x11: {  	[smem:$0x3FAA] =	sst s9;
	s0 =	simm.s32 @!p0 $0x0  }
0x12: {  	s1 =	sld [smem:$0x3F90];
	s0 =	simm.s32 @p0 $0x1  }
0x13: {  	[smem:$0x3FAB] =	sst s0;
	s0 =	simm.s32 @!p1 $0x0  }
0x14: {  	s2 =	sld [smem:$0x3F8F];
	s0 =	simm.s32 @p1 $0x1  }
0x15: {  	[smem:$0x3FAC] =	sst s0;
	s0 =	simm.s32 @!p2 $0x0  }
0x16: {  	s3 =	sld [smem:$0x3FDB];
	s0 =	simm.s32 @p2 $0x1  }
0x17: {  	s4 =	simm.s32 $0x1BF5;
	[smem:$0x3FAE] =	sst s0  }
0x18: {  	s0 =	sld [smem:$0x3F91];
	_ =	swait.ge [sflag:s4], $0x0  }
0x19: {  	s7 =	sld [smem:$0x3F92]  }
0x1a: {  	s8 =	sadd.s32 $0xFFFFE003, lr  }
0x1b: {  	s9 =	sadd.s32 $0xFFFFFEF7, lr;
	s5 =	simm.s32 $0xFFFFFFFF;
	p2 =	slt.u32 s8, $0xFFFFF086  }
0x1c: {  	p1 =	slt.u32 s9, $0xF7A;
	s5 =	simm.s32 @!p2 $0x0  }
0x1d: {  	s5 =	simm.s32 @p1 $0x1;
	p0 =	seq.s32 s7, s2  }
0x1e: {  	s7 =	smul.u32 @!p0 $0xF7A, s2;
	p2 =	seq.s32 @!p0 s5, $0x0  }
0x1f: {  	s9 =	smul.u32 $0xF7A, s1;
	s8 =	simm.s32 @!p0 $0x1BF5;
	p2 =	por !p2, p0  }
0x20: {  	[sflag:s8] =	ssyncset.s32 @!p0 $0xFFFFF086;
	s6 =	sadd.s32 @!p0 s3, s7;
	s7 =	simm.s32 @!p0 $0x108  }
0x21: {  	s3 =	sadd.s32 s3, s9;
	s6 =	sadd.s32 @!p0 $0x88, s6;
	s7 =	simm.s32 @p2 $0x1082  }
0x22: {  	[simem:s7], [sflag:s8] =	dma.local @!p0 [hbm:s6], $0xF7A  }
0x23: {  	s9 =	sor.u32 $0xD0000000, s2;
	s6 =	simm.s32 $0x108;
	_ =	swait.ge @!p0 [sflag:s8], $0x0  }
0x24: {  	s3 =	sadd.s32 $0x88, s3;
	s6 =	simm.s32 @!p1 $0x1082;
	[sflag:s4] =	ssyncset.s32 $0xFFFFF086  }
0x25: {  	[simem:s6], [sflag:s4] =	dma.local [hbm:s3], $0xF7A  }
0x26: {  	[smem:$0x3F92] =	sst s1;
	(tag) =	ssettag s2;
	_ =	strace s9  }
0x27: {  	s1 =	sld [smem:$0x3FA2]  }
0x28: {  	s2 =	sld [smem:$0x3FA3]  }
0x29: {  	s4 =	sld [smem:$0x3FA5]  }
0x2a: {  	p0 =	seq.s32 s5, $0x0;
	s5 =	sld [smem:$0x3FA6]  }
0x2b: {  	s6 =	sld [smem:$0x3FA7]  }
0x2c: {  	s7 =	sld [smem:$0x3FA8]  }
0x2d: {  	s3 =	simm.s32 $0x108;
	s8 =	sld [smem:$0x3FA9]  }
0x2e: {  	s3 =	simm.s32 @!p0 $0x1082;
	s9 =	sld [smem:$0x3FAA]  }
0x2f: {  	lr =	sadd.s32 s0, s3;
	s0 =	sld [smem:$0x3FA1]  }
0x30: {  	s3 =	sld [smem:$0x3FA4]  }
0x31: {  	[smem:$0x3FAD] =	sst s10  }
0x32: {  	s10 =	sld [smem:$0x3FAB];
	_ =	sdelay $0x3  }
0x33: {  	p0 =	seq.s32 s10, $0x1;
	s10 =	sld [smem:$0x3FAD];
	_ =	sdelay $0x3  }
0x34: {  	[smem:$0x3FAD] =	sst s10  }
0x35: {  	s10 =	sld [smem:$0x3FAC];
	_ =	sdelay $0x3  }
0x36: {  	p1 =	seq.s32 s10, $0x1;
	s10 =	sld [smem:$0x3FAD];
	_ =	sdelay $0x3  }
0x37: {  	[smem:$0x3FAD] =	sst s10  }
0x38: {  	s10 =	sld [smem:$0x3FAE]  }
0x39: {  	_ = 	snop;
	(pc) =	sbr.ind lr, $3  }
0x3a: {  	_ = 	snop  }
0x3b: {  	_ = 	snop  }
0x3c: {  	p2 =	seq.s32 s10, $0x1;
	s10 =	sld [smem:$0x3FAD]  }
0x3d: {  	_ =	shalt  }
0x3e: {  	_ =	shalt  }
0x3f: {  	_ =	shalt  }
0x40: {  	_ =	shalt  }
0x41: {  	_ =	shalt  }
0x42: {  	_ =	shalt  }
0x43: {  	_ =	shalt  }
0x44: {  	_ =	shalt  }
0x45: {  	_ =	shalt  }
0x46: {  	_ =	shalt  }
0x47: {  	_ =	shalt  }
0x48: {  	_ =	shalt  }
0x49: {  	_ =	shalt  }
0x4a: {  	_ =	shalt  }
0x4b: {  	_ =	shalt  }
0x4c: {  	_ =	shalt  }
0x4d: {  	_ =	shalt  }
0x4e: {  	_ =	shalt  }
0x4f: {  	_ =	shalt  }
0x50: {  	_ =	shalt  }
0x51: {  	_ =	shalt  }
0x52: {  	_ =	shalt  }
0x53: {  	_ =	shalt  }
0x54: {  	_ =	shalt  }
0x55: {  	_ =	shalt  }
0x56: {  	_ =	shalt  }
0x57: {  	_ =	shalt  }
0x58: {  	_ =	shalt  }
0x59: {  	_ =	shalt  }
0x5a: {  	_ =	shalt  }
0x5b: {  	_ =	shalt  }
0x5c: {  	_ =	shalt  }
0x5d: {  	_ =	shalt  }
0x5e: {  	_ =	shalt  }
0x5f: {  	_ =	shalt  }
0x60: {  	_ =	shalt  }
0x61: {  	_ =	shalt  }
0x62: {  	_ =	shalt  }
0x63: {  	_ =	shalt  }
0x64: {  	_ =	shalt  }
0x65: {  	_ =	shalt  }
0x66: {  	_ =	shalt  }
0x67: {  	_ =	shalt  }
0x68: {  	_ =	shalt  }
0x69: {  	_ =	shalt  }
0x6a: {  	_ =	shalt  }
0x6b: {  	_ =	shalt  }
0x6c: {  	_ =	shalt  }
0x6d: {  	_ =	shalt  }
0x6e: {  	_ =	shalt  }
0x6f: {  	_ =	shalt  }
0x70: {  	_ =	shalt  }
0x71: {  	_ =	shalt  }
0x72: {  	_ =	shalt  }
0x73: {  	_ =	shalt  }
0x74: {  	_ =	shalt  }
0x75: {  	_ =	shalt  }
0x76: {  	_ =	shalt  }
0x77: {  	_ =	shalt  }
0x78: {  	_ =	shalt  }
0x79: {  	_ =	shalt  }
0x7a: {  	_ =	shalt  }
0x7b: {  	_ =	shalt  }
0x7c: {  	_ =	shalt  }
0x7d: {  	_ =	shalt  }
0x7e: {  	_ =	shalt  }
0x7f: {  	_ =	shalt  }
0x80: {  	_ =	shalt  }
0x81: {  	_ =	shalt  }
0x82: {  	_ =	shalt  }
0x83: {  	_ =	shalt  }
0x84: {  	_ =	shalt  }
0x85: {  	_ =	shalt  }
0x86: {  	_ =	shalt  }
0x87: {  	_ =	shalt  }
.Lfunc_end0:
.L_simem_size_0:
called_computation_lowered:
.L_overlay_start_0:
0x88: {  	s2 =	sld [smem:$0x3FD9]  }
0x89: {  	s3 =	sld [smem:$0x3FFE];
	_ =	sdelay $0x1  }
0x8a: {  	s1 =	srdreg.scid  }
0x8b: {  	s0 =	sand.u32 $0x1, s1  }
0x8c: {  	s16 =	sshll.u32 s0, $0xA;
	s2 =	sadd.s32 s3, s2  }
0x8d: {  	s2 =	sadd.s32 s2, s16  }
0x8e: {  	[smem:$0x3FB9] =	sst s2  }
0x8f: {  	_ = 	snop  }
0x90: {  	(tm) =	ssettm $0x1  }
0x91: {  	s17 =	sld [smem:$0x3FFB];
	_ =	sdelay $0x3  }
0x92: {  	_ =	strace s17  }
0x93: {  	s2 =	sld [smem:$0x3FFC];
	_ =	sdelay $0x3  }
0x94: {  	_ =	strace s2  }
0x95: {  	s2 =	sld [smem:$0x3FFD];
	_ =	sdelay $0x3  }
0x96: {  	_ =	strace s2  }
0x97: {  	_ =	strace $0x8FFFFFFF  }
0x98: {  	s18 =	sld [smem:$0x3FDB];
	_ =	sdelay $0x1  }
0x99: {  	s19 =	simm.s32 $_scs_section_size  }
0x9a: {  	s4 =	simm.s32 $_size__tile_overlayer_lowered;
	s5 =	simm.s32 $_tile_overlayer_lowered  }
0x9b: {  	s22 =	simm.s32 $0x1BFF;
	s21 =	sshll.u32 s5, $0x1;
	s2 =	sadd.s32 s19, s18  }
0x9c: {  	s6 =	simm.s32 $0x0;
	s20 =	sshll.u32 s4, $0x1;
	s4 =	sadd.s32 s21, s2  }
0x9d: {  	[timem:s6], [sflag:s22] =	dma.local [hbm:s4], s20  }
0x9e: {  	_ =	swait.ge [sflag:s22], s20  }
0x9f: {  	s3 =	ssub.s32 $0x0, s20;
	[sflag:s22] =	ssyncset.done $0x0  }
0xa0: {  	[sflag:s22] =	ssyncadd.s32 s3;
	_ =	sdelay $0x1  }
0xa1: {  	s23 =	simm.s32 $0x1B8B  }
0xa2: {  	_ =	swait.ge [sflag:s23], $0x1  }
0xa3: {  	[sflag:s23] =	ssyncset.done $0x0  }
0xa4: {  	s25 =	simm.s32 $0x1B8E;
	s24 =	sld [smem:$0x3FFE];
	[sflag:s23] =	ssyncadd.s32 $0xFFFFFFFF  }
0xa5: {  	s26 =	simm.s32 $execute0_lowered;
	[smem:$0x3FD2] =	sst s25  }
0xa6: {  	s4 =	sshll.u32 s26, $0x1;
	_ =	strace $0x80000046;
	[dreg:$0x1] =	wrdreg $0xFFFFFFFF  }
0xa7: {  	s28 =	simm.s32 $_size_execute0_lowered;
	s2 =	sadd.s32 s2, s4;
	[dreg:$0x0] =	wrdreg $0x0  }
0xa8: {  	s4 =	sshll.u32 s28, $0x1;
	[dreg:$0x2] =	wrdreg s2  }
0xa9: {  	[dreg:$0x3] =	wrdreg s4  }
0xaa: {  	[dreg:$0x4] =	wrdreg $0xC0  }
0xab: {  	_ =	task [dreg:s6], $0x5FFFF  }
0xac: {  	[dreg:$0x1] =	wrdreg $0xFFFFFFFF  }
0xad: {  	[dreg:$0x0] =	wrdreg $0x60  }
0xae: {  	[dreg:$0x2] =	wrdreg s24  }
0xaf: {  	[dreg:$0x3] =	wrdreg $0x9  }
0xb0: {  	_ =	task.clear_ibuf [dreg:s6], $0x4FFFF;
	_ =	strace $0x90000046  }
0xb1: {  	s29 =	simm.s32 $0x9;
	_ =	strace $0x80000048  }
0xb2: {  	_ =	swait.ge [sflag:s29], $0x1  }
0xb3: {  	[sflag:s29] =	ssyncadd.s32 $0xFFFFFFFF  }
0xb4: {  	_ =	strace $0x90000048  }
0xb5: {  	_ =	sfence  }
0xb6: {  	s30 =	sld [smem:$0x0];
	_ =	sdelay $0x2  }
0xb7: {  	s31 =	sshll.u32 s1, $0xD;
	s1 =	sshrl.u32 s1, $0x2  }
0xb8: {  	s3 =	sand.u32 $0x4000, s31;
	s1 =	sadd.s32 s1, s30  }
0xb9: {  	s0 =	sor.u32 s3, s0;
	s1 =	sshll.u32 s1, $0x11  }
0xba: {  	s0 =	sor.u32 s1, s0  }
0xbb: {  	s0 =	sadd.s32 $0x8F2B, s0  }
0xbc: {  	[sflag:s0] =	ssyncadd.remote.s32 $0x1  }
0xbd: {  	_ =	sfence.sel $0xFFFF  }
0xbe: {  	[dreg:$0x0] =	wrdreg $0xFFFFFFFF;
	(pc) =	sbr.abs _section_cstart, $3  }
0xbf: {  	[dreg:$0x1] =	wrdreg $0xFFFFFFFF  }
0xc0: {  	_ =	task.clear_ibuf [dreg:s6], $0x2FFFF;
	_ =	strace $0x9FFFFFFF  }
0xc1: {  	(tm) =	ssettm $0x7FFFFFFF  }
tec
execute0_lowered:
.L_overlay_start_1:
0x0: {  	(tag) =	ssettag $0x1  }
0x1: {  	v0 =	vlaneseq.u32  }
0x2: {  	v0 =	vmul.u32 $0x8, v0;
	_ =	sdelay $0x1  }
0x3: {  	v5 =	vimm.f32 $0.0e+00;
	v1 =	vor.u32 $0x1, v0;
	v58 =	vor.u32 $0x2, v0  }
0x4: {  	v59 =	vor.u32 $0x3, v0;
	v60 =	vor.u32 $0x4, v0;
	v61 =	vor.u32 $0x5, v0  }
0x5: {  	v62 =	vor.u32 $0x6, v0;
	v63 =	vor.u32 $0x7, v0;
	v9 =	vor.u32 $0x80, v0  }
0x6: {  	v10 =	vor.u32 $0x81, v0;
	v11 =	vor.u32 $0x82, v0;
	v12 =	vor.u32 $0x83, v0  }
0x7: {  	v13 =	vor.u32 $0x84, v0;
	v14 =	vor.u32 $0x85, v0;
	v15 =	vor.u32 $0x86, v0  }
0x8: {  	v16 =	vor.u32 $0x87, v0;
	v17 =	vor.u32 $0x100, v0;
	v18 =	vor.u32 $0x101, v0  }
0x9: {  	v19 =	vor.u32 $0x102, v0;
	v20 =	vor.u32 $0x103, v0;
	v21 =	vor.u32 $0x104, v0  }
0xa: {  	v22 =	vor.u32 $0x105, v0;
	v23 =	vor.u32 $0x106, v0;
	v24 =	vor.u32 $0x107, v0  }
0xb: {  	v25 =	vor.u32 $0x180, v0;
	v26 =	vor.u32 $0x181, v0;
	v27 =	vor.u32 $0x182, v0  }
0xc: {  	v28 =	vor.u32 $0x183, v0;
	v29 =	vor.u32 $0x184, v0;
	v30 =	vor.u32 $0x185, v0  }
0xd: {  	v31 =	vor.u32 $0x186, v0;
	v32 =	vor.u32 $0x187, v0;
	v33 =	vor.u32 $0x200, v0  }
0xe: {  	v34 =	vor.u32 $0x201, v0;
	v35 =	vor.u32 $0x202, v0;
	v36 =	vor.u32 $0x203, v0;
	[tilespmem:$0x1FF90] =	vst v1  }
0xf: {  	v37 =	vor.u32 $0x204, v0;
	v38 =	vor.u32 $0x205, v0;
	v39 =	vor.u32 $0x206, v0;
	[tilespmem:$0x1FFA0] =	vst v58  }
0x10: {  	s1 =	srdreg.scid;
	s0 =	stileid.u32;
	v40 =	vor.u32 $0x207, v0;
	v41 =	vor.u32 $0x280, v0;
	v42 =	vor.u32 $0x281, v0;
	[tilespmem:$0x1FFB0] =	vst v59  }
0x11: {  	s4 =	rddreg [dreg:$0x0];
	s3 =	sand.u32 $0x1, s1;
	s30 =	sshll.u32 s0, $0x1;
	v43 =	vor.u32 $0x282, v0;
	v44 =	vor.u32 $0x283, v0;
	v45 =	vor.u32 $0x284, v0;
	[tilespmem:$0x1FFC0] =	vst v60  }
0x12: {  	s2 =	simm.s32 $0x0;
	s8 =	simm.s32 $0x0;
	s5 =	sor.u32 s3, s30;
	v46 =	vor.u32 $0x285, v0;
	v47 =	vor.u32 $0x286, v0;
	v48 =	vor.u32 $0x287, v0;
	[tilespmem:$0x1FFD0] =	vst v61  }
0x13: {  	s1 =	rddreg [dreg:$0x1];
	s3 =	ssub.s32 $0x2, s3;
	s6 =	smul.u32 $0x1400, s5;
	v49 =	vor.u32 $0x300, v0;
	v50 =	vor.u32 $0x301, v0;
	v51 =	vor.u32 $0x302, v0;
	[tilespmem:$0x1FFE0] =	vst v62  }
0x14: {  	[smem:$0x7FF] =	sst s2;
	s5 =	smul.u32 $0x2800, s5;
	s7 =	sshrl.u32 s3, $0x1;
	v52 =	vor.u32 $0x303, v0;
	v53 =	vor.u32 $0x304, v0;
	v54 =	vor.u32 $0x305, v0;
	[tilespmem:$0x1FFF0] =	vst v63  }
0x15: {  	v55 =	vor.u32 $0x306, v0;
	v56 =	vor.u32 $0x307, v0;
	v57 =	vor.u32 $0x380, v0;
	s31 =	ssub.s32 s3, s7;
	s7 =	simm.s32 $0xA000;
	_ =	strace $0x80000047  }
0x16: {  	v58 =	vor.u32 $0x381, v0;
	v59 =	vor.u32 $0x382, v0;
	v60 =	vor.u32 $0x383, v0;
	s6 =	sadd.s32 s6, s4;
	s4 =	sadd.s32 s5, s4;
	s5 =	smax.u32 s31, $0x1  }
0x17: {  	v8 =	vmovc v0;
	v61 =	vor.u32 $0x384, v0;
	v62 =	vor.u32 $0x385, v0;
	v63 =	vor.u32 $0x386, v0;
	s3 =	sadd.s32 $0x3A00, s6;
	s4 =	sadd.s32 $0x2BA00, s4;
	s6 =	simm.s32 $0x1  }
.LBB2_1:
0x18: {  	[tilespmem:s2], [sflag:$0x1] =	stream.linear.gather [hbm4b:s3+s2], $0xA000, $0x38;
	[tilespmem:$0x1E000] =	vst v63  }
0x19: {  	_ =	swait.ge [sflag:s6], $0xA000  }
0x1a: {  	[sflag:s6] =	ssyncset.done $0x0  }
0x1b: {  	s9 =	simm.s32 $0x100;
	s11 =	simm.s32 $0x0;
	[sflag:s6] =	ssyncadd.s32 $0xFFFF6000  }
0x1c: {  	v2 =	vor.u32 s11, v8;
	v1 =	vld [tilespmem:s9+$0xFFFFFF00];
	_ =	sdelay $0x4  }
0x1d: {  	[tilespmem:v2+s7+$0x0] =	vst.idx.msk $0xffff, v1;
	v2 =	vld [tilespmem:$0x1FF90];
	_ =	sdelay $0x4  }
0x1e: {  	v1 =	vld [tilespmem:s9+$0xFFFFFF80];
	v2 =	vor.u32 s11, v2;
	_ =	sdelay $0x4  }
0x1f: {  	[tilespmem:v2+s7+$0x0] =	vst.idx.msk $0xffff, v1;
	v2 =	vld [tilespmem:$0x1FFA0];
	_ =	sdelay $0x4  }
0x20: {  	v1 =	vld [tilespmem:s9+$0x0];
	v2 =	vor.u32 s11, v2;
	_ =	sdelay $0x2  }
0x21: {  	v3 =	vld [tilespmem:$0x1FFD0];
	_ =	sdelay $0x1  }
0x22: {  	[tilespmem:v2+s7+$0x0] =	vst.idx.msk $0xffff, v1;
	v1 =	vld [tilespmem:$0x1FFB0];
	_ =	sdelay $0x2  }
0x23: {  	v6 =	vor.u32 s11, v3;
	v3 =	vld [tilespmem:$0x1FFE0];
	_ =	sdelay $0x1  }
0x24: {  	v2 =	vor.u32 s11, v1;
	v1 =	vld [tilespmem:$0x1FFC0];
	_ =	sdelay $0x2  }
0x25: {  	v7 =	vor.u32 s11, v3;
	v3 =	vld [tilespmem:$0x1FFF0]  }
0x26: {  	v4 =	vld [tilespmem:s9+$0x80]  }
0x27: {  	v1 =	vor.u32 s11, v1;
	_ =	sdelay $0x2  }
0x28: {  	v3 =	vor.u32 s11, v3  }
0x29: {  	[tilespmem:v2+s7+$0x0] =	vst.idx.msk $0xffff, v4  }
0x2a: {  	[tilespmem:v1+s7+$0x0] =	vst.idx.msk $0xffff, v5  }
0x2b: {  	[tilespmem:v6+s7+$0x0] =	vst.idx.msk $0xffff, v5  }
0x2c: {  	[tilespmem:v7+s7+$0x0] =	vst.idx.msk $0xffff, v5  }
0x2d: {  	[tilespmem:v3+s7+$0x0] =	vst.idx.msk $0xffff, v5  }
0x2e: {  	v2 =	vor.u32 s11, v9;
	v1 =	vld [tilespmem:s9+$0xFFFFFF10];
	_ =	sdelay $0x4  }
0x2f: {  	[tilespmem:v2+s7+$0x0] =	vst.idx.msk $0xffff, v1  }
0x30: {  	v2 =	vor.u32 s11, v10;
	v1 =	vld [tilespmem:s9+$0xFFFFFF90];
	_ =	sdelay $0x4  }
0x31: {  	[tilespmem:v2+s7+$0x0] =	vst.idx.msk $0xffff, v1  }
0x32: {  	v2 =	vor.u32 s11, v11;
	v1 =	vld [tilespmem:s9+$0x10];
	_ =	sdelay $0x4  }
0x33: {  	[tilespmem:v2+s7+$0x0] =	vst.idx.msk $0xffff, v1  }
0x34: {  	v2 =	vor.u32 s11, v12;
	v3 =	vld [tilespmem:s9+$0x90]  }
0x35: {  	v1 =	vor.u32 s11, v13  }
0x36: {  	v4 =	vor.u32 s11, v14  }
0x37: {  	v6 =	vor.u32 s11, v15  }
0x38: {  	v7 =	vor.u32 s11, v16  }
0x39: {  	[tilespmem:v2+s7+$0x0] =	vst.idx.msk $0xffff, v3  }
0x3a: {  	[tilespmem:v1+s7+$0x0] =	vst.idx.msk $0xffff, v5  }
0x3b: {  	[tilespmem:v4+s7+$0x0] =	vst.idx.msk $0xffff, v5  }
0x3c: {  	[tilespmem:v6+s7+$0x0] =	vst.idx.msk $0xffff, v5  }
0x3d: {  	[tilespmem:v7+s7+$0x0] =	vst.idx.msk $0xffff, v5  }
0x3e: {  	v2 =	vor.u32 s11, v17;
	v1 =	vld [tilespmem:s9+$0xFFFFFF20];
	_ =	sdelay $0x4  }
0x3f: {  	[tilespmem:v2+s7+$0x0] =	vst.idx.msk $0xffff, v1  }
0x40: {  	v2 =	vor.u32 s11, v18;
	v1 =	vld [tilespmem:s9+$0xFFFFFFA0];
	_ =	sdelay $0x4  }
0x41: {  	[tilespmem:v2+s7+$0x0] =	vst.idx.msk $0xffff, v1  }
0x42: {  	v2 =	vor.u32 s11, v19;
	v1 =	vld [tilespmem:s9+$0x20];
	_ =	sdelay $0x4  }
0x43: {  	[tilespmem:v2+s7+$0x0] =	vst.idx.msk $0xffff, v1  }
0x44: {  	v2 =	vor.u32 s11, v20;
	v3 =	vld [tilespmem:s9+$0xA0]  }
0x45: {  	v1 =	vor.u32 s11, v21  }
0x46: {  	v4 =	vor.u32 s11, v22  }
0x47: {  	v6 =	vor.u32 s11, v23  }
0x48: {  	v7 =	vor.u32 s11, v24  }
0x49: {  	[tilespmem:v2+s7+$0x0] =	vst.idx.msk $0xffff, v3  }
0x4a: {  	[tilespmem:v1+s7+$0x0] =	vst.idx.msk $0xffff, v5  }
0x4b: {  	[tilespmem:v4+s7+$0x0] =	vst.idx.msk $0xffff, v5  }
0x4c: {  	[tilespmem:v6+s7+$0x0] =	vst.idx.msk $0xffff, v5  }
0x4d: {  	[tilespmem:v7+s7+$0x0] =	vst.idx.msk $0xffff, v5  }
0x4e: {  	v2 =	vor.u32 s11, v25;
	v1 =	vld [tilespmem:s9+$0xFFFFFF30];
	_ =	sdelay $0x4  }
0x4f: {  	[tilespmem:v2+s7+$0x0] =	vst.idx.msk $0xffff, v1  }
0x50: {  	v2 =	vor.u32 s11, v26;
	v1 =	vld [tilespmem:s9+$0xFFFFFFB0];
	_ =	sdelay $0x4  }
0x51: {  	[tilespmem:v2+s7+$0x0] =	vst.idx.msk $0xffff, v1  }
0x52: {  	v2 =	vor.u32 s11, v27;
	v1 =	vld [tilespmem:s9+$0x30];
	_ =	sdelay $0x4  }
0x53: {  	[tilespmem:v2+s7+$0x0] =	vst.idx.msk $0xffff, v1  }
0x54: {  	v2 =	vor.u32 s11, v28;
	v3 =	vld [tilespmem:s9+$0xB0]  }
0x55: {  	v1 =	vor.u32 s11, v29  }
0x56: {  	v4 =	vor.u32 s11, v30  }
0x57: {  	v6 =	vor.u32 s11, v31  }
0x58: {  	v7 =	vor.u32 s11, v32  }
0x59: {  	[tilespmem:v2+s7+$0x0] =	vst.idx.msk $0xffff, v3  }
0x5a: {  	[tilespmem:v1+s7+$0x0] =	vst.idx.msk $0xffff, v5  }
0x5b: {  	[tilespmem:v4+s7+$0x0] =	vst.idx.msk $0xffff, v5  }
0x5c: {  	[tilespmem:v6+s7+$0x0] =	vst.idx.msk $0xffff, v5  }
0x5d: {  	[tilespmem:v7+s7+$0x0] =	vst.idx.msk $0xffff, v5  }
0x5e: {  	v2 =	vor.u32 s11, v33;
	v1 =	vld [tilespmem:s9+$0xFFFFFF40];
	_ =	sdelay $0x4  }
0x5f: {  	[tilespmem:v2+s7+$0x0] =	vst.idx.msk $0xffff, v1  }
0x60: {  	v2 =	vor.u32 s11, v34;
	v1 =	vld [tilespmem:s9+$0xFFFFFFC0];
	_ =	sdelay $0x4  }
0x61: {  	[tilespmem:v2+s7+$0x0] =	vst.idx.msk $0xffff, v1  }
0x62: {  	v2 =	vor.u32 s11, v35;
	v1 =	vld [tilespmem:s9+$0x40];
	_ =	sdelay $0x4  }
0x63: {  	[tilespmem:v2+s7+$0x0] =	vst.idx.msk $0xffff, v1  }
0x64: {  	v2 =	vor.u32 s11, v36;
	v3 =	vld [tilespmem:s9+$0xC0]  }
0x65: {  	v1 =	vor.u32 s11, v37  }
0x66: {  	v4 =	vor.u32 s11, v38  }
0x67: {  	v6 =	vor.u32 s11, v39  }
0x68: {  	v7 =	vor.u32 s11, v40  }
0x69: {  	[tilespmem:v2+s7+$0x0] =	vst.idx.msk $0xffff, v3  }
0x6a: {  	[tilespmem:v1+s7+$0x0] =	vst.idx.msk $0xffff, v5  }
0x6b: {  	[tilespmem:v4+s7+$0x0] =	vst.idx.msk $0xffff, v5  }
0x6c: {  	[tilespmem:v6+s7+$0x0] =	vst.idx.msk $0xffff, v5  }
0x6d: {  	[tilespmem:v7+s7+$0x0] =	vst.idx.msk $0xffff, v5  }
0x6e: {  	v2 =	vor.u32 s11, v41;
	v1 =	vld [tilespmem:s9+$0xFFFFFF50];
	_ =	sdelay $0x4  }
0x6f: {  	[tilespmem:v2+s7+$0x0] =	vst.idx.msk $0xffff, v1  }
0x70: {  	v2 =	vor.u32 s11, v42;
	v1 =	vld [tilespmem:s9+$0xFFFFFFD0];
	_ =	sdelay $0x4  }
0x71: {  	[tilespmem:v2+s7+$0x0] =	vst.idx.msk $0xffff, v1  }
0x72: {  	v2 =	vor.u32 s11, v43;
	v1 =	vld [tilespmem:s9+$0x50];
	_ =	sdelay $0x4  }
0x73: {  	[tilespmem:v2+s7+$0x0] =	vst.idx.msk $0xffff, v1  }
0x74: {  	v2 =	vor.u32 s11, v44;
	v3 =	vld [tilespmem:s9+$0xD0]  }
0x75: {  	v1 =	vor.u32 s11, v45  }
0x76: {  	v4 =	vor.u32 s11, v46  }
0x77: {  	v6 =	vor.u32 s11, v47  }
0x78: {  	v7 =	vor.u32 s11, v48  }
0x79: {  	[tilespmem:v2+s7+$0x0] =	vst.idx.msk $0xffff, v3  }
0x7a: {  	[tilespmem:v1+s7+$0x0] =	vst.idx.msk $0xffff, v5  }
0x7b: {  	[tilespmem:v4+s7+$0x0] =	vst.idx.msk $0xffff, v5  }
0x7c: {  	[tilespmem:v6+s7+$0x0] =	vst.idx.msk $0xffff, v5  }
0x7d: {  	[tilespmem:v7+s7+$0x0] =	vst.idx.msk $0xffff, v5  }
0x7e: {  	v2 =	vor.u32 s11, v49;
	v1 =	vld [tilespmem:s9+$0xFFFFFF60];
	_ =	sdelay $0x4  }
0x7f: {  	[tilespmem:v2+s7+$0x0] =	vst.idx.msk $0xffff, v1  }
0x80: {  	v2 =	vor.u32 s11, v50;
	v1 =	vld [tilespmem:s9+$0xFFFFFFE0];
	_ =	sdelay $0x4  }
0x81: {  	[tilespmem:v2+s7+$0x0] =	vst.idx.msk $0xffff, v1  }
0x82: {  	v2 =	vor.u32 s11, v51;
	v1 =	vld [tilespmem:s9+$0x60];
	_ =	sdelay $0x4  }
0x83: {  	[tilespmem:v2+s7+$0x0] =	vst.idx.msk $0xffff, v1  }
0x84: {  	v2 =	vor.u32 s11, v52;
	v3 =	vld [tilespmem:s9+$0xE0]  }
0x85: {  	v1 =	vor.u32 s11, v53  }
0x86: {  	v4 =	vor.u32 s11, v54  }
0x87: {  	v6 =	vor.u32 s11, v55  }
0x88: {  	v7 =	vor.u32 s11, v56  }
0x89: {  	[tilespmem:v2+s7+$0x0] =	vst.idx.msk $0xffff, v3  }
0x8a: {  	[tilespmem:v1+s7+$0x0] =	vst.idx.msk $0xffff, v5  }
0x8b: {  	[tilespmem:v4+s7+$0x0] =	vst.idx.msk $0xffff, v5  }
0x8c: {  	[tilespmem:v6+s7+$0x0] =	vst.idx.msk $0xffff, v5  }
0x8d: {  	[tilespmem:v7+s7+$0x0] =	vst.idx.msk $0xffff, v5  }
0x8e: {  	v2 =	vor.u32 s11, v57;
	v1 =	vld [tilespmem:s9+$0xFFFFFF70];
	_ =	sdelay $0x4  }
0x8f: {  	[tilespmem:v2+s7+$0x0] =	vst.idx.msk $0xffff, v1  }
0x90: {  	v2 =	vor.u32 s11, v58;
	v1 =	vld [tilespmem:s9+$0xFFFFFFF0];
	_ =	sdelay $0x4  }
0x91: {  	[tilespmem:v2+s7+$0x0] =	vst.idx.msk $0xffff, v1  }
0x92: {  	v2 =	vor.u32 s11, v59;
	v1 =	vld [tilespmem:s9+$0x70];
	_ =	sdelay $0x4  }
0x93: {  	[tilespmem:v2+s7+$0x0] =	vst.idx.msk $0xffff, v1  }
0x94: {  	v2 =	vor.u32 s11, v60;
	v4 =	vld [tilespmem:s9+$0xF0]  }
0x95: {  	v1 =	vor.u32 s11, v61  }
0x96: {  	v6 =	vor.u32 s11, v62  }
0x97: {  	v3 =	vor.u32 s11, v63;
	_ =	sdelay $0x1  }
0x98: {  	[tilespmem:v2+s7+$0x0] =	vst.idx.msk $0xffff, v4  }
0x99: {  	[tilespmem:v1+s7+$0x0] =	vst.idx.msk $0xffff, v5  }
0x9a: {  	v1 =	vor.u32 $0x387, v8;
	[tilespmem:v6+s7+$0x0] =	vst.idx.msk $0xffff, v5  }
0x9b: {  	s10 =	simm.s32 $0x1;
	s13 =	simm.s32 $0x2;
	v2 =	vor.u32 s11, v1;
	[tilespmem:v3+s7+$0x0] =	vst.idx.msk $0xffff, v5  }
.LBB2_2:
0x9c: {  	_ =	sdelay $0x3  }
0x9d: {  	s12 =	sshll.u32 s10, $0xA;
	[tilespmem:v2+s7+$0x0] =	vst.idx.msk $0xffff, v5;
	s9 =	sadd.s32 $0x200, s9  }
0x9e: {  	v2 =	vld [tilespmem:s9+$0xFFFFFF00];
	v0 =	vor.u32 s12, v8;
	_ =	sdelay $0x4  }
0x9f: {  	[tilespmem:v0+s7+$0x0] =	vst.idx.msk $0xffff, v2;
	v2 =	vld [tilespmem:$0x1FF90];
	_ =	sdelay $0x4  }
0xa0: {  	v0 =	vld [tilespmem:s9+$0xFFFFFF80];
	v2 =	vor.u32 s12, v2;
	_ =	sdelay $0x4  }
0xa1: {  	[tilespmem:v2+s7+$0x0] =	vst.idx.msk $0xffff, v0;
	v2 =	vld [tilespmem:$0x1FFA0];
	_ =	sdelay $0x4  }
0xa2: {  	v0 =	vld [tilespmem:s9+$0x0];
	v2 =	vor.u32 s12, v2;
	_ =	sdelay $0x4  }
0xa3: {  	[tilespmem:v2+s7+$0x0] =	vst.idx.msk $0xffff, v0;
	v2 =	vld [tilespmem:$0x1FFB0]  }
0xa4: {  	v3 =	vld [tilespmem:$0x1FFC0]  }
0xa5: {  	v4 =	vld [tilespmem:$0x1FFD0]  }
0xa6: {  	v6 =	vld [tilespmem:$0x1FFE0]  }
0xa7: {  	v7 =	vld [tilespmem:$0x1FFF0]  }
0xa8: {  	v0 =	vld [tilespmem:s9+$0x80];
	v2 =	vor.u32 s12, v2  }
0xa9: {  	v3 =	vor.u32 s12, v3  }
0xaa: {  	v4 =	vor.u32 s12, v4  }
0xab: {  	v6 =	vor.u32 s12, v6  }
0xac: {  	v7 =	vor.u32 s12, v7  }
0xad: {  	[tilespmem:v2+s7+$0x0] =	vst.idx.msk $0xffff, v0  }
0xae: {  	[tilespmem:v3+s7+$0x0] =	vst.idx.msk $0xffff, v5  }
0xaf: {  	[tilespmem:v4+s7+$0x0] =	vst.idx.msk $0xffff, v5  }
0xb0: {  	[tilespmem:v6+s7+$0x0] =	vst.idx.msk $0xffff, v5  }
0xb1: {  	[tilespmem:v7+s7+$0x0] =	vst.idx.msk $0xffff, v5  }
0xb2: {  	v2 =	vor.u32 s12, v9;
	v0 =	vld [tilespmem:s9+$0xFFFFFF10];
	_ =	sdelay $0x4  }
0xb3: {  	[tilespmem:v2+s7+$0x0] =	vst.idx.msk $0xffff, v0  }
0xb4: {  	v2 =	vor.u32 s12, v10;
	v0 =	vld [tilespmem:s9+$0xFFFFFF90];
	_ =	sdelay $0x4  }
0xb5: {  	[tilespmem:v2+s7+$0x0] =	vst.idx.msk $0xffff, v0  }
0xb6: {  	v2 =	vor.u32 s12, v11;
	v0 =	vld [tilespmem:s9+$0x10];
	_ =	sdelay $0x4  }
0xb7: {  	[tilespmem:v2+s7+$0x0] =	vst.idx.msk $0xffff, v0  }
0xb8: {  	v2 =	vor.u32 s12, v12;
	v0 =	vld [tilespmem:s9+$0x90]  }
0xb9: {  	v3 =	vor.u32 s12, v13  }
0xba: {  	v4 =	vor.u32 s12, v14  }
0xbb: {  	v6 =	vor.u32 s12, v15  }
0xbc: {  	v7 =	vor.u32 s12, v16  }
0xbd: {  	[tilespmem:v2+s7+$0x0] =	vst.idx.msk $0xffff, v0  }
0xbe: {  	[tilespmem:v3+s7+$0x0] =	vst.idx.msk $0xffff, v5  }
0xbf: {  	[tilespmem:v4+s7+$0x0] =	vst.idx.msk $0xffff, v5  }
0xc0: {  	[tilespmem:v6+s7+$0x0] =	vst.idx.msk $0xffff, v5  }
0xc1: {  	[tilespmem:v7+s7+$0x0] =	vst.idx.msk $0xffff, v5  }
0xc2: {  	v2 =	vor.u32 s12, v17;
	v0 =	vld [tilespmem:s9+$0xFFFFFF20];
	_ =	sdelay $0x4  }
0xc3: {  	[tilespmem:v2+s7+$0x0] =	vst.idx.msk $0xffff, v0  }
0xc4: {  	v2 =	vor.u32 s12, v18;
	v0 =	vld [tilespmem:s9+$0xFFFFFFA0];
	_ =	sdelay $0x4  }
0xc5: {  	[tilespmem:v2+s7+$0x0] =	vst.idx.msk $0xffff, v0  }
0xc6: {  	v2 =	vor.u32 s12, v19;
	v0 =	vld [tilespmem:s9+$0x20];
	_ =	sdelay $0x4  }
0xc7: {  	[tilespmem:v2+s7+$0x0] =	vst.idx.msk $0xffff, v0  }
0xc8: {  	v2 =	vor.u32 s12, v20;
	v0 =	vld [tilespmem:s9+$0xA0]  }
0xc9: {  	v3 =	vor.u32 s12, v21  }
0xca: {  	v4 =	vor.u32 s12, v22  }
0xcb: {  	v6 =	vor.u32 s12, v23  }
0xcc: {  	v7 =	vor.u32 s12, v24  }
0xcd: {  	[tilespmem:v2+s7+$0x0] =	vst.idx.msk $0xffff, v0  }
0xce: {  	[tilespmem:v3+s7+$0x0] =	vst.idx.msk $0xffff, v5  }
0xcf: {  	[tilespmem:v4+s7+$0x0] =	vst.idx.msk $0xffff, v5  }
0xd0: {  	[tilespmem:v6+s7+$0x0] =	vst.idx.msk $0xffff, v5  }
0xd1: {  	[tilespmem:v7+s7+$0x0] =	vst.idx.msk $0xffff, v5  }
0xd2: {  	v2 =	vor.u32 s12, v25;
	v0 =	vld [tilespmem:s9+$0xFFFFFF30];
	_ =	sdelay $0x4  }
0xd3: {  	[tilespmem:v2+s7+$0x0] =	vst.idx.msk $0xffff, v0  }
0xd4: {  	v2 =	vor.u32 s12, v26;
	v0 =	vld [tilespmem:s9+$0xFFFFFFB0];
	_ =	sdelay $0x4  }
0xd5: {  	[tilespmem:v2+s7+$0x0] =	vst.idx.msk $0xffff, v0  }
0xd6: {  	v2 =	vor.u32 s12, v27;
	v0 =	vld [tilespmem:s9+$0x30];
	_ =	sdelay $0x4  }
0xd7: {  	[tilespmem:v2+s7+$0x0] =	vst.idx.msk $0xffff, v0  }
0xd8: {  	v2 =	vor.u32 s12, v28;
	v0 =	vld [tilespmem:s9+$0xB0]  }
0xd9: {  	v3 =	vor.u32 s12, v29  }
0xda: {  	v4 =	vor.u32 s12, v30  }
0xdb: {  	v6 =	vor.u32 s12, v31  }
0xdc: {  	v7 =	vor.u32 s12, v32  }
0xdd: {  	[tilespmem:v2+s7+$0x0] =	vst.idx.msk $0xffff, v0  }
0xde: {  	[tilespmem:v3+s7+$0x0] =	vst.idx.msk $0xffff, v5  }
0xdf: {  	[tilespmem:v4+s7+$0x0] =	vst.idx.msk $0xffff, v5  }
0xe0: {  	[tilespmem:v6+s7+$0x0] =	vst.idx.msk $0xffff, v5  }
0xe1: {  	[tilespmem:v7+s7+$0x0] =	vst.idx.msk $0xffff, v5  }
0xe2: {  	v2 =	vor.u32 s12, v33;
	v0 =	vld [tilespmem:s9+$0xFFFFFF40];
	_ =	sdelay $0x4  }
0xe3: {  	[tilespmem:v2+s7+$0x0] =	vst.idx.msk $0xffff, v0  }
0xe4: {  	v2 =	vor.u32 s12, v34;
	v0 =	vld [tilespmem:s9+$0xFFFFFFC0];
	_ =	sdelay $0x4  }
0xe5: {  	[tilespmem:v2+s7+$0x0] =	vst.idx.msk $0xffff, v0  }
0xe6: {  	v2 =	vor.u32 s12, v35;
	v0 =	vld [tilespmem:s9+$0x40];
	_ =	sdelay $0x4  }
0xe7: {  	[tilespmem:v2+s7+$0x0] =	vst.idx.msk $0xffff, v0  }
0xe8: {  	v2 =	vor.u32 s12, v36;
	v0 =	vld [tilespmem:s9+$0xC0]  }
0xe9: {  	v3 =	vor.u32 s12, v37  }
0xea: {  	v4 =	vor.u32 s12, v38  }
0xeb: {  	v6 =	vor.u32 s12, v39  }
0xec: {  	v7 =	vor.u32 s12, v40  }
0xed: {  	[tilespmem:v2+s7+$0x0] =	vst.idx.msk $0xffff, v0  }
0xee: {  	[tilespmem:v3+s7+$0x0] =	vst.idx.msk $0xffff, v5  }
0xef: {  	[tilespmem:v4+s7+$0x0] =	vst.idx.msk $0xffff, v5  }
0xf0: {  	[tilespmem:v6+s7+$0x0] =	vst.idx.msk $0xffff, v5  }
0xf1: {  	[tilespmem:v7+s7+$0x0] =	vst.idx.msk $0xffff, v5  }
0xf2: {  	v2 =	vor.u32 s12, v41;
	v0 =	vld [tilespmem:s9+$0xFFFFFF50];
	_ =	sdelay $0x4  }
0xf3: {  	[tilespmem:v2+s7+$0x0] =	vst.idx.msk $0xffff, v0  }
0xf4: {  	v2 =	vor.u32 s12, v42;
	v0 =	vld [tilespmem:s9+$0xFFFFFFD0];
	_ =	sdelay $0x4  }
0xf5: {  	[tilespmem:v2+s7+$0x0] =	vst.idx.msk $0xffff, v0  }
0xf6: {  	v2 =	vor.u32 s12, v43;
	v0 =	vld [tilespmem:s9+$0x50];
	_ =	sdelay $0x4  }
0xf7: {  	[tilespmem:v2+s7+$0x0] =	vst.idx.msk $0xffff, v0  }
0xf8: {  	v2 =	vor.u32 s12, v44;
	v0 =	vld [tilespmem:s9+$0xD0]  }
0xf9: {  	v3 =	vor.u32 s12, v45  }
0xfa: {  	v4 =	vor.u32 s12, v46  }
0xfb: {  	v6 =	vor.u32 s12, v47  }
0xfc: {  	v7 =	vor.u32 s12, v48  }
0xfd: {  	[tilespmem:v2+s7+$0x0] =	vst.idx.msk $0xffff, v0  }
0xfe: {  	[tilespmem:v3+s7+$0x0] =	vst.idx.msk $0xffff, v5  }
0xff: {  	[tilespmem:v4+s7+$0x0] =	vst.idx.msk $0xffff, v5  }
0x100: {  	[tilespmem:v6+s7+$0x0] =	vst.idx.msk $0xffff, v5  }
0x101: {  	[tilespmem:v7+s7+$0x0] =	vst.idx.msk $0xffff, v5  }
0x102: {  	v2 =	vor.u32 s12, v49;
	v0 =	vld [tilespmem:s9+$0xFFFFFF60];
	_ =	sdelay $0x4  }
0x103: {  	[tilespmem:v2+s7+$0x0] =	vst.idx.msk $0xffff, v0  }
0x104: {  	v2 =	vor.u32 s12, v50;
	v0 =	vld [tilespmem:s9+$0xFFFFFFE0];
	_ =	sdelay $0x4  }
0x105: {  	[tilespmem:v2+s7+$0x0] =	vst.idx.msk $0xffff, v0  }
0x106: {  	v2 =	vor.u32 s12, v51;
	v0 =	vld [tilespmem:s9+$0x60];
	_ =	sdelay $0x4  }
0x107: {  	[tilespmem:v2+s7+$0x0] =	vst.idx.msk $0xffff, v0  }
0x108: {  	v2 =	vor.u32 s12, v52;
	v0 =	vld [tilespmem:s9+$0xE0]  }
0x109: {  	v3 =	vor.u32 s12, v53  }
0x10a: {  	v4 =	vor.u32 s12, v54  }
0x10b: {  	v6 =	vor.u32 s12, v55  }
0x10c: {  	v7 =	vor.u32 s12, v56  }
0x10d: {  	[tilespmem:v2+s7+$0x0] =	vst.idx.msk $0xffff, v0  }
0x10e: {  	[tilespmem:v3+s7+$0x0] =	vst.idx.msk $0xffff, v5  }
0x10f: {  	[tilespmem:v4+s7+$0x0] =	vst.idx.msk $0xffff, v5  }
0x110: {  	[tilespmem:v6+s7+$0x0] =	vst.idx.msk $0xffff, v5  }
0x111: {  	[tilespmem:v7+s7+$0x0] =	vst.idx.msk $0xffff, v5  }
0x112: {  	v2 =	vor.u32 s12, v57;
	v0 =	vld [tilespmem:s9+$0xFFFFFF70];
	_ =	sdelay $0x4  }
0x113: {  	[tilespmem:v2+s7+$0x0] =	vst.idx.msk $0xffff, v0  }
0x114: {  	v2 =	vor.u32 s12, v58;
	v0 =	vld [tilespmem:s9+$0xFFFFFFF0];
	_ =	sdelay $0x4  }
0x115: {  	[tilespmem:v2+s7+$0x0] =	vst.idx.msk $0xffff, v0  }
0x116: {  	v2 =	vor.u32 s12, v59;
	v0 =	vld [tilespmem:s9+$0x70];
	_ =	sdelay $0x4  }
0x117: {  	[tilespmem:v2+s7+$0x0] =	vst.idx.msk $0xffff, v0  }
0x118: {  	v3 =	vor.u32 s12, v60;
	v0 =	vld [tilespmem:s9+$0xF0]  }
0x119: {  	v4 =	vor.u32 s12, v61  }
0x11a: {  	v6 =	vor.u32 s12, v62  }
0x11b: {  	p0 =	sne.s32 s13, $0x4F;
	v7 =	vor.u32 s12, v63  }
.Ltmp0:
0x11c: {  	_ = 	snop;
	(pc) =	sbr.rel @p0 .LBB2_2-.Ltmp0, $4  }
0x11d: {  	[tilespmem:v3+s7+$0x0] =	vst.idx.msk $0xffff, v0  }
0x11e: {  	[tilespmem:v4+s7+$0x0] =	vst.idx.msk $0xffff, v5  }
0x11f: {  	s11 =	sadd.s32 $0x1, s13;
	[tilespmem:v6+s7+$0x0] =	vst.idx.msk $0xffff, v5  }
0x120: {  	s10 =	smov.u32 s13;
	s13 =	smov.u32 s11;
	v2 =	vor.u32 s12, v1;
	[tilespmem:v7+s7+$0x0] =	vst.idx.msk $0xffff, v5  }
0x121: {  	_ =	sdelay $0x3  }
0x122: {  	s10 =	sshll.u32 s10, $0xA;
	[tilespmem:v2+s7+$0x0] =	vst.idx.msk $0xffff, v5;
	s9 =	sadd.s32 $0x200, s9  }
0x123: {  	v0 =	vld [tilespmem:s9+$0xFFFFFF00];
	v2 =	vor.u32 s10, v8;
	_ =	sdelay $0x4  }
0x124: {  	[tilespmem:v2+s7+$0x0] =	vst.idx.msk $0xffff, v0;
	v2 =	vld [tilespmem:$0x1FF90];
	_ =	sdelay $0x4  }
0x125: {  	v0 =	vld [tilespmem:s9+$0xFFFFFF80];
	v2 =	vor.u32 s10, v2;
	_ =	sdelay $0x4  }
0x126: {  	[tilespmem:v2+s7+$0x0] =	vst.idx.msk $0xffff, v0;
	v2 =	vld [tilespmem:$0x1FFA0];
	_ =	sdelay $0x4  }
0x127: {  	v0 =	vld [tilespmem:s9+$0x0];
	v2 =	vor.u32 s10, v2;
	_ =	sdelay $0x4  }
0x128: {  	[tilespmem:v2+s7+$0x0] =	vst.idx.msk $0xffff, v0;
	v2 =	vld [tilespmem:$0x1FFB0]  }
0x129: {  	v3 =	vld [tilespmem:$0x1FFC0]  }
0x12a: {  	v4 =	vld [tilespmem:$0x1FFD0]  }
0x12b: {  	v6 =	vld [tilespmem:$0x1FFE0]  }
0x12c: {  	v7 =	vld [tilespmem:$0x1FFF0]  }
0x12d: {  	v0 =	vld [tilespmem:s9+$0x80];
	v2 =	vor.u32 s10, v2  }
0x12e: {  	v3 =	vor.u32 s10, v3  }
0x12f: {  	v4 =	vor.u32 s10, v4  }
0x130: {  	v6 =	vor.u32 s10, v6  }
0x131: {  	v7 =	vor.u32 s10, v7  }
0x132: {  	[tilespmem:v2+s7+$0x0] =	vst.idx.msk $0xffff, v0  }
0x133: {  	[tilespmem:v3+s7+$0x0] =	vst.idx.msk $0xffff, v5  }
0x134: {  	[tilespmem:v4+s7+$0x0] =	vst.idx.msk $0xffff, v5  }
0x135: {  	[tilespmem:v6+s7+$0x0] =	vst.idx.msk $0xffff, v5  }
0x136: {  	[tilespmem:v7+s7+$0x0] =	vst.idx.msk $0xffff, v5  }
0x137: {  	v2 =	vor.u32 s10, v9;
	v0 =	vld [tilespmem:s9+$0xFFFFFF10];
	_ =	sdelay $0x4  }
0x138: {  	[tilespmem:v2+s7+$0x0] =	vst.idx.msk $0xffff, v0  }
0x139: {  	v2 =	vor.u32 s10, v10;
	v0 =	vld [tilespmem:s9+$0xFFFFFF90];
	_ =	sdelay $0x4  }
0x13a: {  	[tilespmem:v2+s7+$0x0] =	vst.idx.msk $0xffff, v0  }
0x13b: {  	v2 =	vor.u32 s10, v11;
	v0 =	vld [tilespmem:s9+$0x10];
	_ =	sdelay $0x4  }
0x13c: {  	[tilespmem:v2+s7+$0x0] =	vst.idx.msk $0xffff, v0  }
0x13d: {  	v2 =	vor.u32 s10, v12;
	v0 =	vld [tilespmem:s9+$0x90]  }
0x13e: {  	v3 =	vor.u32 s10, v13  }
0x13f: {  	v4 =	vor.u32 s10, v14  }
0x140: {  	v6 =	vor.u32 s10, v15  }
0x141: {  	v7 =	vor.u32 s10, v16  }
0x142: {  	[tilespmem:v2+s7+$0x0] =	vst.idx.msk $0xffff, v0  }
0x143: {  	[tilespmem:v3+s7+$0x0] =	vst.idx.msk $0xffff, v5  }
0x144: {  	[tilespmem:v4+s7+$0x0] =	vst.idx.msk $0xffff, v5  }
0x145: {  	[tilespmem:v6+s7+$0x0] =	vst.idx.msk $0xffff, v5  }
0x146: {  	[tilespmem:v7+s7+$0x0] =	vst.idx.msk $0xffff, v5  }
0x147: {  	v2 =	vor.u32 s10, v17;
	v0 =	vld [tilespmem:s9+$0xFFFFFF20];
	_ =	sdelay $0x4  }
0x148: {  	[tilespmem:v2+s7+$0x0] =	vst.idx.msk $0xffff, v0  }
0x149: {  	v2 =	vor.u32 s10, v18;
	v0 =	vld [tilespmem:s9+$0xFFFFFFA0];
	_ =	sdelay $0x4  }
0x14a: {  	[tilespmem:v2+s7+$0x0] =	vst.idx.msk $0xffff, v0  }
0x14b: {  	v2 =	vor.u32 s10, v19;
	v0 =	vld [tilespmem:s9+$0x20];
	_ =	sdelay $0x4  }
0x14c: {  	[tilespmem:v2+s7+$0x0] =	vst.idx.msk $0xffff, v0  }
0x14d: {  	v2 =	vor.u32 s10, v20;
	v0 =	vld [tilespmem:s9+$0xA0]  }
0x14e: {  	v3 =	vor.u32 s10, v21  }
0x14f: {  	v4 =	vor.u32 s10, v22  }
0x150: {  	v6 =	vor.u32 s10, v23  }
0x151: {  	v7 =	vor.u32 s10, v24  }
0x152: {  	[tilespmem:v2+s7+$0x0] =	vst.idx.msk $0xffff, v0  }
0x153: {  	[tilespmem:v3+s7+$0x0] =	vst.idx.msk $0xffff, v5  }
0x154: {  	[tilespmem:v4+s7+$0x0] =	vst.idx.msk $0xffff, v5  }
0x155: {  	[tilespmem:v6+s7+$0x0] =	vst.idx.msk $0xffff, v5  }
0x156: {  	[tilespmem:v7+s7+$0x0] =	vst.idx.msk $0xffff, v5  }
0x157: {  	v2 =	vor.u32 s10, v25;
	v0 =	vld [tilespmem:s9+$0xFFFFFF30];
	_ =	sdelay $0x4  }
0x158: {  	[tilespmem:v2+s7+$0x0] =	vst.idx.msk $0xffff, v0  }
0x159: {  	v2 =	vor.u32 s10, v26;
	v0 =	vld [tilespmem:s9+$0xFFFFFFB0];
	_ =	sdelay $0x4  }
0x15a: {  	[tilespmem:v2+s7+$0x0] =	vst.idx.msk $0xffff, v0  }
0x15b: {  	v2 =	vor.u32 s10, v27;
	v0 =	vld [tilespmem:s9+$0x30];
	_ =	sdelay $0x4  }
0x15c: {  	[tilespmem:v2+s7+$0x0] =	vst.idx.msk $0xffff, v0  }
0x15d: {  	v2 =	vor.u32 s10, v28;
	v0 =	vld [tilespmem:s9+$0xB0]  }
0x15e: {  	v3 =	vor.u32 s10, v29  }
0x15f: {  	v4 =	vor.u32 s10, v30  }
0x160: {  	v6 =	vor.u32 s10, v31  }
0x161: {  	v7 =	vor.u32 s10, v32  }
0x162: {  	[tilespmem:v2+s7+$0x0] =	vst.idx.msk $0xffff, v0  }
0x163: {  	[tilespmem:v3+s7+$0x0] =	vst.idx.msk $0xffff, v5  }
0x164: {  	[tilespmem:v4+s7+$0x0] =	vst.idx.msk $0xffff, v5  }
0x165: {  	[tilespmem:v6+s7+$0x0] =	vst.idx.msk $0xffff, v5  }
0x166: {  	[tilespmem:v7+s7+$0x0] =	vst.idx.msk $0xffff, v5  }
0x167: {  	v2 =	vor.u32 s10, v33;
	v0 =	vld [tilespmem:s9+$0xFFFFFF40];
	_ =	sdelay $0x4  }
0x168: {  	[tilespmem:v2+s7+$0x0] =	vst.idx.msk $0xffff, v0  }
0x169: {  	v2 =	vor.u32 s10, v34;
	v0 =	vld [tilespmem:s9+$0xFFFFFFC0];
	_ =	sdelay $0x4  }
0x16a: {  	[tilespmem:v2+s7+$0x0] =	vst.idx.msk $0xffff, v0  }
0x16b: {  	v2 =	vor.u32 s10, v35;
	v0 =	vld [tilespmem:s9+$0x40];
	_ =	sdelay $0x4  }
0x16c: {  	[tilespmem:v2+s7+$0x0] =	vst.idx.msk $0xffff, v0  }
0x16d: {  	v2 =	vor.u32 s10, v36;
	v0 =	vld [tilespmem:s9+$0xC0]  }
0x16e: {  	v3 =	vor.u32 s10, v37  }
0x16f: {  	v4 =	vor.u32 s10, v38  }
0x170: {  	v6 =	vor.u32 s10, v39  }
0x171: {  	v7 =	vor.u32 s10, v40  }
0x172: {  	[tilespmem:v2+s7+$0x0] =	vst.idx.msk $0xffff, v0  }
0x173: {  	[tilespmem:v3+s7+$0x0] =	vst.idx.msk $0xffff, v5  }
0x174: {  	[tilespmem:v4+s7+$0x0] =	vst.idx.msk $0xffff, v5  }
0x175: {  	[tilespmem:v6+s7+$0x0] =	vst.idx.msk $0xffff, v5  }
0x176: {  	[tilespmem:v7+s7+$0x0] =	vst.idx.msk $0xffff, v5  }
0x177: {  	v2 =	vor.u32 s10, v41;
	v0 =	vld [tilespmem:s9+$0xFFFFFF50];
	_ =	sdelay $0x4  }
0x178: {  	[tilespmem:v2+s7+$0x0] =	vst.idx.msk $0xffff, v0  }
0x179: {  	v2 =	vor.u32 s10, v42;
	v0 =	vld [tilespmem:s9+$0xFFFFFFD0];
	_ =	sdelay $0x4  }
0x17a: {  	[tilespmem:v2+s7+$0x0] =	vst.idx.msk $0xffff, v0  }
0x17b: {  	v2 =	vor.u32 s10, v43;
	v0 =	vld [tilespmem:s9+$0x50];
	_ =	sdelay $0x4  }
0x17c: {  	[tilespmem:v2+s7+$0x0] =	vst.idx.msk $0xffff, v0  }
0x17d: {  	v2 =	vor.u32 s10, v44;
	v0 =	vld [tilespmem:s9+$0xD0]  }
0x17e: {  	v3 =	vor.u32 s10, v45  }
0x17f: {  	v4 =	vor.u32 s10, v46  }
0x180: {  	v6 =	vor.u32 s10, v47  }
0x181: {  	v7 =	vor.u32 s10, v48  }
0x182: {  	[tilespmem:v2+s7+$0x0] =	vst.idx.msk $0xffff, v0  }
0x183: {  	[tilespmem:v3+s7+$0x0] =	vst.idx.msk $0xffff, v5  }
0x184: {  	[tilespmem:v4+s7+$0x0] =	vst.idx.msk $0xffff, v5  }
0x185: {  	[tilespmem:v6+s7+$0x0] =	vst.idx.msk $0xffff, v5  }
0x186: {  	[tilespmem:v7+s7+$0x0] =	vst.idx.msk $0xffff, v5  }
0x187: {  	v2 =	vor.u32 s10, v49;
	v0 =	vld [tilespmem:s9+$0xFFFFFF60];
	_ =	sdelay $0x4  }
0x188: {  	[tilespmem:v2+s7+$0x0] =	vst.idx.msk $0xffff, v0  }
0x189: {  	v2 =	vor.u32 s10, v50;
	v0 =	vld [tilespmem:s9+$0xFFFFFFE0];
	_ =	sdelay $0x4  }
0x18a: {  	[tilespmem:v2+s7+$0x0] =	vst.idx.msk $0xffff, v0  }
0x18b: {  	v2 =	vor.u32 s10, v51;
	v0 =	vld [tilespmem:s9+$0x60];
	_ =	sdelay $0x4  }
0x18c: {  	[tilespmem:v2+s7+$0x0] =	vst.idx.msk $0xffff, v0  }
0x18d: {  	v2 =	vor.u32 s10, v52;
	v0 =	vld [tilespmem:s9+$0xE0]  }
0x18e: {  	v3 =	vor.u32 s10, v53  }
0x18f: {  	v4 =	vor.u32 s10, v54  }
0x190: {  	v6 =	vor.u32 s10, v55  }
0x191: {  	v7 =	vor.u32 s10, v56  }
0x192: {  	[tilespmem:v2+s7+$0x0] =	vst.idx.msk $0xffff, v0  }
0x193: {  	[tilespmem:v3+s7+$0x0] =	vst.idx.msk $0xffff, v5  }
0x194: {  	[tilespmem:v4+s7+$0x0] =	vst.idx.msk $0xffff, v5  }
0x195: {  	[tilespmem:v6+s7+$0x0] =	vst.idx.msk $0xffff, v5  }
0x196: {  	[tilespmem:v7+s7+$0x0] =	vst.idx.msk $0xffff, v5  }
0x197: {  	v2 =	vor.u32 s10, v57;
	v0 =	vld [tilespmem:s9+$0xFFFFFF70];
	_ =	sdelay $0x4  }
0x198: {  	[tilespmem:v2+s7+$0x0] =	vst.idx.msk $0xffff, v0  }
0x199: {  	v2 =	vor.u32 s10, v58;
	v0 =	vld [tilespmem:s9+$0xFFFFFFF0];
	_ =	sdelay $0x4  }
0x19a: {  	[tilespmem:v2+s7+$0x0] =	vst.idx.msk $0xffff, v0  }
0x19b: {  	v2 =	vor.u32 s10, v59;
	v0 =	vld [tilespmem:s9+$0x70];
	_ =	sdelay $0x4  }
0x19c: {  	[tilespmem:v2+s7+$0x0] =	vst.idx.msk $0xffff, v0  }
0x19d: {  	v2 =	vor.u32 s10, v60;
	v0 =	vld [tilespmem:s9+$0xF0]  }
0x19e: {  	v3 =	vor.u32 s10, v61  }
0x19f: {  	v4 =	vor.u32 s10, v62  }
0x1a0: {  	v6 =	vor.u32 s10, v63  }
0x1a1: {  	v1 =	vor.u32 s10, v1  }
0x1a2: {  	[tilespmem:v2+s7+$0x0] =	vst.idx.msk $0xffff, v0  }
0x1a3: {  	[tilespmem:v3+s7+$0x0] =	vst.idx.msk $0xffff, v5  }
0x1a4: {  	s8 =	sadd.s32 $0x1, s8;
	[tilespmem:v4+s7+$0x0] =	vst.idx.msk $0xffff, v5  }
0x1a5: {  	p0 =	sne.s32 s8, s5;
	[tilespmem:v6+s7+$0x0] =	vst.idx.msk $0xffff, v5  }
.Ltmp1:
0x1a6: {  	[tilespmem:v1+s7+$0x0] =	vst.idx.msk $0xffff, v5;
	(pc) =	sbr.rel @p0 .LBB2_1-.Ltmp1, $4  }
0x1a7: {  	[hbm4b:s4+s2] =	stream.linear.scatter [tilespmem:s7], [sflag:$0x1], $0x14000, $0x38;
	[tilespmem:$0x1E000] =	vst v63  }
0x1a8: {  	_ =	swait.ge [sflag:s6], $0x14000  }
0x1a9: {  	[sflag:s6] =	ssyncset.done $0x0  }
0x1aa: {  	[sflag:s6] =	ssyncadd.s32 $0xFFFEC000  }
0x1ab: {  	_ =	sfence.sel $0x180000  }
0x1ac: {  	[bflag:$0x0] =	sbarrier.arrive $0xFFFF  }
0x1ad: {  	p0 =	sne.s32 s0, $0x0;
	_ =	strace $0x90000047  }
0x1ae: {  	s0 =	sadd.s32 @!p0 $0x100000, s1;
	[bflag:$0x2] =	sbarrier.arrive $0xFFFF  }
0x1af: {  	[sflag:s0] =	ssyncadd.tile.s32 @!p0 $0x1;
	_ =	shalt  }
.Lfunc_end2:
_tile_overlayer_lowered:
.L_overlay_start_2:
0x1b0: {  	(tag) =	ssettag $0x2  }
0x1b1: {  	s0 =	rddreg [dreg:$0x0];
	s2 =	stileid.u32  }
0x1b2: {  	s1 =	rddreg [dreg:$0x1];
	p0 =	sne.s32 s2, $0x0  }
0x1b3: {  	s3 =	rddreg [dreg:$0x2];
	[bflag:$0x3] =	sbarrier.arrive $0xFFFF;
	s2 =	simm.s32 @!p0 $0x1C01  }
0x1b4: {  	[timem:s3], [sflag:s2] =	dma.local @!p0 [hbm:s0], s1  }
0x1b5: {  	s0 =	simm.s32 @!p0 $0x1  }
0x1b6: {  	_ =	swait.ge @!p0 [sflag:s0], s1  }
0x1b7: {  	s1 =	ssub.s32 @!p0 $0x0, s1;
	[sflag:s0] =	ssyncset.done @!p0 $0x0  }
0x1b8: {  	[sflag:s0] =	ssyncadd.s32 @!p0 s1  }
0x1b9: {  	[bflag:$0x3] =	sbarrier.arrive $0xFFFF  }
0x1ba: {  	_ =	shalt  }

// kernel: kernel.14.cloned.1.call-start
scs
__scs_entry_jumppad:
0x0: {  	(pc) =	sbr.rel $0x88, $3  }
0x1: {  	(tag) =	ssettag $0x0;
	lr =	simm.s32 $0x1  }
0x2: {  	[smem:$0x3F92] =	sst lr;
	_ =	strace $0xD0000000  }
0x3: {  	_ = 	snop  }
0x4: {  	_ = 	snop  }
0x5: {  	_ = 	snop  }
0x6: {  	_ = 	snop  }
0x7: {  	_ = 	snop  }
__scs_overlays_trampoline_lowered:
0x8: {  	[smem:$0x3FA1] =	sst s0  }
0x9: {  	[smem:$0x3FA2] =	sst s1  }
0xa: {  	[smem:$0x3FA3] =	sst s2  }
0xb: {  	[smem:$0x3FA4] =	sst s3  }
0xc: {  	[smem:$0x3FA5] =	sst s4  }
0xd: {  	[smem:$0x3FA6] =	sst s5  }
0xe: {  	[smem:$0x3FA7] =	sst s6  }
0xf: {  	[smem:$0x3FA8] =	sst s7  }
0x10: {  	[smem:$0x3FA9] =	sst s8  }
0x11: {  	[smem:$0x3FAA] =	sst s9;
	s0 =	simm.s32 @!p0 $0x0  }
0x12: {  	s1 =	sld [smem:$0x3F90];
	s0 =	simm.s32 @p0 $0x1  }
0x13: {  	[smem:$0x3FAB] =	sst s0;
	s0 =	simm.s32 @!p1 $0x0  }
0x14: {  	s2 =	sld [smem:$0x3F8F];
	s0 =	simm.s32 @p1 $0x1  }
0x15: {  	[smem:$0x3FAC] =	sst s0;
	s0 =	simm.s32 @!p2 $0x0  }
0x16: {  	s3 =	sld [smem:$0x3FDB];
	s0 =	simm.s32 @p2 $0x1  }
0x17: {  	s4 =	simm.s32 $0x1BF5;
	[smem:$0x3FAE] =	sst s0  }
0x18: {  	s0 =	sld [smem:$0x3F91];
	_ =	swait.ge [sflag:s4], $0x0  }
0x19: {  	s7 =	sld [smem:$0x3F92]  }
0x1a: {  	s8 =	sadd.s32 $0xFFFFE003, lr  }
0x1b: {  	s9 =	sadd.s32 $0xFFFFFEF7, lr;
	s5 =	simm.s32 $0xFFFFFFFF;
	p2 =	slt.u32 s8, $0xFFFFF086  }
0x1c: {  	p1 =	slt.u32 s9, $0xF7A;
	s5 =	simm.s32 @!p2 $0x0  }
0x1d: {  	s5 =	simm.s32 @p1 $0x1;
	p0 =	seq.s32 s7, s2  }
0x1e: {  	s7 =	smul.u32 @!p0 $0xF7A, s2;
	p2 =	seq.s32 @!p0 s5, $0x0  }
0x1f: {  	s9 =	smul.u32 $0xF7A, s1;
	s8 =	simm.s32 @!p0 $0x1BF5;
	p2 =	por !p2, p0  }
0x20: {  	[sflag:s8] =	ssyncset.s32 @!p0 $0xFFFFF086;
	s6 =	sadd.s32 @!p0 s3, s7;
	s7 =	simm.s32 @!p0 $0x108  }
0x21: {  	s3 =	sadd.s32 s3, s9;
	s6 =	sadd.s32 @!p0 $0x88, s6;
	s7 =	simm.s32 @p2 $0x1082  }
0x22: {  	[simem:s7], [sflag:s8] =	dma.local @!p0 [hbm:s6], $0xF7A  }
0x23: {  	s9 =	sor.u32 $0xD0000000, s2;
	s6 =	simm.s32 $0x108;
	_ =	swait.ge @!p0 [sflag:s8], $0x0  }
0x24: {  	s3 =	sadd.s32 $0x88, s3;
	s6 =	simm.s32 @!p1 $0x1082;
	[sflag:s4] =	ssyncset.s32 $0xFFFFF086  }
0x25: {  	[simem:s6], [sflag:s4] =	dma.local [hbm:s3], $0xF7A  }
0x26: {  	[smem:$0x3F92] =	sst s1;
	(tag) =	ssettag s2;
	_ =	strace s9  }
0x27: {  	s1 =	sld [smem:$0x3FA2]  }
0x28: {  	s2 =	sld [smem:$0x3FA3]  }
0x29: {  	s4 =	sld [smem:$0x3FA5]  }
0x2a: {  	p0 =	seq.s32 s5, $0x0;
	s5 =	sld [smem:$0x3FA6]  }
0x2b: {  	s6 =	sld [smem:$0x3FA7]  }
0x2c: {  	s7 =	sld [smem:$0x3FA8]  }
0x2d: {  	s3 =	simm.s32 $0x108;
	s8 =	sld [smem:$0x3FA9]  }
0x2e: {  	s3 =	simm.s32 @!p0 $0x1082;
	s9 =	sld [smem:$0x3FAA]  }
0x2f: {  	lr =	sadd.s32 s0, s3;
	s0 =	sld [smem:$0x3FA1]  }
0x30: {  	s3 =	sld [smem:$0x3FA4]  }
0x31: {  	[smem:$0x3FAD] =	sst s10  }
0x32: {  	s10 =	sld [smem:$0x3FAB];
	_ =	sdelay $0x3  }
0x33: {  	p0 =	seq.s32 s10, $0x1;
	s10 =	sld [smem:$0x3FAD];
	_ =	sdelay $0x3  }
0x34: {  	[smem:$0x3FAD] =	sst s10  }
0x35: {  	s10 =	sld [smem:$0x3FAC];
	_ =	sdelay $0x3  }
0x36: {  	p1 =	seq.s32 s10, $0x1;
	s10 =	sld [smem:$0x3FAD];
	_ =	sdelay $0x3  }
0x37: {  	[smem:$0x3FAD] =	sst s10  }
0x38: {  	s10 =	sld [smem:$0x3FAE]  }
0x39: {  	_ = 	snop;
	(pc) =	sbr.ind lr, $3  }
0x3a: {  	_ = 	snop  }
0x3b: {  	_ = 	snop  }
0x3c: {  	p2 =	seq.s32 s10, $0x1;
	s10 =	sld [smem:$0x3FAD]  }
0x3d: {  	_ =	shalt  }
0x3e: {  	_ =	shalt  }
0x3f: {  	_ =	shalt  }
0x40: {  	_ =	shalt  }
0x41: {  	_ =	shalt  }
0x42: {  	_ =	shalt  }
0x43: {  	_ =	shalt  }
0x44: {  	_ =	shalt  }
0x45: {  	_ =	shalt  }
0x46: {  	_ =	shalt  }
0x47: {  	_ =	shalt  }
0x48: {  	_ =	shalt  }
0x49: {  	_ =	shalt  }
0x4a: {  	_ =	shalt  }
0x4b: {  	_ =	shalt  }
0x4c: {  	_ =	shalt  }
0x4d: {  	_ =	shalt  }
0x4e: {  	_ =	shalt  }
0x4f: {  	_ =	shalt  }
0x50: {  	_ =	shalt  }
0x51: {  	_ =	shalt  }
0x52: {  	_ =	shalt  }
0x53: {  	_ =	shalt  }
0x54: {  	_ =	shalt  }
0x55: {  	_ =	shalt  }
0x56: {  	_ =	shalt  }
0x57: {  	_ =	shalt  }
0x58: {  	_ =	shalt  }
0x59: {  	_ =	shalt  }
0x5a: {  	_ =	shalt  }
0x5b: {  	_ =	shalt  }
0x5c: {  	_ =	shalt  }
0x5d: {  	_ =	shalt  }
0x5e: {  	_ =	shalt  }
0x5f: {  	_ =	shalt  }
0x60: {  	_ =	shalt  }
0x61: {  	_ =	shalt  }
0x62: {  	_ =	shalt  }
0x63: {  	_ =	shalt  }
0x64: {  	_ =	shalt  }
0x65: {  	_ =	shalt  }
0x66: {  	_ =	shalt  }
0x67: {  	_ =	shalt  }
0x68: {  	_ =	shalt  }
0x69: {  	_ =	shalt  }
0x6a: {  	_ =	shalt  }
0x6b: {  	_ =	shalt  }
0x6c: {  	_ =	shalt  }
0x6d: {  	_ =	shalt  }
0x6e: {  	_ =	shalt  }
0x6f: {  	_ =	shalt  }
0x70: {  	_ =	shalt  }
0x71: {  	_ =	shalt  }
0x72: {  	_ =	shalt  }
0x73: {  	_ =	shalt  }
0x74: {  	_ =	shalt  }
0x75: {  	_ =	shalt  }
0x76: {  	_ =	shalt  }
0x77: {  	_ =	shalt  }
0x78: {  	_ =	shalt  }
0x79: {  	_ =	shalt  }
0x7a: {  	_ =	shalt  }
0x7b: {  	_ =	shalt  }
0x7c: {  	_ =	shalt  }
0x7d: {  	_ =	shalt  }
0x7e: {  	_ =	shalt  }
0x7f: {  	_ =	shalt  }
0x80: {  	_ =	shalt  }
0x81: {  	_ =	shalt  }
0x82: {  	_ =	shalt  }
0x83: {  	_ =	shalt  }
0x84: {  	_ =	shalt  }
0x85: {  	_ =	shalt  }
0x86: {  	_ =	shalt  }
0x87: {  	_ =	shalt  }
.Lfunc_end0:
.L_simem_size_0:
called_computation.1_lowered:
.L_overlay_start_0:
0x88: {  	s2 =	sld [smem:$0x3FD9]  }
0x89: {  	s3 =	sld [smem:$0x3FFE];
	_ =	sdelay $0x1  }
0x8a: {  	s1 =	srdreg.scid  }
0x8b: {  	s0 =	sand.u32 $0x1, s1  }
0x8c: {  	s17 =	sshll.u32 s0, $0xA;
	s2 =	sadd.s32 s3, s2  }
0x8d: {  	s2 =	sadd.s32 s2, s17  }
0x8e: {  	[smem:$0x3FB9] =	sst s2  }
0x8f: {  	_ = 	snop  }
0x90: {  	s18 =	sld [smem:$0x3FD0];
	(tm) =	ssettm $0x1  }
0x91: {  	s19 =	sld [smem:$0x3FFB];
	_ =	sdelay $0x3  }
0x92: {  	_ =	strace s19  }
0x93: {  	s2 =	sld [smem:$0x3FFC];
	_ =	sdelay $0x3  }
0x94: {  	_ =	strace s2  }
0x95: {  	s2 =	sld [smem:$0x3FFD];
	_ =	sdelay $0x3  }
0x96: {  	_ =	strace s2  }
0x97: {  	_ =	strace $0x8FFFFFFF  }
0x98: {  	s20 =	sld [smem:$0x3FDB];
	_ =	sdelay $0x1  }
0x99: {  	s4 =	simm.s32 $_scs_section_size  }
0x9a: {  	s5 =	simm.s32 $_size__tile_overlayer_lowered;
	s6 =	simm.s32 $_tile_overlayer_lowered  }
0x9b: {  	s7 =	simm.s32 $0x1BFF;
	s21 =	sshll.u32 s6, $0x1;
	s4 =	sadd.s32 s4, s20  }
0x9c: {  	s22 =	simm.s32 $0x0;
	s5 =	sshll.u32 s5, $0x1;
	s6 =	sadd.s32 s21, s4  }
0x9d: {  	[timem:s22], [sflag:s7] =	dma.local [hbm:s6], s5  }
0x9e: {  	_ =	swait.ge [sflag:s7], s5  }
0x9f: {  	s5 =	ssub.s32 $0x0, s5;
	[sflag:s7] =	ssyncset.done $0x0  }
0xa0: {  	[sflag:s7] =	ssyncadd.s32 s5;
	_ =	sdelay $0x1  }
0xa1: {  	s23 =	simm.s32 $0x1B8B  }
0xa2: {  	_ =	swait.ge [sflag:s23], $0x1  }
0xa3: {  	[sflag:s23] =	ssyncset.done $0x0  }
0xa4: {  	[sflag:s23] =	ssyncadd.s32 $0xFFFFFFFF  }
0xa5: {  	s5 =	sld [smem:$0x0]  }
0xa6: {  	s6 =	sand.u32 $0xFFFFFFFE, s1  }
0xa7: {  	p0 =	sne.s32 s1, s6  }
0xa8: {  	s6 =	sshll.u32 @p0 s6, $0xE  }
0xa9: {  	s6 =	sadd.s32 @p0 $0x11B8D, s6;
	s7 =	sshll.u32 @p0 s5, $0x11  }
0xaa: {  	s6 =	sor.u32 @p0 s7, s6  }
0xab: {  	[sflag:s6] =	ssyncadd.remote.s32 @p0 $0x1;
	_ =	sdelay $0x1  }
0xac: {  	s6 =	simm.s32 @p0 $0x1B8D  }
0xad: {  	_ =	swait.eq @p0 [sflag:s6], $0x1  }
0xae: {  	[sflag:s6] =	ssyncadd.s32 @p0 $0xFFFFFFFF  }
0xaf: {  	s7 =	sshll.u32 @!p0 s1, $0xE  }
0xb0: {  	s7 =	sor.u32 @!p0 $0x4000, s7;
	s6 =	simm.s32 @!p0 $0x1B8D  }
0xb1: {  	s5 =	sshll.u32 @!p0 s5, $0x11;
	s7 =	sadd.s32 @!p0 $0x11B8D, s7;
	_ =	swait.eq @!p0 [sflag:s6], $0x1  }
0xb2: {  	s5 =	sor.u32 @!p0 s5, s7;
	[sflag:s6] =	ssyncadd.s32 @!p0 $0xFFFFFFFF  }
0xb3: {  	s25 =	simm.s32 $0x1B8E;
	s24 =	sld [smem:$0x3FFE];
	[sflag:s5] =	ssyncadd.remote.s32 @!p0 $0x1  }
0xb4: {  	s26 =	simm.s32 $execute0_lowered;
	[smem:$0x3FD2] =	sst s25  }
0xb5: {  	s6 =	sshll.u32 s26, $0x1;
	_ =	strace $0x80000049;
	[dreg:$0x1] =	wrdreg $0xFFFFFFFF  }
0xb6: {  	s28 =	simm.s32 $_size_execute0_lowered;
	s4 =	sadd.s32 s4, s6;
	[dreg:$0x0] =	wrdreg $0x0  }
0xb7: {  	s6 =	sshll.u32 s28, $0x1;
	[dreg:$0x2] =	wrdreg s4  }
0xb8: {  	[dreg:$0x3] =	wrdreg s6  }
0xb9: {  	[dreg:$0x4] =	wrdreg $0xC0  }
0xba: {  	_ =	task [dreg:s22], $0x5FFFF  }
0xbb: {  	[dreg:$0x1] =	wrdreg $0xFFFFFFFF  }
0xbc: {  	[dreg:$0x0] =	wrdreg $0x60  }
0xbd: {  	[dreg:$0x2] =	wrdreg s18  }
0xbe: {  	[dreg:$0x3] =	wrdreg s24  }
0xbf: {  	[dreg:$0x4] =	wrdreg $0xA  }
0xc0: {  	_ =	task.clear_ibuf [dreg:s22], $0x5FFFF;
	_ =	strace $0x90000049  }
0xc1: {  	s29 =	simm.s32 $0xA;
	_ =	strace $0x8000004B  }
0xc2: {  	_ =	swait.ge [sflag:s29], $0x1  }
0xc3: {  	[sflag:s29] =	ssyncadd.s32 $0xFFFFFFFF  }
0xc4: {  	_ =	strace $0x9000004B  }
0xc5: {  	_ =	sfence  }
0xc6: {  	s30 =	sld [smem:$0x0];
	_ =	sdelay $0x2  }
0xc7: {  	s31 =	sshll.u32 s1, $0xD;
	s1 =	sshrl.u32 s1, $0x2  }
0xc8: {  	s4 =	sand.u32 $0x4000, s31;
	s1 =	sadd.s32 s1, s30  }
0xc9: {  	s0 =	sor.u32 s4, s0;
	s1 =	sshll.u32 s1, $0x11  }
0xca: {  	s0 =	sor.u32 s1, s0  }
0xcb: {  	s0 =	sadd.s32 $0x8F2B, s0  }
0xcc: {  	[sflag:s0] =	ssyncadd.remote.s32 $0x1  }
0xcd: {  	_ =	sfence.sel $0xFFFF  }
0xce: {  	[dreg:$0x0] =	wrdreg $0xFFFFFFFF;
	(pc) =	sbr.abs _section_cstart, $3  }
0xcf: {  	[dreg:$0x1] =	wrdreg $0xFFFFFFFF  }
0xd0: {  	_ =	task.clear_ibuf [dreg:s22], $0x2FFFF;
	_ =	strace $0x9FFFFFFF  }
0xd1: {  	(tm) =	ssettm $0x7FFFFFFF  }
tec
execute0_lowered:
.L_overlay_start_1:
0x0: {  	(tag) =	ssettag $0x1  }
0x1: {  	s1 =	srdreg.scid  }
0x2: {  	s0 =	stileid.u32;
	s2 =	rddreg [dreg:$0x0]  }
0x3: {  	s5 =	rddreg [dreg:$0x1];
	s3 =	simm.s32 $0x0;
	s9 =	simm.s32 $0x2800  }
0x4: {  	s10 =	simm.s32 $0x2C00;
	s11 =	simm.s32 $0x100;
	s12 =	simm.s32 $0x3000  }
0x5: {  	s13 =	simm.s32 $0x180;
	s14 =	simm.s32 $0x3400;
	s15 =	simm.s32 $0x200  }
0x6: {  	s16 =	simm.s32 $0x3800;
	s17 =	simm.s32 $0x280;
	s18 =	simm.s32 $0x3C00  }
0x7: {  	s19 =	simm.s32 $0x300;
	s20 =	simm.s32 $0x4000;
	s21 =	simm.s32 $0x380  }
0x8: {  	s22 =	simm.s32 $0x4400;
	s4 =	sand.u32 $0x1, s1;
	s30 =	sshll.u32 s0, $0x1  }
0x9: {  	s23 =	simm.s32 $0x1;
	s24 =	simm.s32 $0x0;
	s6 =	sor.u32 s4, s30  }
0xa: {  	s1 =	rddreg [dreg:$0x2];
	s4 =	ssub.s32 $0x2, s4;
	s7 =	smul.u32 $0x500, s6  }
0xb: {  	[smem:$0x7FF] =	sst s3;
	s6 =	smul.u32 $0x2800, s6;
	s8 =	sshrl.u32 s4, $0x1  }
0xc: {  	_ =	strace $0x8000004A;
	s31 =	ssub.s32 s4, s8;
	s8 =	simm.s32 $0x80  }
0xd: {  	s7 =	sadd.s32 s7, s5;
	s5 =	sadd.s32 s6, s5;
	s6 =	smax.u32 s31, $0x1  }
0xe: {  	s4 =	sadd.s32 $0x7BA00, s7;
	s5 =	sadd.s32 $0x85A00, s5;
	s7 =	simm.s32 $0x2  }
.LBB2_1:
0xf: {  	[tilespmem:s3], [sflag:$0x2] =	stream.linear.gather [hbm4b:s4+s3], $0x2800, $0x38;
	[tilespmem:$0x16800] =	vst v63  }
0x10: {  	_ =	swait.ge [sflag:s7], $0x2800  }
0x11: {  	[sflag:s7] =	ssyncset.done $0x0  }
0x12: {  	[sflag:s7] =	ssyncadd.s32 $0xFFFFD800  }
0x13: {  	[tilespmem:s9], [sflag:$0x1] =	stream.indirect.gather [hbm4b:s2+s8], $0x8, s3, s8, $0xb8;
	[tilespmem:$0x16800] =	vst v63  }
0x14: {  	_ = 	snop  }
0x15: {  	[tilespmem:s10], [sflag:$0x1] =	stream.indirect.gather [hbm4b:s2+s8], $0x8, s8, s8, $0xb8;
	[tilespmem:$0x16800] =	vst v63  }
0x16: {  	_ = 	snop  }
0x17: {  	[tilespmem:s12], [sflag:$0x1] =	stream.indirect.gather [hbm4b:s2+s8], $0x8, s11, s8, $0xb8;
	[tilespmem:$0x16800] =	vst v63  }
0x18: {  	_ = 	snop  }
0x19: {  	[tilespmem:s14], [sflag:$0x1] =	stream.indirect.gather [hbm4b:s2+s8], $0x8, s13, s8, $0xb8;
	[tilespmem:$0x16800] =	vst v63  }
0x1a: {  	_ = 	snop  }
0x1b: {  	[tilespmem:s16], [sflag:$0x1] =	stream.indirect.gather [hbm4b:s2+s8], $0x8, s15, s8, $0xb8;
	[tilespmem:$0x16800] =	vst v63  }
0x1c: {  	_ = 	snop  }
0x1d: {  	[tilespmem:s18], [sflag:$0x1] =	stream.indirect.gather [hbm4b:s2+s8], $0x8, s17, s8, $0xb8;
	[tilespmem:$0x16800] =	vst v63  }
0x1e: {  	_ = 	snop  }
0x1f: {  	[tilespmem:s20], [sflag:$0x1] =	stream.indirect.gather [hbm4b:s2+s8], $0x8, s19, s8, $0xb8;
	[tilespmem:$0x16800] =	vst v63  }
0x20: {  	p0 =	por $0x0, $0x0  }
0x21: {  	[tilespmem:s22], [sflag:$0x1] =	stream.indirect.gather [hbm4b:s2+s8], $0x8, s21, s8, $0xb8;
	[tilespmem:$0x16800] =	vst v63  }
0x22: {  	s25 =	simm.s32 $0x4800;
	s26 =	simm.s32 $0x400;
	s28 =	simm.s32 @!p0 $0x80  }
0x23: {  	[tilespmem:s25], [sflag:$0x1] =	stream.indirect.gather @!p0 [hbm4b:s2+s28], $0x8, s26, s28, $0xb8;
	[tilespmem:$0x16800] =	vst v63  }
0x24: {  	_ =	swait.ge [sflag:s23], $0x400  }
0x25: {  	s26 =	simm.s32 $0x1;
	s28 =	simm.s32 $0x480;
	[sflag:s23] =	ssyncset.done $0x0  }
.LBB2_2:
0x26: {  	s29 =	smov.u32 s26;
	s26 =	sadd.s32 $0x1, s26  }
0x27: {  	[sflag:s23] =	ssyncadd.s32 $0xFFFFFC00;
	s25 =	sadd.s32 $0x400, s25;
	p1 =	sne.s32 s26, $0x50  }
.Ltmp0:
0x28: {  	p0 =	sgt.u32 s29, $0x47;
	(pc) =	sbr.rel @p1 .LBB2_2-.Ltmp0, $4  }
0x29: {  	s29 =	simm.s32 @!p0 $0x80  }
0x2a: {  	[tilespmem:s25], [sflag:$0x1] =	stream.indirect.gather @!p0 [hbm4b:s2+s29], $0x8, s28, s29, $0xb8;
	[tilespmem:$0x16800] =	vst v63  }
0x2b: {  	_ =	swait.ge [sflag:s23], $0x400  }
0x2c: {  	s28 =	sadd.s32 $0x80, s28;
	[sflag:s23] =	ssyncset.done $0x0  }
0x2d: {  	s24 =	sadd.s32 $0x1, s24  }
0x2e: {  	p0 =	sne.s32 s24, s6  }
.Ltmp1:
0x2f: {  	[sflag:s23] =	ssyncadd.s32 $0xFFFFFC00;
	(pc) =	sbr.rel @p0 .LBB2_1-.Ltmp1, $4  }
0x30: {  	[hbm4b:s5+s3] =	stream.linear.scatter [tilespmem:s9], [sflag:$0x2], $0x14000, $0x38;
	[tilespmem:$0x16800] =	vst v63  }
0x31: {  	_ =	swait.ge [sflag:s7], $0x14000  }
0x32: {  	[sflag:s7] =	ssyncset.done $0x0  }
0x33: {  	[sflag:s7] =	ssyncadd.s32 $0xFFFEC000  }
0x34: {  	_ =	sfence.sel $0x180000  }
0x35: {  	[bflag:$0x0] =	sbarrier.arrive $0xFFFF  }
0x36: {  	p0 =	sne.s32 s0, $0x0;
	_ =	strace $0x9000004A  }
0x37: {  	s0 =	sadd.s32 @!p0 $0x100000, s1;
	[bflag:$0x2] =	sbarrier.arrive $0xFFFF  }
0x38: {  	[sflag:s0] =	ssyncadd.tile.s32 @!p0 $0x1;
	_ =	shalt  }
.Lfunc_end2:
_tile_overlayer_lowered:
.L_overlay_start_2:
0x39: {  	(tag) =	ssettag $0x2  }
0x3a: {  	s0 =	rddreg [dreg:$0x0];
	s2 =	stileid.u32  }
0x3b: {  	s1 =	rddreg [dreg:$0x1];
	p0 =	sne.s32 s2, $0x0  }
0x3c: {  	s3 =	rddreg [dreg:$0x2];
	[bflag:$0x3] =	sbarrier.arrive $0xFFFF;
	s2 =	simm.s32 @!p0 $0x1C02  }
0x3d: {  	[timem:s3], [sflag:s2] =	dma.local @!p0 [hbm:s0], s1  }
0x3e: {  	s0 =	simm.s32 @!p0 $0x2  }
0x3f: {  	_ =	swait.ge @!p0 [sflag:s0], s1  }
0x40: {  	s1 =	ssub.s32 @!p0 $0x0, s1;
	[sflag:s0] =	ssyncset.done @!p0 $0x0  }
0x41: {  	[sflag:s0] =	ssyncadd.s32 @!p0 s1  }
0x42: {  	[bflag:$0x3] =	sbarrier.arrive $0xFFFF  }
0x43: {  	_ =	shalt  }

// kernel: kernel.17.cloned.1.call-start
scs
__scs_entry_jumppad:
0x0: {  	(pc) =	sbr.rel $0x88, $3  }
0x1: {  	(tag) =	ssettag $0x0;
	lr =	simm.s32 $0x1  }
0x2: {  	[smem:$0x3F92] =	sst lr;
	_ =	strace $0xD0000000  }
0x3: {  	_ = 	snop  }
0x4: {  	_ = 	snop  }
0x5: {  	_ = 	snop  }
0x6: {  	_ = 	snop  }
0x7: {  	_ = 	snop  }
__scs_overlays_trampoline_lowered:
0x8: {  	[smem:$0x3FA1] =	sst s0  }
0x9: {  	[smem:$0x3FA2] =	sst s1  }
0xa: {  	[smem:$0x3FA3] =	sst s2  }
0xb: {  	[smem:$0x3FA4] =	sst s3  }
0xc: {  	[smem:$0x3FA5] =	sst s4  }
0xd: {  	[smem:$0x3FA6] =	sst s5  }
0xe: {  	[smem:$0x3FA7] =	sst s6  }
0xf: {  	[smem:$0x3FA8] =	sst s7  }
0x10: {  	[smem:$0x3FA9] =	sst s8  }
0x11: {  	[smem:$0x3FAA] =	sst s9;
	s0 =	simm.s32 @!p0 $0x0  }
0x12: {  	s1 =	sld [smem:$0x3F90];
	s0 =	simm.s32 @p0 $0x1  }
0x13: {  	[smem:$0x3FAB] =	sst s0;
	s0 =	simm.s32 @!p1 $0x0  }
0x14: {  	s2 =	sld [smem:$0x3F8F];
	s0 =	simm.s32 @p1 $0x1  }
0x15: {  	[smem:$0x3FAC] =	sst s0;
	s0 =	simm.s32 @!p2 $0x0  }
0x16: {  	s3 =	sld [smem:$0x3FDB];
	s0 =	simm.s32 @p2 $0x1  }
0x17: {  	s4 =	simm.s32 $0x1BF5;
	[smem:$0x3FAE] =	sst s0  }
0x18: {  	s0 =	sld [smem:$0x3F91];
	_ =	swait.ge [sflag:s4], $0x0  }
0x19: {  	s7 =	sld [smem:$0x3F92]  }
0x1a: {  	s8 =	sadd.s32 $0xFFFFE003, lr  }
0x1b: {  	s9 =	sadd.s32 $0xFFFFFEF7, lr;
	s5 =	simm.s32 $0xFFFFFFFF;
	p2 =	slt.u32 s8, $0xFFFFF086  }
0x1c: {  	p1 =	slt.u32 s9, $0xF7A;
	s5 =	simm.s32 @!p2 $0x0  }
0x1d: {  	s5 =	simm.s32 @p1 $0x1;
	p0 =	seq.s32 s7, s2  }
0x1e: {  	s7 =	smul.u32 @!p0 $0xF7A, s2;
	p2 =	seq.s32 @!p0 s5, $0x0  }
0x1f: {  	s9 =	smul.u32 $0xF7A, s1;
	s8 =	simm.s32 @!p0 $0x1BF5;
	p2 =	por !p2, p0  }
0x20: {  	[sflag:s8] =	ssyncset.s32 @!p0 $0xFFFFF086;
	s6 =	sadd.s32 @!p0 s3, s7;
	s7 =	simm.s32 @!p0 $0x108  }
0x21: {  	s3 =	sadd.s32 s3, s9;
	s6 =	sadd.s32 @!p0 $0x88, s6;
	s7 =	simm.s32 @p2 $0x1082  }
0x22: {  	[simem:s7], [sflag:s8] =	dma.local @!p0 [hbm:s6], $0xF7A  }
0x23: {  	s9 =	sor.u32 $0xD0000000, s2;
	s6 =	simm.s32 $0x108;
	_ =	swait.ge @!p0 [sflag:s8], $0x0  }
0x24: {  	s3 =	sadd.s32 $0x88, s3;
	s6 =	simm.s32 @!p1 $0x1082;
	[sflag:s4] =	ssyncset.s32 $0xFFFFF086  }
0x25: {  	[simem:s6], [sflag:s4] =	dma.local [hbm:s3], $0xF7A  }
0x26: {  	[smem:$0x3F92] =	sst s1;
	(tag) =	ssettag s2;
	_ =	strace s9  }
0x27: {  	s1 =	sld [smem:$0x3FA2]  }
0x28: {  	s2 =	sld [smem:$0x3FA3]  }
0x29: {  	s4 =	sld [smem:$0x3FA5]  }
0x2a: {  	p0 =	seq.s32 s5, $0x0;
	s5 =	sld [smem:$0x3FA6]  }
0x2b: {  	s6 =	sld [smem:$0x3FA7]  }
0x2c: {  	s7 =	sld [smem:$0x3FA8]  }
0x2d: {  	s3 =	simm.s32 $0x108;
	s8 =	sld [smem:$0x3FA9]  }
0x2e: {  	s3 =	simm.s32 @!p0 $0x1082;
	s9 =	sld [smem:$0x3FAA]  }
0x2f: {  	lr =	sadd.s32 s0, s3;
	s0 =	sld [smem:$0x3FA1]  }
0x30: {  	s3 =	sld [smem:$0x3FA4]  }
0x31: {  	[smem:$0x3FAD] =	sst s10  }
0x32: {  	s10 =	sld [smem:$0x3FAB];
	_ =	sdelay $0x3  }
0x33: {  	p0 =	seq.s32 s10, $0x1;
	s10 =	sld [smem:$0x3FAD];
	_ =	sdelay $0x3  }
0x34: {  	[smem:$0x3FAD] =	sst s10  }
0x35: {  	s10 =	sld [smem:$0x3FAC];
	_ =	sdelay $0x3  }
0x36: {  	p1 =	seq.s32 s10, $0x1;
	s10 =	sld [smem:$0x3FAD];
	_ =	sdelay $0x3  }
0x37: {  	[smem:$0x3FAD] =	sst s10  }
0x38: {  	s10 =	sld [smem:$0x3FAE]  }
0x39: {  	_ = 	snop;
	(pc) =	sbr.ind lr, $3  }
0x3a: {  	_ = 	snop  }
0x3b: {  	_ = 	snop  }
0x3c: {  	p2 =	seq.s32 s10, $0x1;
	s10 =	sld [smem:$0x3FAD]  }
0x3d: {  	_ =	shalt  }
0x3e: {  	_ =	shalt  }
0x3f: {  	_ =	shalt  }
0x40: {  	_ =	shalt  }
0x41: {  	_ =	shalt  }
0x42: {  	_ =	shalt  }
0x43: {  	_ =	shalt  }
0x44: {  	_ =	shalt  }
0x45: {  	_ =	shalt  }
0x46: {  	_ =	shalt  }
0x47: {  	_ =	shalt  }
0x48: {  	_ =	shalt  }
0x49: {  	_ =	shalt  }
0x4a: {  	_ =	shalt  }
0x4b: {  	_ =	shalt  }
0x4c: {  	_ =	shalt  }
0x4d: {  	_ =	shalt  }
0x4e: {  	_ =	shalt  }
0x4f: {  	_ =	shalt  }
0x50: {  	_ =	shalt  }
0x51: {  	_ =	shalt  }
0x52: {  	_ =	shalt  }
0x53: {  	_ =	shalt  }
0x54: {  	_ =	shalt  }
0x55: {  	_ =	shalt  }
0x56: {  	_ =	shalt  }
0x57: {  	_ =	shalt  }
0x58: {  	_ =	shalt  }
0x59: {  	_ =	shalt  }
0x5a: {  	_ =	shalt  }
0x5b: {  	_ =	shalt  }
0x5c: {  	_ =	shalt  }
0x5d: {  	_ =	shalt  }
0x5e: {  	_ =	shalt  }
0x5f: {  	_ =	shalt  }
0x60: {  	_ =	shalt  }
0x61: {  	_ =	shalt  }
0x62: {  	_ =	shalt  }
0x63: {  	_ =	shalt  }
0x64: {  	_ =	shalt  }
0x65: {  	_ =	shalt  }
0x66: {  	_ =	shalt  }
0x67: {  	_ =	shalt  }
0x68: {  	_ =	shalt  }
0x69: {  	_ =	shalt  }
0x6a: {  	_ =	shalt  }
0x6b: {  	_ =	shalt  }
0x6c: {  	_ =	shalt  }
0x6d: {  	_ =	shalt  }
0x6e: {  	_ =	shalt  }
0x6f: {  	_ =	shalt  }
0x70: {  	_ =	shalt  }
0x71: {  	_ =	shalt  }
0x72: {  	_ =	shalt  }
0x73: {  	_ =	shalt  }
0x74: {  	_ =	shalt  }
0x75: {  	_ =	shalt  }
0x76: {  	_ =	shalt  }
0x77: {  	_ =	shalt  }
0x78: {  	_ =	shalt  }
0x79: {  	_ =	shalt  }
0x7a: {  	_ =	shalt  }
0x7b: {  	_ =	shalt  }
0x7c: {  	_ =	shalt  }
0x7d: {  	_ =	shalt  }
0x7e: {  	_ =	shalt  }
0x7f: {  	_ =	shalt  }
0x80: {  	_ =	shalt  }
0x81: {  	_ =	shalt  }
0x82: {  	_ =	shalt  }
0x83: {  	_ =	shalt  }
0x84: {  	_ =	shalt  }
0x85: {  	_ =	shalt  }
0x86: {  	_ =	shalt  }
0x87: {  	_ =	shalt  }
.Lfunc_end0:
.L_simem_size_0:
called_computation.2_lowered:
.L_overlay_start_0:
0x88: {  	s2 =	sld [smem:$0x3FD9]  }
0x89: {  	s3 =	sld [smem:$0x3FFE];
	_ =	sdelay $0x1  }
0x8a: {  	s1 =	srdreg.scid  }
0x8b: {  	s0 =	sand.u32 $0x1, s1  }
0x8c: {  	s17 =	sshll.u32 s0, $0xA;
	s2 =	sadd.s32 s3, s2  }
0x8d: {  	s2 =	sadd.s32 s2, s17  }
0x8e: {  	[smem:$0x3FB9] =	sst s2  }
0x8f: {  	_ = 	snop  }
0x90: {  	s2 =	sld [smem:$0x3FD0];
	(tm) =	ssettm $0x1  }
0x91: {  	s18 =	sld [smem:$0x3FFB];
	_ =	sdelay $0x3  }
0x92: {  	_ =	strace s18  }
0x93: {  	s3 =	sld [smem:$0x3FFC];
	_ =	sdelay $0x3  }
0x94: {  	_ =	strace s3  }
0x95: {  	s3 =	sld [smem:$0x3FFD];
	_ =	sdelay $0x3  }
0x96: {  	_ =	strace s3  }
0x97: {  	_ =	strace $0x8FFFFFFF  }
0x98: {  	s19 =	sld [smem:$0x3FDB];
	_ =	sdelay $0x1  }
0x99: {  	s4 =	simm.s32 $_scs_section_size  }
0x9a: {  	s5 =	simm.s32 $_size__tile_overlayer_lowered;
	s6 =	simm.s32 $_tile_overlayer_lowered  }
0x9b: {  	s22 =	simm.s32 $0x1BFF;
	s21 =	sshll.u32 s6, $0x1;
	s3 =	sadd.s32 s4, s19  }
0x9c: {  	s7 =	simm.s32 $0x0;
	s20 =	sshll.u32 s5, $0x1;
	s5 =	sadd.s32 s21, s3  }
0x9d: {  	[timem:s7], [sflag:s22] =	dma.local [hbm:s5], s20  }
0x9e: {  	_ =	swait.ge [sflag:s22], s20  }
0x9f: {  	s4 =	ssub.s32 $0x0, s20;
	[sflag:s22] =	ssyncset.done $0x0  }
0xa0: {  	[sflag:s22] =	ssyncadd.s32 s4;
	_ =	sdelay $0x1  }
0xa1: {  	s23 =	simm.s32 $0x1B8B  }
0xa2: {  	_ =	swait.ge [sflag:s23], $0x1  }
0xa3: {  	[sflag:s23] =	ssyncset.done $0x0  }
0xa4: {  	s25 =	simm.s32 $0x1B8E;
	s24 =	sld [smem:$0x3FFE];
	[sflag:s23] =	ssyncadd.s32 $0xFFFFFFFF  }
0xa5: {  	s26 =	simm.s32 $execute0_lowered;
	[smem:$0x3FD2] =	sst s25  }
0xa6: {  	s5 =	sshll.u32 s26, $0x1;
	_ =	strace $0x8000004C;
	[dreg:$0x1] =	wrdreg $0xFFFFFFFF  }
0xa7: {  	s28 =	simm.s32 $_size_execute0_lowered;
	s3 =	sadd.s32 s3, s5;
	[dreg:$0x0] =	wrdreg $0x0  }
0xa8: {  	s5 =	sshll.u32 s28, $0x1;
	[dreg:$0x2] =	wrdreg s3  }
0xa9: {  	[dreg:$0x3] =	wrdreg s5  }
0xaa: {  	[dreg:$0x4] =	wrdreg $0xC0  }
0xab: {  	_ =	task [dreg:s7], $0x5FFFF  }
0xac: {  	[dreg:$0x1] =	wrdreg $0xFFFFFFFF  }
0xad: {  	[dreg:$0x0] =	wrdreg $0x60  }
0xae: {  	[dreg:$0x2] =	wrdreg s24  }
0xaf: {  	[dreg:$0x3] =	wrdreg s2  }
0xb0: {  	[dreg:$0x4] =	wrdreg $0x168000  }
0xb1: {  	[dreg:$0x5] =	wrdreg $0x17F900  }
0xb2: {  	[dreg:$0x6] =	wrdreg $0x9  }
0xb3: {  	_ =	task.clear_ibuf [dreg:s7], $0x7FFFF;
	_ =	strace $0x9000004C  }
0xb4: {  	s29 =	simm.s32 $0x9;
	_ =	strace $0x8000004E  }
0xb5: {  	_ =	swait.ge [sflag:s29], $0x1  }
0xb6: {  	[sflag:s29] =	ssyncadd.s32 $0xFFFFFFFF  }
0xb7: {  	_ =	strace $0x9000004E  }
0xb8: {  	_ =	sfence  }
0xb9: {  	s30 =	sld [smem:$0x0];
	_ =	sdelay $0x2  }
0xba: {  	s31 =	sshll.u32 s1, $0xD;
	s1 =	sshrl.u32 s1, $0x2  }
0xbb: {  	s3 =	sand.u32 $0x4000, s31;
	s1 =	sadd.s32 s1, s30  }
0xbc: {  	s0 =	sor.u32 s3, s0;
	s1 =	sshll.u32 s1, $0x11  }
0xbd: {  	s0 =	sor.u32 s1, s0  }
0xbe: {  	s0 =	sadd.s32 $0x8F2B, s0  }
0xbf: {  	[sflag:s0] =	ssyncadd.remote.s32 $0x1  }
0xc0: {  	_ =	sfence.sel $0xFFFF  }
0xc1: {  	[dreg:$0x0] =	wrdreg $0xFFFFFFFF;
	(pc) =	sbr.abs _section_cstart, $3  }
0xc2: {  	[dreg:$0x1] =	wrdreg $0xFFFFFFFF  }
0xc3: {  	_ =	task.clear_ibuf [dreg:s7], $0x2FFFF;
	_ =	strace $0x9FFFFFFF  }
0xc4: {  	(tm) =	ssettm $0x7FFFFFFF  }
0xc5: {  	_ =	shalt  }
tec
execute0_lowered:
.L_overlay_start_1:
0x0: {  	(tag) =	ssettag $0x1  }
0x1: {  	s1 =	rddreg [dreg:$0x0]  }
0x2: {  	s0 =	srdreg.scid;
	s8 =	rddreg [dreg:$0x1]  }
0x3: {  	s13 =	stileid.u32;
	s3 =	rddreg [dreg:$0x3]  }
0x4: {  	s16 =	simm.s32 $0x17B90;
	s18 =	simm.s32 $0x80;
	s20 =	simm.s32 $0x100  }
0x5: {  	s29 =	simm.s32 $0x280;
	s31 =	simm.s32 $0x300;
	s21 =	simm.s32 $0x1  }
0x6: {  	s28 =	simm.s32 $0x0;
	s0 =	sand.u32 $0x1, s0;
	s11 =	smul.u32 $0x1388, s13  }
0x7: {  	s2 =	sshll.u32 s13, $0x1;
	s22 =	sadd.s32 $0x3A00, s1;
	s12 =	smul.u32 $0x1390, s13  }
0x8: {  	s30 =	sshll.u32 s13, $0x6;
	s4 =	sor.u32 s0, s2;
	s7 =	smul.u32 $0x13880, s0  }
0x9: {  	s13 =	simm.s32 $0x2800;
	s2 =	rddreg [dreg:$0x2];
	s5 =	smul.u32 $0x2800, s4  }
0xa: {  	s0 =	ssub.s32 $0x2, s0;
	s14 =	sor.u32 $0x1C03, s30;
	s6 =	smul.u32 $0x500, s4  }
0xb: {  	s4 =	simm.s32 $0x0;
	s10 =	sshrl.u32 s0, $0x1;
	s15 =	sadd.s32 s12, s2  }
0xc: {  	s25 =	sshrl.u32 s12, $0x3;
	s17 =	sadd.s32 s12, s3;
	s19 =	sadd.s32 s11, s2  }
0xd: {  	s26 =	sadd.s32 s11, s3;
	s12 =	simm.s32 $0x3;
	[smem:$0x7FF] =	sst s4  }
0xe: {  	s7 =	sadd.s32 s11, s7;
	s0 =	ssub.s32 s0, s10;
	s8 =	sadd.s32 s8, s25  }
0xf: {  	s15 =	sshrl.u32 s15, $0x3;
	s17 =	sshrl.u32 s17, $0x3;
	s25 =	sshrl.u32 s26, $0x3  }
0x10: {  	s26 =	simm.s32 $0x200;
	_ =	strace $0x8000004D;
	s9 =	sadd.s32 s5, s1  }
0x11: {  	s6 =	sadd.s32 s6, s1;
	[dreg:$0x5] =	wrdreg s22;
	s7 =	sshrl.u32 s7, $0x3  }
0x12: {  	s11 =	smax.u32 s0, $0x1;
	s22 =	simm.s32 $0x180;
	s23 =	sadd.s32 $0xD5A00, s6  }
0x13: {  	s1 =	sadd.s32 s7, s1;
	s24 =	sadd.s32 $0x85A00, s9;
	[dreg:$0x6] =	wrdreg s23  }
0x14: {  	s0 =	simm.s32 $0x380;
	[dreg:$0x7] =	wrdreg s24;
	s9 =	sadd.s32 $0x8C00, s1  }
0x15: {  	s10 =	sadd.s32 $0x3C00, s1;
	s24 =	sshrl.u32 s19, $0x3;
	s23 =	simm.s32 $0x2  }
.LBB2_1:
0x16: {  	s1 =	rddreg [dreg:$0x6]  }
0x17: {  	[tilespmem:s4], [sflag:$0x3] =	stream.linear.gather [hbm4b:s1+s4], $0x2800, $0x38;
	[tilespmem:$0x19320] =	vst v63  }
0x18: {  	_ =	swait.ge [sflag:s12], $0x2800  }
0x19: {  	[sflag:s12] =	ssyncset.done $0x0  }
0x1a: {  	s19 =	rddreg [dreg:$0x7];
	[sflag:s12] =	ssyncadd.s32 $0xFFFFD800  }
0x1b: {  	[tilespmem:s13], [sflag:$0x3] =	stream.linear.gather [hbm4b:s19+s4], $0x14000, $0x38;
	[tilespmem:$0x19320] =	vst v63  }
0x1c: {  	_ =	swait.ge [sflag:s12], $0x14000  }
0x1d: {  	[sflag:s12] =	ssyncset.done $0x0  }
0x1e: {  	[sflag:s12] =	ssyncadd.s32 $0xFFFEC000  }
0x1f: {  	[spmem:s15], [sflag:s14] =	dma.local [hbm:s8], $0x272  }
0x20: {  	_ =	swait.ge [sflag:s12], $0x272  }
0x21: {  	[sflag:s12] =	ssyncset.done $0x0  }
0x22: {  	s5 =	rddreg [dreg:$0x5];
	[sflag:s12] =	ssyncadd.s32 $0xFFFFFD8E  }
0x23: {  	[tilespmem:s16], [sflag:$0x3] =	stream.linear.gather [hbm4b:s5+s4], $0x400, $0x38;
	[tilespmem:$0x19320] =	vst v63  }
0x24: {  	_ =	swait.ge [sflag:s12], $0x400  }
0x25: {  	[sflag:s12] =	ssyncset.done $0x0  }
0x26: {  	[sflag:s12] =	ssyncadd.s32 $0xFFFFFC00  }
0x27: {  	[spmem:s17], [sflag:s14] =	dma.local [hbm:s8], $0x272  }
0x28: {  	_ =	swait.ge [sflag:s12], $0x272  }
0x29: {  	[sflag:s12] =	ssyncset.done $0x0  }
0x2a: {  	[sflag:s12] =	ssyncadd.s32 $0xFFFFFD8E  }
0x2b: {  	[bflag:$0x0] =	sbarrier.arrive $0xFFFF  }
0x2c: {  	[spmem:s2] =	stream.indirect.scatter.add.f32 [tilespmem:s13], [sflag:$0x1], $0x8, s4, s18, $0xb8;
	[tilespmem:$0x19320] =	vst v63  }
0x2d: {  	_ = 	snop  }
0x2e: {  	[spmem:s3] =	stream.indirect.scatter.add.f32 [tilespmem:s16], [sflag:$0x2], $0x8, s4, s18, $0xb8;
	[tilespmem:$0x19320] =	vst v63  }
0x2f: {  	s6 =	simm.s32 $0x2C00  }
0x30: {  	[spmem:s2] =	stream.indirect.scatter.add.f32 [tilespmem:s6], [sflag:$0x1], $0x8, s18, s18, $0xb8;
	[tilespmem:$0x19320] =	vst v63  }
0x31: {  	_ = 	snop  }
0x32: {  	[spmem:s3] =	stream.indirect.scatter.add.f32 [tilespmem:s16], [sflag:$0x2], $0x8, s18, s18, $0xb8;
	[tilespmem:$0x19320] =	vst v63  }
0x33: {  	s7 =	simm.s32 $0x3000  }
0x34: {  	[spmem:s2] =	stream.indirect.scatter.add.f32 [tilespmem:s7], [sflag:$0x1], $0x8, s20, s18, $0xb8;
	[tilespmem:$0x19320] =	vst v63  }
0x35: {  	_ = 	snop  }
0x36: {  	[spmem:s3] =	stream.indirect.scatter.add.f32 [tilespmem:s16], [sflag:$0x2], $0x8, s20, s18, $0xb8;
	[tilespmem:$0x19320] =	vst v63  }
0x37: {  	s19 =	simm.s32 $0x3400  }
0x38: {  	[spmem:s2] =	stream.indirect.scatter.add.f32 [tilespmem:s19], [sflag:$0x1], $0x8, s22, s18, $0xb8;
	[tilespmem:$0x19320] =	vst v63  }
0x39: {  	_ = 	snop  }
0x3a: {  	[spmem:s3] =	stream.indirect.scatter.add.f32 [tilespmem:s16], [sflag:$0x2], $0x8, s22, s18, $0xb8;
	[tilespmem:$0x19320] =	vst v63  }
0x3b: {  	s5 =	simm.s32 $0x3800  }
0x3c: {  	[spmem:s2] =	stream.indirect.scatter.add.f32 [tilespmem:s5], [sflag:$0x1], $0x8, s26, s18, $0xb8;
	[tilespmem:$0x19320] =	vst v63  }
0x3d: {  	_ = 	snop  }
0x3e: {  	[spmem:s3] =	stream.indirect.scatter.add.f32 [tilespmem:s16], [sflag:$0x2], $0x8, s26, s18, $0xb8;
	[tilespmem:$0x19320] =	vst v63  }
0x3f: {  	s6 =	simm.s32 $0x3C00  }
0x40: {  	[spmem:s2] =	stream.indirect.scatter.add.f32 [tilespmem:s6], [sflag:$0x1], $0x8, s29, s18, $0xb8;
	[tilespmem:$0x19320] =	vst v63  }
0x41: {  	_ = 	snop  }
0x42: {  	[spmem:s3] =	stream.indirect.scatter.add.f32 [tilespmem:s16], [sflag:$0x2], $0x8, s29, s18, $0xb8;
	[tilespmem:$0x19320] =	vst v63  }
0x43: {  	s7 =	simm.s32 $0x4000  }
0x44: {  	[spmem:s2] =	stream.indirect.scatter.add.f32 [tilespmem:s7], [sflag:$0x1], $0x8, s31, s18, $0xb8;
	[tilespmem:$0x19320] =	vst v63  }
0x45: {  	_ = 	snop  }
0x46: {  	[spmem:s3] =	stream.indirect.scatter.add.f32 [tilespmem:s16], [sflag:$0x2], $0x8, s31, s18, $0xb8;
	[tilespmem:$0x19320] =	vst v63  }
0x47: {  	s19 =	simm.s32 $0x4400  }
0x48: {  	[spmem:s2] =	stream.indirect.scatter.add.f32 [tilespmem:s19], [sflag:$0x1], $0x8, s0, s18, $0xb8;
	[tilespmem:$0x19320] =	vst v63  }
0x49: {  	p0 =	por $0x0, $0x0  }
0x4a: {  	[spmem:s3] =	stream.indirect.scatter.add.f32 [tilespmem:s16], [sflag:$0x2], $0x8, s0, s18, $0xb8;
	[tilespmem:$0x19320] =	vst v63  }
0x4b: {  	s1 =	simm.s32 $0x4800;
	s30 =	simm.s32 @!p0 $0x80;
	s19 =	simm.s32 $0x400  }
0x4c: {  	[spmem:s2] =	stream.indirect.scatter.add.f32 @!p0 [tilespmem:s1], [sflag:$0x1], $0x8, s19, s30, $0xb8;
	[tilespmem:$0x19320] =	vst v63  }
0x4d: {  	s1 =	simm.s32 @!p0 $0x17B90  }
0x4e: {  	[spmem:s3] =	stream.indirect.scatter.add.f32 @!p0 [tilespmem:s1], [sflag:$0x2], $0x8, s19, s30, $0xb8;
	[tilespmem:$0x19320] =	vst v63  }
0x4f: {  	_ =	swait.ge [sflag:s21], $0x400  }
0x50: {  	[sflag:s21] =	ssyncset.done $0x0  }
0x51: {  	[sflag:s21] =	ssyncadd.s32 $0xFFFFFC00  }
0x52: {  	s1 =	simm.s32 $0x2;
	s30 =	simm.s32 $0x480;
	_ =	swait.ge [sflag:s23], $0x400  }
0x53: {  	p0 =	por $0x0, $0x0;
	s19 =	simm.s32 $0x4C00;
	[sflag:s23] =	ssyncset.done $0x0  }
.LBB2_2:
0x54: {  	s5 =	simm.s32 @!p0 $0x80  }
0x55: {  	[sflag:s23] =	ssyncadd.s32 $0xFFFFFC00;
	s6 =	smov.u32 s1;
	s1 =	sadd.s32 $0x1, s1  }
0x56: {  	[spmem:s2] =	stream.indirect.scatter.add.f32 @!p0 [tilespmem:s19], [sflag:$0x1], $0x8, s30, s5, $0xb8;
	[tilespmem:$0x19320] =	vst v63  }
0x57: {  	s7 =	simm.s32 @!p0 $0x17B90;
	p1 =	sne.s32 s1, $0x50  }
0x58: {  	[spmem:s3] =	stream.indirect.scatter.add.f32 @!p0 [tilespmem:s7], [sflag:$0x2], $0x8, s30, s5, $0xb8;
	[tilespmem:$0x19320] =	vst v63  }
.Ltmp0:
0x59: {  	_ =	swait.ge [sflag:s21], $0x400;
	(pc) =	sbr.rel @p1 .LBB2_2-.Ltmp0, $4  }
0x5a: {  	[sflag:s21] =	ssyncset.done $0x0  }
0x5b: {  	[sflag:s21] =	ssyncadd.s32 $0xFFFFFC00  }
0x5c: {  	s30 =	sadd.s32 $0x80, s30;
	_ =	swait.ge [sflag:s23], $0x400  }
0x5d: {  	s19 =	sadd.s32 $0x400, s19;
	p0 =	sgt.u32 s6, $0x47;
	[sflag:s23] =	ssyncset.done $0x0  }
0x5e: {  	s1 =	simm.s32 @!p0 $0x80;
	[sflag:s23] =	ssyncadd.s32 $0xFFFFFC00  }
0x5f: {  	[spmem:s2] =	stream.indirect.scatter.add.f32 @!p0 [tilespmem:s19], [sflag:$0x1], $0x8, s30, s1, $0xb8;
	[tilespmem:$0x19320] =	vst v63  }
0x60: {  	s5 =	simm.s32 @!p0 $0x17B90  }
0x61: {  	[spmem:s3] =	stream.indirect.scatter.add.f32 @!p0 [tilespmem:s5], [sflag:$0x2], $0x8, s30, s1, $0xb8;
	[tilespmem:$0x19320] =	vst v63  }
0x62: {  	_ =	swait.ge [sflag:s21], $0x400  }
0x63: {  	[sflag:s21] =	ssyncset.done $0x0  }
0x64: {  	[sflag:s21] =	ssyncadd.s32 $0xFFFFFC00  }
0x65: {  	_ =	swait.ge [sflag:s23], $0x400  }
0x66: {  	[sflag:s23] =	ssyncset.done $0x0  }
0x67: {  	[sflag:s23] =	ssyncadd.s32 $0xFFFFFC00  }
0x68: {  	[bflag:$0x0] =	sbarrier.arrive $0xFFFF  }
0x69: {  	[hbm:s9], [sflag:s14] =	dma.local [spmem:s24], $0x271  }
0x6a: {  	s28 =	sadd.s32 $0x1, s28;
	_ =	swait.ge [sflag:s12], $0x271  }
0x6b: {  	p0 =	sne.s32 s28, s11;
	[sflag:s12] =	ssyncset.done $0x0  }
.Ltmp1:
0x6c: {  	[sflag:s12] =	ssyncadd.s32 $0xFFFFFD8F;
	(pc) =	sbr.rel @p0 .LBB2_1-.Ltmp1, $4  }
0x6d: {  	[hbm:s10], [sflag:s14] =	dma.local [spmem:s25], $0x271  }
0x6e: {  	_ =	swait.ge [sflag:s12], $0x271  }
0x6f: {  	[sflag:s12] =	ssyncset.done $0x0  }
0x70: {  	[sflag:s12] =	ssyncadd.s32 $0xFFFFFD8F  }
0x71: {  	_ =	sfence.sel $0x180000  }
0x72: {  	[bflag:$0x0] =	sbarrier.arrive $0xFFFF  }
0x73: {  	_ =	strace $0x9000004D  }
0x74: {  	s0 =	stileid.u32;
	[bflag:$0x2] =	sbarrier.arrive $0xFFFF  }
0x75: {  	p0 =	sne.s32 s0, $0x0;
	s0 =	rddreg [dreg:$0x4]  }
0x76: {  	s0 =	sadd.s32 @!p0 $0x100000, s0  }
0x77: {  	[sflag:s0] =	ssyncadd.tile.s32 @!p0 $0x1;
	_ =	shalt  }
.Lfunc_end2:
_tile_overlayer_lowered:
.L_overlay_start_2:
0x78: {  	(tag) =	ssettag $0x2  }
0x79: {  	s0 =	rddreg [dreg:$0x0];
	s2 =	stileid.u32  }
0x7a: {  	s1 =	rddreg [dreg:$0x1];
	p0 =	sne.s32 s2, $0x0  }
0x7b: {  	s3 =	rddreg [dreg:$0x2];
	[bflag:$0x3] =	sbarrier.arrive $0xFFFF;
	s2 =	simm.s32 @!p0 $0x1C03  }
0x7c: {  	[timem:s3], [sflag:s2] =	dma.local @!p0 [hbm:s0], s1  }
0x7d: {  	s0 =	simm.s32 @!p0 $0x3  }
0x7e: {  	_ =	swait.ge @!p0 [sflag:s0], s1  }
0x7f: {  	s1 =	ssub.s32 @!p0 $0x0, s1;
	[sflag:s0] =	ssyncset.done @!p0 $0x0  }
0x80: {  	[sflag:s0] =	ssyncadd.s32 @!p0 s1  }
0x81: {  	[bflag:$0x3] =	sbarrier.arrive $0xFFFF  }
0x82: {  	_ =	shalt  }

// kernel: kernel.20.cloned.1.call-start
scs
__scs_entry_jumppad:
0x0: {  	(pc) =	sbr.rel $0x88, $3  }
0x1: {  	(tag) =	ssettag $0x0;
	lr =	simm.s32 $0x1  }
0x2: {  	[smem:$0x3F92] =	sst lr;
	_ =	strace $0xD0000000  }
0x3: {  	_ = 	snop  }
0x4: {  	_ = 	snop  }
0x5: {  	_ = 	snop  }
0x6: {  	_ = 	snop  }
0x7: {  	_ = 	snop  }
__scs_overlays_trampoline_lowered:
0x8: {  	[smem:$0x3FA1] =	sst s0  }
0x9: {  	[smem:$0x3FA2] =	sst s1  }
0xa: {  	[smem:$0x3FA3] =	sst s2  }
0xb: {  	[smem:$0x3FA4] =	sst s3  }
0xc: {  	[smem:$0x3FA5] =	sst s4  }
0xd: {  	[smem:$0x3FA6] =	sst s5  }
0xe: {  	[smem:$0x3FA7] =	sst s6  }
0xf: {  	[smem:$0x3FA8] =	sst s7  }
0x10: {  	[smem:$0x3FA9] =	sst s8  }
0x11: {  	[smem:$0x3FAA] =	sst s9;
	s0 =	simm.s32 @!p0 $0x0  }
0x12: {  	s1 =	sld [smem:$0x3F90];
	s0 =	simm.s32 @p0 $0x1  }
0x13: {  	[smem:$0x3FAB] =	sst s0;
	s0 =	simm.s32 @!p1 $0x0  }
0x14: {  	s2 =	sld [smem:$0x3F8F];
	s0 =	simm.s32 @p1 $0x1  }
0x15: {  	[smem:$0x3FAC] =	sst s0;
	s0 =	simm.s32 @!p2 $0x0  }
0x16: {  	s3 =	sld [smem:$0x3FDB];
	s0 =	simm.s32 @p2 $0x1  }
0x17: {  	s4 =	simm.s32 $0x1BF5;
	[smem:$0x3FAE] =	sst s0  }
0x18: {  	s0 =	sld [smem:$0x3F91];
	_ =	swait.ge [sflag:s4], $0x0  }
0x19: {  	s7 =	sld [smem:$0x3F92]  }
0x1a: {  	s8 =	sadd.s32 $0xFFFFE003, lr  }
0x1b: {  	s9 =	sadd.s32 $0xFFFFFEF7, lr;
	s5 =	simm.s32 $0xFFFFFFFF;
	p2 =	slt.u32 s8, $0xFFFFF086  }
0x1c: {  	p1 =	slt.u32 s9, $0xF7A;
	s5 =	simm.s32 @!p2 $0x0  }
0x1d: {  	s5 =	simm.s32 @p1 $0x1;
	p0 =	seq.s32 s7, s2  }
0x1e: {  	s7 =	smul.u32 @!p0 $0xF7A, s2;
	p2 =	seq.s32 @!p0 s5, $0x0  }
0x1f: {  	s9 =	smul.u32 $0xF7A, s1;
	s8 =	simm.s32 @!p0 $0x1BF5;
	p2 =	por !p2, p0  }
0x20: {  	[sflag:s8] =	ssyncset.s32 @!p0 $0xFFFFF086;
	s6 =	sadd.s32 @!p0 s3, s7;
	s7 =	simm.s32 @!p0 $0x108  }
0x21: {  	s3 =	sadd.s32 s3, s9;
	s6 =	sadd.s32 @!p0 $0x88, s6;
	s7 =	simm.s32 @p2 $0x1082  }
0x22: {  	[simem:s7], [sflag:s8] =	dma.local @!p0 [hbm:s6], $0xF7A  }
0x23: {  	s9 =	sor.u32 $0xD0000000, s2;
	s6 =	simm.s32 $0x108;
	_ =	swait.ge @!p0 [sflag:s8], $0x0  }
0x24: {  	s3 =	sadd.s32 $0x88, s3;
	s6 =	simm.s32 @!p1 $0x1082;
	[sflag:s4] =	ssyncset.s32 $0xFFFFF086  }
0x25: {  	[simem:s6], [sflag:s4] =	dma.local [hbm:s3], $0xF7A  }
0x26: {  	[smem:$0x3F92] =	sst s1;
	(tag) =	ssettag s2;
	_ =	strace s9  }
0x27: {  	s1 =	sld [smem:$0x3FA2]  }
0x28: {  	s2 =	sld [smem:$0x3FA3]  }
0x29: {  	s4 =	sld [smem:$0x3FA5]  }
0x2a: {  	p0 =	seq.s32 s5, $0x0;
	s5 =	sld [smem:$0x3FA6]  }
0x2b: {  	s6 =	sld [smem:$0x3FA7]  }
0x2c: {  	s7 =	sld [smem:$0x3FA8]  }
0x2d: {  	s3 =	simm.s32 $0x108;
	s8 =	sld [smem:$0x3FA9]  }
0x2e: {  	s3 =	simm.s32 @!p0 $0x1082;
	s9 =	sld [smem:$0x3FAA]  }
0x2f: {  	lr =	sadd.s32 s0, s3;
	s0 =	sld [smem:$0x3FA1]  }
0x30: {  	s3 =	sld [smem:$0x3FA4]  }
0x31: {  	[smem:$0x3FAD] =	sst s10  }
0x32: {  	s10 =	sld [smem:$0x3FAB];
	_ =	sdelay $0x3  }
0x33: {  	p0 =	seq.s32 s10, $0x1;
	s10 =	sld [smem:$0x3FAD];
	_ =	sdelay $0x3  }
0x34: {  	[smem:$0x3FAD] =	sst s10  }
0x35: {  	s10 =	sld [smem:$0x3FAC];
	_ =	sdelay $0x3  }
0x36: {  	p1 =	seq.s32 s10, $0x1;
	s10 =	sld [smem:$0x3FAD];
	_ =	sdelay $0x3  }
0x37: {  	[smem:$0x3FAD] =	sst s10  }
0x38: {  	s10 =	sld [smem:$0x3FAE]  }
0x39: {  	_ = 	snop;
	(pc) =	sbr.ind lr, $3  }
0x3a: {  	_ = 	snop  }
0x3b: {  	_ = 	snop  }
0x3c: {  	p2 =	seq.s32 s10, $0x1;
	s10 =	sld [smem:$0x3FAD]  }
0x3d: {  	_ =	shalt  }
0x3e: {  	_ =	shalt  }
0x3f: {  	_ =	shalt  }
0x40: {  	_ =	shalt  }
0x41: {  	_ =	shalt  }
0x42: {  	_ =	shalt  }
0x43: {  	_ =	shalt  }
0x44: {  	_ =	shalt  }
0x45: {  	_ =	shalt  }
0x46: {  	_ =	shalt  }
0x47: {  	_ =	shalt  }
0x48: {  	_ =	shalt  }
0x49: {  	_ =	shalt  }
0x4a: {  	_ =	shalt  }
0x4b: {  	_ =	shalt  }
0x4c: {  	_ =	shalt  }
0x4d: {  	_ =	shalt  }
0x4e: {  	_ =	shalt  }
0x4f: {  	_ =	shalt  }
0x50: {  	_ =	shalt  }
0x51: {  	_ =	shalt  }
0x52: {  	_ =	shalt  }
0x53: {  	_ =	shalt  }
0x54: {  	_ =	shalt  }
0x55: {  	_ =	shalt  }
0x56: {  	_ =	shalt  }
0x57: {  	_ =	shalt  }
0x58: {  	_ =	shalt  }
0x59: {  	_ =	shalt  }
0x5a: {  	_ =	shalt  }
0x5b: {  	_ =	shalt  }
0x5c: {  	_ =	shalt  }
0x5d: {  	_ =	shalt  }
0x5e: {  	_ =	shalt  }
0x5f: {  	_ =	shalt  }
0x60: {  	_ =	shalt  }
0x61: {  	_ =	shalt  }
0x62: {  	_ =	shalt  }
0x63: {  	_ =	shalt  }
0x64: {  	_ =	shalt  }
0x65: {  	_ =	shalt  }
0x66: {  	_ =	shalt  }
0x67: {  	_ =	shalt  }
0x68: {  	_ =	shalt  }
0x69: {  	_ =	shalt  }
0x6a: {  	_ =	shalt  }
0x6b: {  	_ =	shalt  }
0x6c: {  	_ =	shalt  }
0x6d: {  	_ =	shalt  }
0x6e: {  	_ =	shalt  }
0x6f: {  	_ =	shalt  }
0x70: {  	_ =	shalt  }
0x71: {  	_ =	shalt  }
0x72: {  	_ =	shalt  }
0x73: {  	_ =	shalt  }
0x74: {  	_ =	shalt  }
0x75: {  	_ =	shalt  }
0x76: {  	_ =	shalt  }
0x77: {  	_ =	shalt  }
0x78: {  	_ =	shalt  }
0x79: {  	_ =	shalt  }
0x7a: {  	_ =	shalt  }
0x7b: {  	_ =	shalt  }
0x7c: {  	_ =	shalt  }
0x7d: {  	_ =	shalt  }
0x7e: {  	_ =	shalt  }
0x7f: {  	_ =	shalt  }
0x80: {  	_ =	shalt  }
0x81: {  	_ =	shalt  }
0x82: {  	_ =	shalt  }
0x83: {  	_ =	shalt  }
0x84: {  	_ =	shalt  }
0x85: {  	_ =	shalt  }
0x86: {  	_ =	shalt  }
0x87: {  	_ =	shalt  }
.Lfunc_end0:
.L_simem_size_0:
called_computation.3_lowered:
.L_overlay_start_0:
0x88: {  	s2 =	sld [smem:$0x3FD9]  }
0x89: {  	s3 =	sld [smem:$0x3FFE];
	_ =	sdelay $0x1  }
0x8a: {  	s1 =	srdreg.scid  }
0x8b: {  	s0 =	sand.u32 $0x1, s1  }
0x8c: {  	s16 =	sshll.u32 s0, $0xA;
	s2 =	sadd.s32 s3, s2  }
0x8d: {  	s2 =	sadd.s32 s2, s16  }
0x8e: {  	[smem:$0x3FB9] =	sst s2  }
0x8f: {  	_ = 	snop  }
0x90: {  	(tm) =	ssettm $0x1  }
0x91: {  	s17 =	sld [smem:$0x3FFB];
	_ =	sdelay $0x3  }
0x92: {  	_ =	strace s17  }
0x93: {  	s2 =	sld [smem:$0x3FFC];
	_ =	sdelay $0x3  }
0x94: {  	_ =	strace s2  }
0x95: {  	s2 =	sld [smem:$0x3FFD];
	_ =	sdelay $0x3  }
0x96: {  	_ =	strace s2  }
0x97: {  	_ =	strace $0x8FFFFFFF  }
0x98: {  	s18 =	sld [smem:$0x3FDB];
	_ =	sdelay $0x1  }
0x99: {  	s19 =	simm.s32 $_scs_section_size  }
0x9a: {  	s4 =	simm.s32 $_size__tile_overlayer_lowered;
	s5 =	simm.s32 $_tile_overlayer_lowered  }
0x9b: {  	s22 =	simm.s32 $0x1BFF;
	s21 =	sshll.u32 s5, $0x1;
	s2 =	sadd.s32 s19, s18  }
0x9c: {  	s6 =	simm.s32 $0x0;
	s20 =	sshll.u32 s4, $0x1;
	s4 =	sadd.s32 s21, s2  }
0x9d: {  	[timem:s6], [sflag:s22] =	dma.local [hbm:s4], s20  }
0x9e: {  	_ =	swait.ge [sflag:s22], s20  }
0x9f: {  	s3 =	ssub.s32 $0x0, s20;
	[sflag:s22] =	ssyncset.done $0x0  }
0xa0: {  	[sflag:s22] =	ssyncadd.s32 s3;
	_ =	sdelay $0x1  }
0xa1: {  	s23 =	simm.s32 $0x1B8B  }
0xa2: {  	_ =	swait.ge [sflag:s23], $0x1  }
0xa3: {  	[sflag:s23] =	ssyncset.done $0x0  }
0xa4: {  	s25 =	simm.s32 $0x1B8E;
	s24 =	sld [smem:$0x3FFE];
	[sflag:s23] =	ssyncadd.s32 $0xFFFFFFFF  }
0xa5: {  	s26 =	simm.s32 $execute0_lowered;
	[smem:$0x3FD2] =	sst s25  }
0xa6: {  	s4 =	sshll.u32 s26, $0x1;
	_ =	strace $0x8000004F;
	[dreg:$0x1] =	wrdreg $0xFFFFFFFF  }
0xa7: {  	s28 =	simm.s32 $_size_execute0_lowered;
	s2 =	sadd.s32 s2, s4;
	[dreg:$0x0] =	wrdreg $0x0  }
0xa8: {  	s4 =	sshll.u32 s28, $0x1;
	[dreg:$0x2] =	wrdreg s2  }
0xa9: {  	[dreg:$0x3] =	wrdreg s4  }
0xaa: {  	[dreg:$0x4] =	wrdreg $0xC0  }
0xab: {  	_ =	task [dreg:s6], $0x5FFFF  }
0xac: {  	[dreg:$0x1] =	wrdreg $0xFFFFFFFF  }
0xad: {  	[dreg:$0x0] =	wrdreg $0x60  }
0xae: {  	[dreg:$0x2] =	wrdreg s24  }
0xaf: {  	[dreg:$0x3] =	wrdreg $0x9  }
0xb0: {  	_ =	task.clear_ibuf [dreg:s6], $0x4FFFF;
	_ =	strace $0x9000004F  }
0xb1: {  	s29 =	simm.s32 $0x9;
	_ =	strace $0x80000051  }
0xb2: {  	_ =	swait.ge [sflag:s29], $0x1  }
0xb3: {  	[sflag:s29] =	ssyncadd.s32 $0xFFFFFFFF  }
0xb4: {  	_ =	strace $0x90000051  }
0xb5: {  	_ =	sfence  }
0xb6: {  	s30 =	sld [smem:$0x0];
	_ =	sdelay $0x2  }
0xb7: {  	s31 =	sshll.u32 s1, $0xD;
	s1 =	sshrl.u32 s1, $0x2  }
0xb8: {  	s3 =	sand.u32 $0x4000, s31;
	s1 =	sadd.s32 s1, s30  }
0xb9: {  	s0 =	sor.u32 s3, s0;
	s1 =	sshll.u32 s1, $0x11  }
0xba: {  	s0 =	sor.u32 s1, s0  }
0xbb: {  	s0 =	sadd.s32 $0x8F2B, s0  }
0xbc: {  	[sflag:s0] =	ssyncadd.remote.s32 $0x1  }
0xbd: {  	_ =	sfence.sel $0xFFFF  }
0xbe: {  	[dreg:$0x0] =	wrdreg $0xFFFFFFFF;
	(pc) =	sbr.abs _section_cstart, $3  }
0xbf: {  	[dreg:$0x1] =	wrdreg $0xFFFFFFFF  }
0xc0: {  	_ =	task.clear_ibuf [dreg:s6], $0x2FFFF;
	_ =	strace $0x9FFFFFFF  }
0xc1: {  	(tm) =	ssettm $0x7FFFFFFF  }
tec
execute0_lowered:
.L_overlay_start_1:
0x0: {  	(tag) =	ssettag $0x1  }
0x1: {  	s1 =	srdreg.scid  }
0x2: {  	s0 =	stileid.u32;
	s4 =	rddreg [dreg:$0x0]  }
0x3: {  	s2 =	simm.s32 $0x0;
	s9 =	simm.s32 $0x2800;
	s10 =	simm.s32 $0x2C00  }
0x4: {  	s11 =	simm.s32 $0x100;
	s12 =	simm.s32 $0x3000;
	s13 =	simm.s32 $0x180  }
0x5: {  	s14 =	simm.s32 $0x3400;
	s15 =	simm.s32 $0x200;
	s16 =	simm.s32 $0x3800  }
0x6: {  	s17 =	simm.s32 $0x280;
	s18 =	simm.s32 $0x3C00;
	s19 =	simm.s32 $0x300  }
0x7: {  	s20 =	simm.s32 $0x4000;
	s21 =	simm.s32 $0x380;
	s22 =	simm.s32 $0x4400  }
0x8: {  	s23 =	simm.s32 $0x1;
	s3 =	sand.u32 $0x1, s1;
	s31 =	sshll.u32 s0, $0x1  }
0x9: {  	s24 =	simm.s32 $0x0;
	s1 =	rddreg [dreg:$0x1];
	s5 =	sor.u32 s3, s31  }
0xa: {  	[smem:$0x7FF] =	sst s2;
	s7 =	ssub.s32 $0x2, s3;
	s6 =	smul.u32 $0x500, s5  }
0xb: {  	_ =	strace $0x80000050;
	s5 =	smul.u32 $0x2800, s5;
	s8 =	sshrl.u32 s7, $0x1  }
0xc: {  	s3 =	sadd.s32 $0x3A00, s4;
	s7 =	ssub.s32 s7, s8;
	s6 =	sadd.s32 s6, s4  }
0xd: {  	s8 =	simm.s32 $0x80;
	s5 =	sadd.s32 s5, s4;
	s4 =	sadd.s32 $0x7BA00, s6  }
0xe: {  	s5 =	sadd.s32 $0xDFA00, s5;
	s6 =	smax.u32 s7, $0x1;
	s7 =	simm.s32 $0x2  }
.LBB2_1:
0xf: {  	[tilespmem:s2], [sflag:$0x2] =	stream.linear.gather [hbm4b:s4+s2], $0x2800, $0x38;
	[tilespmem:$0x16800] =	vst v63  }
0x10: {  	_ =	swait.ge [sflag:s7], $0x2800  }
0x11: {  	[sflag:s7] =	ssyncset.done $0x0  }
0x12: {  	[sflag:s7] =	ssyncadd.s32 $0xFFFFD800  }
0x13: {  	[tilespmem:s9], [sflag:$0x1] =	stream.indirect.gather [hbm4b:s3+s8], $0x8, s2, s8, $0xb8;
	[tilespmem:$0x16800] =	vst v63  }
0x14: {  	_ = 	snop  }
0x15: {  	[tilespmem:s10], [sflag:$0x1] =	stream.indirect.gather [hbm4b:s3+s8], $0x8, s8, s8, $0xb8;
	[tilespmem:$0x16800] =	vst v63  }
0x16: {  	_ = 	snop  }
0x17: {  	[tilespmem:s12], [sflag:$0x1] =	stream.indirect.gather [hbm4b:s3+s8], $0x8, s11, s8, $0xb8;
	[tilespmem:$0x16800] =	vst v63  }
0x18: {  	_ = 	snop  }
0x19: {  	[tilespmem:s14], [sflag:$0x1] =	stream.indirect.gather [hbm4b:s3+s8], $0x8, s13, s8, $0xb8;
	[tilespmem:$0x16800] =	vst v63  }
0x1a: {  	_ = 	snop  }
0x1b: {  	[tilespmem:s16], [sflag:$0x1] =	stream.indirect.gather [hbm4b:s3+s8], $0x8, s15, s8, $0xb8;
	[tilespmem:$0x16800] =	vst v63  }
0x1c: {  	_ = 	snop  }
0x1d: {  	[tilespmem:s18], [sflag:$0x1] =	stream.indirect.gather [hbm4b:s3+s8], $0x8, s17, s8, $0xb8;
	[tilespmem:$0x16800] =	vst v63  }
0x1e: {  	_ = 	snop  }
0x1f: {  	[tilespmem:s20], [sflag:$0x1] =	stream.indirect.gather [hbm4b:s3+s8], $0x8, s19, s8, $0xb8;
	[tilespmem:$0x16800] =	vst v63  }
0x20: {  	p0 =	por $0x0, $0x0  }
0x21: {  	[tilespmem:s22], [sflag:$0x1] =	stream.indirect.gather [hbm4b:s3+s8], $0x8, s21, s8, $0xb8;
	[tilespmem:$0x16800] =	vst v63  }
0x22: {  	s25 =	simm.s32 $0x4800;
	s26 =	simm.s32 $0x400;
	s28 =	simm.s32 @!p0 $0x80  }
0x23: {  	[tilespmem:s25], [sflag:$0x1] =	stream.indirect.gather @!p0 [hbm4b:s3+s28], $0x8, s26, s28, $0xb8;
	[tilespmem:$0x16800] =	vst v63  }
0x24: {  	_ =	swait.ge [sflag:s23], $0x400  }
0x25: {  	s26 =	simm.s32 $0x1;
	s28 =	simm.s32 $0x480;
	[sflag:s23] =	ssyncset.done $0x0  }
.LBB2_2:
0x26: {  	s29 =	smov.u32 s26;
	s26 =	sadd.s32 $0x1, s26  }
0x27: {  	[sflag:s23] =	ssyncadd.s32 $0xFFFFFC00;
	s25 =	sadd.s32 $0x400, s25;
	p1 =	sne.s32 s26, $0x50  }
.Ltmp0:
0x28: {  	p0 =	sgt.u32 s29, $0x47;
	(pc) =	sbr.rel @p1 .LBB2_2-.Ltmp0, $4  }
0x29: {  	s29 =	simm.s32 @!p0 $0x80  }
0x2a: {  	[tilespmem:s25], [sflag:$0x1] =	stream.indirect.gather @!p0 [hbm4b:s3+s29], $0x8, s28, s29, $0xb8;
	[tilespmem:$0x16800] =	vst v63  }
0x2b: {  	_ =	swait.ge [sflag:s23], $0x400  }
0x2c: {  	s28 =	sadd.s32 $0x80, s28;
	[sflag:s23] =	ssyncset.done $0x0  }
0x2d: {  	s24 =	sadd.s32 $0x1, s24  }
0x2e: {  	p0 =	sne.s32 s24, s6  }
.Ltmp1:
0x2f: {  	[sflag:s23] =	ssyncadd.s32 $0xFFFFFC00;
	(pc) =	sbr.rel @p0 .LBB2_1-.Ltmp1, $4  }
0x30: {  	[hbm4b:s5+s2] =	stream.linear.scatter [tilespmem:s9], [sflag:$0x2], $0x14000, $0x38;
	[tilespmem:$0x16800] =	vst v63  }
0x31: {  	_ =	swait.ge [sflag:s7], $0x14000  }
0x32: {  	[sflag:s7] =	ssyncset.done $0x0  }
0x33: {  	[sflag:s7] =	ssyncadd.s32 $0xFFFEC000  }
0x34: {  	_ =	sfence.sel $0x180000  }
0x35: {  	[bflag:$0x0] =	sbarrier.arrive $0xFFFF  }
0x36: {  	p0 =	sne.s32 s0, $0x0;
	_ =	strace $0x90000050  }
0x37: {  	s0 =	sadd.s32 @!p0 $0x100000, s1;
	[bflag:$0x2] =	sbarrier.arrive $0xFFFF  }
0x38: {  	[sflag:s0] =	ssyncadd.tile.s32 @!p0 $0x1;
	_ =	shalt  }
.Lfunc_end2:
_tile_overlayer_lowered:
.L_overlay_start_2:
0x39: {  	(tag) =	ssettag $0x2  }
0x3a: {  	s0 =	rddreg [dreg:$0x0];
	s2 =	stileid.u32  }
0x3b: {  	s1 =	rddreg [dreg:$0x1];
	p0 =	sne.s32 s2, $0x0  }
0x3c: {  	s3 =	rddreg [dreg:$0x2];
	[bflag:$0x3] =	sbarrier.arrive $0xFFFF;
	s2 =	simm.s32 @!p0 $0x1C02  }
0x3d: {  	[timem:s3], [sflag:s2] =	dma.local @!p0 [hbm:s0], s1  }
0x3e: {  	s0 =	simm.s32 @!p0 $0x2  }
0x3f: {  	_ =	swait.ge @!p0 [sflag:s0], s1  }
0x40: {  	s1 =	ssub.s32 @!p0 $0x0, s1;
	[sflag:s0] =	ssyncset.done @!p0 $0x0  }
0x41: {  	[sflag:s0] =	ssyncadd.s32 @!p0 s1  }
0x42: {  	[bflag:$0x3] =	sbarrier.arrive $0xFFFF  }
0x43: {  	_ =	shalt  }

// kernel: kernel.23.cloned.1.call-start
scs
__scs_entry_jumppad:
0x0: {  	(pc) =	sbr.rel $0x88, $3  }
0x1: {  	(tag) =	ssettag $0x0;
	lr =	simm.s32 $0x1  }
0x2: {  	[smem:$0x3F92] =	sst lr;
	_ =	strace $0xD0000000  }
0x3: {  	_ = 	snop  }
0x4: {  	_ = 	snop  }
0x5: {  	_ = 	snop  }
0x6: {  	_ = 	snop  }
0x7: {  	_ = 	snop  }
__scs_overlays_trampoline_lowered:
0x8: {  	[smem:$0x3FA1] =	sst s0  }
0x9: {  	[smem:$0x3FA2] =	sst s1  }
0xa: {  	[smem:$0x3FA3] =	sst s2  }
0xb: {  	[smem:$0x3FA4] =	sst s3  }
0xc: {  	[smem:$0x3FA5] =	sst s4  }
0xd: {  	[smem:$0x3FA6] =	sst s5  }
0xe: {  	[smem:$0x3FA7] =	sst s6  }
0xf: {  	[smem:$0x3FA8] =	sst s7  }
0x10: {  	[smem:$0x3FA9] =	sst s8  }
0x11: {  	[smem:$0x3FAA] =	sst s9;
	s0 =	simm.s32 @!p0 $0x0  }
0x12: {  	s1 =	sld [smem:$0x3F90];
	s0 =	simm.s32 @p0 $0x1  }
0x13: {  	[smem:$0x3FAB] =	sst s0;
	s0 =	simm.s32 @!p1 $0x0  }
0x14: {  	s2 =	sld [smem:$0x3F8F];
	s0 =	simm.s32 @p1 $0x1  }
0x15: {  	[smem:$0x3FAC] =	sst s0;
	s0 =	simm.s32 @!p2 $0x0  }
0x16: {  	s3 =	sld [smem:$0x3FDB];
	s0 =	simm.s32 @p2 $0x1  }
0x17: {  	s4 =	simm.s32 $0x1BF5;
	[smem:$0x3FAE] =	sst s0  }
0x18: {  	s0 =	sld [smem:$0x3F91];
	_ =	swait.ge [sflag:s4], $0x0  }
0x19: {  	s7 =	sld [smem:$0x3F92]  }
0x1a: {  	s8 =	sadd.s32 $0xFFFFE003, lr  }
0x1b: {  	s9 =	sadd.s32 $0xFFFFFEF7, lr;
	s5 =	simm.s32 $0xFFFFFFFF;
	p2 =	slt.u32 s8, $0xFFFFF086  }
0x1c: {  	p1 =	slt.u32 s9, $0xF7A;
	s5 =	simm.s32 @!p2 $0x0  }
0x1d: {  	s5 =	simm.s32 @p1 $0x1;
	p0 =	seq.s32 s7, s2  }
0x1e: {  	s7 =	smul.u32 @!p0 $0xF7A, s2;
	p2 =	seq.s32 @!p0 s5, $0x0  }
0x1f: {  	s9 =	smul.u32 $0xF7A, s1;
	s8 =	simm.s32 @!p0 $0x1BF5;
	p2 =	por !p2, p0  }
0x20: {  	[sflag:s8] =	ssyncset.s32 @!p0 $0xFFFFF086;
	s6 =	sadd.s32 @!p0 s3, s7;
	s7 =	simm.s32 @!p0 $0x108  }
0x21: {  	s3 =	sadd.s32 s3, s9;
	s6 =	sadd.s32 @!p0 $0x88, s6;
	s7 =	simm.s32 @p2 $0x1082  }
0x22: {  	[simem:s7], [sflag:s8] =	dma.local @!p0 [hbm:s6], $0xF7A  }
0x23: {  	s9 =	sor.u32 $0xD0000000, s2;
	s6 =	simm.s32 $0x108;
	_ =	swait.ge @!p0 [sflag:s8], $0x0  }
0x24: {  	s3 =	sadd.s32 $0x88, s3;
	s6 =	simm.s32 @!p1 $0x1082;
	[sflag:s4] =	ssyncset.s32 $0xFFFFF086  }
0x25: {  	[simem:s6], [sflag:s4] =	dma.local [hbm:s3], $0xF7A  }
0x26: {  	[smem:$0x3F92] =	sst s1;
	(tag) =	ssettag s2;
	_ =	strace s9  }
0x27: {  	s1 =	sld [smem:$0x3FA2]  }
0x28: {  	s2 =	sld [smem:$0x3FA3]  }
0x29: {  	s4 =	sld [smem:$0x3FA5]  }
0x2a: {  	p0 =	seq.s32 s5, $0x0;
	s5 =	sld [smem:$0x3FA6]  }
0x2b: {  	s6 =	sld [smem:$0x3FA7]  }
0x2c: {  	s7 =	sld [smem:$0x3FA8]  }
0x2d: {  	s3 =	simm.s32 $0x108;
	s8 =	sld [smem:$0x3FA9]  }
0x2e: {  	s3 =	simm.s32 @!p0 $0x1082;
	s9 =	sld [smem:$0x3FAA]  }
0x2f: {  	lr =	sadd.s32 s0, s3;
	s0 =	sld [smem:$0x3FA1]  }
0x30: {  	s3 =	sld [smem:$0x3FA4]  }
0x31: {  	[smem:$0x3FAD] =	sst s10  }
0x32: {  	s10 =	sld [smem:$0x3FAB];
	_ =	sdelay $0x3  }
0x33: {  	p0 =	seq.s32 s10, $0x1;
	s10 =	sld [smem:$0x3FAD];
	_ =	sdelay $0x3  }
0x34: {  	[smem:$0x3FAD] =	sst s10  }
0x35: {  	s10 =	sld [smem:$0x3FAC];
	_ =	sdelay $0x3  }
0x36: {  	p1 =	seq.s32 s10, $0x1;
	s10 =	sld [smem:$0x3FAD];
	_ =	sdelay $0x3  }
0x37: {  	[smem:$0x3FAD] =	sst s10  }
0x38: {  	s10 =	sld [smem:$0x3FAE]  }
0x39: {  	_ = 	snop;
	(pc) =	sbr.ind lr, $3  }
0x3a: {  	_ = 	snop  }
0x3b: {  	_ = 	snop  }
0x3c: {  	p2 =	seq.s32 s10, $0x1;
	s10 =	sld [smem:$0x3FAD]  }
0x3d: {  	_ =	shalt  }
0x3e: {  	_ =	shalt  }
0x3f: {  	_ =	shalt  }
0x40: {  	_ =	shalt  }
0x41: {  	_ =	shalt  }
0x42: {  	_ =	shalt  }
0x43: {  	_ =	shalt  }
0x44: {  	_ =	shalt  }
0x45: {  	_ =	shalt  }
0x46: {  	_ =	shalt  }
0x47: {  	_ =	shalt  }
0x48: {  	_ =	shalt  }
0x49: {  	_ =	shalt  }
0x4a: {  	_ =	shalt  }
0x4b: {  	_ =	shalt  }
0x4c: {  	_ =	shalt  }
0x4d: {  	_ =	shalt  }
0x4e: {  	_ =	shalt  }
0x4f: {  	_ =	shalt  }
0x50: {  	_ =	shalt  }
0x51: {  	_ =	shalt  }
0x52: {  	_ =	shalt  }
0x53: {  	_ =	shalt  }
0x54: {  	_ =	shalt  }
0x55: {  	_ =	shalt  }
0x56: {  	_ =	shalt  }
0x57: {  	_ =	shalt  }
0x58: {  	_ =	shalt  }
0x59: {  	_ =	shalt  }
0x5a: {  	_ =	shalt  }
0x5b: {  	_ =	shalt  }
0x5c: {  	_ =	shalt  }
0x5d: {  	_ =	shalt  }
0x5e: {  	_ =	shalt  }
0x5f: {  	_ =	shalt  }
0x60: {  	_ =	shalt  }
0x61: {  	_ =	shalt  }
0x62: {  	_ =	shalt  }
0x63: {  	_ =	shalt  }
0x64: {  	_ =	shalt  }
0x65: {  	_ =	shalt  }
0x66: {  	_ =	shalt  }
0x67: {  	_ =	shalt  }
0x68: {  	_ =	shalt  }
0x69: {  	_ =	shalt  }
0x6a: {  	_ =	shalt  }
0x6b: {  	_ =	shalt  }
0x6c: {  	_ =	shalt  }
0x6d: {  	_ =	shalt  }
0x6e: {  	_ =	shalt  }
0x6f: {  	_ =	shalt  }
0x70: {  	_ =	shalt  }
0x71: {  	_ =	shalt  }
0x72: {  	_ =	shalt  }
0x73: {  	_ =	shalt  }
0x74: {  	_ =	shalt  }
0x75: {  	_ =	shalt  }
0x76: {  	_ =	shalt  }
0x77: {  	_ =	shalt  }
0x78: {  	_ =	shalt  }
0x79: {  	_ =	shalt  }
0x7a: {  	_ =	shalt  }
0x7b: {  	_ =	shalt  }
0x7c: {  	_ =	shalt  }
0x7d: {  	_ =	shalt  }
0x7e: {  	_ =	shalt  }
0x7f: {  	_ =	shalt  }
0x80: {  	_ =	shalt  }
0x81: {  	_ =	shalt  }
0x82: {  	_ =	shalt  }
0x83: {  	_ =	shalt  }
0x84: {  	_ =	shalt  }
0x85: {  	_ =	shalt  }
0x86: {  	_ =	shalt  }
0x87: {  	_ =	shalt  }
.Lfunc_end0:
.L_simem_size_0:
called_computation.4_lowered:
.L_overlay_start_0:
0x88: {  	s2 =	sld [smem:$0x3FD9]  }
0x89: {  	s3 =	sld [smem:$0x3FFE];
	_ =	sdelay $0x1  }
0x8a: {  	s1 =	srdreg.scid  }
0x8b: {  	s0 =	sand.u32 $0x1, s1  }
0x8c: {  	s17 =	sshll.u32 s0, $0xA;
	s2 =	sadd.s32 s3, s2  }
0x8d: {  	s2 =	sadd.s32 s2, s17  }
0x8e: {  	[smem:$0x3FB9] =	sst s2  }
0x8f: {  	_ = 	snop  }
0x90: {  	s2 =	sld [smem:$0x3FD0];
	(tm) =	ssettm $0x1  }
0x91: {  	s18 =	sld [smem:$0x3FFB];
	_ =	sdelay $0x3  }
0x92: {  	_ =	strace s18  }
0x93: {  	s3 =	sld [smem:$0x3FFC];
	_ =	sdelay $0x3  }
0x94: {  	_ =	strace s3  }
0x95: {  	s3 =	sld [smem:$0x3FFD];
	_ =	sdelay $0x3  }
0x96: {  	_ =	strace s3  }
0x97: {  	_ =	strace $0x8FFFFFFF  }
0x98: {  	s19 =	sld [smem:$0x3FDB];
	_ =	sdelay $0x1  }
0x99: {  	s4 =	simm.s32 $_scs_section_size  }
0x9a: {  	s5 =	simm.s32 $_size__tile_overlayer_lowered;
	s6 =	simm.s32 $_tile_overlayer_lowered  }
0x9b: {  	s22 =	simm.s32 $0x1BFF;
	s21 =	sshll.u32 s6, $0x1;
	s3 =	sadd.s32 s4, s19  }
0x9c: {  	s7 =	simm.s32 $0x0;
	s20 =	sshll.u32 s5, $0x1;
	s5 =	sadd.s32 s21, s3  }
0x9d: {  	[timem:s7], [sflag:s22] =	dma.local [hbm:s5], s20  }
0x9e: {  	_ =	swait.ge [sflag:s22], s20  }
0x9f: {  	s4 =	ssub.s32 $0x0, s20;
	[sflag:s22] =	ssyncset.done $0x0  }
0xa0: {  	[sflag:s22] =	ssyncadd.s32 s4;
	_ =	sdelay $0x1  }
0xa1: {  	s23 =	simm.s32 $0x1B8B  }
0xa2: {  	_ =	swait.ge [sflag:s23], $0x1  }
0xa3: {  	[sflag:s23] =	ssyncset.done $0x0  }
0xa4: {  	s25 =	simm.s32 $0x1B8E;
	s24 =	sld [smem:$0x3FFE];
	[sflag:s23] =	ssyncadd.s32 $0xFFFFFFFF  }
0xa5: {  	s26 =	simm.s32 $execute0_lowered;
	[smem:$0x3FD2] =	sst s25  }
0xa6: {  	s5 =	sshll.u32 s26, $0x1;
	_ =	strace $0x80000052;
	[dreg:$0x1] =	wrdreg $0xFFFFFFFF  }
0xa7: {  	s28 =	simm.s32 $_size_execute0_lowered;
	s3 =	sadd.s32 s3, s5;
	[dreg:$0x0] =	wrdreg $0x0  }
0xa8: {  	s5 =	sshll.u32 s28, $0x1;
	[dreg:$0x2] =	wrdreg s3  }
0xa9: {  	[dreg:$0x3] =	wrdreg s5  }
0xaa: {  	[dreg:$0x4] =	wrdreg $0xC0  }
0xab: {  	_ =	task [dreg:s7], $0x5FFFF  }
0xac: {  	[dreg:$0x1] =	wrdreg $0xFFFFFFFF  }
0xad: {  	[dreg:$0x0] =	wrdreg $0x60  }
0xae: {  	[dreg:$0x2] =	wrdreg s24  }
0xaf: {  	[dreg:$0x3] =	wrdreg s2  }
0xb0: {  	[dreg:$0x4] =	wrdreg $0x168000  }
0xb1: {  	[dreg:$0x5] =	wrdreg $0x9  }
0xb2: {  	_ =	task.clear_ibuf [dreg:s7], $0x6FFFF;
	_ =	strace $0x90000052  }
0xb3: {  	s29 =	simm.s32 $0x9;
	_ =	strace $0x80000054  }
0xb4: {  	_ =	swait.ge [sflag:s29], $0x1  }
0xb5: {  	[sflag:s29] =	ssyncadd.s32 $0xFFFFFFFF  }
0xb6: {  	_ =	strace $0x90000054  }
0xb7: {  	_ =	sfence  }
0xb8: {  	s30 =	sld [smem:$0x0];
	_ =	sdelay $0x2  }
0xb9: {  	s31 =	sshll.u32 s1, $0xD;
	s1 =	sshrl.u32 s1, $0x2  }
0xba: {  	s3 =	sand.u32 $0x4000, s31;
	s1 =	sadd.s32 s1, s30  }
0xbb: {  	s0 =	sor.u32 s3, s0;
	s1 =	sshll.u32 s1, $0x11  }
0xbc: {  	s0 =	sor.u32 s1, s0  }
0xbd: {  	s0 =	sadd.s32 $0x8F2B, s0  }
0xbe: {  	[sflag:s0] =	ssyncadd.remote.s32 $0x1  }
0xbf: {  	_ =	sfence.sel $0xFFFF  }
0xc0: {  	[dreg:$0x0] =	wrdreg $0xFFFFFFFF;
	(pc) =	sbr.abs _section_cstart, $3  }
0xc1: {  	[dreg:$0x1] =	wrdreg $0xFFFFFFFF  }
0xc2: {  	_ =	task.clear_ibuf [dreg:s7], $0x2FFFF;
	_ =	strace $0x9FFFFFFF  }
0xc3: {  	(tm) =	ssettm $0x7FFFFFFF  }
tec
execute0_lowered:
.L_overlay_start_1:
0x0: {  	(tag) =	ssettag $0x1  }
0x1: {  	s0 =	srdreg.scid;
	s1 =	rddreg [dreg:$0x0]  }
0x2: {  	s11 =	stileid.u32;
	s6 =	rddreg [dreg:$0x1];
	s3 =	simm.s32 $0x0  }
0x3: {  	s13 =	simm.s32 $0x80;
	s15 =	simm.s32 $0x100;
	s16 =	simm.s32 $0x3000  }
0x4: {  	s17 =	simm.s32 $0x180;
	s18 =	simm.s32 $0x3400;
	s19 =	simm.s32 $0x200  }
0x5: {  	s20 =	simm.s32 $0x3800;
	s21 =	simm.s32 $0x280;
	s22 =	simm.s32 $0x3C00  }
0x6: {  	s23 =	simm.s32 $0x300;
	s24 =	simm.s32 $0x4000;
	s28 =	simm.s32 $0x4400  }
0x7: {  	s29 =	simm.s32 $0x1;
	s30 =	simm.s32 $0x0;
	s0 =	sand.u32 $0x1, s0  }
0x8: {  	s2 =	sshll.u32 s11, $0x1;
	[smem:$0x7FF] =	sst s3;
	s8 =	smul.u32 $0x1388, s11  }
0x9: {  	s10 =	smul.u32 $0x1390, s11;
	s31 =	sshll.u32 s11, $0x6;
	s4 =	sor.u32 s0, s2  }
0xa: {  	s2 =	rddreg [dreg:$0x2];
	s7 =	smul.u32 $0x13880, s0;
	_ =	strace $0x80000053  }
0xb: {  	s0 =	ssub.s32 $0x2, s0;
	s11 =	sor.u32 $0x1C02, s31;
	s5 =	smul.u32 $0x2800, s4  }
0xc: {  	s4 =	smul.u32 $0x500, s4;
	s9 =	sshrl.u32 s0, $0x1;
	s25 =	sshrl.u32 s10, $0x3  }
0xd: {  	s12 =	sadd.s32 s10, s2;
	s26 =	sadd.s32 s8, s2;
	s10 =	simm.s32 $0x2800  }
0xe: {  	s7 =	sadd.s32 s8, s7;
	s0 =	ssub.s32 s0, s9;
	s6 =	sadd.s32 s6, s25  }
0xf: {  	s9 =	simm.s32 $0x2;
	s12 =	sshrl.u32 s12, $0x3;
	s25 =	sshrl.u32 s26, $0x3  }
0x10: {  	s26 =	simm.s32 $0x380;
	s5 =	sadd.s32 s5, s1;
	s7 =	sshrl.u32 s7, $0x3  }
0x11: {  	s4 =	sadd.s32 s4, s1;
	s8 =	smax.u32 s0, $0x1;
	s1 =	sadd.s32 s7, s1  }
0x12: {  	s4 =	sadd.s32 $0xD5A00, s4;
	s5 =	sadd.s32 $0x3A00, s5;
	s7 =	sadd.s32 $0x53A00, s1  }
.LBB2_1:
0x13: {  	[tilespmem:s3], [sflag:$0x2] =	stream.linear.gather [hbm4b:s4+s3], $0x2800, $0x38;
	[tilespmem:$0x17B90] =	vst v63  }
0x14: {  	_ =	swait.ge [sflag:s9], $0x2800  }
0x15: {  	[sflag:s9] =	ssyncset.done $0x0  }
0x16: {  	[sflag:s9] =	ssyncadd.s32 $0xFFFFD800  }
0x17: {  	[tilespmem:s10], [sflag:$0x2] =	stream.linear.gather [hbm4b:s5+s3], $0x14000, $0x38;
	[tilespmem:$0x17B90] =	vst v63  }
0x18: {  	_ =	swait.ge [sflag:s9], $0x14000  }
0x19: {  	[sflag:s9] =	ssyncset.done $0x0  }
0x1a: {  	[sflag:s9] =	ssyncadd.s32 $0xFFFEC000  }
0x1b: {  	[spmem:s12], [sflag:s11] =	dma.local [hbm:s6], $0x272  }
0x1c: {  	_ =	swait.ge [sflag:s9], $0x272  }
0x1d: {  	[sflag:s9] =	ssyncset.done $0x0  }
0x1e: {  	[sflag:s9] =	ssyncadd.s32 $0xFFFFFD8E  }
0x1f: {  	[bflag:$0x0] =	sbarrier.arrive $0xFFFF  }
0x20: {  	[spmem:s2] =	stream.indirect.scatter.add.f32 [tilespmem:s10], [sflag:$0x1], $0x8, s3, s13, $0xb8;
	[tilespmem:$0x17B90] =	vst v63  }
0x21: {  	s0 =	simm.s32 $0x2C00  }
0x22: {  	[spmem:s2] =	stream.indirect.scatter.add.f32 [tilespmem:s0], [sflag:$0x1], $0x8, s13, s13, $0xb8;
	[tilespmem:$0x17B90] =	vst v63  }
0x23: {  	_ = 	snop  }
0x24: {  	[spmem:s2] =	stream.indirect.scatter.add.f32 [tilespmem:s16], [sflag:$0x1], $0x8, s15, s13, $0xb8;
	[tilespmem:$0x17B90] =	vst v63  }
0x25: {  	_ = 	snop  }
0x26: {  	[spmem:s2] =	stream.indirect.scatter.add.f32 [tilespmem:s18], [sflag:$0x1], $0x8, s17, s13, $0xb8;
	[tilespmem:$0x17B90] =	vst v63  }
0x27: {  	_ = 	snop  }
0x28: {  	[spmem:s2] =	stream.indirect.scatter.add.f32 [tilespmem:s20], [sflag:$0x1], $0x8, s19, s13, $0xb8;
	[tilespmem:$0x17B90] =	vst v63  }
0x29: {  	_ = 	snop  }
0x2a: {  	[spmem:s2] =	stream.indirect.scatter.add.f32 [tilespmem:s22], [sflag:$0x1], $0x8, s21, s13, $0xb8;
	[tilespmem:$0x17B90] =	vst v63  }
0x2b: {  	_ = 	snop  }
0x2c: {  	[spmem:s2] =	stream.indirect.scatter.add.f32 [tilespmem:s24], [sflag:$0x1], $0x8, s23, s13, $0xb8;
	[tilespmem:$0x17B90] =	vst v63  }
0x2d: {  	p0 =	por $0x0, $0x0  }
0x2e: {  	[spmem:s2] =	stream.indirect.scatter.add.f32 [tilespmem:s28], [sflag:$0x1], $0x8, s26, s13, $0xb8;
	[tilespmem:$0x17B90] =	vst v63  }
0x2f: {  	s31 =	simm.s32 $0x4800;
	s1 =	simm.s32 @!p0 $0x80;
	s0 =	simm.s32 $0x400  }
0x30: {  	[spmem:s2] =	stream.indirect.scatter.add.f32 @!p0 [tilespmem:s31], [sflag:$0x1], $0x8, s0, s1, $0xb8;
	[tilespmem:$0x17B90] =	vst v63  }
0x31: {  	_ =	swait.ge [sflag:s29], $0x400  }
0x32: {  	s1 =	simm.s32 $0x1;
	s0 =	simm.s32 $0x480;
	[sflag:s29] =	ssyncset.done $0x0  }
.LBB2_2:
0x33: {  	s14 =	smov.u32 s1;
	s1 =	sadd.s32 $0x1, s1  }
0x34: {  	[sflag:s29] =	ssyncadd.s32 $0xFFFFFC00;
	s31 =	sadd.s32 $0x400, s31;
	p1 =	sne.s32 s1, $0x50  }
.Ltmp0:
0x35: {  	p0 =	sgt.u32 s14, $0x47;
	(pc) =	sbr.rel @p1 .LBB2_2-.Ltmp0, $4  }
0x36: {  	s14 =	simm.s32 @!p0 $0x80  }
0x37: {  	[spmem:s2] =	stream.indirect.scatter.add.f32 @!p0 [tilespmem:s31], [sflag:$0x1], $0x8, s0, s14, $0xb8;
	[tilespmem:$0x17B90] =	vst v63  }
0x38: {  	_ =	swait.ge [sflag:s29], $0x400  }
0x39: {  	s0 =	sadd.s32 $0x80, s0;
	[sflag:s29] =	ssyncset.done $0x0  }
0x3a: {  	s30 =	sadd.s32 $0x1, s30  }
0x3b: {  	[sflag:s29] =	ssyncadd.s32 $0xFFFFFC00;
	p0 =	sne.s32 s30, s8  }
.Ltmp1:
0x3c: {  	[bflag:$0x0] =	sbarrier.arrive $0xFFFF;
	(pc) =	sbr.rel @p0 .LBB2_1-.Ltmp1, $4  }
0x3d: {  	[hbm:s7], [sflag:s11] =	dma.local [spmem:s25], $0x271  }
0x3e: {  	_ =	swait.ge [sflag:s9], $0x271  }
0x3f: {  	[sflag:s9] =	ssyncset.done $0x0  }
0x40: {  	[sflag:s9] =	ssyncadd.s32 $0xFFFFFD8F  }
0x41: {  	_ =	sfence.sel $0x180000  }
0x42: {  	[bflag:$0x0] =	sbarrier.arrive $0xFFFF  }
0x43: {  	_ =	strace $0x90000053  }
0x44: {  	s0 =	stileid.u32;
	[bflag:$0x2] =	sbarrier.arrive $0xFFFF  }
0x45: {  	p0 =	sne.s32 s0, $0x0;
	s0 =	rddreg [dreg:$0x3]  }
0x46: {  	s0 =	sadd.s32 @!p0 $0x100000, s0  }
0x47: {  	[sflag:s0] =	ssyncadd.tile.s32 @!p0 $0x1;
	_ =	shalt  }
.Lfunc_end2:
_tile_overlayer_lowered:
.L_overlay_start_2:
0x48: {  	(tag) =	ssettag $0x2  }
0x49: {  	s0 =	rddreg [dreg:$0x0];
	s2 =	stileid.u32  }
0x4a: {  	s1 =	rddreg [dreg:$0x1];
	p0 =	sne.s32 s2, $0x0  }
0x4b: {  	s3 =	rddreg [dreg:$0x2];
	[bflag:$0x3] =	sbarrier.arrive $0xFFFF;
	s2 =	simm.s32 @!p0 $0x1C02  }
0x4c: {  	[timem:s3], [sflag:s2] =	dma.local @!p0 [hbm:s0], s1  }
0x4d: {  	s0 =	simm.s32 @!p0 $0x2  }
0x4e: {  	_ =	swait.ge @!p0 [sflag:s0], s1  }
0x4f: {  	s1 =	ssub.s32 @!p0 $0x0, s1;
	[sflag:s0] =	ssyncset.done @!p0 $0x0  }
0x50: {  	[sflag:s0] =	ssyncadd.s32 @!p0 s1  }
0x51: {  	[bflag:$0x3] =	sbarrier.arrive $0xFFFF  }
0x52: {  	_ =	shalt  }

</sc_bundles>
